<compile_context>
chip_gen: v7x
topology: tpu7x:2x2x1
jax: 0.10.2.dev20260603
libtpu: 0.0.44.dev20260713+nightly
codegen_flags: <defaults>
</compile_context>

<pallas_src>
import functools

import jax
import jax.numpy as jnp
from jax import lax
from jax.experimental import pallas as pl
from jax.experimental.pallas import tpu as pltpu
from jax.experimental.pallas import tpu_sc as plsc

_N = 10000
_NP = 10048
_E = 320000
_EP = 327680
_D = 128
_K = 128
_TCHUNK = _EP // _K
_B = 3
_CA = 148
_CB = 12
_RPT = 632
_RPT_LAST = _NP - 15 * _RPT


@functools.cache
def _sc_agg_kernel():
    mesh = plsc.VectorSubcoreMesh(core_axis_name="c", subcore_axis_name="s")

    @functools.partial(
        pl.kernel,
        mesh=mesh,
        out_type=jax.ShapeDtypeStruct((2, _NP, _D), jnp.float32),
        scratch_types=[
            pltpu.VMEM((_B, 2, _K), jnp.int32),
            pltpu.VMEM((_K, _D), jnp.float32),
            pltpu.VMEM((_K, _D), jnp.float32),
            pltpu.VMEM((_K, _D), jnp.float32),
            pltpu.VMEM_SHARED((_NP, _D), jnp.float32),
            pltpu.SemaphoreType.DMA,
            pltpu.SemaphoreType.DMA,
            pltpu.SemaphoreType.DMA,
            pltpu.SemaphoreType.DMA,
            pltpu.SemaphoreType.DMA,
            pltpu.SemaphoreType.DMA,
        ],
    )
    def _sc_agg(h_hbm, idx_hbm, out_hbm,
                idx_v, rows0, rows1, rows2, agg_sh,
                rs0, rs1, rs2, is0, is1, is2):
        c = lax.axis_index("c")
        s = lax.axis_index("s")
        bufs = (rows0, rows1, rows2)
        rsems = (rs0, rs1, rs2)
        isems = (is0, is1, is2)
        start = jnp.where(c == 0, s * _CA, 16 * _CA + s * _CB)
        n = jnp.where(c == 0, _CA, _CB)
        zv = jnp.zeros((16,), jnp.float32)

        def zbody(i, carry):
            for jj in range(8):
                rows0[i, pl.ds(jj * 16, 16)] = zv
            return carry

        lax.fori_loop(0, _K, zbody, 0, unroll=False)
        zbase = s * _RPT
        for r in range(4):
            pltpu.sync_copy(rows0, agg_sh.at[pl.ds(zbase + r * _K, _K)])

        @pl.when(s < 15)
        def _ztail():
            pltpu.sync_copy(rows0.at[pl.ds(0, _RPT - 4 * _K)],
                            agg_sh.at[pl.ds(zbase + 4 * _K, _RPT - 4 * _K)])

        @pl.when(s == 15)
        def _ztail_last():
            pltpu.sync_copy(rows0.at[pl.ds(0, _RPT_LAST - 4 * _K)],
                            agg_sh.at[pl.ds(zbase + 4 * _K,
                                            _RPT_LAST - 4 * _K)])

        plsc.subcore_barrier()

        for m in range(_B):
            pltpu.async_copy(idx_hbm.at[start + m], idx_v.at[m], isems[m])
        for m in range(_B - 1):
            pltpu.make_async_copy(idx_hbm.at[start + m], idx_v.at[m],
                                  isems[m]).wait()
            pltpu.async_copy(h_hbm.at[idx_v.at[m, 0]], bufs[m], rsems[m])

        def body(j0, carry):
            for b in range(_B):
                j = j0 + b
                bb = (b + _B - 1) % _B
                pltpu.make_async_copy(h_hbm.at[idx_v.at[b, 0]], bufs[b],
                                      rsems[b]).wait()
                pltpu.sync_copy(bufs[b], agg_sh.at[idx_v.at[b, 1]], add=True)

                @pl.when(j + _B < n)
                def _pf():
                    pltpu.async_copy(idx_hbm.at[start + j + _B], idx_v.at[b],
                                     isems[b])

                @pl.when(j + _B - 1 < n)
                def _fire():
                    pltpu.make_async_copy(idx_hbm.at[start + j + _B - 1],
                                          idx_v.at[bb], isems[bb]).wait()
                    pltpu.async_copy(h_hbm.at[idx_v.at[bb, 0]], bufs[bb],
                                     rsems[bb])
            return carry

        lax.fori_loop(0, n // _B, lambda i, car: body(i * _B, car), 0,
                      unroll=False)
        rem = n % _B
        for m in range(_B - 1):
            @pl.when(m < rem)
            def _tail():
                pltpu.make_async_copy(h_hbm.at[idx_v.at[m, 0]], bufs[m],
                                      rsems[m]).wait()
                pltpu.sync_copy(bufs[m], agg_sh.at[idx_v.at[m, 1]], add=True)
        plsc.subcore_barrier()

        @pl.when(s < 15)
        def _drain():
            pltpu.sync_copy(agg_sh.at[pl.ds(s * _RPT, _RPT)],
                            out_hbm.at[c, pl.ds(s * _RPT, _RPT)])

        @pl.when(s == 15)
        def _drain_last():
            pltpu.sync_copy(agg_sh.at[pl.ds(15 * _RPT, _RPT_LAST)],
                            out_hbm.at[c, pl.ds(15 * _RPT, _RPT_LAST)])

    return _sc_agg


def _lin_body(p_ref, W_ref, b_ref, o_ref):
    acc = p_ref[0] + p_ref[1]
    o_ref[...] = jnp.maximum(
        jnp.dot(acc, W_ref[...], preferred_element_type=jnp.float32)
        + b_ref[...], 0.0)


def _linear_relu(p, W, b2d):
    blk = 1256
    return pl.pallas_call(
        _lin_body,
        grid=(_NP // blk,),
        in_specs=[
            pl.BlockSpec((2, blk, _D), lambda i: (0, i, 0)),
            pl.BlockSpec((_D, _D), lambda i: (0, 0)),
            pl.BlockSpec((1, _D), lambda i: (0, 0)),
        ],
        out_specs=pl.BlockSpec((blk, _D), lambda i: (i, 0)),
        out_shape=jax.ShapeDtypeStruct((_NP, _D), jnp.float32),
    )(p, W, b2d)


def _heads_body(h_ref, Wpg_ref, bpg_ref, WpdT_ref, bpd_ref, WvT_ref, bv_ref,
                pi_ref, pid_ref, v_ref):
    h = h_ref[...]
    rid = lax.broadcasted_iota(jnp.int32, (_NP, _D), 0)
    hm = jnp.where(rid < _N, h, 0.0)
    mN = jnp.sum(hm, axis=0, keepdims=True) * (1.0 / _N)
    pi_ref[...] = (jnp.dot(h, Wpg_ref[...], preferred_element_type=jnp.float32)
                   + bpg_ref[...])
    pid_ref[...] = (jnp.sum(mN * WpdT_ref[...], axis=1, keepdims=True)
                    + bpd_ref[...])
    v_ref[...] = (jnp.sum(mN * WvT_ref[...], axis=1, keepdims=True)
                  + bv_ref[...])


def _heads(h, Wpg, bpg, Wpd, bpd, Wv, bv):
    return pl.pallas_call(
        _heads_body,
        out_shape=[
            jax.ShapeDtypeStruct((_NP, 1), jnp.float32),
            jax.ShapeDtypeStruct((1, 1), jnp.float32),
            jax.ShapeDtypeStruct((1, 1), jnp.float32),
        ],
    )(h, Wpg, bpg.reshape(1, 1), Wpd.reshape(1, _D),
      bpd.reshape(1, 1), Wv.reshape(1, _D), bv.reshape(1, 1))


def kernel(x, edge_index, W1, b1, W2, b2, W3, b3, Wpg, bpg, Wpd, bpd, Wv, bv):
    src = edge_index[0]
    dst = edge_index[1]
    pad_e = _EP - _E
    src_p = jnp.concatenate(
        [src, jnp.zeros((pad_e,), jnp.int32)]).reshape(_TCHUNK, 1, _K)
    dst_p = jnp.concatenate(
        [dst, jnp.full((pad_e,), _N, jnp.int32)]).reshape(_TCHUNK, 1, _K)
    idx_p = jnp.concatenate([src_p, dst_p], axis=1)
    h = jnp.concatenate([x, jnp.zeros((_NP - _N, _D), jnp.float32)], axis=0)
    for W, b in ((W1, b1), (W2, b2), (W3, b3)):
        p = _sc_agg_kernel()(h, idx_p)
        h = _linear_relu(p, W, b.reshape(1, _D))
    pi_nodes, pi_done, v = _heads(h, Wpg, bpg, Wpd, bpd, Wv, bv)
    pi = jnp.concatenate([pi_nodes[:_N], pi_done], axis=0)
    return (pi, v)

# --- scband reference (transcript-rebuilt; emitter-appended) ---
"""Pipeline reference for scband-actor-critic-net-56882546868897 (READ-ONLY COPY).

The authoritative reference and input builder live on the scoring server;
editing this copy changes nothing except your own understanding.
"""

import jax, jax.numpy as jnp
import numpy as np

N = 10000
E = 320000
D = 128
H = 128


def setup_inputs(seed: int = 0) -> dict:
    key = jax.random.key(seed)
    ks = jax.random.split(key, 16)
    x = jax.random.normal(ks[0], (N, D), dtype=jnp.float32)
    edge_index = jax.random.randint(ks[1], (2, E), 0, N, dtype=jnp.int32)
    # GCN layer weights (3 layers: D->H, H->H, H->H)
    W1 = jax.random.normal(ks[2], (D, H), dtype=jnp.float32) / np.sqrt(D)
    b1 = jnp.zeros((H,), dtype=jnp.float32)
    W2 = jax.random.normal(ks[3], (H, H), dtype=jnp.float32) / np.sqrt(H)
    b2 = jnp.zeros((H,), dtype=jnp.float32)
    W3 = jax.random.normal(ks[4], (H, H), dtype=jnp.float32) / np.sqrt(H)
    b3 = jnp.zeros((H,), dtype=jnp.float32)
    # policy / value heads (H -> 1)
    Wpg = jax.random.normal(ks[5], (H, 1), dtype=jnp.float32) / np.sqrt(H)
    bpg = jnp.zeros((1,), dtype=jnp.float32)
    Wpd = jax.random.normal(ks[6], (H, 1), dtype=jnp.float32) / np.sqrt(H)
    bpd = jnp.zeros((1,), dtype=jnp.float32)
    Wv = jax.random.normal(ks[7], (H, 1), dtype=jnp.float32) / np.sqrt(H)
    bv = jnp.zeros((1,), dtype=jnp.float32)
    return {"x": x, "edge_index": edge_index, "W1": W1, "b1": b1, "W2": W2, "b2": b2, "W3": W3, "b3": b3, "Wpg": Wpg, "bpg": bpg, "Wpd": Wpd, "bpd": bpd, "Wv": Wv, "bv": bv}


def reference(x, edge_index, W1, b1, W2, b2, W3, b3, Wpg, bpg, Wpd, bpd, Wv, bv):
    # DGL-style GCN layer: sum-aggregate neighbor features (copy_src + sum reduce),
    # then linear + ReLU, repeated 3 times.
    src = edge_index[0]
    dst = edge_index[1]
    n = x.shape[0]
    h = x
    for W, b in ((W1, b1), (W2, b2), (W3, b3)):
        msg = h[src]  # gather source-node features along edges
        agg = jax.ops.segment_sum(msg, dst, num_segments=n)  # scatter-add to dst
        h = jax.nn.relu(agg @ W + b)
    # dgl.mean_nodes over the single graph -> mean over all nodes
    mN = jnp.mean(h, axis=0, keepdims=True)  # [1, H]
    v = mN @ Wv + bv  # [1, 1]
    pi_nodes = h @ Wpg + bpg  # [N, 1]
    pi_done = mN @ Wpd + bpd  # [1, 1]
    pi = jnp.concatenate([pi_nodes, pi_done], axis=0)  # [N+1, 1]
    return (pi, v)

if __name__ == "__main__":
    import jax
    _d = setup_inputs()
    print(jax.jit(kernel)(*tuple(_d.values())))

</pallas_src>

<mosaic_0001>
#map = affine_map<(d0, d1) -> (0, 0)>
#map1 = affine_map<(d0, d1) -> (0, 0, 0)>
module attributes {stable_mosaic.version = 14 : i64} {
  func.func @_sc_agg(%arg0: i32, %arg1: i32, %arg2: memref<10048x128xf32, #tpu.memory_space<hbm>>, %arg3: memref<2560x2x128xi32, #tpu.memory_space<hbm>>, %arg4: memref<2x10048x128xf32, #tpu.memory_space<hbm>>, %arg5: memref<3x2x128xi32, #tpu.memory_space<vmem>>, %arg6: memref<128x128xf32, #tpu.memory_space<vmem>>, %arg7: memref<128x128xf32, #tpu.memory_space<vmem>>, %arg8: memref<128x128xf32, #tpu.memory_space<vmem>>, %arg9: memref<10048x128xf32, #tpu.memory_space<vmem_shared>>, %arg10: memref<!tpu.dma_semaphore, #tpu.memory_space<semaphore_mem>>, %arg11: memref<!tpu.dma_semaphore, #tpu.memory_space<semaphore_mem>>, %arg12: memref<!tpu.dma_semaphore, #tpu.memory_space<semaphore_mem>>, %arg13: memref<!tpu.dma_semaphore, #tpu.memory_space<semaphore_mem>>, %arg14: memref<!tpu.dma_semaphore, #tpu.memory_space<semaphore_mem>>, %arg15: memref<!tpu.dma_semaphore, #tpu.memory_space<semaphore_mem>>) attributes {dimension_semantics = [#tpu.dimension_semantics<core_parallel>, #tpu.dimension_semantics<subcore_parallel>], iteration_bounds = array<i64: 2, 16>, scalar_prefetch = 0 : i64, scratch_operands = 11 : i64, tpu.core_type = #tpu.core_type<sc_vector_subcore>, window_params = [{transform_indices = #map}, {transform_indices = #map1}, {transform_indices = #map1}]} {
    %eq3A = arith.constant 0 : i32
    %eq3A_0 = arith.cmpi eq, %arg0, %eq3A : i32
    %mul3A = arith.constant 148 : i32
    %mul3A_1 = arith.muli %arg1, %mul3A : i32
    %mul3A_2 = arith.constant 12 : i32
    %mul3A_3 = arith.muli %arg1, %mul3A_2 : i32
    %add3A = arith.constant 2368 : i32
    %add3A_4 = arith.addi %add3A, %mul3A_3 : i32
    %select_n3A = arith.select %eq3A_0, %mul3A_1, %add3A_4 : i32
    %eq3A_5 = arith.constant 0 : i32
    %eq3A_6 = arith.cmpi eq, %arg0, %eq3A_5 : i32
    %jit3A = arith.constant 148 : i32
    %jit3A_7 = arith.constant 12 : i32
    %select_n3A_8 = arith.select %eq3A_6, %jit3A, %jit3A_7 : i32
    %broadcast_in_dim3A = arith.constant 0.000000e+00 : f32
    %broadcast_in_dim3A_9 = vector.broadcast %broadcast_in_dim3A : f32 to vector<16xf32>
    %scan3A = arith.constant 0 : i32
    %scan3A_10 = arith.constant 0 : i32
    %scan3A_11 = arith.constant 128 : i32
    %scan3A_12 = arith.addi %scan3A_10, %scan3A_11 : i32
    %scan3A_13 = arith.constant 1 : i32
    scf.for %scan3A_204 = %scan3A_10 to %scan3A_12 step %scan3A_13  : i32 {
      %swap3A = arith.index_cast %scan3A_204 : i32 to index
      %swap3A_205 = arith.constant 0 : index
      %swap3A_206 = tpu.vector_load %arg6[%swap3A, %swap3A_205] {strides = array<i32>} : memref<128x128xf32, #tpu.memory_space<vmem>>, vector<1x16xf32>,
      %swap3A_207 = vector.shape_cast %swap3A_206 : vector<1x16xf32> to vector<16xf32>
      %swap3A_208 = vector.shape_cast %broadcast_in_dim3A_9 : vector<16xf32> to vector<1x16xf32>
      tpu.vector_store %arg6[%swap3A, %swap3A_205], %swap3A_208 {strides = array<i32>} : memref<128x128xf32, #tpu.memory_space<vmem>>, vector<1x16xf32>,
      %swap3A_209 = arith.index_cast %scan3A_204 : i32 to index
      %swap3A_210 = arith.constant 16 : index
      %swap3A_211 = tpu.vector_load %arg6[%swap3A_209, %swap3A_210] {strides = array<i32>} : memref<128x128xf32, #tpu.memory_space<vmem>>, vector<1x16xf32>,
      %swap3A_212 = vector.shape_cast %swap3A_211 : vector<1x16xf32> to vector<16xf32>
      %swap3A_213 = vector.shape_cast %broadcast_in_dim3A_9 : vector<16xf32> to vector<1x16xf32>
      tpu.vector_store %arg6[%swap3A_209, %swap3A_210], %swap3A_213 {strides = array<i32>} : memref<128x128xf32, #tpu.memory_space<vmem>>, vector<1x16xf32>,
      %swap3A_214 = arith.index_cast %scan3A_204 : i32 to index
      %swap3A_215 = arith.constant 32 : index
      %swap3A_216 = tpu.vector_load %arg6[%swap3A_214, %swap3A_215] {strides = array<i32>} : memref<128x128xf32, #tpu.memory_space<vmem>>, vector<1x16xf32>,
      %swap3A_217 = vector.shape_cast %swap3A_216 : vector<1x16xf32> to vector<16xf32>
      %swap3A_218 = vector.shape_cast %broadcast_in_dim3A_9 : vector<16xf32> to vector<1x16xf32>
      tpu.vector_store %arg6[%swap3A_214, %swap3A_215], %swap3A_218 {strides = array<i32>} : memref<128x128xf32, #tpu.memory_space<vmem>>, vector<1x16xf32>,
      %swap3A_219 = arith.index_cast %scan3A_204 : i32 to index
      %swap3A_220 = arith.constant 48 : index
      %swap3A_221 = tpu.vector_load %arg6[%swap3A_219, %swap3A_220] {strides = array<i32>} : memref<128x128xf32, #tpu.memory_space<vmem>>, vector<1x16xf32>,
      %swap3A_222 = vector.shape_cast %swap3A_221 : vector<1x16xf32> to vector<16xf32>
      %swap3A_223 = vector.shape_cast %broadcast_in_dim3A_9 : vector<16xf32> to vector<1x16xf32>
      tpu.vector_store %arg6[%swap3A_219, %swap3A_220], %swap3A_223 {strides = array<i32>} : memref<128x128xf32, #tpu.memory_space<vmem>>, vector<1x16xf32>,
      %swap3A_224 = arith.index_cast %scan3A_204 : i32 to index
      %swap3A_225 = arith.constant 64 : index
      %swap3A_226 = tpu.vector_load %arg6[%swap3A_224, %swap3A_225] {strides = array<i32>} : memref<128x128xf32, #tpu.memory_space<vmem>>, vector<1x16xf32>,
      %swap3A_227 = vector.shape_cast %swap3A_226 : vector<1x16xf32> to vector<16xf32>
      %swap3A_228 = vector.shape_cast %broadcast_in_dim3A_9 : vector<16xf32> to vector<1x16xf32>
      tpu.vector_store %arg6[%swap3A_224, %swap3A_225], %swap3A_228 {strides = array<i32>} : memref<128x128xf32, #tpu.memory_space<vmem>>, vector<1x16xf32>,
      %swap3A_229 = arith.index_cast %scan3A_204 : i32 to index
      %swap3A_230 = arith.constant 80 : index
      %swap3A_231 = tpu.vector_load %arg6[%swap3A_229, %swap3A_230] {strides = array<i32>} : memref<128x128xf32, #tpu.memory_space<vmem>>, vector<1x16xf32>,
      %swap3A_232 = vector.shape_cast %swap3A_231 : vector<1x16xf32> to vector<16xf32>
      %swap3A_233 = vector.shape_cast %broadcast_in_dim3A_9 : vector<16xf32> to vector<1x16xf32>
      tpu.vector_store %arg6[%swap3A_229, %swap3A_230], %swap3A_233 {strides = array<i32>} : memref<128x128xf32, #tpu.memory_space<vmem>>, vector<1x16xf32>,
      %swap3A_234 = arith.index_cast %scan3A_204 : i32 to index
      %swap3A_235 = arith.constant 96 : index
      %swap3A_236 = tpu.vector_load %arg6[%swap3A_234, %swap3A_235] {strides = array<i32>} : memref<128x128xf32, #tpu.memory_space<vmem>>, vector<1x16xf32>,
      %swap3A_237 = vector.shape_cast %swap3A_236 : vector<1x16xf32> to vector<16xf32>
      %swap3A_238 = vector.shape_cast %broadcast_in_dim3A_9 : vector<16xf32> to vector<1x16xf32>
      tpu.vector_store %arg6[%swap3A_234, %swap3A_235], %swap3A_238 {strides = array<i32>} : memref<128x128xf32, #tpu.memory_space<vmem>>, vector<1x16xf32>,
      %swap3A_239 = arith.index_cast %scan3A_204 : i32 to index
      %swap3A_240 = arith.constant 112 : index
      %swap3A_241 = tpu.vector_load %arg6[%swap3A_239, %swap3A_240] {strides = array<i32>} : memref<128x128xf32, #tpu.memory_space<vmem>>, vector<1x16xf32>,
      %swap3A_242 = vector.shape_cast %swap3A_241 : vector<1x16xf32> to vector<16xf32>
      %swap3A_243 = vector.shape_cast %broadcast_in_dim3A_9 : vector<16xf32> to vector<1x16xf32>
      tpu.vector_store %arg6[%swap3A_239, %swap3A_240], %swap3A_243 {strides = array<i32>} : memref<128x128xf32, #tpu.memory_space<vmem>>, vector<1x16xf32>,
    }
    %scan3A_14 = arith.constant 128 : i32
    %mul3A_15 = arith.constant 632 : i32
    %mul3A_16 = arith.muli %arg1, %mul3A_15 : i32
    %add3A_17 = arith.constant 0 : i32
    %add3A_18 = arith.addi %mul3A_16, %add3A_17 : i32
    "tpu.region"() ({
      %run_scoped3A = tpu.sem_alloc : memref<!tpu.dma_semaphore, #tpu.memory_space<semaphore_mem>>
      %dma_start3A_204 = arith.constant 0 : i32
      %dma_start3A_205 = tpu.memref_slice %arg9[%add3A_18, %dma_start3A_204] : memref<10048x128xf32, #tpu.memory_space<vmem_shared>> -> memref<128x128xf32, #tpu.memory_space<vmem_shared>>
      %dma_start3A_206 = arith.constant 0 : i32
      %dma_start3A_207 = tpu.memref_slice %arg9[%add3A_18, %dma_start3A_206] : memref<10048x128xf32, #tpu.memory_space<vmem_shared>> -> memref<128x128xf32, #tpu.memory_space<vmem_shared>>
      tpu.enqueue_dma source(%arg6 : memref<128x128xf32, #tpu.memory_space<vmem>>) target(%dma_start3A_207 : memref<128x128xf32, #tpu.memory_space<vmem_shared>>) target_semaphore(%run_scoped3A : memref<!tpu.dma_semaphore, #tpu.memory_space<semaphore_mem>>)
      %dma_wait3A_208 = arith.constant 0 : i32
      %dma_wait3A_209 = tpu.memref_slice %arg9[%add3A_18, %dma_wait3A_208] : memref<10048x128xf32, #tpu.memory_space<vmem_shared>> -> memref<128x128xf32, #tpu.memory_space<vmem_shared>>
      %dma_wait3A_210 = arith.constant 0 : i32
      %dma_wait3A_211 = tpu.memref_slice %arg9[%add3A_18, %dma_wait3A_210] : memref<10048x128xf32, #tpu.memory_space<vmem_shared>> -> memref<128x128xf32, #tpu.memory_space<vmem_shared>>
      tpu.wait_dma2 semaphore(%run_scoped3A : memref<!tpu.dma_semaphore, #tpu.memory_space<semaphore_mem>>) src(%arg6 : memref<128x128xf32, #tpu.memory_space<vmem>>) dst(%dma_wait3A_211 : memref<128x128xf32, #tpu.memory_space<vmem_shared>>)
      tpu.yield
    }) : () -> ()
    %add3A_19 = arith.constant 128 : i32
    %add3A_20 = arith.addi %mul3A_16, %add3A_19 : i32
    "tpu.region"() ({
      %run_scoped3A = tpu.sem_alloc : memref<!tpu.dma_semaphore, #tpu.memory_space<semaphore_mem>>
      %dma_start3A_204 = arith.constant 0 : i32
      %dma_start3A_205 = tpu.memref_slice %arg9[%add3A_20, %dma_start3A_204] : memref<10048x128xf32, #tpu.memory_space<vmem_shared>> -> memref<128x128xf32, #tpu.memory_space<vmem_shared>>
      %dma_start3A_206 = arith.constant 0 : i32
      %dma_start3A_207 = tpu.memref_slice %arg9[%add3A_20, %dma_start3A_206] : memref<10048x128xf32, #tpu.memory_space<vmem_shared>> -> memref<128x128xf32, #tpu.memory_space<vmem_shared>>
      tpu.enqueue_dma source(%arg6 : memref<128x128xf32, #tpu.memory_space<vmem>>) target(%dma_start3A_207 : memref<128x128xf32, #tpu.memory_space<vmem_shared>>) target_semaphore(%run_scoped3A : memref<!tpu.dma_semaphore, #tpu.memory_space<semaphore_mem>>)
      %dma_wait3A_208 = arith.constant 0 : i32
      %dma_wait3A_209 = tpu.memref_slice %arg9[%add3A_20, %dma_wait3A_208] : memref<10048x128xf32, #tpu.memory_space<vmem_shared>> -> memref<128x128xf32, #tpu.memory_space<vmem_shared>>
      %dma_wait3A_210 = arith.constant 0 : i32
      %dma_wait3A_211 = tpu.memref_slice %arg9[%add3A_20, %dma_wait3A_210] : memref<10048x128xf32, #tpu.memory_space<vmem_shared>> -> memref<128x128xf32, #tpu.memory_space<vmem_shared>>
      tpu.wait_dma2 semaphore(%run_scoped3A : memref<!tpu.dma_semaphore, #tpu.memory_space<semaphore_mem>>) src(%arg6 : memref<128x128xf32, #tpu.memory_space<vmem>>) dst(%dma_wait3A_211 : memref<128x128xf32, #tpu.memory_space<vmem_shared>>)
      tpu.yield
    }) : () -> ()
    %add3A_21 = arith.constant 256 : i32
    %add3A_22 = arith.addi %mul3A_16, %add3A_21 : i32
    "tpu.region"() ({
      %run_scoped3A = tpu.sem_alloc : memref<!tpu.dma_semaphore, #tpu.memory_space<semaphore_mem>>
      %dma_start3A_204 = arith.constant 0 : i32
      %dma_start3A_205 = tpu.memref_slice %arg9[%add3A_22, %dma_start3A_204] : memref<10048x128xf32, #tpu.memory_space<vmem_shared>> -> memref<128x128xf32, #tpu.memory_space<vmem_shared>>
      %dma_start3A_206 = arith.constant 0 : i32
      %dma_start3A_207 = tpu.memref_slice %arg9[%add3A_22, %dma_start3A_206] : memref<10048x128xf32, #tpu.memory_space<vmem_shared>> -> memref<128x128xf32, #tpu.memory_space<vmem_shared>>
      tpu.enqueue_dma source(%arg6 : memref<128x128xf32, #tpu.memory_space<vmem>>) target(%dma_start3A_207 : memref<128x128xf32, #tpu.memory_space<vmem_shared>>) target_semaphore(%run_scoped3A : memref<!tpu.dma_semaphore, #tpu.memory_space<semaphore_mem>>)
      %dma_wait3A_208 = arith.constant 0 : i32
      %dma_wait3A_209 = tpu.memref_slice %arg9[%add3A_22, %dma_wait3A_208] : memref<10048x128xf32, #tpu.memory_space<vmem_shared>> -> memref<128x128xf32, #tpu.memory_space<vmem_shared>>
      %dma_wait3A_210 = arith.constant 0 : i32
      %dma_wait3A_211 = tpu.memref_slice %arg9[%add3A_22, %dma_wait3A_210] : memref<10048x128xf32, #tpu.memory_space<vmem_shared>> -> memref<128x128xf32, #tpu.memory_space<vmem_shared>>
      tpu.wait_dma2 semaphore(%run_scoped3A : memref<!tpu.dma_semaphore, #tpu.memory_space<semaphore_mem>>) src(%arg6 : memref<128x128xf32, #tpu.memory_space<vmem>>) dst(%dma_wait3A_211 : memref<128x128xf32, #tpu.memory_space<vmem_shared>>)
      tpu.yield
    }) : () -> ()
    %add3A_23 = arith.constant 384 : i32
    %add3A_24 = arith.addi %mul3A_16, %add3A_23 : i32
    "tpu.region"() ({
      %run_scoped3A = tpu.sem_alloc : memref<!tpu.dma_semaphore, #tpu.memory_space<semaphore_mem>>
      %dma_start3A_204 = arith.constant 0 : i32
      %dma_start3A_205 = tpu.memref_slice %arg9[%add3A_24, %dma_start3A_204] : memref<10048x128xf32, #tpu.memory_space<vmem_shared>> -> memref<128x128xf32, #tpu.memory_space<vmem_shared>>
      %dma_start3A_206 = arith.constant 0 : i32
      %dma_start3A_207 = tpu.memref_slice %arg9[%add3A_24, %dma_start3A_206] : memref<10048x128xf32, #tpu.memory_space<vmem_shared>> -> memref<128x128xf32, #tpu.memory_space<vmem_shared>>
      tpu.enqueue_dma source(%arg6 : memref<128x128xf32, #tpu.memory_space<vmem>>) target(%dma_start3A_207 : memref<128x128xf32, #tpu.memory_space<vmem_shared>>) target_semaphore(%run_scoped3A : memref<!tpu.dma_semaphore, #tpu.memory_space<semaphore_mem>>)
      %dma_wait3A_208 = arith.constant 0 : i32
      %dma_wait3A_209 = tpu.memref_slice %arg9[%add3A_24, %dma_wait3A_208] : memref<10048x128xf32, #tpu.memory_space<vmem_shared>> -> memref<128x128xf32, #tpu.memory_space<vmem_shared>>
      %dma_wait3A_210 = arith.constant 0 : i32
      %dma_wait3A_211 = tpu.memref_slice %arg9[%add3A_24, %dma_wait3A_210] : memref<10048x128xf32, #tpu.memory_space<vmem_shared>> -> memref<128x128xf32, #tpu.memory_space<vmem_shared>>
      tpu.wait_dma2 semaphore(%run_scoped3A : memref<!tpu.dma_semaphore, #tpu.memory_space<semaphore_mem>>) src(%arg6 : memref<128x128xf32, #tpu.memory_space<vmem>>) dst(%dma_wait3A_211 : memref<128x128xf32, #tpu.memory_space<vmem_shared>>)
      tpu.yield
    }) : () -> ()
    %lt3A = arith.constant 15 : i32
    %lt3A_25 = arith.cmpi slt, %arg1, %lt3A : i32
    %convert_element_type3A = arith.extui %lt3A_25 : i1 to i32
    %cond3A = arith.constant 0 : i32
    %cond3A_26 = arith.cmpi ne, %convert_element_type3A, %cond3A : i32
    scf.if %cond3A_26 {
      %add3A_204 = arith.constant 512 : i32
      %add3A_205 = arith.addi %mul3A_16, %add3A_204 : i32
      "tpu.region"() ({
        %run_scoped3A = tpu.sem_alloc : memref<!tpu.dma_semaphore, #tpu.memory_space<semaphore_mem>>
        %dma_start3A_206 = arith.constant 0 : i32
        %dma_start3A_207 = arith.constant 0 : i32
        %dma_start3A_208 = tpu.memref_slice %arg6[%dma_start3A_206, %dma_start3A_207] : memref<128x128xf32, #tpu.memory_space<vmem>> -> memref<120x128xf32, #tpu.memory_space<vmem>>
        %dma_start3A_209 = arith.constant 0 : i32
        %dma_start3A_210 = tpu.memref_slice %arg9[%add3A_205, %dma_start3A_209] : memref<10048x128xf32, #tpu.memory_space<vmem_shared>> -> memref<120x128xf32, #tpu.memory_space<vmem_shared>>
        %dma_start3A_211 = arith.constant 0 : i32
        %dma_start3A_212 = tpu.memref_slice %arg9[%add3A_205, %dma_start3A_211] : memref<10048x128xf32, #tpu.memory_space<vmem_shared>> -> memref<120x128xf32, #tpu.memory_space<vmem_shared>>
        %dma_start3A_213 = arith.constant 0 : i32
        %dma_start3A_214 = arith.constant 0 : i32
        %dma_start3A_215 = tpu.memref_slice %arg6[%dma_start3A_213, %dma_start3A_214] : memref<128x128xf32, #tpu.memory_space<vmem>> -> memref<120x128xf32, #tpu.memory_space<vmem>>
        tpu.enqueue_dma source(%dma_start3A_215 : memref<120x128xf32, #tpu.memory_space<vmem>>) target(%dma_start3A_212 : memref<120x128xf32, #tpu.memory_space<vmem_shared>>) target_semaphore(%run_scoped3A : memref<!tpu.dma_semaphore, #tpu.memory_space<semaphore_mem>>)
        %dma_wait3A_216 = arith.constant 0 : i32
        %dma_wait3A_217 = arith.constant 0 : i32
        %dma_wait3A_218 = tpu.memref_slice %arg6[%dma_wait3A_216, %dma_wait3A_217] : memref<128x128xf32, #tpu.memory_space<vmem>> -> memref<120x128xf32, #tpu.memory_space<vmem>>
        %dma_wait3A_219 = arith.constant 0 : i32
        %dma_wait3A_220 = tpu.memref_slice %arg9[%add3A_205, %dma_wait3A_219] : memref<10048x128xf32, #tpu.memory_space<vmem_shared>> -> memref<120x128xf32, #tpu.memory_space<vmem_shared>>
        %dma_wait3A_221 = arith.constant 0 : i32
        %dma_wait3A_222 = tpu.memref_slice %arg9[%add3A_205, %dma_wait3A_221] : memref<10048x128xf32, #tpu.memory_space<vmem_shared>> -> memref<120x128xf32, #tpu.memory_space<vmem_shared>>
        %dma_wait3A_223 = arith.constant 0 : i32
        %dma_wait3A_224 = arith.constant 0 : i32
        %dma_wait3A_225 = tpu.memref_slice %arg6[%dma_wait3A_223, %dma_wait3A_224] : memref<128x128xf32, #tpu.memory_space<vmem>> -> memref<120x128xf32, #tpu.memory_space<vmem>>
        tpu.wait_dma2 semaphore(%run_scoped3A : memref<!tpu.dma_semaphore, #tpu.memory_space<semaphore_mem>>) src(%dma_wait3A_225 : memref<120x128xf32, #tpu.memory_space<vmem>>) dst(%dma_wait3A_222 : memref<120x128xf32, #tpu.memory_space<vmem_shared>>)
        tpu.yield
      }) : () -> ()
    } else {
    }
    %eq3A_27 = arith.constant 15 : i32
    %eq3A_28 = arith.cmpi eq, %arg1, %eq3A_27 : i32
    %convert_element_type3A_29 = arith.extui %eq3A_28 : i1 to i32
    %cond3A_30 = arith.constant 0 : i32
    %cond3A_31 = arith.cmpi ne, %convert_element_type3A_29, %cond3A_30 : i32
    scf.if %cond3A_31 {
      %add3A_204 = arith.constant 512 : i32
      %add3A_205 = arith.addi %mul3A_16, %add3A_204 : i32
      "tpu.region"() ({
        %run_scoped3A = tpu.sem_alloc : memref<!tpu.dma_semaphore, #tpu.memory_space<semaphore_mem>>
        %dma_start3A_206 = arith.constant 0 : i32
        %dma_start3A_207 = arith.constant 0 : i32
        %dma_start3A_208 = tpu.memref_slice %arg6[%dma_start3A_206, %dma_start3A_207] : memref<128x128xf32, #tpu.memory_space<vmem>> -> memref<56x128xf32, #tpu.memory_space<vmem>>
        %dma_start3A_209 = arith.constant 0 : i32
        %dma_start3A_210 = tpu.memref_slice %arg9[%add3A_205, %dma_start3A_209] : memref<10048x128xf32, #tpu.memory_space<vmem_shared>> -> memref<56x128xf32, #tpu.memory_space<vmem_shared>>
        %dma_start3A_211 = arith.constant 0 : i32
        %dma_start3A_212 = tpu.memref_slice %arg9[%add3A_205, %dma_start3A_211] : memref<10048x128xf32, #tpu.memory_space<vmem_shared>> -> memref<56x128xf32, #tpu.memory_space<vmem_shared>>
        %dma_start3A_213 = arith.constant 0 : i32
        %dma_start3A_214 = arith.constant 0 : i32
        %dma_start3A_215 = tpu.memref_slice %arg6[%dma_start3A_213, %dma_start3A_214] : memref<128x128xf32, #tpu.memory_space<vmem>> -> memref<56x128xf32, #tpu.memory_space<vmem>>
        tpu.enqueue_dma source(%dma_start3A_215 : memref<56x128xf32, #tpu.memory_space<vmem>>) target(%dma_start3A_212 : memref<56x128xf32, #tpu.memory_space<vmem_shared>>) target_semaphore(%run_scoped3A : memref<!tpu.dma_semaphore, #tpu.memory_space<semaphore_mem>>)
        %dma_wait3A_216 = arith.constant 0 : i32
        %dma_wait3A_217 = arith.constant 0 : i32
        %dma_wait3A_218 = tpu.memref_slice %arg6[%dma_wait3A_216, %dma_wait3A_217] : memref<128x128xf32, #tpu.memory_space<vmem>> -> memref<56x128xf32, #tpu.memory_space<vmem>>
        %dma_wait3A_219 = arith.constant 0 : i32
        %dma_wait3A_220 = tpu.memref_slice %arg9[%add3A_205, %dma_wait3A_219] : memref<10048x128xf32, #tpu.memory_space<vmem_shared>> -> memref<56x128xf32, #tpu.memory_space<vmem_shared>>
        %dma_wait3A_221 = arith.constant 0 : i32
        %dma_wait3A_222 = tpu.memref_slice %arg9[%add3A_205, %dma_wait3A_221] : memref<10048x128xf32, #tpu.memory_space<vmem_shared>> -> memref<56x128xf32, #tpu.memory_space<vmem_shared>>
        %dma_wait3A_223 = arith.constant 0 : i32
        %dma_wait3A_224 = arith.constant 0 : i32
        %dma_wait3A_225 = tpu.memref_slice %arg6[%dma_wait3A_223, %dma_wait3A_224] : memref<128x128xf32, #tpu.memory_space<vmem>> -> memref<56x128xf32, #tpu.memory_space<vmem>>
        tpu.wait_dma2 semaphore(%run_scoped3A : memref<!tpu.dma_semaphore, #tpu.memory_space<semaphore_mem>>) src(%dma_wait3A_225 : memref<56x128xf32, #tpu.memory_space<vmem>>) dst(%dma_wait3A_222 : memref<56x128xf32, #tpu.memory_space<vmem_shared>>)
        tpu.yield
      }) : () -> ()
    } else {
    }
    %barrier3A = arith.constant 0 : index
    tpu.barrier barrier_id(%barrier3A)
    %add3A_32 = arith.constant 0 : i32
    %add3A_33 = arith.addi %select_n3A, %add3A_32 : i32
    %dma_start3A = arith.constant 0 : i32
    %dma_start3A_34 = arith.constant 0 : i32
    %dma_start3A_35 = arith.constant 0 : i32
    %dma_start3A_36 = tpu.memref_slice %arg5[%dma_start3A, %dma_start3A_34, %dma_start3A_35] : memref<3x2x128xi32, #tpu.memory_space<vmem>> -> memref<1x2x128xi32, #tpu.memory_space<vmem>>
    %dma_start3A_37 = tpu.memref_squeeze %dma_start3A_36 : memref<1x2x128xi32, #tpu.memory_space<vmem>> -> memref<2x128xi32, #tpu.memory_space<vmem>>
    %dma_start3A_38 = arith.constant 0 : i32
    %dma_start3A_39 = arith.constant 0 : i32
    %dma_start3A_40 = tpu.memref_slice %arg3[%add3A_33, %dma_start3A_38, %dma_start3A_39] : memref<2560x2x128xi32, #tpu.memory_space<hbm>> -> memref<1x2x128xi32, #tpu.memory_space<hbm>>
    %dma_start3A_41 = tpu.memref_squeeze %dma_start3A_40 : memref<1x2x128xi32, #tpu.memory_space<hbm>> -> memref<2x128xi32, #tpu.memory_space<hbm>>
    %dma_start3A_42 = arith.constant 0 : i32
    %dma_start3A_43 = arith.constant 0 : i32
    %dma_start3A_44 = tpu.memref_slice %arg5[%dma_start3A, %dma_start3A_42, %dma_start3A_43] : memref<3x2x128xi32, #tpu.memory_space<vmem>> -> memref<1x2x128xi32, #tpu.memory_space<vmem>>
    %dma_start3A_45 = tpu.memref_squeeze %dma_start3A_44 : memref<1x2x128xi32, #tpu.memory_space<vmem>> -> memref<2x128xi32, #tpu.memory_space<vmem>>
    %dma_start3A_46 = arith.constant 0 : i32
    %dma_start3A_47 = arith.constant 0 : i32
    %dma_start3A_48 = tpu.memref_slice %arg3[%add3A_33, %dma_start3A_46, %dma_start3A_47] : memref<2560x2x128xi32, #tpu.memory_space<hbm>> -> memref<1x2x128xi32, #tpu.memory_space<hbm>>
    %dma_start3A_49 = tpu.memref_squeeze %dma_start3A_48 : memref<1x2x128xi32, #tpu.memory_space<hbm>> -> memref<2x128xi32, #tpu.memory_space<hbm>>
    tpu.enqueue_dma source(%dma_start3A_49 : memref<2x128xi32, #tpu.memory_space<hbm>>) target(%dma_start3A_45 : memref<2x128xi32, #tpu.memory_space<vmem>>) target_semaphore(%arg13 : memref<!tpu.dma_semaphore, #tpu.memory_space<semaphore_mem>>)
    %add3A_50 = arith.constant 1 : i32
    %add3A_51 = arith.addi %select_n3A, %add3A_50 : i32
    %dma_start3A_52 = arith.constant 1 : i32
    %dma_start3A_53 = arith.constant 0 : i32
    %dma_start3A_54 = arith.constant 0 : i32
    %dma_start3A_55 = tpu.memref_slice %arg5[%dma_start3A_52, %dma_start3A_53, %dma_start3A_54] : memref<3x2x128xi32, #tpu.memory_space<vmem>> -> memref<1x2x128xi32, #tpu.memory_space<vmem>>
    %dma_start3A_56 = tpu.memref_squeeze %dma_start3A_55 : memref<1x2x128xi32, #tpu.memory_space<vmem>> -> memref<2x128xi32, #tpu.memory_space<vmem>>
    %dma_start3A_57 = arith.constant 0 : i32
    %dma_start3A_58 = arith.constant 0 : i32
    %dma_start3A_59 = tpu.memref_slice %arg3[%add3A_51, %dma_start3A_57, %dma_start3A_58] : memref<2560x2x128xi32, #tpu.memory_space<hbm>> -> memref<1x2x128xi32, #tpu.memory_space<hbm>>
    %dma_start3A_60 = tpu.memref_squeeze %dma_start3A_59 : memref<1x2x128xi32, #tpu.memory_space<hbm>> -> memref<2x128xi32, #tpu.memory_space<hbm>>
    %dma_start3A_61 = arith.constant 0 : i32
    %dma_start3A_62 = arith.constant 0 : i32
    %dma_start3A_63 = tpu.memref_slice %arg5[%dma_start3A_52, %dma_start3A_61, %dma_start3A_62] : memref<3x2x128xi32, #tpu.memory_space<vmem>> -> memref<1x2x128xi32, #tpu.memory_space<vmem>>
    %dma_start3A_64 = tpu.memref_squeeze %dma_start3A_63 : memref<1x2x128xi32, #tpu.memory_space<vmem>> -> memref<2x128xi32, #tpu.memory_space<vmem>>
    %dma_start3A_65 = arith.constant 0 : i32
    %dma_start3A_66 = arith.constant 0 : i32
    %dma_start3A_67 = tpu.memref_slice %arg3[%add3A_51, %dma_start3A_65, %dma_start3A_66] : memref<2560x2x128xi32, #tpu.memory_space<hbm>> -> memref<1x2x128xi32, #tpu.memory_space<hbm>>
    %dma_start3A_68 = tpu.memref_squeeze %dma_start3A_67 : memref<1x2x128xi32, #tpu.memory_space<hbm>> -> memref<2x128xi32, #tpu.memory_space<hbm>>
    tpu.enqueue_dma source(%dma_start3A_68 : memref<2x128xi32, #tpu.memory_space<hbm>>) target(%dma_start3A_64 : memref<2x128xi32, #tpu.memory_space<vmem>>) target_semaphore(%arg14 : memref<!tpu.dma_semaphore, #tpu.memory_space<semaphore_mem>>)
    %add3A_69 = arith.constant 2 : i32
    %add3A_70 = arith.addi %select_n3A, %add3A_69 : i32
    %dma_start3A_71 = arith.constant 2 : i32
    %dma_start3A_72 = arith.constant 0 : i32
    %dma_start3A_73 = arith.constant 0 : i32
    %dma_start3A_74 = tpu.memref_slice %arg5[%dma_start3A_71, %dma_start3A_72, %dma_start3A_73] : memref<3x2x128xi32, #tpu.memory_space<vmem>> -> memref<1x2x128xi32, #tpu.memory_space<vmem>>
    %dma_start3A_75 = tpu.memref_squeeze %dma_start3A_74 : memref<1x2x128xi32, #tpu.memory_space<vmem>> -> memref<2x128xi32, #tpu.memory_space<vmem>>
    %dma_start3A_76 = arith.constant 0 : i32
    %dma_start3A_77 = arith.constant 0 : i32
    %dma_start3A_78 = tpu.memref_slice %arg3[%add3A_70, %dma_start3A_76, %dma_start3A_77] : memref<2560x2x128xi32, #tpu.memory_space<hbm>> -> memref<1x2x128xi32, #tpu.memory_space<hbm>>
    %dma_start3A_79 = tpu.memref_squeeze %dma_start3A_78 : memref<1x2x128xi32, #tpu.memory_space<hbm>> -> memref<2x128xi32, #tpu.memory_space<hbm>>
    %dma_start3A_80 = arith.constant 0 : i32
    %dma_start3A_81 = arith.constant 0 : i32
    %dma_start3A_82 = tpu.memref_slice %arg5[%dma_start3A_71, %dma_start3A_80, %dma_start3A_81] : memref<3x2x128xi32, #tpu.memory_space<vmem>> -> memref<1x2x128xi32, #tpu.memory_space<vmem>>
    %dma_start3A_83 = tpu.memref_squeeze %dma_start3A_82 : memref<1x2x128xi32, #tpu.memory_space<vmem>> -> memref<2x128xi32, #tpu.memory_space<vmem>>
    %dma_start3A_84 = arith.constant 0 : i32
    %dma_start3A_85 = arith.constant 0 : i32
    %dma_start3A_86 = tpu.memref_slice %arg3[%add3A_70, %dma_start3A_84, %dma_start3A_85] : memref<2560x2x128xi32, #tpu.memory_space<hbm>> -> memref<1x2x128xi32, #tpu.memory_space<hbm>>
    %dma_start3A_87 = tpu.memref_squeeze %dma_start3A_86 : memref<1x2x128xi32, #tpu.memory_space<hbm>> -> memref<2x128xi32, #tpu.memory_space<hbm>>
    tpu.enqueue_dma source(%dma_start3A_87 : memref<2x128xi32, #tpu.memory_space<hbm>>) target(%dma_start3A_83 : memref<2x128xi32, #tpu.memory_space<vmem>>) target_semaphore(%arg15 : memref<!tpu.dma_semaphore, #tpu.memory_space<semaphore_mem>>)
    %add3A_88 = arith.constant 0 : i32
    %add3A_89 = arith.addi %select_n3A, %add3A_88 : i32
    %dma_wait3A = arith.constant 0 : i32
    %dma_wait3A_90 = arith.constant 0 : i32
    %dma_wait3A_91 = arith.constant 0 : i32
    %dma_wait3A_92 = tpu.memref_slice %arg5[%dma_wait3A, %dma_wait3A_90, %dma_wait3A_91] : memref<3x2x128xi32, #tpu.memory_space<vmem>> -> memref<1x2x128xi32, #tpu.memory_space<vmem>>
    %dma_wait3A_93 = tpu.memref_squeeze %dma_wait3A_92 : memref<1x2x128xi32, #tpu.memory_space<vmem>> -> memref<2x128xi32, #tpu.memory_space<vmem>>
    %dma_wait3A_94 = arith.constant 0 : i32
    %dma_wait3A_95 = arith.constant 0 : i32
    %dma_wait3A_96 = tpu.memref_slice %arg3[%add3A_89, %dma_wait3A_94, %dma_wait3A_95] : memref<2560x2x128xi32, #tpu.memory_space<hbm>> -> memref<1x2x128xi32, #tpu.memory_space<hbm>>
    %dma_wait3A_97 = tpu.memref_squeeze %dma_wait3A_96 : memref<1x2x128xi32, #tpu.memory_space<hbm>> -> memref<2x128xi32, #tpu.memory_space<hbm>>
    %dma_wait3A_98 = arith.constant 0 : i32
    %dma_wait3A_99 = arith.constant 0 : i32
    %dma_wait3A_100 = tpu.memref_slice %arg5[%dma_wait3A, %dma_wait3A_98, %dma_wait3A_99] : memref<3x2x128xi32, #tpu.memory_space<vmem>> -> memref<1x2x128xi32, #tpu.memory_space<vmem>>
    %dma_wait3A_101 = tpu.memref_squeeze %dma_wait3A_100 : memref<1x2x128xi32, #tpu.memory_space<vmem>> -> memref<2x128xi32, #tpu.memory_space<vmem>>
    %dma_wait3A_102 = arith.constant 0 : i32
    %dma_wait3A_103 = arith.constant 0 : i32
    %dma_wait3A_104 = tpu.memref_slice %arg3[%add3A_89, %dma_wait3A_102, %dma_wait3A_103] : memref<2560x2x128xi32, #tpu.memory_space<hbm>> -> memref<1x2x128xi32, #tpu.memory_space<hbm>>
    %dma_wait3A_105 = tpu.memref_squeeze %dma_wait3A_104 : memref<1x2x128xi32, #tpu.memory_space<hbm>> -> memref<2x128xi32, #tpu.memory_space<hbm>>
    tpu.wait_dma2 semaphore(%arg13 : memref<!tpu.dma_semaphore, #tpu.memory_space<semaphore_mem>>) src(%dma_wait3A_105 : memref<2x128xi32, #tpu.memory_space<hbm>>) dst(%dma_wait3A_101 : memref<2x128xi32, #tpu.memory_space<vmem>>)
    %dma_start3A_106 = arith.constant 0 : i32
    %dma_start3A_107 = arith.constant 0 : i32
    %dma_start3A_108 = arith.constant 0 : i32
    %dma_start3A_109 = tpu.memref_slice %arg5[%dma_start3A_106, %dma_start3A_107, %dma_start3A_108] : memref<3x2x128xi32, #tpu.memory_space<vmem>> -> memref<1x1x128xi32, #tpu.memory_space<vmem>>
    %dma_start3A_110 = tpu.memref_squeeze %dma_start3A_109 : memref<1x1x128xi32, #tpu.memory_space<vmem>> -> memref<128xi32, #tpu.memory_space<vmem>>
    %dma_start3A_111 = arith.constant 0 : i32
    %dma_start3A_112 = arith.constant 0 : i32
    %dma_start3A_113 = tpu.memref_slice %arg2[%dma_start3A_111, %dma_start3A_112] : memref<10048x128xf32, #tpu.memory_space<hbm>> -> memref<10048x128xf32, #tpu.memory_space<hbm>>
    tpu.enqueue_indirect_dma source(%dma_start3A_113 : memref<10048x128xf32, #tpu.memory_space<hbm>>) target(%arg6 : memref<128x128xf32, #tpu.memory_space<vmem>>) offsets(%dma_start3A_110 : memref<128xi32, #tpu.memory_space<vmem>>) semaphore(%arg10 : memref<!tpu.dma_semaphore, #tpu.memory_space<semaphore_mem>>)
    %add3A_114 = arith.constant 1 : i32
    %add3A_115 = arith.addi %select_n3A, %add3A_114 : i32
    %dma_wait3A_116 = arith.constant 1 : i32
    %dma_wait3A_117 = arith.constant 0 : i32
    %dma_wait3A_118 = arith.constant 0 : i32
    %dma_wait3A_119 = tpu.memref_slice %arg5[%dma_wait3A_116, %dma_wait3A_117, %dma_wait3A_118] : memref<3x2x128xi32, #tpu.memory_space<vmem>> -> memref<1x2x128xi32, #tpu.memory_space<vmem>>
    %dma_wait3A_120 = tpu.memref_squeeze %dma_wait3A_119 : memref<1x2x128xi32, #tpu.memory_space<vmem>> -> memref<2x128xi32, #tpu.memory_space<vmem>>
    %dma_wait3A_121 = arith.constant 0 : i32
    %dma_wait3A_122 = arith.constant 0 : i32
    %dma_wait3A_123 = tpu.memref_slice %arg3[%add3A_115, %dma_wait3A_121, %dma_wait3A_122] : memref<2560x2x128xi32, #tpu.memory_space<hbm>> -> memref<1x2x128xi32, #tpu.memory_space<hbm>>
    %dma_wait3A_124 = tpu.memref_squeeze %dma_wait3A_123 : memref<1x2x128xi32, #tpu.memory_space<hbm>> -> memref<2x128xi32, #tpu.memory_space<hbm>>
    %dma_wait3A_125 = arith.constant 0 : i32
    %dma_wait3A_126 = arith.constant 0 : i32
    %dma_wait3A_127 = tpu.memref_slice %arg5[%dma_wait3A_116, %dma_wait3A_125, %dma_wait3A_126] : memref<3x2x128xi32, #tpu.memory_space<vmem>> -> memref<1x2x128xi32, #tpu.memory_space<vmem>>
    %dma_wait3A_128 = tpu.memref_squeeze %dma_wait3A_127 : memref<1x2x128xi32, #tpu.memory_space<vmem>> -> memref<2x128xi32, #tpu.memory_space<vmem>>
    %dma_wait3A_129 = arith.constant 0 : i32
    %dma_wait3A_130 = arith.constant 0 : i32
    %dma_wait3A_131 = tpu.memref_slice %arg3[%add3A_115, %dma_wait3A_129, %dma_wait3A_130] : memref<2560x2x128xi32, #tpu.memory_space<hbm>> -> memref<1x2x128xi32, #tpu.memory_space<hbm>>
    %dma_wait3A_132 = tpu.memref_squeeze %dma_wait3A_131 : memref<1x2x128xi32, #tpu.memory_space<hbm>> -> memref<2x128xi32, #tpu.memory_space<hbm>>
    tpu.wait_dma2 semaphore(%arg14 : memref<!tpu.dma_semaphore, #tpu.memory_space<semaphore_mem>>) src(%dma_wait3A_132 : memref<2x128xi32, #tpu.memory_space<hbm>>) dst(%dma_wait3A_128 : memref<2x128xi32, #tpu.memory_space<vmem>>)
    %dma_start3A_133 = arith.constant 1 : i32
    %dma_start3A_134 = arith.constant 0 : i32
    %dma_start3A_135 = arith.constant 0 : i32
    %dma_start3A_136 = tpu.memref_slice %arg5[%dma_start3A_133, %dma_start3A_134, %dma_start3A_135] : memref<3x2x128xi32, #tpu.memory_space<vmem>> -> memref<1x1x128xi32, #tpu.memory_space<vmem>>
    %dma_start3A_137 = tpu.memref_squeeze %dma_start3A_136 : memref<1x1x128xi32, #tpu.memory_space<vmem>> -> memref<128xi32, #tpu.memory_space<vmem>>
    %dma_start3A_138 = arith.constant 0 : i32
    %dma_start3A_139 = arith.constant 0 : i32
    %dma_start3A_140 = tpu.memref_slice %arg2[%dma_start3A_138, %dma_start3A_139] : memref<10048x128xf32, #tpu.memory_space<hbm>> -> memref<10048x128xf32, #tpu.memory_space<hbm>>
    tpu.enqueue_indirect_dma source(%dma_start3A_140 : memref<10048x128xf32, #tpu.memory_space<hbm>>) target(%arg7 : memref<128x128xf32, #tpu.memory_space<vmem>>) offsets(%dma_start3A_137 : memref<128xi32, #tpu.memory_space<vmem>>) semaphore(%arg11 : memref<!tpu.dma_semaphore, #tpu.memory_space<semaphore_mem>>)
    %jit3A_141 = arith.constant 3 : i32
    %div3A = arith.divsi %select_n3A_8, %jit3A_141 : i32
    %sign3A = arith.constant 0 : i32
    %sign3A_142 = arith.cmpi sgt, %select_n3A_8, %sign3A : i32
    %sign3A_143 = arith.extui %sign3A_142 : i1 to i32
    %sign3A_144 = arith.constant 0 : i32
    %sign3A_145 = arith.cmpi slt, %select_n3A_8, %sign3A_144 : i32
    %sign3A_146 = arith.extui %sign3A_145 : i1 to i32
    %sign3A_147 = arith.subi %sign3A_143, %sign3A_146 : i32
    %sign3A_148 = arith.constant 0 : i32
    %sign3A_149 = arith.cmpi sgt, %jit3A_141, %sign3A_148 : i32
    %sign3A_150 = arith.extui %sign3A_149 : i1 to i32
    %sign3A_151 = arith.constant 0 : i32
    %sign3A_152 = arith.cmpi slt, %jit3A_141, %sign3A_151 : i32
    %sign3A_153 = arith.extui %sign3A_152 : i1 to i32
    %sign3A_154 = arith.subi %sign3A_150, %sign3A_153 : i32
    %ne3A = arith.cmpi ne, %sign3A_147, %sign3A_154 : i32
    %rem3A = arith.remsi %select_n3A_8, %jit3A_141 : i32
    %ne3A_155 = arith.constant 0 : i32
    %ne3A_156 = arith.cmpi ne, %rem3A, %ne3A_155 : i32
    %and3A = arith.andi %ne3A, %ne3A_156 : i1
    %sub3A = arith.constant 1 : i32
    %sub3A_157 = arith.subi %div3A, %sub3A : i32
    %select_n3A_158 = arith.select %and3A, %sub3A_157, %div3A : i32
    %while3A = arith.constant 0 : i32
    %while3A_159 = arith.constant 0 : i32
    %while3A_160 = arith.subi %select_n3A_158, %while3A_159 : i32
    %while3A_161 = arith.addi %while3A_159, %while3A_160 : i32
    %while3A_162 = arith.constant 1 : i32
    %while3A_163 = arith.divsi %while3A_160, %while3A_162 : i32
    %while3A_164 = arith.muli %while3A_163, %while3A_162 : i32
    %while3A_165 = arith.addi %while3A_159, %while3A_164 : i32
    %while3A_166 = arith.constant 1 : i32
    scf.for %while3A_204 = %while3A_159 to %while3A_165 step %while3A_166  : i32 {
      %mul3A_205 = arith.constant 3 : i32
      %mul3A_206 = arith.muli %while3A_204, %mul3A_205 : i32
      %add3A_207 = arith.constant 0 : i32
      %add3A_208 = arith.addi %mul3A_206, %add3A_207 : i32
      %dma_wait3A_209 = arith.constant 0 : i32
      %dma_wait3A_210 = arith.constant 0 : i32
      %dma_wait3A_211 = arith.constant 0 : i32
      %dma_wait3A_212 = tpu.memref_slice %arg5[%dma_wait3A_209, %dma_wait3A_210, %dma_wait3A_211] : memref<3x2x128xi32, #tpu.memory_space<vmem>> -> memref<1x1x128xi32, #tpu.memory_space<vmem>>
      %dma_wait3A_213 = tpu.memref_squeeze %dma_wait3A_212 : memref<1x1x128xi32, #tpu.memory_space<vmem>> -> memref<128xi32, #tpu.memory_space<vmem>>
      %dma_wait3A_214 = arith.constant 0 : i32
      %dma_wait3A_215 = arith.constant 0 : i32
      %dma_wait3A_216 = tpu.memref_slice %arg2[%dma_wait3A_214, %dma_wait3A_215] : memref<10048x128xf32, #tpu.memory_space<hbm>> -> memref<10048x128xf32, #tpu.memory_space<hbm>>
      tpu.wait_indirect_dma semaphore(%arg10 : memref<!tpu.dma_semaphore, #tpu.memory_space<semaphore_mem>>) src(%dma_wait3A_216 : memref<10048x128xf32, #tpu.memory_space<hbm>>) dst(%arg6 : memref<128x128xf32, #tpu.memory_space<vmem>>)
      %run_scoped3A = arith.constant 0 : i32
      %run_scoped3A_217 = arith.constant 1 : i32
      "tpu.region"() ({
        %run_scoped3A_284 = tpu.sem_alloc : memref<!tpu.dma_semaphore, #tpu.memory_space<semaphore_mem>>
        %dma_start3A_285 = arith.constant 0 : i32
        %dma_start3A_286 = tpu.memref_slice %arg5[%run_scoped3A, %run_scoped3A_217, %dma_start3A_285] : memref<3x2x128xi32, #tpu.memory_space<vmem>> -> memref<1x1x128xi32, #tpu.memory_space<vmem>>
        %dma_start3A_287 = tpu.memref_squeeze %dma_start3A_286 : memref<1x1x128xi32, #tpu.memory_space<vmem>> -> memref<128xi32, #tpu.memory_space<vmem>>
        %dma_start3A_288 = arith.constant 0 : i32
        %dma_start3A_289 = arith.constant 0 : i32
        %dma_start3A_290 = tpu.memref_slice %arg9[%dma_start3A_288, %dma_start3A_289] : memref<10048x128xf32, #tpu.memory_space<vmem_shared>> -> memref<10048x128xf32, #tpu.memory_space<vmem_shared>>
        tpu.enqueue_indirect_dma source(%arg6 : memref<128x128xf32, #tpu.memory_space<vmem>>) target(%dma_start3A_290 : memref<10048x128xf32, #tpu.memory_space<vmem_shared>>) offsets(%dma_start3A_287 : memref<128xi32, #tpu.memory_space<vmem>>) semaphore(%run_scoped3A_284 : memref<!tpu.dma_semaphore, #tpu.memory_space<semaphore_mem>>) {add = true}
        %dma_wait3A_291 = arith.constant 0 : i32
        %dma_wait3A_292 = tpu.memref_slice %arg5[%run_scoped3A, %run_scoped3A_217, %dma_wait3A_291] : memref<3x2x128xi32, #tpu.memory_space<vmem>> -> memref<1x1x128xi32, #tpu.memory_space<vmem>>
        %dma_wait3A_293 = tpu.memref_squeeze %dma_wait3A_292 : memref<1x1x128xi32, #tpu.memory_space<vmem>> -> memref<128xi32, #tpu.memory_space<vmem>>
        %dma_wait3A_294 = arith.constant 0 : i32
        %dma_wait3A_295 = arith.constant 0 : i32
        %dma_wait3A_296 = tpu.memref_slice %arg9[%dma_wait3A_294, %dma_wait3A_295] : memref<10048x128xf32, #tpu.memory_space<vmem_shared>> -> memref<10048x128xf32, #tpu.memory_space<vmem_shared>>
        tpu.wait_indirect_dma semaphore(%run_scoped3A_284 : memref<!tpu.dma_semaphore, #tpu.memory_space<semaphore_mem>>) src(%arg6 : memref<128x128xf32, #tpu.memory_space<vmem>>) dst(%dma_wait3A_296 : memref<10048x128xf32, #tpu.memory_space<vmem_shared>>)
        tpu.yield
      }) : () -> ()
      %add3A_218 = arith.constant 3 : i32
      %add3A_219 = arith.addi %add3A_208, %add3A_218 : i32
      %lt3A_220 = arith.cmpi slt, %add3A_219, %select_n3A_8 : i32
      %convert_element_type3A_221 = arith.extui %lt3A_220 : i1 to i32
      %cond3A_222 = arith.constant 0 : i32
      %cond3A_223 = arith.cmpi ne, %convert_element_type3A_221, %cond3A_222 : i32
      scf.if %cond3A_223 {
        %add3A_284 = arith.addi %select_n3A, %add3A_208 : i32
        %add3A_285 = arith.constant 3 : i32
        %add3A_286 = arith.addi %add3A_284, %add3A_285 : i32
        %dma_start3A_287 = arith.constant 0 : i32
        %dma_start3A_288 = arith.constant 0 : i32
        %dma_start3A_289 = arith.constant 0 : i32
        %dma_start3A_290 = tpu.memref_slice %arg5[%dma_start3A_287, %dma_start3A_288, %dma_start3A_289] : memref<3x2x128xi32, #tpu.memory_space<vmem>> -> memref<1x2x128xi32, #tpu.memory_space<vmem>>
        %dma_start3A_291 = tpu.memref_squeeze %dma_start3A_290 : memref<1x2x128xi32, #tpu.memory_space<vmem>> -> memref<2x128xi32, #tpu.memory_space<vmem>>
        %dma_start3A_292 = arith.constant 0 : i32
        %dma_start3A_293 = arith.constant 0 : i32
        %dma_start3A_294 = tpu.memref_slice %arg3[%add3A_286, %dma_start3A_292, %dma_start3A_293] : memref<2560x2x128xi32, #tpu.memory_space<hbm>> -> memref<1x2x128xi32, #tpu.memory_space<hbm>>
        %dma_start3A_295 = tpu.memref_squeeze %dma_start3A_294 : memref<1x2x128xi32, #tpu.memory_space<hbm>> -> memref<2x128xi32, #tpu.memory_space<hbm>>
        %dma_start3A_296 = arith.constant 0 : i32
        %dma_start3A_297 = arith.constant 0 : i32
        %dma_start3A_298 = tpu.memref_slice %arg5[%dma_start3A_287, %dma_start3A_296, %dma_start3A_297] : memref<3x2x128xi32, #tpu.memory_space<vmem>> -> memref<1x2x128xi32, #tpu.memory_space<vmem>>
        %dma_start3A_299 = tpu.memref_squeeze %dma_start3A_298 : memref<1x2x128xi32, #tpu.memory_space<vmem>> -> memref<2x128xi32, #tpu.memory_space<vmem>>
        %dma_start3A_300 = arith.constant 0 : i32
        %dma_start3A_301 = arith.constant 0 : i32
        %dma_start3A_302 = tpu.memref_slice %arg3[%add3A_286, %dma_start3A_300, %dma_start3A_301] : memref<2560x2x128xi32, #tpu.memory_space<hbm>> -> memref<1x2x128xi32, #tpu.memory_space<hbm>>
        %dma_start3A_303 = tpu.memref_squeeze %dma_start3A_302 : memref<1x2x128xi32, #tpu.memory_space<hbm>> -> memref<2x128xi32, #tpu.memory_space<hbm>>
        tpu.enqueue_dma source(%dma_start3A_303 : memref<2x128xi32, #tpu.memory_space<hbm>>) target(%dma_start3A_299 : memref<2x128xi32, #tpu.memory_space<vmem>>) target_semaphore(%arg13 : memref<!tpu.dma_semaphore, #tpu.memory_space<semaphore_mem>>)
      } else {
      }
      %add3A_224 = arith.constant 3 : i32
      %add3A_225 = arith.addi %add3A_208, %add3A_224 : i32
      %sub3A_226 = arith.constant 1 : i32
      %sub3A_227 = arith.subi %add3A_225, %sub3A_226 : i32
      %lt3A_228 = arith.cmpi slt, %sub3A_227, %select_n3A_8 : i32
      %convert_element_type3A_229 = arith.extui %lt3A_228 : i1 to i32
      %cond3A_230 = arith.constant 0 : i32
      %cond3A_231 = arith.cmpi ne, %convert_element_type3A_229, %cond3A_230 : i32
      scf.if %cond3A_231 {
        %add3A_284 = arith.addi %select_n3A, %add3A_208 : i32
        %add3A_285 = arith.constant 3 : i32
        %add3A_286 = arith.addi %add3A_284, %add3A_285 : i32
        %sub3A_287 = arith.constant 1 : i32
        %sub3A_288 = arith.subi %add3A_286, %sub3A_287 : i32
        %dma_wait3A_289 = arith.constant 2 : i32
        %dma_wait3A_290 = arith.constant 0 : i32
        %dma_wait3A_291 = arith.constant 0 : i32
        %dma_wait3A_292 = tpu.memref_slice %arg5[%dma_wait3A_289, %dma_wait3A_290, %dma_wait3A_291] : memref<3x2x128xi32, #tpu.memory_space<vmem>> -> memref<1x2x128xi32, #tpu.memory_space<vmem>>
        %dma_wait3A_293 = tpu.memref_squeeze %dma_wait3A_292 : memref<1x2x128xi32, #tpu.memory_space<vmem>> -> memref<2x128xi32, #tpu.memory_space<vmem>>
        %dma_wait3A_294 = arith.constant 0 : i32
        %dma_wait3A_295 = arith.constant 0 : i32
        %dma_wait3A_296 = tpu.memref_slice %arg3[%sub3A_288, %dma_wait3A_294, %dma_wait3A_295] : memref<2560x2x128xi32, #tpu.memory_space<hbm>> -> memref<1x2x128xi32, #tpu.memory_space<hbm>>
        %dma_wait3A_297 = tpu.memref_squeeze %dma_wait3A_296 : memref<1x2x128xi32, #tpu.memory_space<hbm>> -> memref<2x128xi32, #tpu.memory_space<hbm>>
        %dma_wait3A_298 = arith.constant 0 : i32
        %dma_wait3A_299 = arith.constant 0 : i32
        %dma_wait3A_300 = tpu.memref_slice %arg5[%dma_wait3A_289, %dma_wait3A_298, %dma_wait3A_299] : memref<3x2x128xi32, #tpu.memory_space<vmem>> -> memref<1x2x128xi32, #tpu.memory_space<vmem>>
        %dma_wait3A_301 = tpu.memref_squeeze %dma_wait3A_300 : memref<1x2x128xi32, #tpu.memory_space<vmem>> -> memref<2x128xi32, #tpu.memory_space<vmem>>
        %dma_wait3A_302 = arith.constant 0 : i32
        %dma_wait3A_303 = arith.constant 0 : i32
        %dma_wait3A_304 = tpu.memref_slice %arg3[%sub3A_288, %dma_wait3A_302, %dma_wait3A_303] : memref<2560x2x128xi32, #tpu.memory_space<hbm>> -> memref<1x2x128xi32, #tpu.memory_space<hbm>>
        %dma_wait3A_305 = tpu.memref_squeeze %dma_wait3A_304 : memref<1x2x128xi32, #tpu.memory_space<hbm>> -> memref<2x128xi32, #tpu.memory_space<hbm>>
        tpu.wait_dma2 semaphore(%arg15 : memref<!tpu.dma_semaphore, #tpu.memory_space<semaphore_mem>>) src(%dma_wait3A_305 : memref<2x128xi32, #tpu.memory_space<hbm>>) dst(%dma_wait3A_301 : memref<2x128xi32, #tpu.memory_space<vmem>>)
        %dma_start3A_306 = arith.constant 2 : i32
        %dma_start3A_307 = arith.constant 0 : i32
        %dma_start3A_308 = arith.constant 0 : i32
        %dma_start3A_309 = tpu.memref_slice %arg5[%dma_start3A_306, %dma_start3A_307, %dma_start3A_308] : memref<3x2x128xi32, #tpu.memory_space<vmem>> -> memref<1x1x128xi32, #tpu.memory_space<vmem>>
        %dma_start3A_310 = tpu.memref_squeeze %dma_start3A_309 : memref<1x1x128xi32, #tpu.memory_space<vmem>> -> memref<128xi32, #tpu.memory_space<vmem>>
        %dma_start3A_311 = arith.constant 0 : i32
        %dma_start3A_312 = arith.constant 0 : i32
        %dma_start3A_313 = tpu.memref_slice %arg2[%dma_start3A_311, %dma_start3A_312] : memref<10048x128xf32, #tpu.memory_space<hbm>> -> memref<10048x128xf32, #tpu.memory_space<hbm>>
        tpu.enqueue_indirect_dma source(%dma_start3A_313 : memref<10048x128xf32, #tpu.memory_space<hbm>>) target(%arg8 : memref<128x128xf32, #tpu.memory_space<vmem>>) offsets(%dma_start3A_310 : memref<128xi32, #tpu.memory_space<vmem>>) semaphore(%arg12 : memref<!tpu.dma_semaphore, #tpu.memory_space<semaphore_mem>>)
      } else {
      }
      %add3A_232 = arith.constant 1 : i32
      %add3A_233 = arith.addi %mul3A_206, %add3A_232 : i32
      %dma_wait3A_234 = arith.constant 1 : i32
      %dma_wait3A_235 = arith.constant 0 : i32
      %dma_wait3A_236 = arith.constant 0 : i32
      %dma_wait3A_237 = tpu.memref_slice %arg5[%dma_wait3A_234, %dma_wait3A_235, %dma_wait3A_236] : memref<3x2x128xi32, #tpu.memory_space<vmem>> -> memref<1x1x128xi32, #tpu.memory_space<vmem>>
      %dma_wait3A_238 = tpu.memref_squeeze %dma_wait3A_237 : memref<1x1x128xi32, #tpu.memory_space<vmem>> -> memref<128xi32, #tpu.memory_space<vmem>>
      %dma_wait3A_239 = arith.constant 0 : i32
      %dma_wait3A_240 = arith.constant 0 : i32
      %dma_wait3A_241 = tpu.memref_slice %arg2[%dma_wait3A_239, %dma_wait3A_240] : memref<10048x128xf32, #tpu.memory_space<hbm>> -> memref<10048x128xf32, #tpu.memory_space<hbm>>
      tpu.wait_indirect_dma semaphore(%arg11 : memref<!tpu.dma_semaphore, #tpu.memory_space<semaphore_mem>>) src(%dma_wait3A_241 : memref<10048x128xf32, #tpu.memory_space<hbm>>) dst(%arg7 : memref<128x128xf32, #tpu.memory_space<vmem>>)
      %run_scoped3A_242 = arith.constant 1 : i32
      %run_scoped3A_243 = arith.constant 1 : i32
      "tpu.region"() ({
        %run_scoped3A_284 = tpu.sem_alloc : memref<!tpu.dma_semaphore, #tpu.memory_space<semaphore_mem>>
        %dma_start3A_285 = arith.constant 0 : i32
        %dma_start3A_286 = tpu.memref_slice %arg5[%run_scoped3A_242, %run_scoped3A_243, %dma_start3A_285] : memref<3x2x128xi32, #tpu.memory_space<vmem>> -> memref<1x1x128xi32, #tpu.memory_space<vmem>>
        %dma_start3A_287 = tpu.memref_squeeze %dma_start3A_286 : memref<1x1x128xi32, #tpu.memory_space<vmem>> -> memref<128xi32, #tpu.memory_space<vmem>>
        %dma_start3A_288 = arith.constant 0 : i32
        %dma_start3A_289 = arith.constant 0 : i32
        %dma_start3A_290 = tpu.memref_slice %arg9[%dma_start3A_288, %dma_start3A_289] : memref<10048x128xf32, #tpu.memory_space<vmem_shared>> -> memref<10048x128xf32, #tpu.memory_space<vmem_shared>>
        tpu.enqueue_indirect_dma source(%arg7 : memref<128x128xf32, #tpu.memory_space<vmem>>) target(%dma_start3A_290 : memref<10048x128xf32, #tpu.memory_space<vmem_shared>>) offsets(%dma_start3A_287 : memref<128xi32, #tpu.memory_space<vmem>>) semaphore(%run_scoped3A_284 : memref<!tpu.dma_semaphore, #tpu.memory_space<semaphore_mem>>) {add = true}
        %dma_wait3A_291 = arith.constant 0 : i32
        %dma_wait3A_292 = tpu.memref_slice %arg5[%run_scoped3A_242, %run_scoped3A_243, %dma_wait3A_291] : memref<3x2x128xi32, #tpu.memory_space<vmem>> -> memref<1x1x128xi32, #tpu.memory_space<vmem>>
        %dma_wait3A_293 = tpu.memref_squeeze %dma_wait3A_292 : memref<1x1x128xi32, #tpu.memory_space<vmem>> -> memref<128xi32, #tpu.memory_space<vmem>>
        %dma_wait3A_294 = arith.constant 0 : i32
        %dma_wait3A_295 = arith.constant 0 : i32
        %dma_wait3A_296 = tpu.memref_slice %arg9[%dma_wait3A_294, %dma_wait3A_295] : memref<10048x128xf32, #tpu.memory_space<vmem_shared>> -> memref<10048x128xf32, #tpu.memory_space<vmem_shared>>
        tpu.wait_indirect_dma semaphore(%run_scoped3A_284 : memref<!tpu.dma_semaphore, #tpu.memory_space<semaphore_mem>>) src(%arg7 : memref<128x128xf32, #tpu.memory_space<vmem>>) dst(%dma_wait3A_296 : memref<10048x128xf32, #tpu.memory_space<vmem_shared>>)
        tpu.yield
      }) : () -> ()
      %add3A_244 = arith.constant 3 : i32
      %add3A_245 = arith.addi %add3A_233, %add3A_244 : i32
      %lt3A_246 = arith.cmpi slt, %add3A_245, %select_n3A_8 : i32
      %convert_element_type3A_247 = arith.extui %lt3A_246 : i1 to i32
      %cond3A_248 = arith.constant 0 : i32
      %cond3A_249 = arith.cmpi ne, %convert_element_type3A_247, %cond3A_248 : i32
      scf.if %cond3A_249 {
        %add3A_284 = arith.addi %select_n3A, %add3A_233 : i32
        %add3A_285 = arith.constant 3 : i32
        %add3A_286 = arith.addi %add3A_284, %add3A_285 : i32
        %dma_start3A_287 = arith.constant 1 : i32
        %dma_start3A_288 = arith.constant 0 : i32
        %dma_start3A_289 = arith.constant 0 : i32
        %dma_start3A_290 = tpu.memref_slice %arg5[%dma_start3A_287, %dma_start3A_288, %dma_start3A_289] : memref<3x2x128xi32, #tpu.memory_space<vmem>> -> memref<1x2x128xi32, #tpu.memory_space<vmem>>
        %dma_start3A_291 = tpu.memref_squeeze %dma_start3A_290 : memref<1x2x128xi32, #tpu.memory_space<vmem>> -> memref<2x128xi32, #tpu.memory_space<vmem>>
        %dma_start3A_292 = arith.constant 0 : i32
        %dma_start3A_293 = arith.constant 0 : i32
        %dma_start3A_294 = tpu.memref_slice %arg3[%add3A_286, %dma_start3A_292, %dma_start3A_293] : memref<2560x2x128xi32, #tpu.memory_space<hbm>> -> memref<1x2x128xi32, #tpu.memory_space<hbm>>
        %dma_start3A_295 = tpu.memref_squeeze %dma_start3A_294 : memref<1x2x128xi32, #tpu.memory_space<hbm>> -> memref<2x128xi32, #tpu.memory_space<hbm>>
        %dma_start3A_296 = arith.constant 0 : i32
        %dma_start3A_297 = arith.constant 0 : i32
        %dma_start3A_298 = tpu.memref_slice %arg5[%dma_start3A_287, %dma_start3A_296, %dma_start3A_297] : memref<3x2x128xi32, #tpu.memory_space<vmem>> -> memref<1x2x128xi32, #tpu.memory_space<vmem>>
        %dma_start3A_299 = tpu.memref_squeeze %dma_start3A_298 : memref<1x2x128xi32, #tpu.memory_space<vmem>> -> memref<2x128xi32, #tpu.memory_space<vmem>>
        %dma_start3A_300 = arith.constant 0 : i32
        %dma_start3A_301 = arith.constant 0 : i32
        %dma_start3A_302 = tpu.memref_slice %arg3[%add3A_286, %dma_start3A_300, %dma_start3A_301] : memref<2560x2x128xi32, #tpu.memory_space<hbm>> -> memref<1x2x128xi32, #tpu.memory_space<hbm>>
        %dma_start3A_303 = tpu.memref_squeeze %dma_start3A_302 : memref<1x2x128xi32, #tpu.memory_space<hbm>> -> memref<2x128xi32, #tpu.memory_space<hbm>>
        tpu.enqueue_dma source(%dma_start3A_303 : memref<2x128xi32, #tpu.memory_space<hbm>>) target(%dma_start3A_299 : memref<2x128xi32, #tpu.memory_space<vmem>>) target_semaphore(%arg14 : memref<!tpu.dma_semaphore, #tpu.memory_space<semaphore_mem>>)
      } else {
      }
      %add3A_250 = arith.constant 3 : i32
      %add3A_251 = arith.addi %add3A_233, %add3A_250 : i32
      %sub3A_252 = arith.constant 1 : i32
      %sub3A_253 = arith.subi %add3A_251, %sub3A_252 : i32
      %lt3A_254 = arith.cmpi slt, %sub3A_253, %select_n3A_8 : i32
      %convert_element_type3A_255 = arith.extui %lt3A_254 : i1 to i32
      %cond3A_256 = arith.constant 0 : i32
      %cond3A_257 = arith.cmpi ne, %convert_element_type3A_255, %cond3A_256 : i32
      scf.if %cond3A_257 {
        %add3A_284 = arith.addi %select_n3A, %add3A_233 : i32
        %add3A_285 = arith.constant 3 : i32
        %add3A_286 = arith.addi %add3A_284, %add3A_285 : i32
        %sub3A_287 = arith.constant 1 : i32
        %sub3A_288 = arith.subi %add3A_286, %sub3A_287 : i32
        %dma_wait3A_289 = arith.constant 0 : i32
        %dma_wait3A_290 = arith.constant 0 : i32
        %dma_wait3A_291 = arith.constant 0 : i32
        %dma_wait3A_292 = tpu.memref_slice %arg5[%dma_wait3A_289, %dma_wait3A_290, %dma_wait3A_291] : memref<3x2x128xi32, #tpu.memory_space<vmem>> -> memref<1x2x128xi32, #tpu.memory_space<vmem>>
        %dma_wait3A_293 = tpu.memref_squeeze %dma_wait3A_292 : memref<1x2x128xi32, #tpu.memory_space<vmem>> -> memref<2x128xi32, #tpu.memory_space<vmem>>
        %dma_wait3A_294 = arith.constant 0 : i32
        %dma_wait3A_295 = arith.constant 0 : i32
        %dma_wait3A_296 = tpu.memref_slice %arg3[%sub3A_288, %dma_wait3A_294, %dma_wait3A_295] : memref<2560x2x128xi32, #tpu.memory_space<hbm>> -> memref<1x2x128xi32, #tpu.memory_space<hbm>>
        %dma_wait3A_297 = tpu.memref_squeeze %dma_wait3A_296 : memref<1x2x128xi32, #tpu.memory_space<hbm>> -> memref<2x128xi32, #tpu.memory_space<hbm>>
        %dma_wait3A_298 = arith.constant 0 : i32
        %dma_wait3A_299 = arith.constant 0 : i32
        %dma_wait3A_300 = tpu.memref_slice %arg5[%dma_wait3A_289, %dma_wait3A_298, %dma_wait3A_299] : memref<3x2x128xi32, #tpu.memory_space<vmem>> -> memref<1x2x128xi32, #tpu.memory_space<vmem>>
        %dma_wait3A_301 = tpu.memref_squeeze %dma_wait3A_300 : memref<1x2x128xi32, #tpu.memory_space<vmem>> -> memref<2x128xi32, #tpu.memory_space<vmem>>
        %dma_wait3A_302 = arith.constant 0 : i32
        %dma_wait3A_303 = arith.constant 0 : i32
        %dma_wait3A_304 = tpu.memref_slice %arg3[%sub3A_288, %dma_wait3A_302, %dma_wait3A_303] : memref<2560x2x128xi32, #tpu.memory_space<hbm>> -> memref<1x2x128xi32, #tpu.memory_space<hbm>>
        %dma_wait3A_305 = tpu.memref_squeeze %dma_wait3A_304 : memref<1x2x128xi32, #tpu.memory_space<hbm>> -> memref<2x128xi32, #tpu.memory_space<hbm>>
        tpu.wait_dma2 semaphore(%arg13 : memref<!tpu.dma_semaphore, #tpu.memory_space<semaphore_mem>>) src(%dma_wait3A_305 : memref<2x128xi32, #tpu.memory_space<hbm>>) dst(%dma_wait3A_301 : memref<2x128xi32, #tpu.memory_space<vmem>>)
        %dma_start3A_306 = arith.constant 0 : i32
        %dma_start3A_307 = arith.constant 0 : i32
        %dma_start3A_308 = arith.constant 0 : i32
        %dma_start3A_309 = tpu.memref_slice %arg5[%dma_start3A_306, %dma_start3A_307, %dma_start3A_308] : memref<3x2x128xi32, #tpu.memory_space<vmem>> -> memref<1x1x128xi32, #tpu.memory_space<vmem>>
        %dma_start3A_310 = tpu.memref_squeeze %dma_start3A_309 : memref<1x1x128xi32, #tpu.memory_space<vmem>> -> memref<128xi32, #tpu.memory_space<vmem>>
        %dma_start3A_311 = arith.constant 0 : i32
        %dma_start3A_312 = arith.constant 0 : i32
        %dma_start3A_313 = tpu.memref_slice %arg2[%dma_start3A_311, %dma_start3A_312] : memref<10048x128xf32, #tpu.memory_space<hbm>> -> memref<10048x128xf32, #tpu.memory_space<hbm>>
        tpu.enqueue_indirect_dma source(%dma_start3A_313 : memref<10048x128xf32, #tpu.memory_space<hbm>>) target(%arg6 : memref<128x128xf32, #tpu.memory_space<vmem>>) offsets(%dma_start3A_310 : memref<128xi32, #tpu.memory_space<vmem>>) semaphore(%arg10 : memref<!tpu.dma_semaphore, #tpu.memory_space<semaphore_mem>>)
      } else {
      }
      %add3A_258 = arith.constant 2 : i32
      %add3A_259 = arith.addi %mul3A_206, %add3A_258 : i32
      %dma_wait3A_260 = arith.constant 2 : i32
      %dma_wait3A_261 = arith.constant 0 : i32
      %dma_wait3A_262 = arith.constant 0 : i32
      %dma_wait3A_263 = tpu.memref_slice %arg5[%dma_wait3A_260, %dma_wait3A_261, %dma_wait3A_262] : memref<3x2x128xi32, #tpu.memory_space<vmem>> -> memref<1x1x128xi32, #tpu.memory_space<vmem>>
      %dma_wait3A_264 = tpu.memref_squeeze %dma_wait3A_263 : memref<1x1x128xi32, #tpu.memory_space<vmem>> -> memref<128xi32, #tpu.memory_space<vmem>>
      %dma_wait3A_265 = arith.constant 0 : i32
      %dma_wait3A_266 = arith.constant 0 : i32
      %dma_wait3A_267 = tpu.memref_slice %arg2[%dma_wait3A_265, %dma_wait3A_266] : memref<10048x128xf32, #tpu.memory_space<hbm>> -> memref<10048x128xf32, #tpu.memory_space<hbm>>
      tpu.wait_indirect_dma semaphore(%arg12 : memref<!tpu.dma_semaphore, #tpu.memory_space<semaphore_mem>>) src(%dma_wait3A_267 : memref<10048x128xf32, #tpu.memory_space<hbm>>) dst(%arg8 : memref<128x128xf32, #tpu.memory_space<vmem>>)
      %run_scoped3A_268 = arith.constant 2 : i32
      %run_scoped3A_269 = arith.constant 1 : i32
      "tpu.region"() ({
        %run_scoped3A_284 = tpu.sem_alloc : memref<!tpu.dma_semaphore, #tpu.memory_space<semaphore_mem>>
        %dma_start3A_285 = arith.constant 0 : i32
        %dma_start3A_286 = tpu.memref_slice %arg5[%run_scoped3A_268, %run_scoped3A_269, %dma_start3A_285] : memref<3x2x128xi32, #tpu.memory_space<vmem>> -> memref<1x1x128xi32, #tpu.memory_space<vmem>>
        %dma_start3A_287 = tpu.memref_squeeze %dma_start3A_286 : memref<1x1x128xi32, #tpu.memory_space<vmem>> -> memref<128xi32, #tpu.memory_space<vmem>>
        %dma_start3A_288 = arith.constant 0 : i32
        %dma_start3A_289 = arith.constant 0 : i32
        %dma_start3A_290 = tpu.memref_slice %arg9[%dma_start3A_288, %dma_start3A_289] : memref<10048x128xf32, #tpu.memory_space<vmem_shared>> -> memref<10048x128xf32, #tpu.memory_space<vmem_shared>>
        tpu.enqueue_indirect_dma source(%arg8 : memref<128x128xf32, #tpu.memory_space<vmem>>) target(%dma_start3A_290 : memref<10048x128xf32, #tpu.memory_space<vmem_shared>>) offsets(%dma_start3A_287 : memref<128xi32, #tpu.memory_space<vmem>>) semaphore(%run_scoped3A_284 : memref<!tpu.dma_semaphore, #tpu.memory_space<semaphore_mem>>) {add = true}
        %dma_wait3A_291 = arith.constant 0 : i32
        %dma_wait3A_292 = tpu.memref_slice %arg5[%run_scoped3A_268, %run_scoped3A_269, %dma_wait3A_291] : memref<3x2x128xi32, #tpu.memory_space<vmem>> -> memref<1x1x128xi32, #tpu.memory_space<vmem>>
        %dma_wait3A_293 = tpu.memref_squeeze %dma_wait3A_292 : memref<1x1x128xi32, #tpu.memory_space<vmem>> -> memref<128xi32, #tpu.memory_space<vmem>>
        %dma_wait3A_294 = arith.constant 0 : i32
        %dma_wait3A_295 = arith.constant 0 : i32
        %dma_wait3A_296 = tpu.memref_slice %arg9[%dma_wait3A_294, %dma_wait3A_295] : memref<10048x128xf32, #tpu.memory_space<vmem_shared>> -> memref<10048x128xf32, #tpu.memory_space<vmem_shared>>
        tpu.wait_indirect_dma semaphore(%run_scoped3A_284 : memref<!tpu.dma_semaphore, #tpu.memory_space<semaphore_mem>>) src(%arg8 : memref<128x128xf32, #tpu.memory_space<vmem>>) dst(%dma_wait3A_296 : memref<10048x128xf32, #tpu.memory_space<vmem_shared>>)
        tpu.yield
      }) : () -> ()
      %add3A_270 = arith.constant 3 : i32
      %add3A_271 = arith.addi %add3A_259, %add3A_270 : i32
      %lt3A_272 = arith.cmpi slt, %add3A_271, %select_n3A_8 : i32
      %convert_element_type3A_273 = arith.extui %lt3A_272 : i1 to i32
      %cond3A_274 = arith.constant 0 : i32
      %cond3A_275 = arith.cmpi ne, %convert_element_type3A_273, %cond3A_274 : i32
      scf.if %cond3A_275 {
        %add3A_284 = arith.addi %select_n3A, %add3A_259 : i32
        %add3A_285 = arith.constant 3 : i32
        %add3A_286 = arith.addi %add3A_284, %add3A_285 : i32
        %dma_start3A_287 = arith.constant 2 : i32
        %dma_start3A_288 = arith.constant 0 : i32
        %dma_start3A_289 = arith.constant 0 : i32
        %dma_start3A_290 = tpu.memref_slice %arg5[%dma_start3A_287, %dma_start3A_288, %dma_start3A_289] : memref<3x2x128xi32, #tpu.memory_space<vmem>> -> memref<1x2x128xi32, #tpu.memory_space<vmem>>
        %dma_start3A_291 = tpu.memref_squeeze %dma_start3A_290 : memref<1x2x128xi32, #tpu.memory_space<vmem>> -> memref<2x128xi32, #tpu.memory_space<vmem>>
        %dma_start3A_292 = arith.constant 0 : i32
        %dma_start3A_293 = arith.constant 0 : i32
        %dma_start3A_294 = tpu.memref_slice %arg3[%add3A_286, %dma_start3A_292, %dma_start3A_293] : memref<2560x2x128xi32, #tpu.memory_space<hbm>> -> memref<1x2x128xi32, #tpu.memory_space<hbm>>
        %dma_start3A_295 = tpu.memref_squeeze %dma_start3A_294 : memref<1x2x128xi32, #tpu.memory_space<hbm>> -> memref<2x128xi32, #tpu.memory_space<hbm>>
        %dma_start3A_296 = arith.constant 0 : i32
        %dma_start3A_297 = arith.constant 0 : i32
        %dma_start3A_298 = tpu.memref_slice %arg5[%dma_start3A_287, %dma_start3A_296, %dma_start3A_297] : memref<3x2x128xi32, #tpu.memory_space<vmem>> -> memref<1x2x128xi32, #tpu.memory_space<vmem>>
        %dma_start3A_299 = tpu.memref_squeeze %dma_start3A_298 : memref<1x2x128xi32, #tpu.memory_space<vmem>> -> memref<2x128xi32, #tpu.memory_space<vmem>>
        %dma_start3A_300 = arith.constant 0 : i32
        %dma_start3A_301 = arith.constant 0 : i32
        %dma_start3A_302 = tpu.memref_slice %arg3[%add3A_286, %dma_start3A_300, %dma_start3A_301] : memref<2560x2x128xi32, #tpu.memory_space<hbm>> -> memref<1x2x128xi32, #tpu.memory_space<hbm>>
        %dma_start3A_303 = tpu.memref_squeeze %dma_start3A_302 : memref<1x2x128xi32, #tpu.memory_space<hbm>> -> memref<2x128xi32, #tpu.memory_space<hbm>>
        tpu.enqueue_dma source(%dma_start3A_303 : memref<2x128xi32, #tpu.memory_space<hbm>>) target(%dma_start3A_299 : memref<2x128xi32, #tpu.memory_space<vmem>>) target_semaphore(%arg15 : memref<!tpu.dma_semaphore, #tpu.memory_space<semaphore_mem>>)
      } else {
      }
      %add3A_276 = arith.constant 3 : i32
      %add3A_277 = arith.addi %add3A_259, %add3A_276 : i32
      %sub3A_278 = arith.constant 1 : i32
      %sub3A_279 = arith.subi %add3A_277, %sub3A_278 : i32
      %lt3A_280 = arith.cmpi slt, %sub3A_279, %select_n3A_8 : i32
      %convert_element_type3A_281 = arith.extui %lt3A_280 : i1 to i32
      %cond3A_282 = arith.constant 0 : i32
      %cond3A_283 = arith.cmpi ne, %convert_element_type3A_281, %cond3A_282 : i32
      scf.if %cond3A_283 {
        %add3A_284 = arith.addi %select_n3A, %add3A_259 : i32
        %add3A_285 = arith.constant 3 : i32
        %add3A_286 = arith.addi %add3A_284, %add3A_285 : i32
        %sub3A_287 = arith.constant 1 : i32
        %sub3A_288 = arith.subi %add3A_286, %sub3A_287 : i32
        %dma_wait3A_289 = arith.constant 1 : i32
        %dma_wait3A_290 = arith.constant 0 : i32
        %dma_wait3A_291 = arith.constant 0 : i32
        %dma_wait3A_292 = tpu.memref_slice %arg5[%dma_wait3A_289, %dma_wait3A_290, %dma_wait3A_291] : memref<3x2x128xi32, #tpu.memory_space<vmem>> -> memref<1x2x128xi32, #tpu.memory_space<vmem>>
        %dma_wait3A_293 = tpu.memref_squeeze %dma_wait3A_292 : memref<1x2x128xi32, #tpu.memory_space<vmem>> -> memref<2x128xi32, #tpu.memory_space<vmem>>
        %dma_wait3A_294 = arith.constant 0 : i32
        %dma_wait3A_295 = arith.constant 0 : i32
        %dma_wait3A_296 = tpu.memref_slice %arg3[%sub3A_288, %dma_wait3A_294, %dma_wait3A_295] : memref<2560x2x128xi32, #tpu.memory_space<hbm>> -> memref<1x2x128xi32, #tpu.memory_space<hbm>>
        %dma_wait3A_297 = tpu.memref_squeeze %dma_wait3A_296 : memref<1x2x128xi32, #tpu.memory_space<hbm>> -> memref<2x128xi32, #tpu.memory_space<hbm>>
        %dma_wait3A_298 = arith.constant 0 : i32
        %dma_wait3A_299 = arith.constant 0 : i32
        %dma_wait3A_300 = tpu.memref_slice %arg5[%dma_wait3A_289, %dma_wait3A_298, %dma_wait3A_299] : memref<3x2x128xi32, #tpu.memory_space<vmem>> -> memref<1x2x128xi32, #tpu.memory_space<vmem>>
        %dma_wait3A_301 = tpu.memref_squeeze %dma_wait3A_300 : memref<1x2x128xi32, #tpu.memory_space<vmem>> -> memref<2x128xi32, #tpu.memory_space<vmem>>
        %dma_wait3A_302 = arith.constant 0 : i32
        %dma_wait3A_303 = arith.constant 0 : i32
        %dma_wait3A_304 = tpu.memref_slice %arg3[%sub3A_288, %dma_wait3A_302, %dma_wait3A_303] : memref<2560x2x128xi32, #tpu.memory_space<hbm>> -> memref<1x2x128xi32, #tpu.memory_space<hbm>>
        %dma_wait3A_305 = tpu.memref_squeeze %dma_wait3A_304 : memref<1x2x128xi32, #tpu.memory_space<hbm>> -> memref<2x128xi32, #tpu.memory_space<hbm>>
        tpu.wait_dma2 semaphore(%arg14 : memref<!tpu.dma_semaphore, #tpu.memory_space<semaphore_mem>>) src(%dma_wait3A_305 : memref<2x128xi32, #tpu.memory_space<hbm>>) dst(%dma_wait3A_301 : memref<2x128xi32, #tpu.memory_space<vmem>>)
        %dma_start3A_306 = arith.constant 1 : i32
        %dma_start3A_307 = arith.constant 0 : i32
        %dma_start3A_308 = arith.constant 0 : i32
        %dma_start3A_309 = tpu.memref_slice %arg5[%dma_start3A_306, %dma_start3A_307, %dma_start3A_308] : memref<3x2x128xi32, #tpu.memory_space<vmem>> -> memref<1x1x128xi32, #tpu.memory_space<vmem>>
        %dma_start3A_310 = tpu.memref_squeeze %dma_start3A_309 : memref<1x1x128xi32, #tpu.memory_space<vmem>> -> memref<128xi32, #tpu.memory_space<vmem>>
        %dma_start3A_311 = arith.constant 0 : i32
        %dma_start3A_312 = arith.constant 0 : i32
        %dma_start3A_313 = tpu.memref_slice %arg2[%dma_start3A_311, %dma_start3A_312] : memref<10048x128xf32, #tpu.memory_space<hbm>> -> memref<10048x128xf32, #tpu.memory_space<hbm>>
        tpu.enqueue_indirect_dma source(%dma_start3A_313 : memref<10048x128xf32, #tpu.memory_space<hbm>>) target(%arg7 : memref<128x128xf32, #tpu.memory_space<vmem>>) offsets(%dma_start3A_310 : memref<128xi32, #tpu.memory_space<vmem>>) semaphore(%arg11 : memref<!tpu.dma_semaphore, #tpu.memory_space<semaphore_mem>>)
      } else {
      }
    }
    %while3A_167 = arith.constant 1 : i32
    scf.for %while3A_204 = %while3A_165 to %while3A_161 step %while3A_167  : i32 {
      %mul3A_205 = arith.constant 3 : i32
      %mul3A_206 = arith.muli %while3A_204, %mul3A_205 : i32
      %add3A_207 = arith.constant 0 : i32
      %add3A_208 = arith.addi %mul3A_206, %add3A_207 : i32
      %dma_wait3A_209 = arith.constant 0 : i32
      %dma_wait3A_210 = arith.constant 0 : i32
      %dma_wait3A_211 = arith.constant 0 : i32
      %dma_wait3A_212 = tpu.memref_slice %arg5[%dma_wait3A_209, %dma_wait3A_210, %dma_wait3A_211] : memref<3x2x128xi32, #tpu.memory_space<vmem>> -> memref<1x1x128xi32, #tpu.memory_space<vmem>>
      %dma_wait3A_213 = tpu.memref_squeeze %dma_wait3A_212 : memref<1x1x128xi32, #tpu.memory_space<vmem>> -> memref<128xi32, #tpu.memory_space<vmem>>
      %dma_wait3A_214 = arith.constant 0 : i32
      %dma_wait3A_215 = arith.constant 0 : i32
      %dma_wait3A_216 = tpu.memref_slice %arg2[%dma_wait3A_214, %dma_wait3A_215] : memref<10048x128xf32, #tpu.memory_space<hbm>> -> memref<10048x128xf32, #tpu.memory_space<hbm>>
      tpu.wait_indirect_dma semaphore(%arg10 : memref<!tpu.dma_semaphore, #tpu.memory_space<semaphore_mem>>) src(%dma_wait3A_216 : memref<10048x128xf32, #tpu.memory_space<hbm>>) dst(%arg6 : memref<128x128xf32, #tpu.memory_space<vmem>>)
      %run_scoped3A = arith.constant 0 : i32
      %run_scoped3A_217 = arith.constant 1 : i32
      "tpu.region"() ({
        %run_scoped3A_284 = tpu.sem_alloc : memref<!tpu.dma_semaphore, #tpu.memory_space<semaphore_mem>>
        %dma_start3A_285 = arith.constant 0 : i32
        %dma_start3A_286 = tpu.memref_slice %arg5[%run_scoped3A, %run_scoped3A_217, %dma_start3A_285] : memref<3x2x128xi32, #tpu.memory_space<vmem>> -> memref<1x1x128xi32, #tpu.memory_space<vmem>>
        %dma_start3A_287 = tpu.memref_squeeze %dma_start3A_286 : memref<1x1x128xi32, #tpu.memory_space<vmem>> -> memref<128xi32, #tpu.memory_space<vmem>>
        %dma_start3A_288 = arith.constant 0 : i32
        %dma_start3A_289 = arith.constant 0 : i32
        %dma_start3A_290 = tpu.memref_slice %arg9[%dma_start3A_288, %dma_start3A_289] : memref<10048x128xf32, #tpu.memory_space<vmem_shared>> -> memref<10048x128xf32, #tpu.memory_space<vmem_shared>>
        tpu.enqueue_indirect_dma source(%arg6 : memref<128x128xf32, #tpu.memory_space<vmem>>) target(%dma_start3A_290 : memref<10048x128xf32, #tpu.memory_space<vmem_shared>>) offsets(%dma_start3A_287 : memref<128xi32, #tpu.memory_space<vmem>>) semaphore(%run_scoped3A_284 : memref<!tpu.dma_semaphore, #tpu.memory_space<semaphore_mem>>) {add = true}
        %dma_wait3A_291 = arith.constant 0 : i32
        %dma_wait3A_292 = tpu.memref_slice %arg5[%run_scoped3A, %run_scoped3A_217, %dma_wait3A_291] : memref<3x2x128xi32, #tpu.memory_space<vmem>> -> memref<1x1x128xi32, #tpu.memory_space<vmem>>
        %dma_wait3A_293 = tpu.memref_squeeze %dma_wait3A_292 : memref<1x1x128xi32, #tpu.memory_space<vmem>> -> memref<128xi32, #tpu.memory_space<vmem>>
        %dma_wait3A_294 = arith.constant 0 : i32
        %dma_wait3A_295 = arith.constant 0 : i32
        %dma_wait3A_296 = tpu.memref_slice %arg9[%dma_wait3A_294, %dma_wait3A_295] : memref<10048x128xf32, #tpu.memory_space<vmem_shared>> -> memref<10048x128xf32, #tpu.memory_space<vmem_shared>>
        tpu.wait_indirect_dma semaphore(%run_scoped3A_284 : memref<!tpu.dma_semaphore, #tpu.memory_space<semaphore_mem>>) src(%arg6 : memref<128x128xf32, #tpu.memory_space<vmem>>) dst(%dma_wait3A_296 : memref<10048x128xf32, #tpu.memory_space<vmem_shared>>)
        tpu.yield
      }) : () -> ()
      %add3A_218 = arith.constant 3 : i32
      %add3A_219 = arith.addi %add3A_208, %add3A_218 : i32
      %lt3A_220 = arith.cmpi slt, %add3A_219, %select_n3A_8 : i32
      %convert_element_type3A_221 = arith.extui %lt3A_220 : i1 to i32
      %cond3A_222 = arith.constant 0 : i32
      %cond3A_223 = arith.cmpi ne, %convert_element_type3A_221, %cond3A_222 : i32
      scf.if %cond3A_223 {
        %add3A_284 = arith.addi %select_n3A, %add3A_208 : i32
        %add3A_285 = arith.constant 3 : i32
        %add3A_286 = arith.addi %add3A_284, %add3A_285 : i32
        %dma_start3A_287 = arith.constant 0 : i32
        %dma_start3A_288 = arith.constant 0 : i32
        %dma_start3A_289 = arith.constant 0 : i32
        %dma_start3A_290 = tpu.memref_slice %arg5[%dma_start3A_287, %dma_start3A_288, %dma_start3A_289] : memref<3x2x128xi32, #tpu.memory_space<vmem>> -> memref<1x2x128xi32, #tpu.memory_space<vmem>>
        %dma_start3A_291 = tpu.memref_squeeze %dma_start3A_290 : memref<1x2x128xi32, #tpu.memory_space<vmem>> -> memref<2x128xi32, #tpu.memory_space<vmem>>
        %dma_start3A_292 = arith.constant 0 : i32
        %dma_start3A_293 = arith.constant 0 : i32
        %dma_start3A_294 = tpu.memref_slice %arg3[%add3A_286, %dma_start3A_292, %dma_start3A_293] : memref<2560x2x128xi32, #tpu.memory_space<hbm>> -> memref<1x2x128xi32, #tpu.memory_space<hbm>>
        %dma_start3A_295 = tpu.memref_squeeze %dma_start3A_294 : memref<1x2x128xi32, #tpu.memory_space<hbm>> -> memref<2x128xi32, #tpu.memory_space<hbm>>
        %dma_start3A_296 = arith.constant 0 : i32
        %dma_start3A_297 = arith.constant 0 : i32
        %dma_start3A_298 = tpu.memref_slice %arg5[%dma_start3A_287, %dma_start3A_296, %dma_start3A_297] : memref<3x2x128xi32, #tpu.memory_space<vmem>> -> memref<1x2x128xi32, #tpu.memory_space<vmem>>
        %dma_start3A_299 = tpu.memref_squeeze %dma_start3A_298 : memref<1x2x128xi32, #tpu.memory_space<vmem>> -> memref<2x128xi32, #tpu.memory_space<vmem>>
        %dma_start3A_300 = arith.constant 0 : i32
        %dma_start3A_301 = arith.constant 0 : i32
        %dma_start3A_302 = tpu.memref_slice %arg3[%add3A_286, %dma_start3A_300, %dma_start3A_301] : memref<2560x2x128xi32, #tpu.memory_space<hbm>> -> memref<1x2x128xi32, #tpu.memory_space<hbm>>
        %dma_start3A_303 = tpu.memref_squeeze %dma_start3A_302 : memref<1x2x128xi32, #tpu.memory_space<hbm>> -> memref<2x128xi32, #tpu.memory_space<hbm>>
        tpu.enqueue_dma source(%dma_start3A_303 : memref<2x128xi32, #tpu.memory_space<hbm>>) target(%dma_start3A_299 : memref<2x128xi32, #tpu.memory_space<vmem>>) target_semaphore(%arg13 : memref<!tpu.dma_semaphore, #tpu.memory_space<semaphore_mem>>)
      } else {
      }
      %add3A_224 = arith.constant 3 : i32
      %add3A_225 = arith.addi %add3A_208, %add3A_224 : i32
      %sub3A_226 = arith.constant 1 : i32
      %sub3A_227 = arith.subi %add3A_225, %sub3A_226 : i32
      %lt3A_228 = arith.cmpi slt, %sub3A_227, %select_n3A_8 : i32
      %convert_element_type3A_229 = arith.extui %lt3A_228 : i1 to i32
      %cond3A_230 = arith.constant 0 : i32
      %cond3A_231 = arith.cmpi ne, %convert_element_type3A_229, %cond3A_230 : i32
      scf.if %cond3A_231 {
        %add3A_284 = arith.addi %select_n3A, %add3A_208 : i32
        %add3A_285 = arith.constant 3 : i32
        %add3A_286 = arith.addi %add3A_284, %add3A_285 : i32
        %sub3A_287 = arith.constant 1 : i32
        %sub3A_288 = arith.subi %add3A_286, %sub3A_287 : i32
        %dma_wait3A_289 = arith.constant 2 : i32
        %dma_wait3A_290 = arith.constant 0 : i32
        %dma_wait3A_291 = arith.constant 0 : i32
        %dma_wait3A_292 = tpu.memref_slice %arg5[%dma_wait3A_289, %dma_wait3A_290, %dma_wait3A_291] : memref<3x2x128xi32, #tpu.memory_space<vmem>> -> memref<1x2x128xi32, #tpu.memory_space<vmem>>
        %dma_wait3A_293 = tpu.memref_squeeze %dma_wait3A_292 : memref<1x2x128xi32, #tpu.memory_space<vmem>> -> memref<2x128xi32, #tpu.memory_space<vmem>>
        %dma_wait3A_294 = arith.constant 0 : i32
        %dma_wait3A_295 = arith.constant 0 : i32
        %dma_wait3A_296 = tpu.memref_slice %arg3[%sub3A_288, %dma_wait3A_294, %dma_wait3A_295] : memref<2560x2x128xi32, #tpu.memory_space<hbm>> -> memref<1x2x128xi32, #tpu.memory_space<hbm>>
        %dma_wait3A_297 = tpu.memref_squeeze %dma_wait3A_296 : memref<1x2x128xi32, #tpu.memory_space<hbm>> -> memref<2x128xi32, #tpu.memory_space<hbm>>
        %dma_wait3A_298 = arith.constant 0 : i32
        %dma_wait3A_299 = arith.constant 0 : i32
        %dma_wait3A_300 = tpu.memref_slice %arg5[%dma_wait3A_289, %dma_wait3A_298, %dma_wait3A_299] : memref<3x2x128xi32, #tpu.memory_space<vmem>> -> memref<1x2x128xi32, #tpu.memory_space<vmem>>
        %dma_wait3A_301 = tpu.memref_squeeze %dma_wait3A_300 : memref<1x2x128xi32, #tpu.memory_space<vmem>> -> memref<2x128xi32, #tpu.memory_space<vmem>>
        %dma_wait3A_302 = arith.constant 0 : i32
        %dma_wait3A_303 = arith.constant 0 : i32
        %dma_wait3A_304 = tpu.memref_slice %arg3[%sub3A_288, %dma_wait3A_302, %dma_wait3A_303] : memref<2560x2x128xi32, #tpu.memory_space<hbm>> -> memref<1x2x128xi32, #tpu.memory_space<hbm>>
        %dma_wait3A_305 = tpu.memref_squeeze %dma_wait3A_304 : memref<1x2x128xi32, #tpu.memory_space<hbm>> -> memref<2x128xi32, #tpu.memory_space<hbm>>
        tpu.wait_dma2 semaphore(%arg15 : memref<!tpu.dma_semaphore, #tpu.memory_space<semaphore_mem>>) src(%dma_wait3A_305 : memref<2x128xi32, #tpu.memory_space<hbm>>) dst(%dma_wait3A_301 : memref<2x128xi32, #tpu.memory_space<vmem>>)
        %dma_start3A_306 = arith.constant 2 : i32
        %dma_start3A_307 = arith.constant 0 : i32
        %dma_start3A_308 = arith.constant 0 : i32
        %dma_start3A_309 = tpu.memref_slice %arg5[%dma_start3A_306, %dma_start3A_307, %dma_start3A_308] : memref<3x2x128xi32, #tpu.memory_space<vmem>> -> memref<1x1x128xi32, #tpu.memory_space<vmem>>
        %dma_start3A_310 = tpu.memref_squeeze %dma_start3A_309 : memref<1x1x128xi32, #tpu.memory_space<vmem>> -> memref<128xi32, #tpu.memory_space<vmem>>
        %dma_start3A_311 = arith.constant 0 : i32
        %dma_start3A_312 = arith.constant 0 : i32
        %dma_start3A_313 = tpu.memref_slice %arg2[%dma_start3A_311, %dma_start3A_312] : memref<10048x128xf32, #tpu.memory_space<hbm>> -> memref<10048x128xf32, #tpu.memory_space<hbm>>
        tpu.enqueue_indirect_dma source(%dma_start3A_313 : memref<10048x128xf32, #tpu.memory_space<hbm>>) target(%arg8 : memref<128x128xf32, #tpu.memory_space<vmem>>) offsets(%dma_start3A_310 : memref<128xi32, #tpu.memory_space<vmem>>) semaphore(%arg12 : memref<!tpu.dma_semaphore, #tpu.memory_space<semaphore_mem>>)
      } else {
      }
      %add3A_232 = arith.constant 1 : i32
      %add3A_233 = arith.addi %mul3A_206, %add3A_232 : i32
      %dma_wait3A_234 = arith.constant 1 : i32
      %dma_wait3A_235 = arith.constant 0 : i32
      %dma_wait3A_236 = arith.constant 0 : i32
      %dma_wait3A_237 = tpu.memref_slice %arg5[%dma_wait3A_234, %dma_wait3A_235, %dma_wait3A_236] : memref<3x2x128xi32, #tpu.memory_space<vmem>> -> memref<1x1x128xi32, #tpu.memory_space<vmem>>
      %dma_wait3A_238 = tpu.memref_squeeze %dma_wait3A_237 : memref<1x1x128xi32, #tpu.memory_space<vmem>> -> memref<128xi32, #tpu.memory_space<vmem>>
      %dma_wait3A_239 = arith.constant 0 : i32
      %dma_wait3A_240 = arith.constant 0 : i32
      %dma_wait3A_241 = tpu.memref_slice %arg2[%dma_wait3A_239, %dma_wait3A_240] : memref<10048x128xf32, #tpu.memory_space<hbm>> -> memref<10048x128xf32, #tpu.memory_space<hbm>>
      tpu.wait_indirect_dma semaphore(%arg11 : memref<!tpu.dma_semaphore, #tpu.memory_space<semaphore_mem>>) src(%dma_wait3A_241 : memref<10048x128xf32, #tpu.memory_space<hbm>>) dst(%arg7 : memref<128x128xf32, #tpu.memory_space<vmem>>)
      %run_scoped3A_242 = arith.constant 1 : i32
      %run_scoped3A_243 = arith.constant 1 : i32
      "tpu.region"() ({
        %run_scoped3A_284 = tpu.sem_alloc : memref<!tpu.dma_semaphore, #tpu.memory_space<semaphore_mem>>
        %dma_start3A_285 = arith.constant 0 : i32
        %dma_start3A_286 = tpu.memref_slice %arg5[%run_scoped3A_242, %run_scoped3A_243, %dma_start3A_285] : memref<3x2x128xi32, #tpu.memory_space<vmem>> -> memref<1x1x128xi32, #tpu.memory_space<vmem>>
        %dma_start3A_287 = tpu.memref_squeeze %dma_start3A_286 : memref<1x1x128xi32, #tpu.memory_space<vmem>> -> memref<128xi32, #tpu.memory_space<vmem>>
        %dma_start3A_288 = arith.constant 0 : i32
        %dma_start3A_289 = arith.constant 0 : i32
        %dma_start3A_290 = tpu.memref_slice %arg9[%dma_start3A_288, %dma_start3A_289] : memref<10048x128xf32, #tpu.memory_space<vmem_shared>> -> memref<10048x128xf32, #tpu.memory_space<vmem_shared>>
        tpu.enqueue_indirect_dma source(%arg7 : memref<128x128xf32, #tpu.memory_space<vmem>>) target(%dma_start3A_290 : memref<10048x128xf32, #tpu.memory_space<vmem_shared>>) offsets(%dma_start3A_287 : memref<128xi32, #tpu.memory_space<vmem>>) semaphore(%run_scoped3A_284 : memref<!tpu.dma_semaphore, #tpu.memory_space<semaphore_mem>>) {add = true}
        %dma_wait3A_291 = arith.constant 0 : i32
        %dma_wait3A_292 = tpu.memref_slice %arg5[%run_scoped3A_242, %run_scoped3A_243, %dma_wait3A_291] : memref<3x2x128xi32, #tpu.memory_space<vmem>> -> memref<1x1x128xi32, #tpu.memory_space<vmem>>
        %dma_wait3A_293 = tpu.memref_squeeze %dma_wait3A_292 : memref<1x1x128xi32, #tpu.memory_space<vmem>> -> memref<128xi32, #tpu.memory_space<vmem>>
        %dma_wait3A_294 = arith.constant 0 : i32
        %dma_wait3A_295 = arith.constant 0 : i32
        %dma_wait3A_296 = tpu.memref_slice %arg9[%dma_wait3A_294, %dma_wait3A_295] : memref<10048x128xf32, #tpu.memory_space<vmem_shared>> -> memref<10048x128xf32, #tpu.memory_space<vmem_shared>>
        tpu.wait_indirect_dma semaphore(%run_scoped3A_284 : memref<!tpu.dma_semaphore, #tpu.memory_space<semaphore_mem>>) src(%arg7 : memref<128x128xf32, #tpu.memory_space<vmem>>) dst(%dma_wait3A_296 : memref<10048x128xf32, #tpu.memory_space<vmem_shared>>)
        tpu.yield
      }) : () -> ()
      %add3A_244 = arith.constant 3 : i32
      %add3A_245 = arith.addi %add3A_233, %add3A_244 : i32
      %lt3A_246 = arith.cmpi slt, %add3A_245, %select_n3A_8 : i32
      %convert_element_type3A_247 = arith.extui %lt3A_246 : i1 to i32
      %cond3A_248 = arith.constant 0 : i32
      %cond3A_249 = arith.cmpi ne, %convert_element_type3A_247, %cond3A_248 : i32
      scf.if %cond3A_249 {
        %add3A_284 = arith.addi %select_n3A, %add3A_233 : i32
        %add3A_285 = arith.constant 3 : i32
        %add3A_286 = arith.addi %add3A_284, %add3A_285 : i32
        %dma_start3A_287 = arith.constant 1 : i32
        %dma_start3A_288 = arith.constant 0 : i32
        %dma_start3A_289 = arith.constant 0 : i32
        %dma_start3A_290 = tpu.memref_slice %arg5[%dma_start3A_287, %dma_start3A_288, %dma_start3A_289] : memref<3x2x128xi32, #tpu.memory_space<vmem>> -> memref<1x2x128xi32, #tpu.memory_space<vmem>>
        %dma_start3A_291 = tpu.memref_squeeze %dma_start3A_290 : memref<1x2x128xi32, #tpu.memory_space<vmem>> -> memref<2x128xi32, #tpu.memory_space<vmem>>
        %dma_start3A_292 = arith.constant 0 : i32
        %dma_start3A_293 = arith.constant 0 : i32
        %dma_start3A_294 = tpu.memref_slice %arg3[%add3A_286, %dma_start3A_292, %dma_start3A_293] : memref<2560x2x128xi32, #tpu.memory_space<hbm>> -> memref<1x2x128xi32, #tpu.memory_space<hbm>>
        %dma_start3A_295 = tpu.memref_squeeze %dma_start3A_294 : memref<1x2x128xi32, #tpu.memory_space<hbm>> -> memref<2x128xi32, #tpu.memory_space<hbm>>
        %dma_start3A_296 = arith.constant 0 : i32
        %dma_start3A_297 = arith.constant 0 : i32
        %dma_start3A_298 = tpu.memref_slice %arg5[%dma_start3A_287, %dma_start3A_296, %dma_start3A_297] : memref<3x2x128xi32, #tpu.memory_space<vmem>> -> memref<1x2x128xi32, #tpu.memory_space<vmem>>
        %dma_start3A_299 = tpu.memref_squeeze %dma_start3A_298 : memref<1x2x128xi32, #tpu.memory_space<vmem>> -> memref<2x128xi32, #tpu.memory_space<vmem>>
        %dma_start3A_300 = arith.constant 0 : i32
        %dma_start3A_301 = arith.constant 0 : i32
        %dma_start3A_302 = tpu.memref_slice %arg3[%add3A_286, %dma_start3A_300, %dma_start3A_301] : memref<2560x2x128xi32, #tpu.memory_space<hbm>> -> memref<1x2x128xi32, #tpu.memory_space<hbm>>
        %dma_start3A_303 = tpu.memref_squeeze %dma_start3A_302 : memref<1x2x128xi32, #tpu.memory_space<hbm>> -> memref<2x128xi32, #tpu.memory_space<hbm>>
        tpu.enqueue_dma source(%dma_start3A_303 : memref<2x128xi32, #tpu.memory_space<hbm>>) target(%dma_start3A_299 : memref<2x128xi32, #tpu.memory_space<vmem>>) target_semaphore(%arg14 : memref<!tpu.dma_semaphore, #tpu.memory_space<semaphore_mem>>)
      } else {
      }
      %add3A_250 = arith.constant 3 : i32
      %add3A_251 = arith.addi %add3A_233, %add3A_250 : i32
      %sub3A_252 = arith.constant 1 : i32
      %sub3A_253 = arith.subi %add3A_251, %sub3A_252 : i32
      %lt3A_254 = arith.cmpi slt, %sub3A_253, %select_n3A_8 : i32
      %convert_element_type3A_255 = arith.extui %lt3A_254 : i1 to i32
      %cond3A_256 = arith.constant 0 : i32
      %cond3A_257 = arith.cmpi ne, %convert_element_type3A_255, %cond3A_256 : i32
      scf.if %cond3A_257 {
        %add3A_284 = arith.addi %select_n3A, %add3A_233 : i32
        %add3A_285 = arith.constant 3 : i32
        %add3A_286 = arith.addi %add3A_284, %add3A_285 : i32
        %sub3A_287 = arith.constant 1 : i32
        %sub3A_288 = arith.subi %add3A_286, %sub3A_287 : i32
        %dma_wait3A_289 = arith.constant 0 : i32
        %dma_wait3A_290 = arith.constant 0 : i32
        %dma_wait3A_291 = arith.constant 0 : i32
        %dma_wait3A_292 = tpu.memref_slice %arg5[%dma_wait3A_289, %dma_wait3A_290, %dma_wait3A_291] : memref<3x2x128xi32, #tpu.memory_space<vmem>> -> memref<1x2x128xi32, #tpu.memory_space<vmem>>
        %dma_wait3A_293 = tpu.memref_squeeze %dma_wait3A_292 : memref<1x2x128xi32, #tpu.memory_space<vmem>> -> memref<2x128xi32, #tpu.memory_space<vmem>>
        %dma_wait3A_294 = arith.constant 0 : i32
        %dma_wait3A_295 = arith.constant 0 : i32
        %dma_wait3A_296 = tpu.memref_slice %arg3[%sub3A_288, %dma_wait3A_294, %dma_wait3A_295] : memref<2560x2x128xi32, #tpu.memory_space<hbm>> -> memref<1x2x128xi32, #tpu.memory_space<hbm>>
        %dma_wait3A_297 = tpu.memref_squeeze %dma_wait3A_296 : memref<1x2x128xi32, #tpu.memory_space<hbm>> -> memref<2x128xi32, #tpu.memory_space<hbm>>
        %dma_wait3A_298 = arith.constant 0 : i32
        %dma_wait3A_299 = arith.constant 0 : i32
        %dma_wait3A_300 = tpu.memref_slice %arg5[%dma_wait3A_289, %dma_wait3A_298, %dma_wait3A_299] : memref<3x2x128xi32, #tpu.memory_space<vmem>> -> memref<1x2x128xi32, #tpu.memory_space<vmem>>
        %dma_wait3A_301 = tpu.memref_squeeze %dma_wait3A_300 : memref<1x2x128xi32, #tpu.memory_space<vmem>> -> memref<2x128xi32, #tpu.memory_space<vmem>>
        %dma_wait3A_302 = arith.constant 0 : i32
        %dma_wait3A_303 = arith.constant 0 : i32
        %dma_wait3A_304 = tpu.memref_slice %arg3[%sub3A_288, %dma_wait3A_302, %dma_wait3A_303] : memref<2560x2x128xi32, #tpu.memory_space<hbm>> -> memref<1x2x128xi32, #tpu.memory_space<hbm>>
        %dma_wait3A_305 = tpu.memref_squeeze %dma_wait3A_304 : memref<1x2x128xi32, #tpu.memory_space<hbm>> -> memref<2x128xi32, #tpu.memory_space<hbm>>
        tpu.wait_dma2 semaphore(%arg13 : memref<!tpu.dma_semaphore, #tpu.memory_space<semaphore_mem>>) src(%dma_wait3A_305 : memref<2x128xi32, #tpu.memory_space<hbm>>) dst(%dma_wait3A_301 : memref<2x128xi32, #tpu.memory_space<vmem>>)
        %dma_start3A_306 = arith.constant 0 : i32
        %dma_start3A_307 = arith.constant 0 : i32
        %dma_start3A_308 = arith.constant 0 : i32
        %dma_start3A_309 = tpu.memref_slice %arg5[%dma_start3A_306, %dma_start3A_307, %dma_start3A_308] : memref<3x2x128xi32, #tpu.memory_space<vmem>> -> memref<1x1x128xi32, #tpu.memory_space<vmem>>
        %dma_start3A_310 = tpu.memref_squeeze %dma_start3A_309 : memref<1x1x128xi32, #tpu.memory_space<vmem>> -> memref<128xi32, #tpu.memory_space<vmem>>
        %dma_start3A_311 = arith.constant 0 : i32
        %dma_start3A_312 = arith.constant 0 : i32
        %dma_start3A_313 = tpu.memref_slice %arg2[%dma_start3A_311, %dma_start3A_312] : memref<10048x128xf32, #tpu.memory_space<hbm>> -> memref<10048x128xf32, #tpu.memory_space<hbm>>
        tpu.enqueue_indirect_dma source(%dma_start3A_313 : memref<10048x128xf32, #tpu.memory_space<hbm>>) target(%arg6 : memref<128x128xf32, #tpu.memory_space<vmem>>) offsets(%dma_start3A_310 : memref<128xi32, #tpu.memory_space<vmem>>) semaphore(%arg10 : memref<!tpu.dma_semaphore, #tpu.memory_space<semaphore_mem>>)
      } else {
      }
      %add3A_258 = arith.constant 2 : i32
      %add3A_259 = arith.addi %mul3A_206, %add3A_258 : i32
      %dma_wait3A_260 = arith.constant 2 : i32
      %dma_wait3A_261 = arith.constant 0 : i32
      %dma_wait3A_262 = arith.constant 0 : i32
      %dma_wait3A_263 = tpu.memref_slice %arg5[%dma_wait3A_260, %dma_wait3A_261, %dma_wait3A_262] : memref<3x2x128xi32, #tpu.memory_space<vmem>> -> memref<1x1x128xi32, #tpu.memory_space<vmem>>
      %dma_wait3A_264 = tpu.memref_squeeze %dma_wait3A_263 : memref<1x1x128xi32, #tpu.memory_space<vmem>> -> memref<128xi32, #tpu.memory_space<vmem>>
      %dma_wait3A_265 = arith.constant 0 : i32
      %dma_wait3A_266 = arith.constant 0 : i32
      %dma_wait3A_267 = tpu.memref_slice %arg2[%dma_wait3A_265, %dma_wait3A_266] : memref<10048x128xf32, #tpu.memory_space<hbm>> -> memref<10048x128xf32, #tpu.memory_space<hbm>>
      tpu.wait_indirect_dma semaphore(%arg12 : memref<!tpu.dma_semaphore, #tpu.memory_space<semaphore_mem>>) src(%dma_wait3A_267 : memref<10048x128xf32, #tpu.memory_space<hbm>>) dst(%arg8 : memref<128x128xf32, #tpu.memory_space<vmem>>)
      %run_scoped3A_268 = arith.constant 2 : i32
      %run_scoped3A_269 = arith.constant 1 : i32
      "tpu.region"() ({
        %run_scoped3A_284 = tpu.sem_alloc : memref<!tpu.dma_semaphore, #tpu.memory_space<semaphore_mem>>
        %dma_start3A_285 = arith.constant 0 : i32
        %dma_start3A_286 = tpu.memref_slice %arg5[%run_scoped3A_268, %run_scoped3A_269, %dma_start3A_285] : memref<3x2x128xi32, #tpu.memory_space<vmem>> -> memref<1x1x128xi32, #tpu.memory_space<vmem>>
        %dma_start3A_287 = tpu.memref_squeeze %dma_start3A_286 : memref<1x1x128xi32, #tpu.memory_space<vmem>> -> memref<128xi32, #tpu.memory_space<vmem>>
        %dma_start3A_288 = arith.constant 0 : i32
        %dma_start3A_289 = arith.constant 0 : i32
        %dma_start3A_290 = tpu.memref_slice %arg9[%dma_start3A_288, %dma_start3A_289] : memref<10048x128xf32, #tpu.memory_space<vmem_shared>> -> memref<10048x128xf32, #tpu.memory_space<vmem_shared>>
        tpu.enqueue_indirect_dma source(%arg8 : memref<128x128xf32, #tpu.memory_space<vmem>>) target(%dma_start3A_290 : memref<10048x128xf32, #tpu.memory_space<vmem_shared>>) offsets(%dma_start3A_287 : memref<128xi32, #tpu.memory_space<vmem>>) semaphore(%run_scoped3A_284 : memref<!tpu.dma_semaphore, #tpu.memory_space<semaphore_mem>>) {add = true}
        %dma_wait3A_291 = arith.constant 0 : i32
        %dma_wait3A_292 = tpu.memref_slice %arg5[%run_scoped3A_268, %run_scoped3A_269, %dma_wait3A_291] : memref<3x2x128xi32, #tpu.memory_space<vmem>> -> memref<1x1x128xi32, #tpu.memory_space<vmem>>
        %dma_wait3A_293 = tpu.memref_squeeze %dma_wait3A_292 : memref<1x1x128xi32, #tpu.memory_space<vmem>> -> memref<128xi32, #tpu.memory_space<vmem>>
        %dma_wait3A_294 = arith.constant 0 : i32
        %dma_wait3A_295 = arith.constant 0 : i32
        %dma_wait3A_296 = tpu.memref_slice %arg9[%dma_wait3A_294, %dma_wait3A_295] : memref<10048x128xf32, #tpu.memory_space<vmem_shared>> -> memref<10048x128xf32, #tpu.memory_space<vmem_shared>>
        tpu.wait_indirect_dma semaphore(%run_scoped3A_284 : memref<!tpu.dma_semaphore, #tpu.memory_space<semaphore_mem>>) src(%arg8 : memref<128x128xf32, #tpu.memory_space<vmem>>) dst(%dma_wait3A_296 : memref<10048x128xf32, #tpu.memory_space<vmem_shared>>)
        tpu.yield
      }) : () -> ()
      %add3A_270 = arith.constant 3 : i32
      %add3A_271 = arith.addi %add3A_259, %add3A_270 : i32
      %lt3A_272 = arith.cmpi slt, %add3A_271, %select_n3A_8 : i32
      %convert_element_type3A_273 = arith.extui %lt3A_272 : i1 to i32
      %cond3A_274 = arith.constant 0 : i32
      %cond3A_275 = arith.cmpi ne, %convert_element_type3A_273, %cond3A_274 : i32
      scf.if %cond3A_275 {
        %add3A_284 = arith.addi %select_n3A, %add3A_259 : i32
        %add3A_285 = arith.constant 3 : i32
        %add3A_286 = arith.addi %add3A_284, %add3A_285 : i32
        %dma_start3A_287 = arith.constant 2 : i32
        %dma_start3A_288 = arith.constant 0 : i32
        %dma_start3A_289 = arith.constant 0 : i32
        %dma_start3A_290 = tpu.memref_slice %arg5[%dma_start3A_287, %dma_start3A_288, %dma_start3A_289] : memref<3x2x128xi32, #tpu.memory_space<vmem>> -> memref<1x2x128xi32, #tpu.memory_space<vmem>>
        %dma_start3A_291 = tpu.memref_squeeze %dma_start3A_290 : memref<1x2x128xi32, #tpu.memory_space<vmem>> -> memref<2x128xi32, #tpu.memory_space<vmem>>
        %dma_start3A_292 = arith.constant 0 : i32
        %dma_start3A_293 = arith.constant 0 : i32
        %dma_start3A_294 = tpu.memref_slice %arg3[%add3A_286, %dma_start3A_292, %dma_start3A_293] : memref<2560x2x128xi32, #tpu.memory_space<hbm>> -> memref<1x2x128xi32, #tpu.memory_space<hbm>>
        %dma_start3A_295 = tpu.memref_squeeze %dma_start3A_294 : memref<1x2x128xi32, #tpu.memory_space<hbm>> -> memref<2x128xi32, #tpu.memory_space<hbm>>
        %dma_start3A_296 = arith.constant 0 : i32
        %dma_start3A_297 = arith.constant 0 : i32
        %dma_start3A_298 = tpu.memref_slice %arg5[%dma_start3A_287, %dma_start3A_296, %dma_start3A_297] : memref<3x2x128xi32, #tpu.memory_space<vmem>> -> memref<1x2x128xi32, #tpu.memory_space<vmem>>
        %dma_start3A_299 = tpu.memref_squeeze %dma_start3A_298 : memref<1x2x128xi32, #tpu.memory_space<vmem>> -> memref<2x128xi32, #tpu.memory_space<vmem>>
        %dma_start3A_300 = arith.constant 0 : i32
        %dma_start3A_301 = arith.constant 0 : i32
        %dma_start3A_302 = tpu.memref_slice %arg3[%add3A_286, %dma_start3A_300, %dma_start3A_301] : memref<2560x2x128xi32, #tpu.memory_space<hbm>> -> memref<1x2x128xi32, #tpu.memory_space<hbm>>
        %dma_start3A_303 = tpu.memref_squeeze %dma_start3A_302 : memref<1x2x128xi32, #tpu.memory_space<hbm>> -> memref<2x128xi32, #tpu.memory_space<hbm>>
        tpu.enqueue_dma source(%dma_start3A_303 : memref<2x128xi32, #tpu.memory_space<hbm>>) target(%dma_start3A_299 : memref<2x128xi32, #tpu.memory_space<vmem>>) target_semaphore(%arg15 : memref<!tpu.dma_semaphore, #tpu.memory_space<semaphore_mem>>)
      } else {
      }
      %add3A_276 = arith.constant 3 : i32
      %add3A_277 = arith.addi %add3A_259, %add3A_276 : i32
      %sub3A_278 = arith.constant 1 : i32
      %sub3A_279 = arith.subi %add3A_277, %sub3A_278 : i32
      %lt3A_280 = arith.cmpi slt, %sub3A_279, %select_n3A_8 : i32
      %convert_element_type3A_281 = arith.extui %lt3A_280 : i1 to i32
      %cond3A_282 = arith.constant 0 : i32
      %cond3A_283 = arith.cmpi ne, %convert_element_type3A_281, %cond3A_282 : i32
      scf.if %cond3A_283 {
        %add3A_284 = arith.addi %select_n3A, %add3A_259 : i32
        %add3A_285 = arith.constant 3 : i32
        %add3A_286 = arith.addi %add3A_284, %add3A_285 : i32
        %sub3A_287 = arith.constant 1 : i32
        %sub3A_288 = arith.subi %add3A_286, %sub3A_287 : i32
        %dma_wait3A_289 = arith.constant 1 : i32
        %dma_wait3A_290 = arith.constant 0 : i32
        %dma_wait3A_291 = arith.constant 0 : i32
        %dma_wait3A_292 = tpu.memref_slice %arg5[%dma_wait3A_289, %dma_wait3A_290, %dma_wait3A_291] : memref<3x2x128xi32, #tpu.memory_space<vmem>> -> memref<1x2x128xi32, #tpu.memory_space<vmem>>
        %dma_wait3A_293 = tpu.memref_squeeze %dma_wait3A_292 : memref<1x2x128xi32, #tpu.memory_space<vmem>> -> memref<2x128xi32, #tpu.memory_space<vmem>>
        %dma_wait3A_294 = arith.constant 0 : i32
        %dma_wait3A_295 = arith.constant 0 : i32
        %dma_wait3A_296 = tpu.memref_slice %arg3[%sub3A_288, %dma_wait3A_294, %dma_wait3A_295] : memref<2560x2x128xi32, #tpu.memory_space<hbm>> -> memref<1x2x128xi32, #tpu.memory_space<hbm>>
        %dma_wait3A_297 = tpu.memref_squeeze %dma_wait3A_296 : memref<1x2x128xi32, #tpu.memory_space<hbm>> -> memref<2x128xi32, #tpu.memory_space<hbm>>
        %dma_wait3A_298 = arith.constant 0 : i32
        %dma_wait3A_299 = arith.constant 0 : i32
        %dma_wait3A_300 = tpu.memref_slice %arg5[%dma_wait3A_289, %dma_wait3A_298, %dma_wait3A_299] : memref<3x2x128xi32, #tpu.memory_space<vmem>> -> memref<1x2x128xi32, #tpu.memory_space<vmem>>
        %dma_wait3A_301 = tpu.memref_squeeze %dma_wait3A_300 : memref<1x2x128xi32, #tpu.memory_space<vmem>> -> memref<2x128xi32, #tpu.memory_space<vmem>>
        %dma_wait3A_302 = arith.constant 0 : i32
        %dma_wait3A_303 = arith.constant 0 : i32
        %dma_wait3A_304 = tpu.memref_slice %arg3[%sub3A_288, %dma_wait3A_302, %dma_wait3A_303] : memref<2560x2x128xi32, #tpu.memory_space<hbm>> -> memref<1x2x128xi32, #tpu.memory_space<hbm>>
        %dma_wait3A_305 = tpu.memref_squeeze %dma_wait3A_304 : memref<1x2x128xi32, #tpu.memory_space<hbm>> -> memref<2x128xi32, #tpu.memory_space<hbm>>
        tpu.wait_dma2 semaphore(%arg14 : memref<!tpu.dma_semaphore, #tpu.memory_space<semaphore_mem>>) src(%dma_wait3A_305 : memref<2x128xi32, #tpu.memory_space<hbm>>) dst(%dma_wait3A_301 : memref<2x128xi32, #tpu.memory_space<vmem>>)
        %dma_start3A_306 = arith.constant 1 : i32
        %dma_start3A_307 = arith.constant 0 : i32
        %dma_start3A_308 = arith.constant 0 : i32
        %dma_start3A_309 = tpu.memref_slice %arg5[%dma_start3A_306, %dma_start3A_307, %dma_start3A_308] : memref<3x2x128xi32, #tpu.memory_space<vmem>> -> memref<1x1x128xi32, #tpu.memory_space<vmem>>
        %dma_start3A_310 = tpu.memref_squeeze %dma_start3A_309 : memref<1x1x128xi32, #tpu.memory_space<vmem>> -> memref<128xi32, #tpu.memory_space<vmem>>
        %dma_start3A_311 = arith.constant 0 : i32
        %dma_start3A_312 = arith.constant 0 : i32
        %dma_start3A_313 = tpu.memref_slice %arg2[%dma_start3A_311, %dma_start3A_312] : memref<10048x128xf32, #tpu.memory_space<hbm>> -> memref<10048x128xf32, #tpu.memory_space<hbm>>
        tpu.enqueue_indirect_dma source(%dma_start3A_313 : memref<10048x128xf32, #tpu.memory_space<hbm>>) target(%arg7 : memref<128x128xf32, #tpu.memory_space<vmem>>) offsets(%dma_start3A_310 : memref<128xi32, #tpu.memory_space<vmem>>) semaphore(%arg11 : memref<!tpu.dma_semaphore, #tpu.memory_space<semaphore_mem>>)
      } else {
      }
    }
    %jit3A_168 = arith.constant 3 : i32
    %eq3A_169 = arith.constant 0 : i32
    %eq3A_170 = arith.cmpi eq, %jit3A_168, %eq3A_169 : i32
    %jit3A_171 = arith.constant 1 : i32
    %select_n3A_172 = arith.select %eq3A_170, %jit3A_171, %jit3A_168 : i32
    %rem3A_173 = arith.remsi %select_n3A_8, %select_n3A_172 : i32
    %ne3A_174 = arith.constant 0 : i32
    %ne3A_175 = arith.cmpi ne, %rem3A_173, %ne3A_174 : i32
    %lt3A_176 = arith.constant 0 : i32
    %lt3A_177 = arith.cmpi slt, %rem3A_173, %lt3A_176 : i32
    %lt3A_178 = arith.constant 0 : i32
    %lt3A_179 = arith.cmpi slt, %select_n3A_172, %lt3A_178 : i32
    %ne3A_180 = arith.xori %lt3A_177, %lt3A_179 : i1
    %and3A_181 = arith.andi %ne3A_180, %ne3A_175 : i1
    %add3A_182 = arith.addi %rem3A_173, %select_n3A_172 : i32
    %select_n3A_183 = arith.select %and3A_181, %add3A_182, %rem3A_173 : i32
    %gt3A = arith.constant 0 : i32
    %gt3A_184 = arith.cmpi sgt, %select_n3A_183, %gt3A : i32
    %convert_element_type3A_185 = arith.extui %gt3A_184 : i1 to i32
    %cond3A_186 = arith.constant 0 : i32
    %cond3A_187 = arith.cmpi ne, %convert_element_type3A_185, %cond3A_186 : i32
    scf.if %cond3A_187 {
      %dma_wait3A_204 = arith.constant 0 : i32
      %dma_wait3A_205 = arith.constant 0 : i32
      %dma_wait3A_206 = arith.constant 0 : i32
      %dma_wait3A_207 = tpu.memref_slice %arg5[%dma_wait3A_204, %dma_wait3A_205, %dma_wait3A_206] : memref<3x2x128xi32, #tpu.memory_space<vmem>> -> memref<1x1x128xi32, #tpu.memory_space<vmem>>
      %dma_wait3A_208 = tpu.memref_squeeze %dma_wait3A_207 : memref<1x1x128xi32, #tpu.memory_space<vmem>> -> memref<128xi32, #tpu.memory_space<vmem>>
      %dma_wait3A_209 = arith.constant 0 : i32
      %dma_wait3A_210 = arith.constant 0 : i32
      %dma_wait3A_211 = tpu.memref_slice %arg2[%dma_wait3A_209, %dma_wait3A_210] : memref<10048x128xf32, #tpu.memory_space<hbm>> -> memref<10048x128xf32, #tpu.memory_space<hbm>>
      tpu.wait_indirect_dma semaphore(%arg10 : memref<!tpu.dma_semaphore, #tpu.memory_space<semaphore_mem>>) src(%dma_wait3A_211 : memref<10048x128xf32, #tpu.memory_space<hbm>>) dst(%arg6 : memref<128x128xf32, #tpu.memory_space<vmem>>)
      %run_scoped3A = arith.constant 0 : i32
      %run_scoped3A_212 = arith.constant 1 : i32
      "tpu.region"() ({
        %run_scoped3A_213 = tpu.sem_alloc : memref<!tpu.dma_semaphore, #tpu.memory_space<semaphore_mem>>
        %dma_start3A_214 = arith.constant 0 : i32
        %dma_start3A_215 = tpu.memref_slice %arg5[%run_scoped3A, %run_scoped3A_212, %dma_start3A_214] : memref<3x2x128xi32, #tpu.memory_space<vmem>> -> memref<1x1x128xi32, #tpu.memory_space<vmem>>
        %dma_start3A_216 = tpu.memref_squeeze %dma_start3A_215 : memref<1x1x128xi32, #tpu.memory_space<vmem>> -> memref<128xi32, #tpu.memory_space<vmem>>
        %dma_start3A_217 = arith.constant 0 : i32
        %dma_start3A_218 = arith.constant 0 : i32
        %dma_start3A_219 = tpu.memref_slice %arg9[%dma_start3A_217, %dma_start3A_218] : memref<10048x128xf32, #tpu.memory_space<vmem_shared>> -> memref<10048x128xf32, #tpu.memory_space<vmem_shared>>
        tpu.enqueue_indirect_dma source(%arg6 : memref<128x128xf32, #tpu.memory_space<vmem>>) target(%dma_start3A_219 : memref<10048x128xf32, #tpu.memory_space<vmem_shared>>) offsets(%dma_start3A_216 : memref<128xi32, #tpu.memory_space<vmem>>) semaphore(%run_scoped3A_213 : memref<!tpu.dma_semaphore, #tpu.memory_space<semaphore_mem>>) {add = true}
        %dma_wait3A_220 = arith.constant 0 : i32
        %dma_wait3A_221 = tpu.memref_slice %arg5[%run_scoped3A, %run_scoped3A_212, %dma_wait3A_220] : memref<3x2x128xi32, #tpu.memory_space<vmem>> -> memref<1x1x128xi32, #tpu.memory_space<vmem>>
        %dma_wait3A_222 = tpu.memref_squeeze %dma_wait3A_221 : memref<1x1x128xi32, #tpu.memory_space<vmem>> -> memref<128xi32, #tpu.memory_space<vmem>>
        %dma_wait3A_223 = arith.constant 0 : i32
        %dma_wait3A_224 = arith.constant 0 : i32
        %dma_wait3A_225 = tpu.memref_slice %arg9[%dma_wait3A_223, %dma_wait3A_224] : memref<10048x128xf32, #tpu.memory_space<vmem_shared>> -> memref<10048x128xf32, #tpu.memory_space<vmem_shared>>
        tpu.wait_indirect_dma semaphore(%run_scoped3A_213 : memref<!tpu.dma_semaphore, #tpu.memory_space<semaphore_mem>>) src(%arg6 : memref<128x128xf32, #tpu.memory_space<vmem>>) dst(%dma_wait3A_225 : memref<10048x128xf32, #tpu.memory_space<vmem_shared>>)
        tpu.yield
      }) : () -> ()
    } else {
    }
    %gt3A_188 = arith.constant 1 : i32
    %gt3A_189 = arith.cmpi sgt, %select_n3A_183, %gt3A_188 : i32
    %convert_element_type3A_190 = arith.extui %gt3A_189 : i1 to i32
    %cond3A_191 = arith.constant 0 : i32
    %cond3A_192 = arith.cmpi ne, %convert_element_type3A_190, %cond3A_191 : i32
    scf.if %cond3A_192 {
      %dma_wait3A_204 = arith.constant 1 : i32
      %dma_wait3A_205 = arith.constant 0 : i32
      %dma_wait3A_206 = arith.constant 0 : i32
      %dma_wait3A_207 = tpu.memref_slice %arg5[%dma_wait3A_204, %dma_wait3A_205, %dma_wait3A_206] : memref<3x2x128xi32, #tpu.memory_space<vmem>> -> memref<1x1x128xi32, #tpu.memory_space<vmem>>
      %dma_wait3A_208 = tpu.memref_squeeze %dma_wait3A_207 : memref<1x1x128xi32, #tpu.memory_space<vmem>> -> memref<128xi32, #tpu.memory_space<vmem>>
      %dma_wait3A_209 = arith.constant 0 : i32
      %dma_wait3A_210 = arith.constant 0 : i32
      %dma_wait3A_211 = tpu.memref_slice %arg2[%dma_wait3A_209, %dma_wait3A_210] : memref<10048x128xf32, #tpu.memory_space<hbm>> -> memref<10048x128xf32, #tpu.memory_space<hbm>>
      tpu.wait_indirect_dma semaphore(%arg11 : memref<!tpu.dma_semaphore, #tpu.memory_space<semaphore_mem>>) src(%dma_wait3A_211 : memref<10048x128xf32, #tpu.memory_space<hbm>>) dst(%arg7 : memref<128x128xf32, #tpu.memory_space<vmem>>)
      %run_scoped3A = arith.constant 1 : i32
      %run_scoped3A_212 = arith.constant 1 : i32
      "tpu.region"() ({
        %run_scoped3A_213 = tpu.sem_alloc : memref<!tpu.dma_semaphore, #tpu.memory_space<semaphore_mem>>
        %dma_start3A_214 = arith.constant 0 : i32
        %dma_start3A_215 = tpu.memref_slice %arg5[%run_scoped3A, %run_scoped3A_212, %dma_start3A_214] : memref<3x2x128xi32, #tpu.memory_space<vmem>> -> memref<1x1x128xi32, #tpu.memory_space<vmem>>
        %dma_start3A_216 = tpu.memref_squeeze %dma_start3A_215 : memref<1x1x128xi32, #tpu.memory_space<vmem>> -> memref<128xi32, #tpu.memory_space<vmem>>
        %dma_start3A_217 = arith.constant 0 : i32
        %dma_start3A_218 = arith.constant 0 : i32
        %dma_start3A_219 = tpu.memref_slice %arg9[%dma_start3A_217, %dma_start3A_218] : memref<10048x128xf32, #tpu.memory_space<vmem_shared>> -> memref<10048x128xf32, #tpu.memory_space<vmem_shared>>
        tpu.enqueue_indirect_dma source(%arg7 : memref<128x128xf32, #tpu.memory_space<vmem>>) target(%dma_start3A_219 : memref<10048x128xf32, #tpu.memory_space<vmem_shared>>) offsets(%dma_start3A_216 : memref<128xi32, #tpu.memory_space<vmem>>) semaphore(%run_scoped3A_213 : memref<!tpu.dma_semaphore, #tpu.memory_space<semaphore_mem>>) {add = true}
        %dma_wait3A_220 = arith.constant 0 : i32
        %dma_wait3A_221 = tpu.memref_slice %arg5[%run_scoped3A, %run_scoped3A_212, %dma_wait3A_220] : memref<3x2x128xi32, #tpu.memory_space<vmem>> -> memref<1x1x128xi32, #tpu.memory_space<vmem>>
        %dma_wait3A_222 = tpu.memref_squeeze %dma_wait3A_221 : memref<1x1x128xi32, #tpu.memory_space<vmem>> -> memref<128xi32, #tpu.memory_space<vmem>>
        %dma_wait3A_223 = arith.constant 0 : i32
        %dma_wait3A_224 = arith.constant 0 : i32
        %dma_wait3A_225 = tpu.memref_slice %arg9[%dma_wait3A_223, %dma_wait3A_224] : memref<10048x128xf32, #tpu.memory_space<vmem_shared>> -> memref<10048x128xf32, #tpu.memory_space<vmem_shared>>
        tpu.wait_indirect_dma semaphore(%run_scoped3A_213 : memref<!tpu.dma_semaphore, #tpu.memory_space<semaphore_mem>>) src(%arg7 : memref<128x128xf32, #tpu.memory_space<vmem>>) dst(%dma_wait3A_225 : memref<10048x128xf32, #tpu.memory_space<vmem_shared>>)
        tpu.yield
      }) : () -> ()
    } else {
    }
    %barrier3A_193 = arith.constant 0 : index
    tpu.barrier barrier_id(%barrier3A_193)
    %lt3A_194 = arith.constant 15 : i32
    %lt3A_195 = arith.cmpi slt, %arg1, %lt3A_194 : i32
    %convert_element_type3A_196 = arith.extui %lt3A_195 : i1 to i32
    %cond3A_197 = arith.constant 0 : i32
    %cond3A_198 = arith.cmpi ne, %convert_element_type3A_196, %cond3A_197 : i32
    scf.if %cond3A_198 {
      %mul3A_204 = arith.constant 632 : i32
      %mul3A_205 = arith.muli %arg1, %mul3A_204 : i32
      %mul3A_206 = arith.constant 632 : i32
      %mul3A_207 = arith.muli %arg1, %mul3A_206 : i32
      "tpu.region"() ({
        %run_scoped3A = tpu.sem_alloc : memref<!tpu.dma_semaphore, #tpu.memory_space<semaphore_mem>>
        %dma_start3A_208 = arith.constant 0 : i32
        %dma_start3A_209 = tpu.memref_slice %arg4[%arg0, %mul3A_207, %dma_start3A_208] : memref<2x10048x128xf32, #tpu.memory_space<hbm>> -> memref<1x632x128xf32, #tpu.memory_space<hbm>>
        %dma_start3A_210 = tpu.memref_squeeze %dma_start3A_209 : memref<1x632x128xf32, #tpu.memory_space<hbm>> -> memref<632x128xf32, #tpu.memory_space<hbm>>
        %dma_start3A_211 = arith.constant 0 : i32
        %dma_start3A_212 = tpu.memref_slice %arg9[%mul3A_205, %dma_start3A_211] : memref<10048x128xf32, #tpu.memory_space<vmem_shared>> -> memref<632x128xf32, #tpu.memory_space<vmem_shared>>
        tpu.enqueue_dma source(%dma_start3A_212 : memref<632x128xf32, #tpu.memory_space<vmem_shared>>) target(%dma_start3A_210 : memref<632x128xf32, #tpu.memory_space<hbm>>) target_semaphore(%run_scoped3A : memref<!tpu.dma_semaphore, #tpu.memory_space<semaphore_mem>>)
        %dma_wait3A_213 = arith.constant 0 : i32
        %dma_wait3A_214 = tpu.memref_slice %arg4[%arg0, %mul3A_207, %dma_wait3A_213] : memref<2x10048x128xf32, #tpu.memory_space<hbm>> -> memref<1x632x128xf32, #tpu.memory_space<hbm>>
        %dma_wait3A_215 = tpu.memref_squeeze %dma_wait3A_214 : memref<1x632x128xf32, #tpu.memory_space<hbm>> -> memref<632x128xf32, #tpu.memory_space<hbm>>
        %dma_wait3A_216 = arith.constant 0 : i32
        %dma_wait3A_217 = tpu.memref_slice %arg9[%mul3A_205, %dma_wait3A_216] : memref<10048x128xf32, #tpu.memory_space<vmem_shared>> -> memref<632x128xf32, #tpu.memory_space<vmem_shared>>
        tpu.wait_dma2 semaphore(%run_scoped3A : memref<!tpu.dma_semaphore, #tpu.memory_space<semaphore_mem>>) src(%dma_wait3A_217 : memref<632x128xf32, #tpu.memory_space<vmem_shared>>) dst(%dma_wait3A_215 : memref<632x128xf32, #tpu.memory_space<hbm>>)
        tpu.yield
      }) : () -> ()
    } else {
    }
    %eq3A_199 = arith.constant 15 : i32
    %eq3A_200 = arith.cmpi eq, %arg1, %eq3A_199 : i32
    %convert_element_type3A_201 = arith.extui %eq3A_200 : i1 to i32
    %cond3A_202 = arith.constant 0 : i32
    %cond3A_203 = arith.cmpi ne, %convert_element_type3A_201, %cond3A_202 : i32
    scf.if %cond3A_203 {
      "tpu.region"() ({
        %run_scoped3A = tpu.sem_alloc : memref<!tpu.dma_semaphore, #tpu.memory_space<semaphore_mem>>
        %dma_start3A_204 = arith.constant 9480 : i32
        %dma_start3A_205 = arith.constant 0 : i32
        %dma_start3A_206 = tpu.memref_slice %arg4[%arg0, %dma_start3A_204, %dma_start3A_205] : memref<2x10048x128xf32, #tpu.memory_space<hbm>> -> memref<1x568x128xf32, #tpu.memory_space<hbm>>
        %dma_start3A_207 = tpu.memref_squeeze %dma_start3A_206 : memref<1x568x128xf32, #tpu.memory_space<hbm>> -> memref<568x128xf32, #tpu.memory_space<hbm>>
        %dma_start3A_208 = arith.constant 9480 : i32
        %dma_start3A_209 = arith.constant 0 : i32
        %dma_start3A_210 = tpu.memref_slice %arg9[%dma_start3A_208, %dma_start3A_209] : memref<10048x128xf32, #tpu.memory_space<vmem_shared>> -> memref<568x128xf32, #tpu.memory_space<vmem_shared>>
        tpu.enqueue_dma source(%dma_start3A_210 : memref<568x128xf32, #tpu.memory_space<vmem_shared>>) target(%dma_start3A_207 : memref<568x128xf32, #tpu.memory_space<hbm>>) target_semaphore(%run_scoped3A : memref<!tpu.dma_semaphore, #tpu.memory_space<semaphore_mem>>)
        %dma_wait3A_211 = arith.constant 9480 : i32
        %dma_wait3A_212 = arith.constant 0 : i32
        %dma_wait3A_213 = tpu.memref_slice %arg4[%arg0, %dma_wait3A_211, %dma_wait3A_212] : memref<2x10048x128xf32, #tpu.memory_space<hbm>> -> memref<1x568x128xf32, #tpu.memory_space<hbm>>
        %dma_wait3A_214 = tpu.memref_squeeze %dma_wait3A_213 : memref<1x568x128xf32, #tpu.memory_space<hbm>> -> memref<568x128xf32, #tpu.memory_space<hbm>>
        %dma_wait3A_215 = arith.constant 9480 : i32
        %dma_wait3A_216 = arith.constant 0 : i32
        %dma_wait3A_217 = tpu.memref_slice %arg9[%dma_wait3A_215, %dma_wait3A_216] : memref<10048x128xf32, #tpu.memory_space<vmem_shared>> -> memref<568x128xf32, #tpu.memory_space<vmem_shared>>
        tpu.wait_dma2 semaphore(%run_scoped3A : memref<!tpu.dma_semaphore, #tpu.memory_space<semaphore_mem>>) src(%dma_wait3A_217 : memref<568x128xf32, #tpu.memory_space<vmem_shared>>) dst(%dma_wait3A_214 : memref<568x128xf32, #tpu.memory_space<hbm>>)
        tpu.yield
      }) : () -> ()
    } else {
    }
    return
  }
}

#map = affine_map<(d0, d1) -> (0, 0)>
#map1 = affine_map<(d0, d1) -> (0, 0, 0)>
module attributes {stable_mosaic.version = 14 : i64} {
  func.func @_sc_agg(%arg0: i32, %arg1: i32, %arg2: memref<10048x128xf32, #tpu.memory_space<hbm>>, %arg3: memref<2560x2x128xi32, #tpu.memory_space<hbm>>, %arg4: memref<2x10048x128xf32, #tpu.memory_space<hbm>>, %arg5: memref<3x2x128xi32, #tpu.memory_space<vmem>>, %arg6: memref<128x128xf32, #tpu.memory_space<vmem>>, %arg7: memref<128x128xf32, #tpu.memory_space<vmem>>, %arg8: memref<128x128xf32, #tpu.memory_space<vmem>>, %arg9: memref<10048x128xf32, #tpu.memory_space<vmem_shared>>, %arg10: memref<!tpu.dma_semaphore, #tpu.memory_space<semaphore_mem>>, %arg11: memref<!tpu.dma_semaphore, #tpu.memory_space<semaphore_mem>>, %arg12: memref<!tpu.dma_semaphore, #tpu.memory_space<semaphore_mem>>, %arg13: memref<!tpu.dma_semaphore, #tpu.memory_space<semaphore_mem>>, %arg14: memref<!tpu.dma_semaphore, #tpu.memory_space<semaphore_mem>>, %arg15: memref<!tpu.dma_semaphore, #tpu.memory_space<semaphore_mem>>) attributes {dimension_semantics = [#tpu.dimension_semantics<core_parallel>, #tpu.dimension_semantics<subcore_parallel>], iteration_bounds = array<i64: 2, 16>, scalar_prefetch = 0 : i64, scratch_operands = 11 : i64, tpu.core_type = #tpu.core_type<sc_vector_subcore>, window_params = [{transform_indices = #map}, {transform_indices = #map1}, {transform_indices = #map1}]} {
    %eq3A = arith.constant 0 : i32
    %eq3A_0 = arith.cmpi eq, %arg0, %eq3A : i32
    %mul3A = arith.constant 148 : i32
    %mul3A_1 = arith.muli %arg1, %mul3A : i32
    %mul3A_2 = arith.constant 12 : i32
    %mul3A_3 = arith.muli %arg1, %mul3A_2 : i32
    %add3A = arith.constant 2368 : i32
    %add3A_4 = arith.addi %add3A, %mul3A_3 : i32
    %select_n3A = arith.select %eq3A_0, %mul3A_1, %add3A_4 : i32
    %eq3A_5 = arith.constant 0 : i32
    %eq3A_6 = arith.cmpi eq, %arg0, %eq3A_5 : i32
    %jit3A = arith.constant 148 : i32
    %jit3A_7 = arith.constant 12 : i32
    %select_n3A_8 = arith.select %eq3A_6, %jit3A, %jit3A_7 : i32
    %broadcast_in_dim3A = arith.constant 0.000000e+00 : f32
    %broadcast_in_dim3A_9 = vector.broadcast %broadcast_in_dim3A : f32 to vector<16xf32>
    %scan3A = arith.constant 0 : i32
    %scan3A_10 = arith.constant 0 : i32
    %scan3A_11 = arith.constant 128 : i32
    %scan3A_12 = arith.addi %scan3A_10, %scan3A_11 : i32
    %scan3A_13 = arith.constant 1 : i32
    scf.for %scan3A_204 = %scan3A_10 to %scan3A_12 step %scan3A_13  : i32 {
      %swap3A = arith.index_cast %scan3A_204 : i32 to index
      %swap3A_205 = arith.constant 0 : index
      %swap3A_206 = tpu.vector_load %arg6[%swap3A, %swap3A_205] {strides = array<i32>} : memref<128x128xf32, #tpu.memory_space<vmem>>, vector<1x16xf32>,
      %swap3A_207 = vector.shape_cast %swap3A_206 : vector<1x16xf32> to vector<16xf32>
      %swap3A_208 = vector.shape_cast %broadcast_in_dim3A_9 : vector<16xf32> to vector<1x16xf32>
      tpu.vector_store %arg6[%swap3A, %swap3A_205], %swap3A_208 {strides = array<i32>} : memref<128x128xf32, #tpu.memory_space<vmem>>, vector<1x16xf32>,
      %swap3A_209 = arith.index_cast %scan3A_204 : i32 to index
      %swap3A_210 = arith.constant 16 : index
      %swap3A_211 = tpu.vector_load %arg6[%swap3A_209, %swap3A_210] {strides = array<i32>} : memref<128x128xf32, #tpu.memory_space<vmem>>, vector<1x16xf32>,
      %swap3A_212 = vector.shape_cast %swap3A_211 : vector<1x16xf32> to vector<16xf32>
      %swap3A_213 = vector.shape_cast %broadcast_in_dim3A_9 : vector<16xf32> to vector<1x16xf32>
      tpu.vector_store %arg6[%swap3A_209, %swap3A_210], %swap3A_213 {strides = array<i32>} : memref<128x128xf32, #tpu.memory_space<vmem>>, vector<1x16xf32>,
      %swap3A_214 = arith.index_cast %scan3A_204 : i32 to index
      %swap3A_215 = arith.constant 32 : index
      %swap3A_216 = tpu.vector_load %arg6[%swap3A_214, %swap3A_215] {strides = array<i32>} : memref<128x128xf32, #tpu.memory_space<vmem>>, vector<1x16xf32>,
      %swap3A_217 = vector.shape_cast %swap3A_216 : vector<1x16xf32> to vector<16xf32>
      %swap3A_218 = vector.shape_cast %broadcast_in_dim3A_9 : vector<16xf32> to vector<1x16xf32>
      tpu.vector_store %arg6[%swap3A_214, %swap3A_215], %swap3A_218 {strides = array<i32>} : memref<128x128xf32, #tpu.memory_space<vmem>>, vector<1x16xf32>,
      %swap3A_219 = arith.index_cast %scan3A_204 : i32 to index
      %swap3A_220 = arith.constant 48 : index
      %swap3A_221 = tpu.vector_load %arg6[%swap3A_219, %swap3A_220] {strides = array<i32>} : memref<128x128xf32, #tpu.memory_space<vmem>>, vector<1x16xf32>,
      %swap3A_222 = vector.shape_cast %swap3A_221 : vector<1x16xf32> to vector<16xf32>
      %swap3A_223 = vector.shape_cast %broadcast_in_dim3A_9 : vector<16xf32> to vector<1x16xf32>
      tpu.vector_store %arg6[%swap3A_219, %swap3A_220], %swap3A_223 {strides = array<i32>} : memref<128x128xf32, #tpu.memory_space<vmem>>, vector<1x16xf32>,
      %swap3A_224 = arith.index_cast %scan3A_204 : i32 to index
      %swap3A_225 = arith.constant 64 : index
      %swap3A_226 = tpu.vector_load %arg6[%swap3A_224, %swap3A_225] {strides = array<i32>} : memref<128x128xf32, #tpu.memory_space<vmem>>, vector<1x16xf32>,
      %swap3A_227 = vector.shape_cast %swap3A_226 : vector<1x16xf32> to vector<16xf32>
      %swap3A_228 = vector.shape_cast %broadcast_in_dim3A_9 : vector<16xf32> to vector<1x16xf32>
      tpu.vector_store %arg6[%swap3A_224, %swap3A_225], %swap3A_228 {strides = array<i32>} : memref<128x128xf32, #tpu.memory_space<vmem>>, vector<1x16xf32>,
      %swap3A_229 = arith.index_cast %scan3A_204 : i32 to index
      %swap3A_230 = arith.constant 80 : index
      %swap3A_231 = tpu.vector_load %arg6[%swap3A_229, %swap3A_230] {strides = array<i32>} : memref<128x128xf32, #tpu.memory_space<vmem>>, vector<1x16xf32>,
      %swap3A_232 = vector.shape_cast %swap3A_231 : vector<1x16xf32> to vector<16xf32>
      %swap3A_233 = vector.shape_cast %broadcast_in_dim3A_9 : vector<16xf32> to vector<1x16xf32>
      tpu.vector_store %arg6[%swap3A_229, %swap3A_230], %swap3A_233 {strides = array<i32>} : memref<128x128xf32, #tpu.memory_space<vmem>>, vector<1x16xf32>,
      %swap3A_234 = arith.index_cast %scan3A_204 : i32 to index
      %swap3A_235 = arith.constant 96 : index
      %swap3A_236 = tpu.vector_load %arg6[%swap3A_234, %swap3A_235] {strides = array<i32>} : memref<128x128xf32, #tpu.memory_space<vmem>>, vector<1x16xf32>,
      %swap3A_237 = vector.shape_cast %swap3A_236 : vector<1x16xf32> to vector<16xf32>
      %swap3A_238 = vector.shape_cast %broadcast_in_dim3A_9 : vector<16xf32> to vector<1x16xf32>
      tpu.vector_store %arg6[%swap3A_234, %swap3A_235], %swap3A_238 {strides = array<i32>} : memref<128x128xf32, #tpu.memory_space<vmem>>, vector<1x16xf32>,
      %swap3A_239 = arith.index_cast %scan3A_204 : i32 to index
      %swap3A_240 = arith.constant 112 : index
      %swap3A_241 = tpu.vector_load %arg6[%swap3A_239, %swap3A_240] {strides = array<i32>} : memref<128x128xf32, #tpu.memory_space<vmem>>, vector<1x16xf32>,
      %swap3A_242 = vector.shape_cast %swap3A_241 : vector<1x16xf32> to vector<16xf32>
      %swap3A_243 = vector.shape_cast %broadcast_in_dim3A_9 : vector<16xf32> to vector<1x16xf32>
      tpu.vector_store %arg6[%swap3A_239, %swap3A_240], %swap3A_243 {strides = array<i32>} : memref<128x128xf32, #tpu.memory_space<vmem>>, vector<1x16xf32>,
    }
    %scan3A_14 = arith.constant 128 : i32
    %mul3A_15 = arith.constant 632 : i32
    %mul3A_16 = arith.muli %arg1, %mul3A_15 : i32
    %add3A_17 = arith.constant 0 : i32
    %add3A_18 = arith.addi %mul3A_16, %add3A_17 : i32
    "tpu.region"() ({
      %run_scoped3A = tpu.sem_alloc : memref<!tpu.dma_semaphore, #tpu.memory_space<semaphore_mem>>
      %dma_start3A_204 = arith.constant 0 : i32
      %dma_start3A_205 = tpu.memref_slice %arg9[%add3A_18, %dma_start3A_204] : memref<10048x128xf32, #tpu.memory_space<vmem_shared>> -> memref<128x128xf32, #tpu.memory_space<vmem_shared>>
      %dma_start3A_206 = arith.constant 0 : i32
      %dma_start3A_207 = tpu.memref_slice %arg9[%add3A_18, %dma_start3A_206] : memref<10048x128xf32, #tpu.memory_space<vmem_shared>> -> memref<128x128xf32, #tpu.memory_space<vmem_shared>>
      tpu.enqueue_dma source(%arg6 : memref<128x128xf32, #tpu.memory_space<vmem>>) target(%dma_start3A_207 : memref<128x128xf32, #tpu.memory_space<vmem_shared>>) target_semaphore(%run_scoped3A : memref<!tpu.dma_semaphore, #tpu.memory_space<semaphore_mem>>)
      %dma_wait3A_208 = arith.constant 0 : i32
      %dma_wait3A_209 = tpu.memref_slice %arg9[%add3A_18, %dma_wait3A_208] : memref<10048x128xf32, #tpu.memory_space<vmem_shared>> -> memref<128x128xf32, #tpu.memory_space<vmem_shared>>
      %dma_wait3A_210 = arith.constant 0 : i32
      %dma_wait3A_211 = tpu.memref_slice %arg9[%add3A_18, %dma_wait3A_210] : memref<10048x128xf32, #tpu.memory_space<vmem_shared>> -> memref<128x128xf32, #tpu.memory_space<vmem_shared>>
      tpu.wait_dma2 semaphore(%run_scoped3A : memref<!tpu.dma_semaphore, #tpu.memory_space<semaphore_mem>>) src(%arg6 : memref<128x128xf32, #tpu.memory_space<vmem>>) dst(%dma_wait3A_211 : memref<128x128xf32, #tpu.memory_space<vmem_shared>>)
      tpu.yield
    }) : () -> ()
    %add3A_19 = arith.constant 128 : i32
    %add3A_20 = arith.addi %mul3A_16, %add3A_19 : i32
    "tpu.region"() ({
      %run_scoped3A = tpu.sem_alloc : memref<!tpu.dma_semaphore, #tpu.memory_space<semaphore_mem>>
      %dma_start3A_204 = arith.constant 0 : i32
      %dma_start3A_205 = tpu.memref_slice %arg9[%add3A_20, %dma_start3A_204] : memref<10048x128xf32, #tpu.memory_space<vmem_shared>> -> memref<128x128xf32, #tpu.memory_space<vmem_shared>>
      %dma_start3A_206 = arith.constant 0 : i32
      %dma_start3A_207 = tpu.memref_slice %arg9[%add3A_20, %dma_start3A_206] : memref<10048x128xf32, #tpu.memory_space<vmem_shared>> -> memref<128x128xf32, #tpu.memory_space<vmem_shared>>
      tpu.enqueue_dma source(%arg6 : memref<128x128xf32, #tpu.memory_space<vmem>>) target(%dma_start3A_207 : memref<128x128xf32, #tpu.memory_space<vmem_shared>>) target_semaphore(%run_scoped3A : memref<!tpu.dma_semaphore, #tpu.memory_space<semaphore_mem>>)
      %dma_wait3A_208 = arith.constant 0 : i32
      %dma_wait3A_209 = tpu.memref_slice %arg9[%add3A_20, %dma_wait3A_208] : memref<10048x128xf32, #tpu.memory_space<vmem_shared>> -> memref<128x128xf32, #tpu.memory_space<vmem_shared>>
      %dma_wait3A_210 = arith.constant 0 : i32
      %dma_wait3A_211 = tpu.memref_slice %arg9[%add3A_20, %dma_wait3A_210] : memref<10048x128xf32, #tpu.memory_space<vmem_shared>> -> memref<128x128xf32, #tpu.memory_space<vmem_shared>>
      tpu.wait_dma2 semaphore(%run_scoped3A : memref<!tpu.dma_semaphore, #tpu.memory_space<semaphore_mem>>) src(%arg6 : memref<128x128xf32, #tpu.memory_space<vmem>>) dst(%dma_wait3A_211 : memref<128x128xf32, #tpu.memory_space<vmem_shared>>)
      tpu.yield
    }) : () -> ()
    %add3A_21 = arith.constant 256 : i32
    %add3A_22 = arith.addi %mul3A_16, %add3A_21 : i32
    "tpu.region"() ({
      %run_scoped3A = tpu.sem_alloc : memref<!tpu.dma_semaphore, #tpu.memory_space<semaphore_mem>>
      %dma_start3A_204 = arith.constant 0 : i32
      %dma_start3A_205 = tpu.memref_slice %arg9[%add3A_22, %dma_start3A_204] : memref<10048x128xf32, #tpu.memory_space<vmem_shared>> -> memref<128x128xf32, #tpu.memory_space<vmem_shared>>
      %dma_start3A_206 = arith.constant 0 : i32
      %dma_start3A_207 = tpu.memref_slice %arg9[%add3A_22, %dma_start3A_206] : memref<10048x128xf32, #tpu.memory_space<vmem_shared>> -> memref<128x128xf32, #tpu.memory_space<vmem_shared>>
      tpu.enqueue_dma source(%arg6 : memref<128x128xf32, #tpu.memory_space<vmem>>) target(%dma_start3A_207 : memref<128x128xf32, #tpu.memory_space<vmem_shared>>) target_semaphore(%run_scoped3A : memref<!tpu.dma_semaphore, #tpu.memory_space<semaphore_mem>>)
      %dma_wait3A_208 = arith.constant 0 : i32
      %dma_wait3A_209 = tpu.memref_slice %arg9[%add3A_22, %dma_wait3A_208] : memref<10048x128xf32, #tpu.memory_space<vmem_shared>> -> memref<128x128xf32, #tpu.memory_space<vmem_shared>>
      %dma_wait3A_210 = arith.constant 0 : i32
      %dma_wait3A_211 = tpu.memref_slice %arg9[%add3A_22, %dma_wait3A_210] : memref<10048x128xf32, #tpu.memory_space<vmem_shared>> -> memref<128x128xf32, #tpu.memory_space<vmem_shared>>
      tpu.wait_dma2 semaphore(%run_scoped3A : memref<!tpu.dma_semaphore, #tpu.memory_space<semaphore_mem>>) src(%arg6 : memref<128x128xf32, #tpu.memory_space<vmem>>) dst(%dma_wait3A_211 : memref<128x128xf32, #tpu.memory_space<vmem_shared>>)
      tpu.yield
    }) : () -> ()
    %add3A_23 = arith.constant 384 : i32
    %add3A_24 = arith.addi %mul3A_16, %add3A_23 : i32
    "tpu.region"() ({
      %run_scoped3A = tpu.sem_alloc : memref<!tpu.dma_semaphore, #tpu.memory_space<semaphore_mem>>
      %dma_start3A_204 = arith.constant 0 : i32
      %dma_start3A_205 = tpu.memref_slice %arg9[%add3A_24, %dma_start3A_204] : memref<10048x128xf32, #tpu.memory_space<vmem_shared>> -> memref<128x128xf32, #tpu.memory_space<vmem_shared>>
      %dma_start3A_206 = arith.constant 0 : i32
      %dma_start3A_207 = tpu.memref_slice %arg9[%add3A_24, %dma_start3A_206] : memref<10048x128xf32, #tpu.memory_space<vmem_shared>> -> memref<128x128xf32, #tpu.memory_space<vmem_shared>>
      tpu.enqueue_dma source(%arg6 : memref<128x128xf32, #tpu.memory_space<vmem>>) target(%dma_start3A_207 : memref<128x128xf32, #tpu.memory_space<vmem_shared>>) target_semaphore(%run_scoped3A : memref<!tpu.dma_semaphore, #tpu.memory_space<semaphore_mem>>)
      %dma_wait3A_208 = arith.constant 0 : i32
      %dma_wait3A_209 = tpu.memref_slice %arg9[%add3A_24, %dma_wait3A_208] : memref<10048x128xf32, #tpu.memory_space<vmem_shared>> -> memref<128x128xf32, #tpu.memory_space<vmem_shared>>
      %dma_wait3A_210 = arith.constant 0 : i32
      %dma_wait3A_211 = tpu.memref_slice %arg9[%add3A_24, %dma_wait3A_210] : memref<10048x128xf32, #tpu.memory_space<vmem_shared>> -> memref<128x128xf32, #tpu.memory_space<vmem_shared>>
      tpu.wait_dma2 semaphore(%run_scoped3A : memref<!tpu.dma_semaphore, #tpu.memory_space<semaphore_mem>>) src(%arg6 : memref<128x128xf32, #tpu.memory_space<vmem>>) dst(%dma_wait3A_211 : memref<128x128xf32, #tpu.memory_space<vmem_shared>>)
      tpu.yield
    }) : () -> ()
    %lt3A = arith.constant 15 : i32
    %lt3A_25 = arith.cmpi slt, %arg1, %lt3A : i32
    %convert_element_type3A = arith.extui %lt3A_25 : i1 to i32
    %cond3A = arith.constant 0 : i32
    %cond3A_26 = arith.cmpi ne, %convert_element_type3A, %cond3A : i32
    scf.if %cond3A_26 {
      %add3A_204 = arith.constant 512 : i32
      %add3A_205 = arith.addi %mul3A_16, %add3A_204 : i32
      "tpu.region"() ({
        %run_scoped3A = tpu.sem_alloc : memref<!tpu.dma_semaphore, #tpu.memory_space<semaphore_mem>>
        %dma_start3A_206 = arith.constant 0 : i32
        %dma_start3A_207 = arith.constant 0 : i32
        %dma_start3A_208 = tpu.memref_slice %arg6[%dma_start3A_206, %dma_start3A_207] : memref<128x128xf32, #tpu.memory_space<vmem>> -> memref<120x128xf32, #tpu.memory_space<vmem>>
        %dma_start3A_209 = arith.constant 0 : i32
        %dma_start3A_210 = tpu.memref_slice %arg9[%add3A_205, %dma_start3A_209] : memref<10048x128xf32, #tpu.memory_space<vmem_shared>> -> memref<120x128xf32, #tpu.memory_space<vmem_shared>>
        %dma_start3A_211 = arith.constant 0 : i32
        %dma_start3A_212 = tpu.memref_slice %arg9[%add3A_205, %dma_start3A_211] : memref<10048x128xf32, #tpu.memory_space<vmem_shared>> -> memref<120x128xf32, #tpu.memory_space<vmem_shared>>
        %dma_start3A_213 = arith.constant 0 : i32
        %dma_start3A_214 = arith.constant 0 : i32
        %dma_start3A_215 = tpu.memref_slice %arg6[%dma_start3A_213, %dma_start3A_214] : memref<128x128xf32, #tpu.memory_space<vmem>> -> memref<120x128xf32, #tpu.memory_space<vmem>>
        tpu.enqueue_dma source(%dma_start3A_215 : memref<120x128xf32, #tpu.memory_space<vmem>>) target(%dma_start3A_212 : memref<120x128xf32, #tpu.memory_space<vmem_shared>>) target_semaphore(%run_scoped3A : memref<!tpu.dma_semaphore, #tpu.memory_space<semaphore_mem>>)
        %dma_wait3A_216 = arith.constant 0 : i32
        %dma_wait3A_217 = arith.constant 0 : i32
        %dma_wait3A_218 = tpu.memref_slice %arg6[%dma_wait3A_216, %dma_wait3A_217] : memref<128x128xf32, #tpu.memory_space<vmem>> -> memref<120x128xf32, #tpu.memory_space<vmem>>
        %dma_wait3A_219 = arith.constant 0 : i32
        %dma_wait3A_220 = tpu.memref_slice %arg9[%add3A_205, %dma_wait3A_219] : memref<10048x128xf32, #tpu.memory_space<vmem_shared>> -> memref<120x128xf32, #tpu.memory_space<vmem_shared>>
        %dma_wait3A_221 = arith.constant 0 : i32
        %dma_wait3A_222 = tpu.memref_slice %arg9[%add3A_205, %dma_wait3A_221] : memref<10048x128xf32, #tpu.memory_space<vmem_shared>> -> memref<120x128xf32, #tpu.memory_space<vmem_shared>>
        %dma_wait3A_223 = arith.constant 0 : i32
        %dma_wait3A_224 = arith.constant 0 : i32
        %dma_wait3A_225 = tpu.memref_slice %arg6[%dma_wait3A_223, %dma_wait3A_224] : memref<128x128xf32, #tpu.memory_space<vmem>> -> memref<120x128xf32, #tpu.memory_space<vmem>>
        tpu.wait_dma2 semaphore(%run_scoped3A : memref<!tpu.dma_semaphore, #tpu.memory_space<semaphore_mem>>) src(%dma_wait3A_225 : memref<120x128xf32, #tpu.memory_space<vmem>>) dst(%dma_wait3A_222 : memref<120x128xf32, #tpu.memory_space<vmem_shared>>)
        tpu.yield
      }) : () -> ()
    } else {
    }
    %eq3A_27 = arith.constant 15 : i32
    %eq3A_28 = arith.cmpi eq, %arg1, %eq3A_27 : i32
    %convert_element_type3A_29 = arith.extui %eq3A_28 : i1 to i32
    %cond3A_30 = arith.constant 0 : i32
    %cond3A_31 = arith.cmpi ne, %convert_element_type3A_29, %cond3A_30 : i32
    scf.if %cond3A_31 {
      %add3A_204 = arith.constant 512 : i32
      %add3A_205 = arith.addi %mul3A_16, %add3A_204 : i32
      "tpu.region"() ({
        %run_scoped3A = tpu.sem_alloc : memref<!tpu.dma_semaphore, #tpu.memory_space<semaphore_mem>>
        %dma_start3A_206 = arith.constant 0 : i32
        %dma_start3A_207 = arith.constant 0 : i32
        %dma_start3A_208 = tpu.memref_slice %arg6[%dma_start3A_206, %dma_start3A_207] : memref<128x128xf32, #tpu.memory_space<vmem>> -> memref<56x128xf32, #tpu.memory_space<vmem>>
        %dma_start3A_209 = arith.constant 0 : i32
        %dma_start3A_210 = tpu.memref_slice %arg9[%add3A_205, %dma_start3A_209] : memref<10048x128xf32, #tpu.memory_space<vmem_shared>> -> memref<56x128xf32, #tpu.memory_space<vmem_shared>>
        %dma_start3A_211 = arith.constant 0 : i32
        %dma_start3A_212 = tpu.memref_slice %arg9[%add3A_205, %dma_start3A_211] : memref<10048x128xf32, #tpu.memory_space<vmem_shared>> -> memref<56x128xf32, #tpu.memory_space<vmem_shared>>
        %dma_start3A_213 = arith.constant 0 : i32
        %dma_start3A_214 = arith.constant 0 : i32
        %dma_start3A_215 = tpu.memref_slice %arg6[%dma_start3A_213, %dma_start3A_214] : memref<128x128xf32, #tpu.memory_space<vmem>> -> memref<56x128xf32, #tpu.memory_space<vmem>>
        tpu.enqueue_dma source(%dma_start3A_215 : memref<56x128xf32, #tpu.memory_space<vmem>>) target(%dma_start3A_212 : memref<56x128xf32, #tpu.memory_space<vmem_shared>>) target_semaphore(%run_scoped3A : memref<!tpu.dma_semaphore, #tpu.memory_space<semaphore_mem>>)
        %dma_wait3A_216 = arith.constant 0 : i32
        %dma_wait3A_217 = arith.constant 0 : i32
        %dma_wait3A_218 = tpu.memref_slice %arg6[%dma_wait3A_216, %dma_wait3A_217] : memref<128x128xf32, #tpu.memory_space<vmem>> -> memref<56x128xf32, #tpu.memory_space<vmem>>
        %dma_wait3A_219 = arith.constant 0 : i32
        %dma_wait3A_220 = tpu.memref_slice %arg9[%add3A_205, %dma_wait3A_219] : memref<10048x128xf32, #tpu.memory_space<vmem_shared>> -> memref<56x128xf32, #tpu.memory_space<vmem_shared>>
        %dma_wait3A_221 = arith.constant 0 : i32
        %dma_wait3A_222 = tpu.memref_slice %arg9[%add3A_205, %dma_wait3A_221] : memref<10048x128xf32, #tpu.memory_space<vmem_shared>> -> memref<56x128xf32, #tpu.memory_space<vmem_shared>>
        %dma_wait3A_223 = arith.constant 0 : i32
        %dma_wait3A_224 = arith.constant 0 : i32
        %dma_wait3A_225 = tpu.memref_slice %arg6[%dma_wait3A_223, %dma_wait3A_224] : memref<128x128xf32, #tpu.memory_space<vmem>> -> memref<56x128xf32, #tpu.memory_space<vmem>>
        tpu.wait_dma2 semaphore(%run_scoped3A : memref<!tpu.dma_semaphore, #tpu.memory_space<semaphore_mem>>) src(%dma_wait3A_225 : memref<56x128xf32, #tpu.memory_space<vmem>>) dst(%dma_wait3A_222 : memref<56x128xf32, #tpu.memory_space<vmem_shared>>)
        tpu.yield
      }) : () -> ()
    } else {
    }
    %barrier3A = arith.constant 0 : index
    tpu.barrier barrier_id(%barrier3A)
    %add3A_32 = arith.constant 0 : i32
    %add3A_33 = arith.addi %select_n3A, %add3A_32 : i32
    %dma_start3A = arith.constant 0 : i32
    %dma_start3A_34 = arith.constant 0 : i32
    %dma_start3A_35 = arith.constant 0 : i32
    %dma_start3A_36 = tpu.memref_slice %arg5[%dma_start3A, %dma_start3A_34, %dma_start3A_35] : memref<3x2x128xi32, #tpu.memory_space<vmem>> -> memref<1x2x128xi32, #tpu.memory_space<vmem>>
    %dma_start3A_37 = tpu.memref_squeeze %dma_start3A_36 : memref<1x2x128xi32, #tpu.memory_space<vmem>> -> memref<2x128xi32, #tpu.memory_space<vmem>>
    %dma_start3A_38 = arith.constant 0 : i32
    %dma_start3A_39 = arith.constant 0 : i32
    %dma_start3A_40 = tpu.memref_slice %arg3[%add3A_33, %dma_start3A_38, %dma_start3A_39] : memref<2560x2x128xi32, #tpu.memory_space<hbm>> -> memref<1x2x128xi32, #tpu.memory_space<hbm>>
    %dma_start3A_41 = tpu.memref_squeeze %dma_start3A_40 : memref<1x2x128xi32, #tpu.memory_space<hbm>> -> memref<2x128xi32, #tpu.memory_space<hbm>>
    %dma_start3A_42 = arith.constant 0 : i32
    %dma_start3A_43 = arith.constant 0 : i32
    %dma_start3A_44 = tpu.memref_slice %arg5[%dma_start3A, %dma_start3A_42, %dma_start3A_43] : memref<3x2x128xi32, #tpu.memory_space<vmem>> -> memref<1x2x128xi32, #tpu.memory_space<vmem>>
    %dma_start3A_45 = tpu.memref_squeeze %dma_start3A_44 : memref<1x2x128xi32, #tpu.memory_space<vmem>> -> memref<2x128xi32, #tpu.memory_space<vmem>>
    %dma_start3A_46 = arith.constant 0 : i32
    %dma_start3A_47 = arith.constant 0 : i32
    %dma_start3A_48 = tpu.memref_slice %arg3[%add3A_33, %dma_start3A_46, %dma_start3A_47] : memref<2560x2x128xi32, #tpu.memory_space<hbm>> -> memref<1x2x128xi32, #tpu.memory_space<hbm>>
    %dma_start3A_49 = tpu.memref_squeeze %dma_start3A_48 : memref<1x2x128xi32, #tpu.memory_space<hbm>> -> memref<2x128xi32, #tpu.memory_space<hbm>>
    tpu.enqueue_dma source(%dma_start3A_49 : memref<2x128xi32, #tpu.memory_space<hbm>>) target(%dma_start3A_45 : memref<2x128xi32, #tpu.memory_space<vmem>>) target_semaphore(%arg13 : memref<!tpu.dma_semaphore, #tpu.memory_space<semaphore_mem>>)
    %add3A_50 = arith.constant 1 : i32
    %add3A_51 = arith.addi %select_n3A, %add3A_50 : i32
    %dma_start3A_52 = arith.constant 1 : i32
    %dma_start3A_53 = arith.constant 0 : i32
    %dma_start3A_54 = arith.constant 0 : i32
    %dma_start3A_55 = tpu.memref_slice %arg5[%dma_start3A_52, %dma_start3A_53, %dma_start3A_54] : memref<3x2x128xi32, #tpu.memory_space<vmem>> -> memref<1x2x128xi32, #tpu.memory_space<vmem>>
    %dma_start3A_56 = tpu.memref_squeeze %dma_start3A_55 : memref<1x2x128xi32, #tpu.memory_space<vmem>> -> memref<2x128xi32, #tpu.memory_space<vmem>>
    %dma_start3A_57 = arith.constant 0 : i32
    %dma_start3A_58 = arith.constant 0 : i32
    %dma_start3A_59 = tpu.memref_slice %arg3[%add3A_51, %dma_start3A_57, %dma_start3A_58] : memref<2560x2x128xi32, #tpu.memory_space<hbm>> -> memref<1x2x128xi32, #tpu.memory_space<hbm>>
    %dma_start3A_60 = tpu.memref_squeeze %dma_start3A_59 : memref<1x2x128xi32, #tpu.memory_space<hbm>> -> memref<2x128xi32, #tpu.memory_space<hbm>>
    %dma_start3A_61 = arith.constant 0 : i32
    %dma_start3A_62 = arith.constant 0 : i32
    %dma_start3A_63 = tpu.memref_slice %arg5[%dma_start3A_52, %dma_start3A_61, %dma_start3A_62] : memref<3x2x128xi32, #tpu.memory_space<vmem>> -> memref<1x2x128xi32, #tpu.memory_space<vmem>>
    %dma_start3A_64 = tpu.memref_squeeze %dma_start3A_63 : memref<1x2x128xi32, #tpu.memory_space<vmem>> -> memref<2x128xi32, #tpu.memory_space<vmem>>
    %dma_start3A_65 = arith.constant 0 : i32
    %dma_start3A_66 = arith.constant 0 : i32
    %dma_start3A_67 = tpu.memref_slice %arg3[%add3A_51, %dma_start3A_65, %dma_start3A_66] : memref<2560x2x128xi32, #tpu.memory_space<hbm>> -> memref<1x2x128xi32, #tpu.memory_space<hbm>>
    %dma_start3A_68 = tpu.memref_squeeze %dma_start3A_67 : memref<1x2x128xi32, #tpu.memory_space<hbm>> -> memref<2x128xi32, #tpu.memory_space<hbm>>
    tpu.enqueue_dma source(%dma_start3A_68 : memref<2x128xi32, #tpu.memory_space<hbm>>) target(%dma_start3A_64 : memref<2x128xi32, #tpu.memory_space<vmem>>) target_semaphore(%arg14 : memref<!tpu.dma_semaphore, #tpu.memory_space<semaphore_mem>>)
    %add3A_69 = arith.constant 2 : i32
    %add3A_70 = arith.addi %select_n3A, %add3A_69 : i32
    %dma_start3A_71 = arith.constant 2 : i32
    %dma_start3A_72 = arith.constant 0 : i32
    %dma_start3A_73 = arith.constant 0 : i32
    %dma_start3A_74 = tpu.memref_slice %arg5[%dma_start3A_71, %dma_start3A_72, %dma_start3A_73] : memref<3x2x128xi32, #tpu.memory_space<vmem>> -> memref<1x2x128xi32, #tpu.memory_space<vmem>>
    %dma_start3A_75 = tpu.memref_squeeze %dma_start3A_74 : memref<1x2x128xi32, #tpu.memory_space<vmem>> -> memref<2x128xi32, #tpu.memory_space<vmem>>
    %dma_start3A_76 = arith.constant 0 : i32
    %dma_start3A_77 = arith.constant 0 : i32
    %dma_start3A_78 = tpu.memref_slice %arg3[%add3A_70, %dma_start3A_76, %dma_start3A_77] : memref<2560x2x128xi32, #tpu.memory_space<hbm>> -> memref<1x2x128xi32, #tpu.memory_space<hbm>>
    %dma_start3A_79 = tpu.memref_squeeze %dma_start3A_78 : memref<1x2x128xi32, #tpu.memory_space<hbm>> -> memref<2x128xi32, #tpu.memory_space<hbm>>
    %dma_start3A_80 = arith.constant 0 : i32
    %dma_start3A_81 = arith.constant 0 : i32
    %dma_start3A_82 = tpu.memref_slice %arg5[%dma_start3A_71, %dma_start3A_80, %dma_start3A_81] : memref<3x2x128xi32, #tpu.memory_space<vmem>> -> memref<1x2x128xi32, #tpu.memory_space<vmem>>
    %dma_start3A_83 = tpu.memref_squeeze %dma_start3A_82 : memref<1x2x128xi32, #tpu.memory_space<vmem>> -> memref<2x128xi32, #tpu.memory_space<vmem>>
    %dma_start3A_84 = arith.constant 0 : i32
    %dma_start3A_85 = arith.constant 0 : i32
    %dma_start3A_86 = tpu.memref_slice %arg3[%add3A_70, %dma_start3A_84, %dma_start3A_85] : memref<2560x2x128xi32, #tpu.memory_space<hbm>> -> memref<1x2x128xi32, #tpu.memory_space<hbm>>
    %dma_start3A_87 = tpu.memref_squeeze %dma_start3A_86 : memref<1x2x128xi32, #tpu.memory_space<hbm>> -> memref<2x128xi32, #tpu.memory_space<hbm>>
    tpu.enqueue_dma source(%dma_start3A_87 : memref<2x128xi32, #tpu.memory_space<hbm>>) target(%dma_start3A_83 : memref<2x128xi32, #tpu.memory_space<vmem>>) target_semaphore(%arg15 : memref<!tpu.dma_semaphore, #tpu.memory_space<semaphore_mem>>)
    %add3A_88 = arith.constant 0 : i32
    %add3A_89 = arith.addi %select_n3A, %add3A_88 : i32
    %dma_wait3A = arith.constant 0 : i32
    %dma_wait3A_90 = arith.constant 0 : i32
    %dma_wait3A_91 = arith.constant 0 : i32
    %dma_wait3A_92 = tpu.memref_slice %arg5[%dma_wait3A, %dma_wait3A_90, %dma_wait3A_91] : memref<3x2x128xi32, #tpu.memory_space<vmem>> -> memref<1x2x128xi32, #tpu.memory_space<vmem>>
    %dma_wait3A_93 = tpu.memref_squeeze %dma_wait3A_92 : memref<1x2x128xi32, #tpu.memory_space<vmem>> -> memref<2x128xi32, #tpu.memory_space<vmem>>
    %dma_wait3A_94 = arith.constant 0 : i32
    %dma_wait3A_95 = arith.constant 0 : i32
    %dma_wait3A_96 = tpu.memref_slice %arg3[%add3A_89, %dma_wait3A_94, %dma_wait3A_95] : memref<2560x2x128xi32, #tpu.memory_space<hbm>> -> memref<1x2x128xi32, #tpu.memory_space<hbm>>
    %dma_wait3A_97 = tpu.memref_squeeze %dma_wait3A_96 : memref<1x2x128xi32, #tpu.memory_space<hbm>> -> memref<2x128xi32, #tpu.memory_space<hbm>>
    %dma_wait3A_98 = arith.constant 0 : i32
    %dma_wait3A_99 = arith.constant 0 : i32
    %dma_wait3A_100 = tpu.memref_slice %arg5[%dma_wait3A, %dma_wait3A_98, %dma_wait3A_99] : memref<3x2x128xi32, #tpu.memory_space<vmem>> -> memref<1x2x128xi32, #tpu.memory_space<vmem>>
    %dma_wait3A_101 = tpu.memref_squeeze %dma_wait3A_100 : memref<1x2x128xi32, #tpu.memory_space<vmem>> -> memref<2x128xi32, #tpu.memory_space<vmem>>
    %dma_wait3A_102 = arith.constant 0 : i32
    %dma_wait3A_103 = arith.constant 0 : i32
    %dma_wait3A_104 = tpu.memref_slice %arg3[%add3A_89, %dma_wait3A_102, %dma_wait3A_103] : memref<2560x2x128xi32, #tpu.memory_space<hbm>> -> memref<1x2x128xi32, #tpu.memory_space<hbm>>
    %dma_wait3A_105 = tpu.memref_squeeze %dma_wait3A_104 : memref<1x2x128xi32, #tpu.memory_space<hbm>> -> memref<2x128xi32, #tpu.memory_space<hbm>>
    tpu.wait_dma2 semaphore(%arg13 : memref<!tpu.dma_semaphore, #tpu.memory_space<semaphore_mem>>) src(%dma_wait3A_105 : memref<2x128xi32, #tpu.memory_space<hbm>>) dst(%dma_wait3A_101 : memref<2x128xi32, #tpu.memory_space<vmem>>)
    %dma_start3A_106 = arith.constant 0 : i32
    %dma_start3A_107 = arith.constant 0 : i32
    %dma_start3A_108 = arith.constant 0 : i32
    %dma_start3A_109 = tpu.memref_slice %arg5[%dma_start3A_106, %dma_start3A_107, %dma_start3A_108] : memref<3x2x128xi32, #tpu.memory_space<vmem>> -> memref<1x1x128xi32, #tpu.memory_space<vmem>>
    %dma_start3A_110 = tpu.memref_squeeze %dma_start3A_109 : memref<1x1x128xi32, #tpu.memory_space<vmem>> -> memref<128xi32, #tpu.memory_space<vmem>>
    %dma_start3A_111 = arith.constant 0 : i32
    %dma_start3A_112 = arith.constant 0 : i32
    %dma_start3A_113 = tpu.memref_slice %arg2[%dma_start3A_111, %dma_start3A_112] : memref<10048x128xf32, #tpu.memory_space<hbm>> -> memref<10048x128xf32, #tpu.memory_space<hbm>>
    tpu.enqueue_indirect_dma source(%dma_start3A_113 : memref<10048x128xf32, #tpu.memory_space<hbm>>) target(%arg6 : memref<128x128xf32, #tpu.memory_space<vmem>>) offsets(%dma_start3A_110 : memref<128xi32, #tpu.memory_space<vmem>>) semaphore(%arg10 : memref<!tpu.dma_semaphore, #tpu.memory_space<semaphore_mem>>)
    %add3A_114 = arith.constant 1 : i32
    %add3A_115 = arith.addi %select_n3A, %add3A_114 : i32
    %dma_wait3A_116 = arith.constant 1 : i32
    %dma_wait3A_117 = arith.constant 0 : i32
    %dma_wait3A_118 = arith.constant 0 : i32
    %dma_wait3A_119 = tpu.memref_slice %arg5[%dma_wait3A_116, %dma_wait3A_117, %dma_wait3A_118] : memref<3x2x128xi32, #tpu.memory_space<vmem>> -> memref<1x2x128xi32, #tpu.memory_space<vmem>>
    %dma_wait3A_120 = tpu.memref_squeeze %dma_wait3A_119 : memref<1x2x128xi32, #tpu.memory_space<vmem>> -> memref<2x128xi32, #tpu.memory_space<vmem>>
    %dma_wait3A_121 = arith.constant 0 : i32
    %dma_wait3A_122 = arith.constant 0 : i32
    %dma_wait3A_123 = tpu.memref_slice %arg3[%add3A_115, %dma_wait3A_121, %dma_wait3A_122] : memref<2560x2x128xi32, #tpu.memory_space<hbm>> -> memref<1x2x128xi32, #tpu.memory_space<hbm>>
    %dma_wait3A_124 = tpu.memref_squeeze %dma_wait3A_123 : memref<1x2x128xi32, #tpu.memory_space<hbm>> -> memref<2x128xi32, #tpu.memory_space<hbm>>
    %dma_wait3A_125 = arith.constant 0 : i32
    %dma_wait3A_126 = arith.constant 0 : i32
    %dma_wait3A_127 = tpu.memref_slice %arg5[%dma_wait3A_116, %dma_wait3A_125, %dma_wait3A_126] : memref<3x2x128xi32, #tpu.memory_space<vmem>> -> memref<1x2x128xi32, #tpu.memory_space<vmem>>
    %dma_wait3A_128 = tpu.memref_squeeze %dma_wait3A_127 : memref<1x2x128xi32, #tpu.memory_space<vmem>> -> memref<2x128xi32, #tpu.memory_space<vmem>>
    %dma_wait3A_129 = arith.constant 0 : i32
    %dma_wait3A_130 = arith.constant 0 : i32
    %dma_wait3A_131 = tpu.memref_slice %arg3[%add3A_115, %dma_wait3A_129, %dma_wait3A_130] : memref<2560x2x128xi32, #tpu.memory_space<hbm>> -> memref<1x2x128xi32, #tpu.memory_space<hbm>>
    %dma_wait3A_132 = tpu.memref_squeeze %dma_wait3A_131 : memref<1x2x128xi32, #tpu.memory_space<hbm>> -> memref<2x128xi32, #tpu.memory_space<hbm>>
    tpu.wait_dma2 semaphore(%arg14 : memref<!tpu.dma_semaphore, #tpu.memory_space<semaphore_mem>>) src(%dma_wait3A_132 : memref<2x128xi32, #tpu.memory_space<hbm>>) dst(%dma_wait3A_128 : memref<2x128xi32, #tpu.memory_space<vmem>>)
    %dma_start3A_133 = arith.constant 1 : i32
    %dma_start3A_134 = arith.constant 0 : i32
    %dma_start3A_135 = arith.constant 0 : i32
    %dma_start3A_136 = tpu.memref_slice %arg5[%dma_start3A_133, %dma_start3A_134, %dma_start3A_135] : memref<3x2x128xi32, #tpu.memory_space<vmem>> -> memref<1x1x128xi32, #tpu.memory_space<vmem>>
    %dma_start3A_137 = tpu.memref_squeeze %dma_start3A_136 : memref<1x1x128xi32, #tpu.memory_space<vmem>> -> memref<128xi32, #tpu.memory_space<vmem>>
    %dma_start3A_138 = arith.constant 0 : i32
    %dma_start3A_139 = arith.constant 0 : i32
    %dma_start3A_140 = tpu.memref_slice %arg2[%dma_start3A_138, %dma_start3A_139] : memref<10048x128xf32, #tpu.memory_space<hbm>> -> memref<10048x128xf32, #tpu.memory_space<hbm>>
    tpu.enqueue_indirect_dma source(%dma_start3A_140 : memref<10048x128xf32, #tpu.memory_space<hbm>>) target(%arg7 : memref<128x128xf32, #tpu.memory_space<vmem>>) offsets(%dma_start3A_137 : memref<128xi32, #tpu.memory_space<vmem>>) semaphore(%arg11 : memref<!tpu.dma_semaphore, #tpu.memory_space<semaphore_mem>>)
    %jit3A_141 = arith.constant 3 : i32
    %div3A = arith.divsi %select_n3A_8, %jit3A_141 : i32
    %sign3A = arith.constant 0 : i32
    %sign3A_142 = arith.cmpi sgt, %select_n3A_8, %sign3A : i32
    %sign3A_143 = arith.extui %sign3A_142 : i1 to i32
    %sign3A_144 = arith.constant 0 : i32
    %sign3A_145 = arith.cmpi slt, %select_n3A_8, %sign3A_144 : i32
    %sign3A_146 = arith.extui %sign3A_145 : i1 to i32
    %sign3A_147 = arith.subi %sign3A_143, %sign3A_146 : i32
    %sign3A_148 = arith.constant 0 : i32
    %sign3A_149 = arith.cmpi sgt, %jit3A_141, %sign3A_148 : i32
    %sign3A_150 = arith.extui %sign3A_149 : i1 to i32
    %sign3A_151 = arith.constant 0 : i32
    %sign3A_152 = arith.cmpi slt, %jit3A_141, %sign3A_151 : i32
    %sign3A_153 = arith.extui %sign3A_152 : i1 to i32
    %sign3A_154 = arith.subi %sign3A_150, %sign3A_153 : i32
    %ne3A = arith.cmpi ne, %sign3A_147, %sign3A_154 : i32
    %rem3A = arith.remsi %select_n3A_8, %jit3A_141 : i32
    %ne3A_155 = arith.constant 0 : i32
    %ne3A_156 = arith.cmpi ne, %rem3A, %ne3A_155 : i32
    %and3A = arith.andi %ne3A, %ne3A_156 : i1
    %sub3A = arith.constant 1 : i32
    %sub3A_157 = arith.subi %div3A, %sub3A : i32
    %select_n3A_158 = arith.select %and3A, %sub3A_157, %div3A : i32
    %while3A = arith.constant 0 : i32
    %while3A_159 = arith.constant 0 : i32
    %while3A_160 = arith.subi %select_n3A_158, %while3A_159 : i32
    %while3A_161 = arith.addi %while3A_159, %while3A_160 : i32
    %while3A_162 = arith.constant 1 : i32
    %while3A_163 = arith.divsi %while3A_160, %while3A_162 : i32
    %while3A_164 = arith.muli %while3A_163, %while3A_162 : i32
    %while3A_165 = arith.addi %while3A_159, %while3A_164 : i32
    %while3A_166 = arith.constant 1 : i32
    scf.for %while3A_204 = %while3A_159 to %while3A_165 step %while3A_166  : i32 {
      %mul3A_205 = arith.constant 3 : i32
      %mul3A_206 = arith.muli %while3A_204, %mul3A_205 : i32
      %add3A_207 = arith.constant 0 : i32
      %add3A_208 = arith.addi %mul3A_206, %add3A_207 : i32
      %dma_wait3A_209 = arith.constant 0 : i32
      %dma_wait3A_210 = arith.constant 0 : i32
      %dma_wait3A_211 = arith.constant 0 : i32
      %dma_wait3A_212 = tpu.memref_slice %arg5[%dma_wait3A_209, %dma_wait3A_210, %dma_wait3A_211] : memref<3x2x128xi32, #tpu.memory_space<vmem>> -> memref<1x1x128xi32, #tpu.memory_space<vmem>>
      %dma_wait3A_213 = tpu.memref_squeeze %dma_wait3A_212 : memref<1x1x128xi32, #tpu.memory_space<vmem>> -> memref<128xi32, #tpu.memory_space<vmem>>
      %dma_wait3A_214 = arith.constant 0 : i32
      %dma_wait3A_215 = arith.constant 0 : i32
      %dma_wait3A_216 = tpu.memref_slice %arg2[%dma_wait3A_214, %dma_wait3A_215] : memref<10048x128xf32, #tpu.memory_space<hbm>> -> memref<10048x128xf32, #tpu.memory_space<hbm>>
      tpu.wait_indirect_dma semaphore(%arg10 : memref<!tpu.dma_semaphore, #tpu.memory_space<semaphore_mem>>) src(%dma_wait3A_216 : memref<10048x128xf32, #tpu.memory_space<hbm>>) dst(%arg6 : memref<128x128xf32, #tpu.memory_space<vmem>>)
      %run_scoped3A = arith.constant 0 : i32
      %run_scoped3A_217 = arith.constant 1 : i32
      "tpu.region"() ({
        %run_scoped3A_284 = tpu.sem_alloc : memref<!tpu.dma_semaphore, #tpu.memory_space<semaphore_mem>>
        %dma_start3A_285 = arith.constant 0 : i32
        %dma_start3A_286 = tpu.memref_slice %arg5[%run_scoped3A, %run_scoped3A_217, %dma_start3A_285] : memref<3x2x128xi32, #tpu.memory_space<vmem>> -> memref<1x1x128xi32, #tpu.memory_space<vmem>>
        %dma_start3A_287 = tpu.memref_squeeze %dma_start3A_286 : memref<1x1x128xi32, #tpu.memory_space<vmem>> -> memref<128xi32, #tpu.memory_space<vmem>>
        %dma_start3A_288 = arith.constant 0 : i32
        %dma_start3A_289 = arith.constant 0 : i32
        %dma_start3A_290 = tpu.memref_slice %arg9[%dma_start3A_288, %dma_start3A_289] : memref<10048x128xf32, #tpu.memory_space<vmem_shared>> -> memref<10048x128xf32, #tpu.memory_space<vmem_shared>>
        tpu.enqueue_indirect_dma source(%arg6 : memref<128x128xf32, #tpu.memory_space<vmem>>) target(%dma_start3A_290 : memref<10048x128xf32, #tpu.memory_space<vmem_shared>>) offsets(%dma_start3A_287 : memref<128xi32, #tpu.memory_space<vmem>>) semaphore(%run_scoped3A_284 : memref<!tpu.dma_semaphore, #tpu.memory_space<semaphore_mem>>) {add = true}
        %dma_wait3A_291 = arith.constant 0 : i32
        %dma_wait3A_292 = tpu.memref_slice %arg5[%run_scoped3A, %run_scoped3A_217, %dma_wait3A_291] : memref<3x2x128xi32, #tpu.memory_space<vmem>> -> memref<1x1x128xi32, #tpu.memory_space<vmem>>
        %dma_wait3A_293 = tpu.memref_squeeze %dma_wait3A_292 : memref<1x1x128xi32, #tpu.memory_space<vmem>> -> memref<128xi32, #tpu.memory_space<vmem>>
        %dma_wait3A_294 = arith.constant 0 : i32
        %dma_wait3A_295 = arith.constant 0 : i32
        %dma_wait3A_296 = tpu.memref_slice %arg9[%dma_wait3A_294, %dma_wait3A_295] : memref<10048x128xf32, #tpu.memory_space<vmem_shared>> -> memref<10048x128xf32, #tpu.memory_space<vmem_shared>>
        tpu.wait_indirect_dma semaphore(%run_scoped3A_284 : memref<!tpu.dma_semaphore, #tpu.memory_space<semaphore_mem>>) src(%arg6 : memref<128x128xf32, #tpu.memory_space<vmem>>) dst(%dma_wait3A_296 : memref<10048x128xf32, #tpu.memory_space<vmem_shared>>)
        tpu.yield
      }) : () -> ()
      %add3A_218 = arith.constant 3 : i32
      %add3A_219 = arith.addi %add3A_208, %add3A_218 : i32
      %lt3A_220 = arith.cmpi slt, %add3A_219, %select_n3A_8 : i32
      %convert_element_type3A_221 = arith.extui %lt3A_220 : i1 to i32
      %cond3A_222 = arith.constant 0 : i32
      %cond3A_223 = arith.cmpi ne, %convert_element_type3A_221, %cond3A_222 : i32
      scf.if %cond3A_223 {
        %add3A_284 = arith.addi %select_n3A, %add3A_208 : i32
        %add3A_285 = arith.constant 3 : i32
        %add3A_286 = arith.addi %add3A_284, %add3A_285 : i32
        %dma_start3A_287 = arith.constant 0 : i32
        %dma_start3A_288 = arith.constant 0 : i32
        %dma_start3A_289 = arith.constant 0 : i32
        %dma_start3A_290 = tpu.memref_slice %arg5[%dma_start3A_287, %dma_start3A_288, %dma_start3A_289] : memref<3x2x128xi32, #tpu.memory_space<vmem>> -> memref<1x2x128xi32, #tpu.memory_space<vmem>>
        %dma_start3A_291 = tpu.memref_squeeze %dma_start3A_290 : memref<1x2x128xi32, #tpu.memory_space<vmem>> -> memref<2x128xi32, #tpu.memory_space<vmem>>
        %dma_start3A_292 = arith.constant 0 : i32
        %dma_start3A_293 = arith.constant 0 : i32
        %dma_start3A_294 = tpu.memref_slice %arg3[%add3A_286, %dma_start3A_292, %dma_start3A_293] : memref<2560x2x128xi32, #tpu.memory_space<hbm>> -> memref<1x2x128xi32, #tpu.memory_space<hbm>>
        %dma_start3A_295 = tpu.memref_squeeze %dma_start3A_294 : memref<1x2x128xi32, #tpu.memory_space<hbm>> -> memref<2x128xi32, #tpu.memory_space<hbm>>
        %dma_start3A_296 = arith.constant 0 : i32
        %dma_start3A_297 = arith.constant 0 : i32
        %dma_start3A_298 = tpu.memref_slice %arg5[%dma_start3A_287, %dma_start3A_296, %dma_start3A_297] : memref<3x2x128xi32, #tpu.memory_space<vmem>> -> memref<1x2x128xi32, #tpu.memory_space<vmem>>
        %dma_start3A_299 = tpu.memref_squeeze %dma_start3A_298 : memref<1x2x128xi32, #tpu.memory_space<vmem>> -> memref<2x128xi32, #tpu.memory_space<vmem>>
        %dma_start3A_300 = arith.constant 0 : i32
        %dma_start3A_301 = arith.constant 0 : i32
        %dma_start3A_302 = tpu.memref_slice %arg3[%add3A_286, %dma_start3A_300, %dma_start3A_301] : memref<2560x2x128xi32, #tpu.memory_space<hbm>> -> memref<1x2x128xi32, #tpu.memory_space<hbm>>
        %dma_start3A_303 = tpu.memref_squeeze %dma_start3A_302 : memref<1x2x128xi32, #tpu.memory_space<hbm>> -> memref<2x128xi32, #tpu.memory_space<hbm>>
        tpu.enqueue_dma source(%dma_start3A_303 : memref<2x128xi32, #tpu.memory_space<hbm>>) target(%dma_start3A_299 : memref<2x128xi32, #tpu.memory_space<vmem>>) target_semaphore(%arg13 : memref<!tpu.dma_semaphore, #tpu.memory_space<semaphore_mem>>)
      } else {
      }
      %add3A_224 = arith.constant 3 : i32
      %add3A_225 = arith.addi %add3A_208, %add3A_224 : i32
      %sub3A_226 = arith.constant 1 : i32
      %sub3A_227 = arith.subi %add3A_225, %sub3A_226 : i32
      %lt3A_228 = arith.cmpi slt, %sub3A_227, %select_n3A_8 : i32
      %convert_element_type3A_229 = arith.extui %lt3A_228 : i1 to i32
      %cond3A_230 = arith.constant 0 : i32
      %cond3A_231 = arith.cmpi ne, %convert_element_type3A_229, %cond3A_230 : i32
      scf.if %cond3A_231 {
        %add3A_284 = arith.addi %select_n3A, %add3A_208 : i32
        %add3A_285 = arith.constant 3 : i32
        %add3A_286 = arith.addi %add3A_284, %add3A_285 : i32
        %sub3A_287 = arith.constant 1 : i32
        %sub3A_288 = arith.subi %add3A_286, %sub3A_287 : i32
        %dma_wait3A_289 = arith.constant 2 : i32
        %dma_wait3A_290 = arith.constant 0 : i32
        %dma_wait3A_291 = arith.constant 0 : i32
        %dma_wait3A_292 = tpu.memref_slice %arg5[%dma_wait3A_289, %dma_wait3A_290, %dma_wait3A_291] : memref<3x2x128xi32, #tpu.memory_space<vmem>> -> memref<1x2x128xi32, #tpu.memory_space<vmem>>
        %dma_wait3A_293 = tpu.memref_squeeze %dma_wait3A_292 : memref<1x2x128xi32, #tpu.memory_space<vmem>> -> memref<2x128xi32, #tpu.memory_space<vmem>>
        %dma_wait3A_294 = arith.constant 0 : i32
        %dma_wait3A_295 = arith.constant 0 : i32
        %dma_wait3A_296 = tpu.memref_slice %arg3[%sub3A_288, %dma_wait3A_294, %dma_wait3A_295] : memref<2560x2x128xi32, #tpu.memory_space<hbm>> -> memref<1x2x128xi32, #tpu.memory_space<hbm>>
        %dma_wait3A_297 = tpu.memref_squeeze %dma_wait3A_296 : memref<1x2x128xi32, #tpu.memory_space<hbm>> -> memref<2x128xi32, #tpu.memory_space<hbm>>
        %dma_wait3A_298 = arith.constant 0 : i32
        %dma_wait3A_299 = arith.constant 0 : i32
        %dma_wait3A_300 = tpu.memref_slice %arg5[%dma_wait3A_289, %dma_wait3A_298, %dma_wait3A_299] : memref<3x2x128xi32, #tpu.memory_space<vmem>> -> memref<1x2x128xi32, #tpu.memory_space<vmem>>
        %dma_wait3A_301 = tpu.memref_squeeze %dma_wait3A_300 : memref<1x2x128xi32, #tpu.memory_space<vmem>> -> memref<2x128xi32, #tpu.memory_space<vmem>>
        %dma_wait3A_302 = arith.constant 0 : i32
        %dma_wait3A_303 = arith.constant 0 : i32
        %dma_wait3A_304 = tpu.memref_slice %arg3[%sub3A_288, %dma_wait3A_302, %dma_wait3A_303] : memref<2560x2x128xi32, #tpu.memory_space<hbm>> -> memref<1x2x128xi32, #tpu.memory_space<hbm>>
        %dma_wait3A_305 = tpu.memref_squeeze %dma_wait3A_304 : memref<1x2x128xi32, #tpu.memory_space<hbm>> -> memref<2x128xi32, #tpu.memory_space<hbm>>
        tpu.wait_dma2 semaphore(%arg15 : memref<!tpu.dma_semaphore, #tpu.memory_space<semaphore_mem>>) src(%dma_wait3A_305 : memref<2x128xi32, #tpu.memory_space<hbm>>) dst(%dma_wait3A_301 : memref<2x128xi32, #tpu.memory_space<vmem>>)
        %dma_start3A_306 = arith.constant 2 : i32
        %dma_start3A_307 = arith.constant 0 : i32
        %dma_start3A_308 = arith.constant 0 : i32
        %dma_start3A_309 = tpu.memref_slice %arg5[%dma_start3A_306, %dma_start3A_307, %dma_start3A_308] : memref<3x2x128xi32, #tpu.memory_space<vmem>> -> memref<1x1x128xi32, #tpu.memory_space<vmem>>
        %dma_start3A_310 = tpu.memref_squeeze %dma_start3A_309 : memref<1x1x128xi32, #tpu.memory_space<vmem>> -> memref<128xi32, #tpu.memory_space<vmem>>
        %dma_start3A_311 = arith.constant 0 : i32
        %dma_start3A_312 = arith.constant 0 : i32
        %dma_start3A_313 = tpu.memref_slice %arg2[%dma_start3A_311, %dma_start3A_312] : memref<10048x128xf32, #tpu.memory_space<hbm>> -> memref<10048x128xf32, #tpu.memory_space<hbm>>
        tpu.enqueue_indirect_dma source(%dma_start3A_313 : memref<10048x128xf32, #tpu.memory_space<hbm>>) target(%arg8 : memref<128x128xf32, #tpu.memory_space<vmem>>) offsets(%dma_start3A_310 : memref<128xi32, #tpu.memory_space<vmem>>) semaphore(%arg12 : memref<!tpu.dma_semaphore, #tpu.memory_space<semaphore_mem>>)
      } else {
      }
      %add3A_232 = arith.constant 1 : i32
      %add3A_233 = arith.addi %mul3A_206, %add3A_232 : i32
      %dma_wait3A_234 = arith.constant 1 : i32
      %dma_wait3A_235 = arith.constant 0 : i32
      %dma_wait3A_236 = arith.constant 0 : i32
      %dma_wait3A_237 = tpu.memref_slice %arg5[%dma_wait3A_234, %dma_wait3A_235, %dma_wait3A_236] : memref<3x2x128xi32, #tpu.memory_space<vmem>> -> memref<1x1x128xi32, #tpu.memory_space<vmem>>
      %dma_wait3A_238 = tpu.memref_squeeze %dma_wait3A_237 : memref<1x1x128xi32, #tpu.memory_space<vmem>> -> memref<128xi32, #tpu.memory_space<vmem>>
      %dma_wait3A_239 = arith.constant 0 : i32
      %dma_wait3A_240 = arith.constant 0 : i32
      %dma_wait3A_241 = tpu.memref_slice %arg2[%dma_wait3A_239, %dma_wait3A_240] : memref<10048x128xf32, #tpu.memory_space<hbm>> -> memref<10048x128xf32, #tpu.memory_space<hbm>>
      tpu.wait_indirect_dma semaphore(%arg11 : memref<!tpu.dma_semaphore, #tpu.memory_space<semaphore_mem>>) src(%dma_wait3A_241 : memref<10048x128xf32, #tpu.memory_space<hbm>>) dst(%arg7 : memref<128x128xf32, #tpu.memory_space<vmem>>)
      %run_scoped3A_242 = arith.constant 1 : i32
      %run_scoped3A_243 = arith.constant 1 : i32
      "tpu.region"() ({
        %run_scoped3A_284 = tpu.sem_alloc : memref<!tpu.dma_semaphore, #tpu.memory_space<semaphore_mem>>
        %dma_start3A_285 = arith.constant 0 : i32
        %dma_start3A_286 = tpu.memref_slice %arg5[%run_scoped3A_242, %run_scoped3A_243, %dma_start3A_285] : memref<3x2x128xi32, #tpu.memory_space<vmem>> -> memref<1x1x128xi32, #tpu.memory_space<vmem>>
        %dma_start3A_287 = tpu.memref_squeeze %dma_start3A_286 : memref<1x1x128xi32, #tpu.memory_space<vmem>> -> memref<128xi32, #tpu.memory_space<vmem>>
        %dma_start3A_288 = arith.constant 0 : i32
        %dma_start3A_289 = arith.constant 0 : i32
        %dma_start3A_290 = tpu.memref_slice %arg9[%dma_start3A_288, %dma_start3A_289] : memref<10048x128xf32, #tpu.memory_space<vmem_shared>> -> memref<10048x128xf32, #tpu.memory_space<vmem_shared>>
        tpu.enqueue_indirect_dma source(%arg7 : memref<128x128xf32, #tpu.memory_space<vmem>>) target(%dma_start3A_290 : memref<10048x128xf32, #tpu.memory_space<vmem_shared>>) offsets(%dma_start3A_287 : memref<128xi32, #tpu.memory_space<vmem>>) semaphore(%run_scoped3A_284 : memref<!tpu.dma_semaphore, #tpu.memory_space<semaphore_mem>>) {add = true}
        %dma_wait3A_291 = arith.constant 0 : i32
        %dma_wait3A_292 = tpu.memref_slice %arg5[%run_scoped3A_242, %run_scoped3A_243, %dma_wait3A_291] : memref<3x2x128xi32, #tpu.memory_space<vmem>> -> memref<1x1x128xi32, #tpu.memory_space<vmem>>
        %dma_wait3A_293 = tpu.memref_squeeze %dma_wait3A_292 : memref<1x1x128xi32, #tpu.memory_space<vmem>> -> memref<128xi32, #tpu.memory_space<vmem>>
        %dma_wait3A_294 = arith.constant 0 : i32
        %dma_wait3A_295 = arith.constant 0 : i32
        %dma_wait3A_296 = tpu.memref_slice %arg9[%dma_wait3A_294, %dma_wait3A_295] : memref<10048x128xf32, #tpu.memory_space<vmem_shared>> -> memref<10048x128xf32, #tpu.memory_space<vmem_shared>>
        tpu.wait_indirect_dma semaphore(%run_scoped3A_284 : memref<!tpu.dma_semaphore, #tpu.memory_space<semaphore_mem>>) src(%arg7 : memref<128x128xf32, #tpu.memory_space<vmem>>) dst(%dma_wait3A_296 : memref<10048x128xf32, #tpu.memory_space<vmem_shared>>)
        tpu.yield
      }) : () -> ()
      %add3A_244 = arith.constant 3 : i32
      %add3A_245 = arith.addi %add3A_233, %add3A_244 : i32
      %lt3A_246 = arith.cmpi slt, %add3A_245, %select_n3A_8 : i32
      %convert_element_type3A_247 = arith.extui %lt3A_246 : i1 to i32
      %cond3A_248 = arith.constant 0 : i32
      %cond3A_249 = arith.cmpi ne, %convert_element_type3A_247, %cond3A_248 : i32
      scf.if %cond3A_249 {
        %add3A_284 = arith.addi %select_n3A, %add3A_233 : i32
        %add3A_285 = arith.constant 3 : i32
        %add3A_286 = arith.addi %add3A_284, %add3A_285 : i32
        %dma_start3A_287 = arith.constant 1 : i32
        %dma_start3A_288 = arith.constant 0 : i32
        %dma_start3A_289 = arith.constant 0 : i32
        %dma_start3A_290 = tpu.memref_slice %arg5[%dma_start3A_287, %dma_start3A_288, %dma_start3A_289] : memref<3x2x128xi32, #tpu.memory_space<vmem>> -> memref<1x2x128xi32, #tpu.memory_space<vmem>>
        %dma_start3A_291 = tpu.memref_squeeze %dma_start3A_290 : memref<1x2x128xi32, #tpu.memory_space<vmem>> -> memref<2x128xi32, #tpu.memory_space<vmem>>
        %dma_start3A_292 = arith.constant 0 : i32
        %dma_start3A_293 = arith.constant 0 : i32
        %dma_start3A_294 = tpu.memref_slice %arg3[%add3A_286, %dma_start3A_292, %dma_start3A_293] : memref<2560x2x128xi32, #tpu.memory_space<hbm>> -> memref<1x2x128xi32, #tpu.memory_space<hbm>>
        %dma_start3A_295 = tpu.memref_squeeze %dma_start3A_294 : memref<1x2x128xi32, #tpu.memory_space<hbm>> -> memref<2x128xi32, #tpu.memory_space<hbm>>
        %dma_start3A_296 = arith.constant 0 : i32
        %dma_start3A_297 = arith.constant 0 : i32
        %dma_start3A_298 = tpu.memref_slice %arg5[%dma_start3A_287, %dma_start3A_296, %dma_start3A_297] : memref<3x2x128xi32, #tpu.memory_space<vmem>> -> memref<1x2x128xi32, #tpu.memory_space<vmem>>
        %dma_start3A_299 = tpu.memref_squeeze %dma_start3A_298 : memref<1x2x128xi32, #tpu.memory_space<vmem>> -> memref<2x128xi32, #tpu.memory_space<vmem>>
        %dma_start3A_300 = arith.constant 0 : i32
        %dma_start3A_301 = arith.constant 0 : i32
        %dma_start3A_302 = tpu.memref_slice %arg3[%add3A_286, %dma_start3A_300, %dma_start3A_301] : memref<2560x2x128xi32, #tpu.memory_space<hbm>> -> memref<1x2x128xi32, #tpu.memory_space<hbm>>
        %dma_start3A_303 = tpu.memref_squeeze %dma_start3A_302 : memref<1x2x128xi32, #tpu.memory_space<hbm>> -> memref<2x128xi32, #tpu.memory_space<hbm>>
        tpu.enqueue_dma source(%dma_start3A_303 : memref<2x128xi32, #tpu.memory_space<hbm>>) target(%dma_start3A_299 : memref<2x128xi32, #tpu.memory_space<vmem>>) target_semaphore(%arg14 : memref<!tpu.dma_semaphore, #tpu.memory_space<semaphore_mem>>)
      } else {
      }
      %add3A_250 = arith.constant 3 : i32
      %add3A_251 = arith.addi %add3A_233, %add3A_250 : i32
      %sub3A_252 = arith.constant 1 : i32
      %sub3A_253 = arith.subi %add3A_251, %sub3A_252 : i32
      %lt3A_254 = arith.cmpi slt, %sub3A_253, %select_n3A_8 : i32
      %convert_element_type3A_255 = arith.extui %lt3A_254 : i1 to i32
      %cond3A_256 = arith.constant 0 : i32
      %cond3A_257 = arith.cmpi ne, %convert_element_type3A_255, %cond3A_256 : i32
      scf.if %cond3A_257 {
        %add3A_284 = arith.addi %select_n3A, %add3A_233 : i32
        %add3A_285 = arith.constant 3 : i32
        %add3A_286 = arith.addi %add3A_284, %add3A_285 : i32
        %sub3A_287 = arith.constant 1 : i32
        %sub3A_288 = arith.subi %add3A_286, %sub3A_287 : i32
        %dma_wait3A_289 = arith.constant 0 : i32
        %dma_wait3A_290 = arith.constant 0 : i32
        %dma_wait3A_291 = arith.constant 0 : i32
        %dma_wait3A_292 = tpu.memref_slice %arg5[%dma_wait3A_289, %dma_wait3A_290, %dma_wait3A_291] : memref<3x2x128xi32, #tpu.memory_space<vmem>> -> memref<1x2x128xi32, #tpu.memory_space<vmem>>
        %dma_wait3A_293 = tpu.memref_squeeze %dma_wait3A_292 : memref<1x2x128xi32, #tpu.memory_space<vmem>> -> memref<2x128xi32, #tpu.memory_space<vmem>>
        %dma_wait3A_294 = arith.constant 0 : i32
        %dma_wait3A_295 = arith.constant 0 : i32
        %dma_wait3A_296 = tpu.memref_slice %arg3[%sub3A_288, %dma_wait3A_294, %dma_wait3A_295] : memref<2560x2x128xi32, #tpu.memory_space<hbm>> -> memref<1x2x128xi32, #tpu.memory_space<hbm>>
        %dma_wait3A_297 = tpu.memref_squeeze %dma_wait3A_296 : memref<1x2x128xi32, #tpu.memory_space<hbm>> -> memref<2x128xi32, #tpu.memory_space<hbm>>
        %dma_wait3A_298 = arith.constant 0 : i32
        %dma_wait3A_299 = arith.constant 0 : i32
        %dma_wait3A_300 = tpu.memref_slice %arg5[%dma_wait3A_289, %dma_wait3A_298, %dma_wait3A_299] : memref<3x2x128xi32, #tpu.memory_space<vmem>> -> memref<1x2x128xi32, #tpu.memory_space<vmem>>
        %dma_wait3A_301 = tpu.memref_squeeze %dma_wait3A_300 : memref<1x2x128xi32, #tpu.memory_space<vmem>> -> memref<2x128xi32, #tpu.memory_space<vmem>>
        %dma_wait3A_302 = arith.constant 0 : i32
        %dma_wait3A_303 = arith.constant 0 : i32
        %dma_wait3A_304 = tpu.memref_slice %arg3[%sub3A_288, %dma_wait3A_302, %dma_wait3A_303] : memref<2560x2x128xi32, #tpu.memory_space<hbm>> -> memref<1x2x128xi32, #tpu.memory_space<hbm>>
        %dma_wait3A_305 = tpu.memref_squeeze %dma_wait3A_304 : memref<1x2x128xi32, #tpu.memory_space<hbm>> -> memref<2x128xi32, #tpu.memory_space<hbm>>
        tpu.wait_dma2 semaphore(%arg13 : memref<!tpu.dma_semaphore, #tpu.memory_space<semaphore_mem>>) src(%dma_wait3A_305 : memref<2x128xi32, #tpu.memory_space<hbm>>) dst(%dma_wait3A_301 : memref<2x128xi32, #tpu.memory_space<vmem>>)
        %dma_start3A_306 = arith.constant 0 : i32
        %dma_start3A_307 = arith.constant 0 : i32
        %dma_start3A_308 = arith.constant 0 : i32
        %dma_start3A_309 = tpu.memref_slice %arg5[%dma_start3A_306, %dma_start3A_307, %dma_start3A_308] : memref<3x2x128xi32, #tpu.memory_space<vmem>> -> memref<1x1x128xi32, #tpu.memory_space<vmem>>
        %dma_start3A_310 = tpu.memref_squeeze %dma_start3A_309 : memref<1x1x128xi32, #tpu.memory_space<vmem>> -> memref<128xi32, #tpu.memory_space<vmem>>
        %dma_start3A_311 = arith.constant 0 : i32
        %dma_start3A_312 = arith.constant 0 : i32
        %dma_start3A_313 = tpu.memref_slice %arg2[%dma_start3A_311, %dma_start3A_312] : memref<10048x128xf32, #tpu.memory_space<hbm>> -> memref<10048x128xf32, #tpu.memory_space<hbm>>
        tpu.enqueue_indirect_dma source(%dma_start3A_313 : memref<10048x128xf32, #tpu.memory_space<hbm>>) target(%arg6 : memref<128x128xf32, #tpu.memory_space<vmem>>) offsets(%dma_start3A_310 : memref<128xi32, #tpu.memory_space<vmem>>) semaphore(%arg10 : memref<!tpu.dma_semaphore, #tpu.memory_space<semaphore_mem>>)
      } else {
      }
      %add3A_258 = arith.constant 2 : i32
      %add3A_259 = arith.addi %mul3A_206, %add3A_258 : i32
      %dma_wait3A_260 = arith.constant 2 : i32
      %dma_wait3A_261 = arith.constant 0 : i32
      %dma_wait3A_262 = arith.constant 0 : i32
      %dma_wait3A_263 = tpu.memref_slice %arg5[%dma_wait3A_260, %dma_wait3A_261, %dma_wait3A_262] : memref<3x2x128xi32, #tpu.memory_space<vmem>> -> memref<1x1x128xi32, #tpu.memory_space<vmem>>
      %dma_wait3A_264 = tpu.memref_squeeze %dma_wait3A_263 : memref<1x1x128xi32, #tpu.memory_space<vmem>> -> memref<128xi32, #tpu.memory_space<vmem>>
      %dma_wait3A_265 = arith.constant 0 : i32
      %dma_wait3A_266 = arith.constant 0 : i32
      %dma_wait3A_267 = tpu.memref_slice %arg2[%dma_wait3A_265, %dma_wait3A_266] : memref<10048x128xf32, #tpu.memory_space<hbm>> -> memref<10048x128xf32, #tpu.memory_space<hbm>>
      tpu.wait_indirect_dma semaphore(%arg12 : memref<!tpu.dma_semaphore, #tpu.memory_space<semaphore_mem>>) src(%dma_wait3A_267 : memref<10048x128xf32, #tpu.memory_space<hbm>>) dst(%arg8 : memref<128x128xf32, #tpu.memory_space<vmem>>)
      %run_scoped3A_268 = arith.constant 2 : i32
      %run_scoped3A_269 = arith.constant 1 : i32
      "tpu.region"() ({
        %run_scoped3A_284 = tpu.sem_alloc : memref<!tpu.dma_semaphore, #tpu.memory_space<semaphore_mem>>
        %dma_start3A_285 = arith.constant 0 : i32
        %dma_start3A_286 = tpu.memref_slice %arg5[%run_scoped3A_268, %run_scoped3A_269, %dma_start3A_285] : memref<3x2x128xi32, #tpu.memory_space<vmem>> -> memref<1x1x128xi32, #tpu.memory_space<vmem>>
        %dma_start3A_287 = tpu.memref_squeeze %dma_start3A_286 : memref<1x1x128xi32, #tpu.memory_space<vmem>> -> memref<128xi32, #tpu.memory_space<vmem>>
        %dma_start3A_288 = arith.constant 0 : i32
        %dma_start3A_289 = arith.constant 0 : i32
        %dma_start3A_290 = tpu.memref_slice %arg9[%dma_start3A_288, %dma_start3A_289] : memref<10048x128xf32, #tpu.memory_space<vmem_shared>> -> memref<10048x128xf32, #tpu.memory_space<vmem_shared>>
        tpu.enqueue_indirect_dma source(%arg8 : memref<128x128xf32, #tpu.memory_space<vmem>>) target(%dma_start3A_290 : memref<10048x128xf32, #tpu.memory_space<vmem_shared>>) offsets(%dma_start3A_287 : memref<128xi32, #tpu.memory_space<vmem>>) semaphore(%run_scoped3A_284 : memref<!tpu.dma_semaphore, #tpu.memory_space<semaphore_mem>>) {add = true}
        %dma_wait3A_291 = arith.constant 0 : i32
        %dma_wait3A_292 = tpu.memref_slice %arg5[%run_scoped3A_268, %run_scoped3A_269, %dma_wait3A_291] : memref<3x2x128xi32, #tpu.memory_space<vmem>> -> memref<1x1x128xi32, #tpu.memory_space<vmem>>
        %dma_wait3A_293 = tpu.memref_squeeze %dma_wait3A_292 : memref<1x1x128xi32, #tpu.memory_space<vmem>> -> memref<128xi32, #tpu.memory_space<vmem>>
        %dma_wait3A_294 = arith.constant 0 : i32
        %dma_wait3A_295 = arith.constant 0 : i32
        %dma_wait3A_296 = tpu.memref_slice %arg9[%dma_wait3A_294, %dma_wait3A_295] : memref<10048x128xf32, #tpu.memory_space<vmem_shared>> -> memref<10048x128xf32, #tpu.memory_space<vmem_shared>>
        tpu.wait_indirect_dma semaphore(%run_scoped3A_284 : memref<!tpu.dma_semaphore, #tpu.memory_space<semaphore_mem>>) src(%arg8 : memref<128x128xf32, #tpu.memory_space<vmem>>) dst(%dma_wait3A_296 : memref<10048x128xf32, #tpu.memory_space<vmem_shared>>)
        tpu.yield
      }) : () -> ()
      %add3A_270 = arith.constant 3 : i32
      %add3A_271 = arith.addi %add3A_259, %add3A_270 : i32
      %lt3A_272 = arith.cmpi slt, %add3A_271, %select_n3A_8 : i32
      %convert_element_type3A_273 = arith.extui %lt3A_272 : i1 to i32
      %cond3A_274 = arith.constant 0 : i32
      %cond3A_275 = arith.cmpi ne, %convert_element_type3A_273, %cond3A_274 : i32
      scf.if %cond3A_275 {
        %add3A_284 = arith.addi %select_n3A, %add3A_259 : i32
        %add3A_285 = arith.constant 3 : i32
        %add3A_286 = arith.addi %add3A_284, %add3A_285 : i32
        %dma_start3A_287 = arith.constant 2 : i32
        %dma_start3A_288 = arith.constant 0 : i32
        %dma_start3A_289 = arith.constant 0 : i32
        %dma_start3A_290 = tpu.memref_slice %arg5[%dma_start3A_287, %dma_start3A_288, %dma_start3A_289] : memref<3x2x128xi32, #tpu.memory_space<vmem>> -> memref<1x2x128xi32, #tpu.memory_space<vmem>>
        %dma_start3A_291 = tpu.memref_squeeze %dma_start3A_290 : memref<1x2x128xi32, #tpu.memory_space<vmem>> -> memref<2x128xi32, #tpu.memory_space<vmem>>
        %dma_start3A_292 = arith.constant 0 : i32
        %dma_start3A_293 = arith.constant 0 : i32
        %dma_start3A_294 = tpu.memref_slice %arg3[%add3A_286, %dma_start3A_292, %dma_start3A_293] : memref<2560x2x128xi32, #tpu.memory_space<hbm>> -> memref<1x2x128xi32, #tpu.memory_space<hbm>>
        %dma_start3A_295 = tpu.memref_squeeze %dma_start3A_294 : memref<1x2x128xi32, #tpu.memory_space<hbm>> -> memref<2x128xi32, #tpu.memory_space<hbm>>
        %dma_start3A_296 = arith.constant 0 : i32
        %dma_start3A_297 = arith.constant 0 : i32
        %dma_start3A_298 = tpu.memref_slice %arg5[%dma_start3A_287, %dma_start3A_296, %dma_start3A_297] : memref<3x2x128xi32, #tpu.memory_space<vmem>> -> memref<1x2x128xi32, #tpu.memory_space<vmem>>
        %dma_start3A_299 = tpu.memref_squeeze %dma_start3A_298 : memref<1x2x128xi32, #tpu.memory_space<vmem>> -> memref<2x128xi32, #tpu.memory_space<vmem>>
        %dma_start3A_300 = arith.constant 0 : i32
        %dma_start3A_301 = arith.constant 0 : i32
        %dma_start3A_302 = tpu.memref_slice %arg3[%add3A_286, %dma_start3A_300, %dma_start3A_301] : memref<2560x2x128xi32, #tpu.memory_space<hbm>> -> memref<1x2x128xi32, #tpu.memory_space<hbm>>
        %dma_start3A_303 = tpu.memref_squeeze %dma_start3A_302 : memref<1x2x128xi32, #tpu.memory_space<hbm>> -> memref<2x128xi32, #tpu.memory_space<hbm>>
        tpu.enqueue_dma source(%dma_start3A_303 : memref<2x128xi32, #tpu.memory_space<hbm>>) target(%dma_start3A_299 : memref<2x128xi32, #tpu.memory_space<vmem>>) target_semaphore(%arg15 : memref<!tpu.dma_semaphore, #tpu.memory_space<semaphore_mem>>)
      } else {
      }
      %add3A_276 = arith.constant 3 : i32
      %add3A_277 = arith.addi %add3A_259, %add3A_276 : i32
      %sub3A_278 = arith.constant 1 : i32
      %sub3A_279 = arith.subi %add3A_277, %sub3A_278 : i32
      %lt3A_280 = arith.cmpi slt, %sub3A_279, %select_n3A_8 : i32
      %convert_element_type3A_281 = arith.extui %lt3A_280 : i1 to i32
      %cond3A_282 = arith.constant 0 : i32
      %cond3A_283 = arith.cmpi ne, %convert_element_type3A_281, %cond3A_282 : i32
      scf.if %cond3A_283 {
        %add3A_284 = arith.addi %select_n3A, %add3A_259 : i32
        %add3A_285 = arith.constant 3 : i32
        %add3A_286 = arith.addi %add3A_284, %add3A_285 : i32
        %sub3A_287 = arith.constant 1 : i32
        %sub3A_288 = arith.subi %add3A_286, %sub3A_287 : i32
        %dma_wait3A_289 = arith.constant 1 : i32
        %dma_wait3A_290 = arith.constant 0 : i32
        %dma_wait3A_291 = arith.constant 0 : i32
        %dma_wait3A_292 = tpu.memref_slice %arg5[%dma_wait3A_289, %dma_wait3A_290, %dma_wait3A_291] : memref<3x2x128xi32, #tpu.memory_space<vmem>> -> memref<1x2x128xi32, #tpu.memory_space<vmem>>
        %dma_wait3A_293 = tpu.memref_squeeze %dma_wait3A_292 : memref<1x2x128xi32, #tpu.memory_space<vmem>> -> memref<2x128xi32, #tpu.memory_space<vmem>>
        %dma_wait3A_294 = arith.constant 0 : i32
        %dma_wait3A_295 = arith.constant 0 : i32
        %dma_wait3A_296 = tpu.memref_slice %arg3[%sub3A_288, %dma_wait3A_294, %dma_wait3A_295] : memref<2560x2x128xi32, #tpu.memory_space<hbm>> -> memref<1x2x128xi32, #tpu.memory_space<hbm>>
        %dma_wait3A_297 = tpu.memref_squeeze %dma_wait3A_296 : memref<1x2x128xi32, #tpu.memory_space<hbm>> -> memref<2x128xi32, #tpu.memory_space<hbm>>
        %dma_wait3A_298 = arith.constant 0 : i32
        %dma_wait3A_299 = arith.constant 0 : i32
        %dma_wait3A_300 = tpu.memref_slice %arg5[%dma_wait3A_289, %dma_wait3A_298, %dma_wait3A_299] : memref<3x2x128xi32, #tpu.memory_space<vmem>> -> memref<1x2x128xi32, #tpu.memory_space<vmem>>
        %dma_wait3A_301 = tpu.memref_squeeze %dma_wait3A_300 : memref<1x2x128xi32, #tpu.memory_space<vmem>> -> memref<2x128xi32, #tpu.memory_space<vmem>>
        %dma_wait3A_302 = arith.constant 0 : i32
        %dma_wait3A_303 = arith.constant 0 : i32
        %dma_wait3A_304 = tpu.memref_slice %arg3[%sub3A_288, %dma_wait3A_302, %dma_wait3A_303] : memref<2560x2x128xi32, #tpu.memory_space<hbm>> -> memref<1x2x128xi32, #tpu.memory_space<hbm>>
        %dma_wait3A_305 = tpu.memref_squeeze %dma_wait3A_304 : memref<1x2x128xi32, #tpu.memory_space<hbm>> -> memref<2x128xi32, #tpu.memory_space<hbm>>
        tpu.wait_dma2 semaphore(%arg14 : memref<!tpu.dma_semaphore, #tpu.memory_space<semaphore_mem>>) src(%dma_wait3A_305 : memref<2x128xi32, #tpu.memory_space<hbm>>) dst(%dma_wait3A_301 : memref<2x128xi32, #tpu.memory_space<vmem>>)
        %dma_start3A_306 = arith.constant 1 : i32
        %dma_start3A_307 = arith.constant 0 : i32
        %dma_start3A_308 = arith.constant 0 : i32
        %dma_start3A_309 = tpu.memref_slice %arg5[%dma_start3A_306, %dma_start3A_307, %dma_start3A_308] : memref<3x2x128xi32, #tpu.memory_space<vmem>> -> memref<1x1x128xi32, #tpu.memory_space<vmem>>
        %dma_start3A_310 = tpu.memref_squeeze %dma_start3A_309 : memref<1x1x128xi32, #tpu.memory_space<vmem>> -> memref<128xi32, #tpu.memory_space<vmem>>
        %dma_start3A_311 = arith.constant 0 : i32
        %dma_start3A_312 = arith.constant 0 : i32
        %dma_start3A_313 = tpu.memref_slice %arg2[%dma_start3A_311, %dma_start3A_312] : memref<10048x128xf32, #tpu.memory_space<hbm>> -> memref<10048x128xf32, #tpu.memory_space<hbm>>
        tpu.enqueue_indirect_dma source(%dma_start3A_313 : memref<10048x128xf32, #tpu.memory_space<hbm>>) target(%arg7 : memref<128x128xf32, #tpu.memory_space<vmem>>) offsets(%dma_start3A_310 : memref<128xi32, #tpu.memory_space<vmem>>) semaphore(%arg11 : memref<!tpu.dma_semaphore, #tpu.memory_space<semaphore_mem>>)
      } else {
      }
    }
    %while3A_167 = arith.constant 1 : i32
    scf.for %while3A_204 = %while3A_165 to %while3A_161 step %while3A_167  : i32 {
      %mul3A_205 = arith.constant 3 : i32
      %mul3A_206 = arith.muli %while3A_204, %mul3A_205 : i32
      %add3A_207 = arith.constant 0 : i32
      %add3A_208 = arith.addi %mul3A_206, %add3A_207 : i32
      %dma_wait3A_209 = arith.constant 0 : i32
      %dma_wait3A_210 = arith.constant 0 : i32
      %dma_wait3A_211 = arith.constant 0 : i32
      %dma_wait3A_212 = tpu.memref_slice %arg5[%dma_wait3A_209, %dma_wait3A_210, %dma_wait3A_211] : memref<3x2x128xi32, #tpu.memory_space<vmem>> -> memref<1x1x128xi32, #tpu.memory_space<vmem>>
      %dma_wait3A_213 = tpu.memref_squeeze %dma_wait3A_212 : memref<1x1x128xi32, #tpu.memory_space<vmem>> -> memref<128xi32, #tpu.memory_space<vmem>>
      %dma_wait3A_214 = arith.constant 0 : i32
      %dma_wait3A_215 = arith.constant 0 : i32
      %dma_wait3A_216 = tpu.memref_slice %arg2[%dma_wait3A_214, %dma_wait3A_215] : memref<10048x128xf32, #tpu.memory_space<hbm>> -> memref<10048x128xf32, #tpu.memory_space<hbm>>
      tpu.wait_indirect_dma semaphore(%arg10 : memref<!tpu.dma_semaphore, #tpu.memory_space<semaphore_mem>>) src(%dma_wait3A_216 : memref<10048x128xf32, #tpu.memory_space<hbm>>) dst(%arg6 : memref<128x128xf32, #tpu.memory_space<vmem>>)
      %run_scoped3A = arith.constant 0 : i32
      %run_scoped3A_217 = arith.constant 1 : i32
      "tpu.region"() ({
        %run_scoped3A_284 = tpu.sem_alloc : memref<!tpu.dma_semaphore, #tpu.memory_space<semaphore_mem>>
        %dma_start3A_285 = arith.constant 0 : i32
        %dma_start3A_286 = tpu.memref_slice %arg5[%run_scoped3A, %run_scoped3A_217, %dma_start3A_285] : memref<3x2x128xi32, #tpu.memory_space<vmem>> -> memref<1x1x128xi32, #tpu.memory_space<vmem>>
        %dma_start3A_287 = tpu.memref_squeeze %dma_start3A_286 : memref<1x1x128xi32, #tpu.memory_space<vmem>> -> memref<128xi32, #tpu.memory_space<vmem>>
        %dma_start3A_288 = arith.constant 0 : i32
        %dma_start3A_289 = arith.constant 0 : i32
        %dma_start3A_290 = tpu.memref_slice %arg9[%dma_start3A_288, %dma_start3A_289] : memref<10048x128xf32, #tpu.memory_space<vmem_shared>> -> memref<10048x128xf32, #tpu.memory_space<vmem_shared>>
        tpu.enqueue_indirect_dma source(%arg6 : memref<128x128xf32, #tpu.memory_space<vmem>>) target(%dma_start3A_290 : memref<10048x128xf32, #tpu.memory_space<vmem_shared>>) offsets(%dma_start3A_287 : memref<128xi32, #tpu.memory_space<vmem>>) semaphore(%run_scoped3A_284 : memref<!tpu.dma_semaphore, #tpu.memory_space<semaphore_mem>>) {add = true}
        %dma_wait3A_291 = arith.constant 0 : i32
        %dma_wait3A_292 = tpu.memref_slice %arg5[%run_scoped3A, %run_scoped3A_217, %dma_wait3A_291] : memref<3x2x128xi32, #tpu.memory_space<vmem>> -> memref<1x1x128xi32, #tpu.memory_space<vmem>>
        %dma_wait3A_293 = tpu.memref_squeeze %dma_wait3A_292 : memref<1x1x128xi32, #tpu.memory_space<vmem>> -> memref<128xi32, #tpu.memory_space<vmem>>
        %dma_wait3A_294 = arith.constant 0 : i32
        %dma_wait3A_295 = arith.constant 0 : i32
        %dma_wait3A_296 = tpu.memref_slice %arg9[%dma_wait3A_294, %dma_wait3A_295] : memref<10048x128xf32, #tpu.memory_space<vmem_shared>> -> memref<10048x128xf32, #tpu.memory_space<vmem_shared>>
        tpu.wait_indirect_dma semaphore(%run_scoped3A_284 : memref<!tpu.dma_semaphore, #tpu.memory_space<semaphore_mem>>) src(%arg6 : memref<128x128xf32, #tpu.memory_space<vmem>>) dst(%dma_wait3A_296 : memref<10048x128xf32, #tpu.memory_space<vmem_shared>>)
        tpu.yield
      }) : () -> ()
      %add3A_218 = arith.constant 3 : i32
      %add3A_219 = arith.addi %add3A_208, %add3A_218 : i32
      %lt3A_220 = arith.cmpi slt, %add3A_219, %select_n3A_8 : i32
      %convert_element_type3A_221 = arith.extui %lt3A_220 : i1 to i32
      %cond3A_222 = arith.constant 0 : i32
      %cond3A_223 = arith.cmpi ne, %convert_element_type3A_221, %cond3A_222 : i32
      scf.if %cond3A_223 {
        %add3A_284 = arith.addi %select_n3A, %add3A_208 : i32
        %add3A_285 = arith.constant 3 : i32
        %add3A_286 = arith.addi %add3A_284, %add3A_285 : i32
        %dma_start3A_287 = arith.constant 0 : i32
        %dma_start3A_288 = arith.constant 0 : i32
        %dma_start3A_289 = arith.constant 0 : i32
        %dma_start3A_290 = tpu.memref_slice %arg5[%dma_start3A_287, %dma_start3A_288, %dma_start3A_289] : memref<3x2x128xi32, #tpu.memory_space<vmem>> -> memref<1x2x128xi32, #tpu.memory_space<vmem>>
        %dma_start3A_291 = tpu.memref_squeeze %dma_start3A_290 : memref<1x2x128xi32, #tpu.memory_space<vmem>> -> memref<2x128xi32, #tpu.memory_space<vmem>>
        %dma_start3A_292 = arith.constant 0 : i32
        %dma_start3A_293 = arith.constant 0 : i32
        %dma_start3A_294 = tpu.memref_slice %arg3[%add3A_286, %dma_start3A_292, %dma_start3A_293] : memref<2560x2x128xi32, #tpu.memory_space<hbm>> -> memref<1x2x128xi32, #tpu.memory_space<hbm>>
        %dma_start3A_295 = tpu.memref_squeeze %dma_start3A_294 : memref<1x2x128xi32, #tpu.memory_space<hbm>> -> memref<2x128xi32, #tpu.memory_space<hbm>>
        %dma_start3A_296 = arith.constant 0 : i32
        %dma_start3A_297 = arith.constant 0 : i32
        %dma_start3A_298 = tpu.memref_slice %arg5[%dma_start3A_287, %dma_start3A_296, %dma_start3A_297] : memref<3x2x128xi32, #tpu.memory_space<vmem>> -> memref<1x2x128xi32, #tpu.memory_space<vmem>>
        %dma_start3A_299 = tpu.memref_squeeze %dma_start3A_298 : memref<1x2x128xi32, #tpu.memory_space<vmem>> -> memref<2x128xi32, #tpu.memory_space<vmem>>
        %dma_start3A_300 = arith.constant 0 : i32
        %dma_start3A_301 = arith.constant 0 : i32
        %dma_start3A_302 = tpu.memref_slice %arg3[%add3A_286, %dma_start3A_300, %dma_start3A_301] : memref<2560x2x128xi32, #tpu.memory_space<hbm>> -> memref<1x2x128xi32, #tpu.memory_space<hbm>>
        %dma_start3A_303 = tpu.memref_squeeze %dma_start3A_302 : memref<1x2x128xi32, #tpu.memory_space<hbm>> -> memref<2x128xi32, #tpu.memory_space<hbm>>
        tpu.enqueue_dma source(%dma_start3A_303 : memref<2x128xi32, #tpu.memory_space<hbm>>) target(%dma_start3A_299 : memref<2x128xi32, #tpu.memory_space<vmem>>) target_semaphore(%arg13 : memref<!tpu.dma_semaphore, #tpu.memory_space<semaphore_mem>>)
      } else {
      }
      %add3A_224 = arith.constant 3 : i32
      %add3A_225 = arith.addi %add3A_208, %add3A_224 : i32
      %sub3A_226 = arith.constant 1 : i32
      %sub3A_227 = arith.subi %add3A_225, %sub3A_226 : i32
      %lt3A_228 = arith.cmpi slt, %sub3A_227, %select_n3A_8 : i32
      %convert_element_type3A_229 = arith.extui %lt3A_228 : i1 to i32
      %cond3A_230 = arith.constant 0 : i32
      %cond3A_231 = arith.cmpi ne, %convert_element_type3A_229, %cond3A_230 : i32
      scf.if %cond3A_231 {
        %add3A_284 = arith.addi %select_n3A, %add3A_208 : i32
        %add3A_285 = arith.constant 3 : i32
        %add3A_286 = arith.addi %add3A_284, %add3A_285 : i32
        %sub3A_287 = arith.constant 1 : i32
        %sub3A_288 = arith.subi %add3A_286, %sub3A_287 : i32
        %dma_wait3A_289 = arith.constant 2 : i32
        %dma_wait3A_290 = arith.constant 0 : i32
        %dma_wait3A_291 = arith.constant 0 : i32
        %dma_wait3A_292 = tpu.memref_slice %arg5[%dma_wait3A_289, %dma_wait3A_290, %dma_wait3A_291] : memref<3x2x128xi32, #tpu.memory_space<vmem>> -> memref<1x2x128xi32, #tpu.memory_space<vmem>>
        %dma_wait3A_293 = tpu.memref_squeeze %dma_wait3A_292 : memref<1x2x128xi32, #tpu.memory_space<vmem>> -> memref<2x128xi32, #tpu.memory_space<vmem>>
        %dma_wait3A_294 = arith.constant 0 : i32
        %dma_wait3A_295 = arith.constant 0 : i32
        %dma_wait3A_296 = tpu.memref_slice %arg3[%sub3A_288, %dma_wait3A_294, %dma_wait3A_295] : memref<2560x2x128xi32, #tpu.memory_space<hbm>> -> memref<1x2x128xi32, #tpu.memory_space<hbm>>
        %dma_wait3A_297 = tpu.memref_squeeze %dma_wait3A_296 : memref<1x2x128xi32, #tpu.memory_space<hbm>> -> memref<2x128xi32, #tpu.memory_space<hbm>>
        %dma_wait3A_298 = arith.constant 0 : i32
        %dma_wait3A_299 = arith.constant 0 : i32
        %dma_wait3A_300 = tpu.memref_slice %arg5[%dma_wait3A_289, %dma_wait3A_298, %dma_wait3A_299] : memref<3x2x128xi32, #tpu.memory_space<vmem>> -> memref<1x2x128xi32, #tpu.memory_space<vmem>>
        %dma_wait3A_301 = tpu.memref_squeeze %dma_wait3A_300 : memref<1x2x128xi32, #tpu.memory_space<vmem>> -> memref<2x128xi32, #tpu.memory_space<vmem>>
        %dma_wait3A_302 = arith.constant 0 : i32
        %dma_wait3A_303 = arith.constant 0 : i32
        %dma_wait3A_304 = tpu.memref_slice %arg3[%sub3A_288, %dma_wait3A_302, %dma_wait3A_303] : memref<2560x2x128xi32, #tpu.memory_space<hbm>> -> memref<1x2x128xi32, #tpu.memory_space<hbm>>
        %dma_wait3A_305 = tpu.memref_squeeze %dma_wait3A_304 : memref<1x2x128xi32, #tpu.memory_space<hbm>> -> memref<2x128xi32, #tpu.memory_space<hbm>>
        tpu.wait_dma2 semaphore(%arg15 : memref<!tpu.dma_semaphore, #tpu.memory_space<semaphore_mem>>) src(%dma_wait3A_305 : memref<2x128xi32, #tpu.memory_space<hbm>>) dst(%dma_wait3A_301 : memref<2x128xi32, #tpu.memory_space<vmem>>)
        %dma_start3A_306 = arith.constant 2 : i32
        %dma_start3A_307 = arith.constant 0 : i32
        %dma_start3A_308 = arith.constant 0 : i32
        %dma_start3A_309 = tpu.memref_slice %arg5[%dma_start3A_306, %dma_start3A_307, %dma_start3A_308] : memref<3x2x128xi32, #tpu.memory_space<vmem>> -> memref<1x1x128xi32, #tpu.memory_space<vmem>>
        %dma_start3A_310 = tpu.memref_squeeze %dma_start3A_309 : memref<1x1x128xi32, #tpu.memory_space<vmem>> -> memref<128xi32, #tpu.memory_space<vmem>>
        %dma_start3A_311 = arith.constant 0 : i32
        %dma_start3A_312 = arith.constant 0 : i32
        %dma_start3A_313 = tpu.memref_slice %arg2[%dma_start3A_311, %dma_start3A_312] : memref<10048x128xf32, #tpu.memory_space<hbm>> -> memref<10048x128xf32, #tpu.memory_space<hbm>>
        tpu.enqueue_indirect_dma source(%dma_start3A_313 : memref<10048x128xf32, #tpu.memory_space<hbm>>) target(%arg8 : memref<128x128xf32, #tpu.memory_space<vmem>>) offsets(%dma_start3A_310 : memref<128xi32, #tpu.memory_space<vmem>>) semaphore(%arg12 : memref<!tpu.dma_semaphore, #tpu.memory_space<semaphore_mem>>)
      } else {
      }
      %add3A_232 = arith.constant 1 : i32
      %add3A_233 = arith.addi %mul3A_206, %add3A_232 : i32
      %dma_wait3A_234 = arith.constant 1 : i32
      %dma_wait3A_235 = arith.constant 0 : i32
      %dma_wait3A_236 = arith.constant 0 : i32
      %dma_wait3A_237 = tpu.memref_slice %arg5[%dma_wait3A_234, %dma_wait3A_235, %dma_wait3A_236] : memref<3x2x128xi32, #tpu.memory_space<vmem>> -> memref<1x1x128xi32, #tpu.memory_space<vmem>>
      %dma_wait3A_238 = tpu.memref_squeeze %dma_wait3A_237 : memref<1x1x128xi32, #tpu.memory_space<vmem>> -> memref<128xi32, #tpu.memory_space<vmem>>
      %dma_wait3A_239 = arith.constant 0 : i32
      %dma_wait3A_240 = arith.constant 0 : i32
      %dma_wait3A_241 = tpu.memref_slice %arg2[%dma_wait3A_239, %dma_wait3A_240] : memref<10048x128xf32, #tpu.memory_space<hbm>> -> memref<10048x128xf32, #tpu.memory_space<hbm>>
      tpu.wait_indirect_dma semaphore(%arg11 : memref<!tpu.dma_semaphore, #tpu.memory_space<semaphore_mem>>) src(%dma_wait3A_241 : memref<10048x128xf32, #tpu.memory_space<hbm>>) dst(%arg7 : memref<128x128xf32, #tpu.memory_space<vmem>>)
      %run_scoped3A_242 = arith.constant 1 : i32
      %run_scoped3A_243 = arith.constant 1 : i32
      "tpu.region"() ({
        %run_scoped3A_284 = tpu.sem_alloc : memref<!tpu.dma_semaphore, #tpu.memory_space<semaphore_mem>>
        %dma_start3A_285 = arith.constant 0 : i32
        %dma_start3A_286 = tpu.memref_slice %arg5[%run_scoped3A_242, %run_scoped3A_243, %dma_start3A_285] : memref<3x2x128xi32, #tpu.memory_space<vmem>> -> memref<1x1x128xi32, #tpu.memory_space<vmem>>
        %dma_start3A_287 = tpu.memref_squeeze %dma_start3A_286 : memref<1x1x128xi32, #tpu.memory_space<vmem>> -> memref<128xi32, #tpu.memory_space<vmem>>
        %dma_start3A_288 = arith.constant 0 : i32
        %dma_start3A_289 = arith.constant 0 : i32
        %dma_start3A_290 = tpu.memref_slice %arg9[%dma_start3A_288, %dma_start3A_289] : memref<10048x128xf32, #tpu.memory_space<vmem_shared>> -> memref<10048x128xf32, #tpu.memory_space<vmem_shared>>
        tpu.enqueue_indirect_dma source(%arg7 : memref<128x128xf32, #tpu.memory_space<vmem>>) target(%dma_start3A_290 : memref<10048x128xf32, #tpu.memory_space<vmem_shared>>) offsets(%dma_start3A_287 : memref<128xi32, #tpu.memory_space<vmem>>) semaphore(%run_scoped3A_284 : memref<!tpu.dma_semaphore, #tpu.memory_space<semaphore_mem>>) {add = true}
        %dma_wait3A_291 = arith.constant 0 : i32
        %dma_wait3A_292 = tpu.memref_slice %arg5[%run_scoped3A_242, %run_scoped3A_243, %dma_wait3A_291] : memref<3x2x128xi32, #tpu.memory_space<vmem>> -> memref<1x1x128xi32, #tpu.memory_space<vmem>>
        %dma_wait3A_293 = tpu.memref_squeeze %dma_wait3A_292 : memref<1x1x128xi32, #tpu.memory_space<vmem>> -> memref<128xi32, #tpu.memory_space<vmem>>
        %dma_wait3A_294 = arith.constant 0 : i32
        %dma_wait3A_295 = arith.constant 0 : i32
        %dma_wait3A_296 = tpu.memref_slice %arg9[%dma_wait3A_294, %dma_wait3A_295] : memref<10048x128xf32, #tpu.memory_space<vmem_shared>> -> memref<10048x128xf32, #tpu.memory_space<vmem_shared>>
        tpu.wait_indirect_dma semaphore(%run_scoped3A_284 : memref<!tpu.dma_semaphore, #tpu.memory_space<semaphore_mem>>) src(%arg7 : memref<128x128xf32, #tpu.memory_space<vmem>>) dst(%dma_wait3A_296 : memref<10048x128xf32, #tpu.memory_space<vmem_shared>>)
        tpu.yield
      }) : () -> ()
      %add3A_244 = arith.constant 3 : i32
      %add3A_245 = arith.addi %add3A_233, %add3A_244 : i32
      %lt3A_246 = arith.cmpi slt, %add3A_245, %select_n3A_8 : i32
      %convert_element_type3A_247 = arith.extui %lt3A_246 : i1 to i32
      %cond3A_248 = arith.constant 0 : i32
      %cond3A_249 = arith.cmpi ne, %convert_element_type3A_247, %cond3A_248 : i32
      scf.if %cond3A_249 {
        %add3A_284 = arith.addi %select_n3A, %add3A_233 : i32
        %add3A_285 = arith.constant 3 : i32
        %add3A_286 = arith.addi %add3A_284, %add3A_285 : i32
        %dma_start3A_287 = arith.constant 1 : i32
        %dma_start3A_288 = arith.constant 0 : i32
        %dma_start3A_289 = arith.constant 0 : i32
        %dma_start3A_290 = tpu.memref_slice %arg5[%dma_start3A_287, %dma_start3A_288, %dma_start3A_289] : memref<3x2x128xi32, #tpu.memory_space<vmem>> -> memref<1x2x128xi32, #tpu.memory_space<vmem>>
        %dma_start3A_291 = tpu.memref_squeeze %dma_start3A_290 : memref<1x2x128xi32, #tpu.memory_space<vmem>> -> memref<2x128xi32, #tpu.memory_space<vmem>>
        %dma_start3A_292 = arith.constant 0 : i32
        %dma_start3A_293 = arith.constant 0 : i32
        %dma_start3A_294 = tpu.memref_slice %arg3[%add3A_286, %dma_start3A_292, %dma_start3A_293] : memref<2560x2x128xi32, #tpu.memory_space<hbm>> -> memref<1x2x128xi32, #tpu.memory_space<hbm>>
        %dma_start3A_295 = tpu.memref_squeeze %dma_start3A_294 : memref<1x2x128xi32, #tpu.memory_space<hbm>> -> memref<2x128xi32, #tpu.memory_space<hbm>>
        %dma_start3A_296 = arith.constant 0 : i32
        %dma_start3A_297 = arith.constant 0 : i32
        %dma_start3A_298 = tpu.memref_slice %arg5[%dma_start3A_287, %dma_start3A_296, %dma_start3A_297] : memref<3x2x128xi32, #tpu.memory_space<vmem>> -> memref<1x2x128xi32, #tpu.memory_space<vmem>>
        %dma_start3A_299 = tpu.memref_squeeze %dma_start3A_298 : memref<1x2x128xi32, #tpu.memory_space<vmem>> -> memref<2x128xi32, #tpu.memory_space<vmem>>
        %dma_start3A_300 = arith.constant 0 : i32
        %dma_start3A_301 = arith.constant 0 : i32
        %dma_start3A_302 = tpu.memref_slice %arg3[%add3A_286, %dma_start3A_300, %dma_start3A_301] : memref<2560x2x128xi32, #tpu.memory_space<hbm>> -> memref<1x2x128xi32, #tpu.memory_space<hbm>>
        %dma_start3A_303 = tpu.memref_squeeze %dma_start3A_302 : memref<1x2x128xi32, #tpu.memory_space<hbm>> -> memref<2x128xi32, #tpu.memory_space<hbm>>
        tpu.enqueue_dma source(%dma_start3A_303 : memref<2x128xi32, #tpu.memory_space<hbm>>) target(%dma_start3A_299 : memref<2x128xi32, #tpu.memory_space<vmem>>) target_semaphore(%arg14 : memref<!tpu.dma_semaphore, #tpu.memory_space<semaphore_mem>>)
      } else {
      }
      %add3A_250 = arith.constant 3 : i32
      %add3A_251 = arith.addi %add3A_233, %add3A_250 : i32
      %sub3A_252 = arith.constant 1 : i32
      %sub3A_253 = arith.subi %add3A_251, %sub3A_252 : i32
      %lt3A_254 = arith.cmpi slt, %sub3A_253, %select_n3A_8 : i32
      %convert_element_type3A_255 = arith.extui %lt3A_254 : i1 to i32
      %cond3A_256 = arith.constant 0 : i32
      %cond3A_257 = arith.cmpi ne, %convert_element_type3A_255, %cond3A_256 : i32
      scf.if %cond3A_257 {
        %add3A_284 = arith.addi %select_n3A, %add3A_233 : i32
        %add3A_285 = arith.constant 3 : i32
        %add3A_286 = arith.addi %add3A_284, %add3A_285 : i32
        %sub3A_287 = arith.constant 1 : i32
        %sub3A_288 = arith.subi %add3A_286, %sub3A_287 : i32
        %dma_wait3A_289 = arith.constant 0 : i32
        %dma_wait3A_290 = arith.constant 0 : i32
        %dma_wait3A_291 = arith.constant 0 : i32
        %dma_wait3A_292 = tpu.memref_slice %arg5[%dma_wait3A_289, %dma_wait3A_290, %dma_wait3A_291] : memref<3x2x128xi32, #tpu.memory_space<vmem>> -> memref<1x2x128xi32, #tpu.memory_space<vmem>>
        %dma_wait3A_293 = tpu.memref_squeeze %dma_wait3A_292 : memref<1x2x128xi32, #tpu.memory_space<vmem>> -> memref<2x128xi32, #tpu.memory_space<vmem>>
        %dma_wait3A_294 = arith.constant 0 : i32
        %dma_wait3A_295 = arith.constant 0 : i32
        %dma_wait3A_296 = tpu.memref_slice %arg3[%sub3A_288, %dma_wait3A_294, %dma_wait3A_295] : memref<2560x2x128xi32, #tpu.memory_space<hbm>> -> memref<1x2x128xi32, #tpu.memory_space<hbm>>
        %dma_wait3A_297 = tpu.memref_squeeze %dma_wait3A_296 : memref<1x2x128xi32, #tpu.memory_space<hbm>> -> memref<2x128xi32, #tpu.memory_space<hbm>>
        %dma_wait3A_298 = arith.constant 0 : i32
        %dma_wait3A_299 = arith.constant 0 : i32
        %dma_wait3A_300 = tpu.memref_slice %arg5[%dma_wait3A_289, %dma_wait3A_298, %dma_wait3A_299] : memref<3x2x128xi32, #tpu.memory_space<vmem>> -> memref<1x2x128xi32, #tpu.memory_space<vmem>>
        %dma_wait3A_301 = tpu.memref_squeeze %dma_wait3A_300 : memref<1x2x128xi32, #tpu.memory_space<vmem>> -> memref<2x128xi32, #tpu.memory_space<vmem>>
        %dma_wait3A_302 = arith.constant 0 : i32
        %dma_wait3A_303 = arith.constant 0 : i32
        %dma_wait3A_304 = tpu.memref_slice %arg3[%sub3A_288, %dma_wait3A_302, %dma_wait3A_303] : memref<2560x2x128xi32, #tpu.memory_space<hbm>> -> memref<1x2x128xi32, #tpu.memory_space<hbm>>
        %dma_wait3A_305 = tpu.memref_squeeze %dma_wait3A_304 : memref<1x2x128xi32, #tpu.memory_space<hbm>> -> memref<2x128xi32, #tpu.memory_space<hbm>>
        tpu.wait_dma2 semaphore(%arg13 : memref<!tpu.dma_semaphore, #tpu.memory_space<semaphore_mem>>) src(%dma_wait3A_305 : memref<2x128xi32, #tpu.memory_space<hbm>>) dst(%dma_wait3A_301 : memref<2x128xi32, #tpu.memory_space<vmem>>)
        %dma_start3A_306 = arith.constant 0 : i32
        %dma_start3A_307 = arith.constant 0 : i32
        %dma_start3A_308 = arith.constant 0 : i32
        %dma_start3A_309 = tpu.memref_slice %arg5[%dma_start3A_306, %dma_start3A_307, %dma_start3A_308] : memref<3x2x128xi32, #tpu.memory_space<vmem>> -> memref<1x1x128xi32, #tpu.memory_space<vmem>>
        %dma_start3A_310 = tpu.memref_squeeze %dma_start3A_309 : memref<1x1x128xi32, #tpu.memory_space<vmem>> -> memref<128xi32, #tpu.memory_space<vmem>>
        %dma_start3A_311 = arith.constant 0 : i32
        %dma_start3A_312 = arith.constant 0 : i32
        %dma_start3A_313 = tpu.memref_slice %arg2[%dma_start3A_311, %dma_start3A_312] : memref<10048x128xf32, #tpu.memory_space<hbm>> -> memref<10048x128xf32, #tpu.memory_space<hbm>>
        tpu.enqueue_indirect_dma source(%dma_start3A_313 : memref<10048x128xf32, #tpu.memory_space<hbm>>) target(%arg6 : memref<128x128xf32, #tpu.memory_space<vmem>>) offsets(%dma_start3A_310 : memref<128xi32, #tpu.memory_space<vmem>>) semaphore(%arg10 : memref<!tpu.dma_semaphore, #tpu.memory_space<semaphore_mem>>)
      } else {
      }
      %add3A_258 = arith.constant 2 : i32
      %add3A_259 = arith.addi %mul3A_206, %add3A_258 : i32
      %dma_wait3A_260 = arith.constant 2 : i32
      %dma_wait3A_261 = arith.constant 0 : i32
      %dma_wait3A_262 = arith.constant 0 : i32
      %dma_wait3A_263 = tpu.memref_slice %arg5[%dma_wait3A_260, %dma_wait3A_261, %dma_wait3A_262] : memref<3x2x128xi32, #tpu.memory_space<vmem>> -> memref<1x1x128xi32, #tpu.memory_space<vmem>>
      %dma_wait3A_264 = tpu.memref_squeeze %dma_wait3A_263 : memref<1x1x128xi32, #tpu.memory_space<vmem>> -> memref<128xi32, #tpu.memory_space<vmem>>
      %dma_wait3A_265 = arith.constant 0 : i32
      %dma_wait3A_266 = arith.constant 0 : i32
      %dma_wait3A_267 = tpu.memref_slice %arg2[%dma_wait3A_265, %dma_wait3A_266] : memref<10048x128xf32, #tpu.memory_space<hbm>> -> memref<10048x128xf32, #tpu.memory_space<hbm>>
      tpu.wait_indirect_dma semaphore(%arg12 : memref<!tpu.dma_semaphore, #tpu.memory_space<semaphore_mem>>) src(%dma_wait3A_267 : memref<10048x128xf32, #tpu.memory_space<hbm>>) dst(%arg8 : memref<128x128xf32, #tpu.memory_space<vmem>>)
      %run_scoped3A_268 = arith.constant 2 : i32
      %run_scoped3A_269 = arith.constant 1 : i32
      "tpu.region"() ({
        %run_scoped3A_284 = tpu.sem_alloc : memref<!tpu.dma_semaphore, #tpu.memory_space<semaphore_mem>>
        %dma_start3A_285 = arith.constant 0 : i32
        %dma_start3A_286 = tpu.memref_slice %arg5[%run_scoped3A_268, %run_scoped3A_269, %dma_start3A_285] : memref<3x2x128xi32, #tpu.memory_space<vmem>> -> memref<1x1x128xi32, #tpu.memory_space<vmem>>
        %dma_start3A_287 = tpu.memref_squeeze %dma_start3A_286 : memref<1x1x128xi32, #tpu.memory_space<vmem>> -> memref<128xi32, #tpu.memory_space<vmem>>
        %dma_start3A_288 = arith.constant 0 : i32
        %dma_start3A_289 = arith.constant 0 : i32
        %dma_start3A_290 = tpu.memref_slice %arg9[%dma_start3A_288, %dma_start3A_289] : memref<10048x128xf32, #tpu.memory_space<vmem_shared>> -> memref<10048x128xf32, #tpu.memory_space<vmem_shared>>
        tpu.enqueue_indirect_dma source(%arg8 : memref<128x128xf32, #tpu.memory_space<vmem>>) target(%dma_start3A_290 : memref<10048x128xf32, #tpu.memory_space<vmem_shared>>) offsets(%dma_start3A_287 : memref<128xi32, #tpu.memory_space<vmem>>) semaphore(%run_scoped3A_284 : memref<!tpu.dma_semaphore, #tpu.memory_space<semaphore_mem>>) {add = true}
        %dma_wait3A_291 = arith.constant 0 : i32
        %dma_wait3A_292 = tpu.memref_slice %arg5[%run_scoped3A_268, %run_scoped3A_269, %dma_wait3A_291] : memref<3x2x128xi32, #tpu.memory_space<vmem>> -> memref<1x1x128xi32, #tpu.memory_space<vmem>>
        %dma_wait3A_293 = tpu.memref_squeeze %dma_wait3A_292 : memref<1x1x128xi32, #tpu.memory_space<vmem>> -> memref<128xi32, #tpu.memory_space<vmem>>
        %dma_wait3A_294 = arith.constant 0 : i32
        %dma_wait3A_295 = arith.constant 0 : i32
        %dma_wait3A_296 = tpu.memref_slice %arg9[%dma_wait3A_294, %dma_wait3A_295] : memref<10048x128xf32, #tpu.memory_space<vmem_shared>> -> memref<10048x128xf32, #tpu.memory_space<vmem_shared>>
        tpu.wait_indirect_dma semaphore(%run_scoped3A_284 : memref<!tpu.dma_semaphore, #tpu.memory_space<semaphore_mem>>) src(%arg8 : memref<128x128xf32, #tpu.memory_space<vmem>>) dst(%dma_wait3A_296 : memref<10048x128xf32, #tpu.memory_space<vmem_shared>>)
        tpu.yield
      }) : () -> ()
      %add3A_270 = arith.constant 3 : i32
      %add3A_271 = arith.addi %add3A_259, %add3A_270 : i32
      %lt3A_272 = arith.cmpi slt, %add3A_271, %select_n3A_8 : i32
      %convert_element_type3A_273 = arith.extui %lt3A_272 : i1 to i32
      %cond3A_274 = arith.constant 0 : i32
      %cond3A_275 = arith.cmpi ne, %convert_element_type3A_273, %cond3A_274 : i32
      scf.if %cond3A_275 {
        %add3A_284 = arith.addi %select_n3A, %add3A_259 : i32
        %add3A_285 = arith.constant 3 : i32
        %add3A_286 = arith.addi %add3A_284, %add3A_285 : i32
        %dma_start3A_287 = arith.constant 2 : i32
        %dma_start3A_288 = arith.constant 0 : i32
        %dma_start3A_289 = arith.constant 0 : i32
        %dma_start3A_290 = tpu.memref_slice %arg5[%dma_start3A_287, %dma_start3A_288, %dma_start3A_289] : memref<3x2x128xi32, #tpu.memory_space<vmem>> -> memref<1x2x128xi32, #tpu.memory_space<vmem>>
        %dma_start3A_291 = tpu.memref_squeeze %dma_start3A_290 : memref<1x2x128xi32, #tpu.memory_space<vmem>> -> memref<2x128xi32, #tpu.memory_space<vmem>>
        %dma_start3A_292 = arith.constant 0 : i32
        %dma_start3A_293 = arith.constant 0 : i32
        %dma_start3A_294 = tpu.memref_slice %arg3[%add3A_286, %dma_start3A_292, %dma_start3A_293] : memref<2560x2x128xi32, #tpu.memory_space<hbm>> -> memref<1x2x128xi32, #tpu.memory_space<hbm>>
        %dma_start3A_295 = tpu.memref_squeeze %dma_start3A_294 : memref<1x2x128xi32, #tpu.memory_space<hbm>> -> memref<2x128xi32, #tpu.memory_space<hbm>>
        %dma_start3A_296 = arith.constant 0 : i32
        %dma_start3A_297 = arith.constant 0 : i32
        %dma_start3A_298 = tpu.memref_slice %arg5[%dma_start3A_287, %dma_start3A_296, %dma_start3A_297] : memref<3x2x128xi32, #tpu.memory_space<vmem>> -> memref<1x2x128xi32, #tpu.memory_space<vmem>>
        %dma_start3A_299 = tpu.memref_squeeze %dma_start3A_298 : memref<1x2x128xi32, #tpu.memory_space<vmem>> -> memref<2x128xi32, #tpu.memory_space<vmem>>
        %dma_start3A_300 = arith.constant 0 : i32
        %dma_start3A_301 = arith.constant 0 : i32
        %dma_start3A_302 = tpu.memref_slice %arg3[%add3A_286, %dma_start3A_300, %dma_start3A_301] : memref<2560x2x128xi32, #tpu.memory_space<hbm>> -> memref<1x2x128xi32, #tpu.memory_space<hbm>>
        %dma_start3A_303 = tpu.memref_squeeze %dma_start3A_302 : memref<1x2x128xi32, #tpu.memory_space<hbm>> -> memref<2x128xi32, #tpu.memory_space<hbm>>
        tpu.enqueue_dma source(%dma_start3A_303 : memref<2x128xi32, #tpu.memory_space<hbm>>) target(%dma_start3A_299 : memref<2x128xi32, #tpu.memory_space<vmem>>) target_semaphore(%arg15 : memref<!tpu.dma_semaphore, #tpu.memory_space<semaphore_mem>>)
      } else {
      }
      %add3A_276 = arith.constant 3 : i32
      %add3A_277 = arith.addi %add3A_259, %add3A_276 : i32
      %sub3A_278 = arith.constant 1 : i32
      %sub3A_279 = arith.subi %add3A_277, %sub3A_278 : i32
      %lt3A_280 = arith.cmpi slt, %sub3A_279, %select_n3A_8 : i32
      %convert_element_type3A_281 = arith.extui %lt3A_280 : i1 to i32
      %cond3A_282 = arith.constant 0 : i32
      %cond3A_283 = arith.cmpi ne, %convert_element_type3A_281, %cond3A_282 : i32
      scf.if %cond3A_283 {
        %add3A_284 = arith.addi %select_n3A, %add3A_259 : i32
        %add3A_285 = arith.constant 3 : i32
        %add3A_286 = arith.addi %add3A_284, %add3A_285 : i32
        %sub3A_287 = arith.constant 1 : i32
        %sub3A_288 = arith.subi %add3A_286, %sub3A_287 : i32
        %dma_wait3A_289 = arith.constant 1 : i32
        %dma_wait3A_290 = arith.constant 0 : i32
        %dma_wait3A_291 = arith.constant 0 : i32
        %dma_wait3A_292 = tpu.memref_slice %arg5[%dma_wait3A_289, %dma_wait3A_290, %dma_wait3A_291] : memref<3x2x128xi32, #tpu.memory_space<vmem>> -> memref<1x2x128xi32, #tpu.memory_space<vmem>>
        %dma_wait3A_293 = tpu.memref_squeeze %dma_wait3A_292 : memref<1x2x128xi32, #tpu.memory_space<vmem>> -> memref<2x128xi32, #tpu.memory_space<vmem>>
        %dma_wait3A_294 = arith.constant 0 : i32
        %dma_wait3A_295 = arith.constant 0 : i32
        %dma_wait3A_296 = tpu.memref_slice %arg3[%sub3A_288, %dma_wait3A_294, %dma_wait3A_295] : memref<2560x2x128xi32, #tpu.memory_space<hbm>> -> memref<1x2x128xi32, #tpu.memory_space<hbm>>
        %dma_wait3A_297 = tpu.memref_squeeze %dma_wait3A_296 : memref<1x2x128xi32, #tpu.memory_space<hbm>> -> memref<2x128xi32, #tpu.memory_space<hbm>>
        %dma_wait3A_298 = arith.constant 0 : i32
        %dma_wait3A_299 = arith.constant 0 : i32
        %dma_wait3A_300 = tpu.memref_slice %arg5[%dma_wait3A_289, %dma_wait3A_298, %dma_wait3A_299] : memref<3x2x128xi32, #tpu.memory_space<vmem>> -> memref<1x2x128xi32, #tpu.memory_space<vmem>>
        %dma_wait3A_301 = tpu.memref_squeeze %dma_wait3A_300 : memref<1x2x128xi32, #tpu.memory_space<vmem>> -> memref<2x128xi32, #tpu.memory_space<vmem>>
        %dma_wait3A_302 = arith.constant 0 : i32
        %dma_wait3A_303 = arith.constant 0 : i32
        %dma_wait3A_304 = tpu.memref_slice %arg3[%sub3A_288, %dma_wait3A_302, %dma_wait3A_303] : memref<2560x2x128xi32, #tpu.memory_space<hbm>> -> memref<1x2x128xi32, #tpu.memory_space<hbm>>
        %dma_wait3A_305 = tpu.memref_squeeze %dma_wait3A_304 : memref<1x2x128xi32, #tpu.memory_space<hbm>> -> memref<2x128xi32, #tpu.memory_space<hbm>>
        tpu.wait_dma2 semaphore(%arg14 : memref<!tpu.dma_semaphore, #tpu.memory_space<semaphore_mem>>) src(%dma_wait3A_305 : memref<2x128xi32, #tpu.memory_space<hbm>>) dst(%dma_wait3A_301 : memref<2x128xi32, #tpu.memory_space<vmem>>)
        %dma_start3A_306 = arith.constant 1 : i32
        %dma_start3A_307 = arith.constant 0 : i32
        %dma_start3A_308 = arith.constant 0 : i32
        %dma_start3A_309 = tpu.memref_slice %arg5[%dma_start3A_306, %dma_start3A_307, %dma_start3A_308] : memref<3x2x128xi32, #tpu.memory_space<vmem>> -> memref<1x1x128xi32, #tpu.memory_space<vmem>>
        %dma_start3A_310 = tpu.memref_squeeze %dma_start3A_309 : memref<1x1x128xi32, #tpu.memory_space<vmem>> -> memref<128xi32, #tpu.memory_space<vmem>>
        %dma_start3A_311 = arith.constant 0 : i32
        %dma_start3A_312 = arith.constant 0 : i32
        %dma_start3A_313 = tpu.memref_slice %arg2[%dma_start3A_311, %dma_start3A_312] : memref<10048x128xf32, #tpu.memory_space<hbm>> -> memref<10048x128xf32, #tpu.memory_space<hbm>>
        tpu.enqueue_indirect_dma source(%dma_start3A_313 : memref<10048x128xf32, #tpu.memory_space<hbm>>) target(%arg7 : memref<128x128xf32, #tpu.memory_space<vmem>>) offsets(%dma_start3A_310 : memref<128xi32, #tpu.memory_space<vmem>>) semaphore(%arg11 : memref<!tpu.dma_semaphore, #tpu.memory_space<semaphore_mem>>)
      } else {
      }
    }
    %jit3A_168 = arith.constant 3 : i32
    %eq3A_169 = arith.constant 0 : i32
    %eq3A_170 = arith.cmpi eq, %jit3A_168, %eq3A_169 : i32
    %jit3A_171 = arith.constant 1 : i32
    %select_n3A_172 = arith.select %eq3A_170, %jit3A_171, %jit3A_168 : i32
    %rem3A_173 = arith.remsi %select_n3A_8, %select_n3A_172 : i32
    %ne3A_174 = arith.constant 0 : i32
    %ne3A_175 = arith.cmpi ne, %rem3A_173, %ne3A_174 : i32
    %lt3A_176 = arith.constant 0 : i32
    %lt3A_177 = arith.cmpi slt, %rem3A_173, %lt3A_176 : i32
    %lt3A_178 = arith.constant 0 : i32
    %lt3A_179 = arith.cmpi slt, %select_n3A_172, %lt3A_178 : i32
    %ne3A_180 = arith.xori %lt3A_177, %lt3A_179 : i1
    %and3A_181 = arith.andi %ne3A_180, %ne3A_175 : i1
    %add3A_182 = arith.addi %rem3A_173, %select_n3A_172 : i32
    %select_n3A_183 = arith.select %and3A_181, %add3A_182, %rem3A_173 : i32
    %gt3A = arith.constant 0 : i32
    %gt3A_184 = arith.cmpi sgt, %select_n3A_183, %gt3A : i32
    %convert_element_type3A_185 = arith.extui %gt3A_184 : i1 to i32
    %cond3A_186 = arith.constant 0 : i32
    %cond3A_187 = arith.cmpi ne, %convert_element_type3A_185, %cond3A_186 : i32
    scf.if %cond3A_187 {
      %dma_wait3A_204 = arith.constant 0 : i32
      %dma_wait3A_205 = arith.constant 0 : i32
      %dma_wait3A_206 = arith.constant 0 : i32
      %dma_wait3A_207 = tpu.memref_slice %arg5[%dma_wait3A_204, %dma_wait3A_205, %dma_wait3A_206] : memref<3x2x128xi32, #tpu.memory_space<vmem>> -> memref<1x1x128xi32, #tpu.memory_space<vmem>>
      %dma_wait3A_208 = tpu.memref_squeeze %dma_wait3A_207 : memref<1x1x128xi32, #tpu.memory_space<vmem>> -> memref<128xi32, #tpu.memory_space<vmem>>
      %dma_wait3A_209 = arith.constant 0 : i32
      %dma_wait3A_210 = arith.constant 0 : i32
      %dma_wait3A_211 = tpu.memref_slice %arg2[%dma_wait3A_209, %dma_wait3A_210] : memref<10048x128xf32, #tpu.memory_space<hbm>> -> memref<10048x128xf32, #tpu.memory_space<hbm>>
      tpu.wait_indirect_dma semaphore(%arg10 : memref<!tpu.dma_semaphore, #tpu.memory_space<semaphore_mem>>) src(%dma_wait3A_211 : memref<10048x128xf32, #tpu.memory_space<hbm>>) dst(%arg6 : memref<128x128xf32, #tpu.memory_space<vmem>>)
      %run_scoped3A = arith.constant 0 : i32
      %run_scoped3A_212 = arith.constant 1 : i32
      "tpu.region"() ({
        %run_scoped3A_213 = tpu.sem_alloc : memref<!tpu.dma_semaphore, #tpu.memory_space<semaphore_mem>>
        %dma_start3A_214 = arith.constant 0 : i32
        %dma_start3A_215 = tpu.memref_slice %arg5[%run_scoped3A, %run_scoped3A_212, %dma_start3A_214] : memref<3x2x128xi32, #tpu.memory_space<vmem>> -> memref<1x1x128xi32, #tpu.memory_space<vmem>>
        %dma_start3A_216 = tpu.memref_squeeze %dma_start3A_215 : memref<1x1x128xi32, #tpu.memory_space<vmem>> -> memref<128xi32, #tpu.memory_space<vmem>>
        %dma_start3A_217 = arith.constant 0 : i32
        %dma_start3A_218 = arith.constant 0 : i32
        %dma_start3A_219 = tpu.memref_slice %arg9[%dma_start3A_217, %dma_start3A_218] : memref<10048x128xf32, #tpu.memory_space<vmem_shared>> -> memref<10048x128xf32, #tpu.memory_space<vmem_shared>>
        tpu.enqueue_indirect_dma source(%arg6 : memref<128x128xf32, #tpu.memory_space<vmem>>) target(%dma_start3A_219 : memref<10048x128xf32, #tpu.memory_space<vmem_shared>>) offsets(%dma_start3A_216 : memref<128xi32, #tpu.memory_space<vmem>>) semaphore(%run_scoped3A_213 : memref<!tpu.dma_semaphore, #tpu.memory_space<semaphore_mem>>) {add = true}
        %dma_wait3A_220 = arith.constant 0 : i32
        %dma_wait3A_221 = tpu.memref_slice %arg5[%run_scoped3A, %run_scoped3A_212, %dma_wait3A_220] : memref<3x2x128xi32, #tpu.memory_space<vmem>> -> memref<1x1x128xi32, #tpu.memory_space<vmem>>
        %dma_wait3A_222 = tpu.memref_squeeze %dma_wait3A_221 : memref<1x1x128xi32, #tpu.memory_space<vmem>> -> memref<128xi32, #tpu.memory_space<vmem>>
        %dma_wait3A_223 = arith.constant 0 : i32
        %dma_wait3A_224 = arith.constant 0 : i32
        %dma_wait3A_225 = tpu.memref_slice %arg9[%dma_wait3A_223, %dma_wait3A_224] : memref<10048x128xf32, #tpu.memory_space<vmem_shared>> -> memref<10048x128xf32, #tpu.memory_space<vmem_shared>>
        tpu.wait_indirect_dma semaphore(%run_scoped3A_213 : memref<!tpu.dma_semaphore, #tpu.memory_space<semaphore_mem>>) src(%arg6 : memref<128x128xf32, #tpu.memory_space<vmem>>) dst(%dma_wait3A_225 : memref<10048x128xf32, #tpu.memory_space<vmem_shared>>)
        tpu.yield
      }) : () -> ()
    } else {
    }
    %gt3A_188 = arith.constant 1 : i32
    %gt3A_189 = arith.cmpi sgt, %select_n3A_183, %gt3A_188 : i32
    %convert_element_type3A_190 = arith.extui %gt3A_189 : i1 to i32
    %cond3A_191 = arith.constant 0 : i32
    %cond3A_192 = arith.cmpi ne, %convert_element_type3A_190, %cond3A_191 : i32
    scf.if %cond3A_192 {
      %dma_wait3A_204 = arith.constant 1 : i32
      %dma_wait3A_205 = arith.constant 0 : i32
      %dma_wait3A_206 = arith.constant 0 : i32
      %dma_wait3A_207 = tpu.memref_slice %arg5[%dma_wait3A_204, %dma_wait3A_205, %dma_wait3A_206] : memref<3x2x128xi32, #tpu.memory_space<vmem>> -> memref<1x1x128xi32, #tpu.memory_space<vmem>>
      %dma_wait3A_208 = tpu.memref_squeeze %dma_wait3A_207 : memref<1x1x128xi32, #tpu.memory_space<vmem>> -> memref<128xi32, #tpu.memory_space<vmem>>
      %dma_wait3A_209 = arith.constant 0 : i32
      %dma_wait3A_210 = arith.constant 0 : i32
      %dma_wait3A_211 = tpu.memref_slice %arg2[%dma_wait3A_209, %dma_wait3A_210] : memref<10048x128xf32, #tpu.memory_space<hbm>> -> memref<10048x128xf32, #tpu.memory_space<hbm>>
      tpu.wait_indirect_dma semaphore(%arg11 : memref<!tpu.dma_semaphore, #tpu.memory_space<semaphore_mem>>) src(%dma_wait3A_211 : memref<10048x128xf32, #tpu.memory_space<hbm>>) dst(%arg7 : memref<128x128xf32, #tpu.memory_space<vmem>>)
      %run_scoped3A = arith.constant 1 : i32
      %run_scoped3A_212 = arith.constant 1 : i32
      "tpu.region"() ({
        %run_scoped3A_213 = tpu.sem_alloc : memref<!tpu.dma_semaphore, #tpu.memory_space<semaphore_mem>>
        %dma_start3A_214 = arith.constant 0 : i32
        %dma_start3A_215 = tpu.memref_slice %arg5[%run_scoped3A, %run_scoped3A_212, %dma_start3A_214] : memref<3x2x128xi32, #tpu.memory_space<vmem>> -> memref<1x1x128xi32, #tpu.memory_space<vmem>>
        %dma_start3A_216 = tpu.memref_squeeze %dma_start3A_215 : memref<1x1x128xi32, #tpu.memory_space<vmem>> -> memref<128xi32, #tpu.memory_space<vmem>>
        %dma_start3A_217 = arith.constant 0 : i32
        %dma_start3A_218 = arith.constant 0 : i32
        %dma_start3A_219 = tpu.memref_slice %arg9[%dma_start3A_217, %dma_start3A_218] : memref<10048x128xf32, #tpu.memory_space<vmem_shared>> -> memref<10048x128xf32, #tpu.memory_space<vmem_shared>>
        tpu.enqueue_indirect_dma source(%arg7 : memref<128x128xf32, #tpu.memory_space<vmem>>) target(%dma_start3A_219 : memref<10048x128xf32, #tpu.memory_space<vmem_shared>>) offsets(%dma_start3A_216 : memref<128xi32, #tpu.memory_space<vmem>>) semaphore(%run_scoped3A_213 : memref<!tpu.dma_semaphore, #tpu.memory_space<semaphore_mem>>) {add = true}
        %dma_wait3A_220 = arith.constant 0 : i32
        %dma_wait3A_221 = tpu.memref_slice %arg5[%run_scoped3A, %run_scoped3A_212, %dma_wait3A_220] : memref<3x2x128xi32, #tpu.memory_space<vmem>> -> memref<1x1x128xi32, #tpu.memory_space<vmem>>
        %dma_wait3A_222 = tpu.memref_squeeze %dma_wait3A_221 : memref<1x1x128xi32, #tpu.memory_space<vmem>> -> memref<128xi32, #tpu.memory_space<vmem>>
        %dma_wait3A_223 = arith.constant 0 : i32
        %dma_wait3A_224 = arith.constant 0 : i32
        %dma_wait3A_225 = tpu.memref_slice %arg9[%dma_wait3A_223, %dma_wait3A_224] : memref<10048x128xf32, #tpu.memory_space<vmem_shared>> -> memref<10048x128xf32, #tpu.memory_space<vmem_shared>>
        tpu.wait_indirect_dma semaphore(%run_scoped3A_213 : memref<!tpu.dma_semaphore, #tpu.memory_space<semaphore_mem>>) src(%arg7 : memref<128x128xf32, #tpu.memory_space<vmem>>) dst(%dma_wait3A_225 : memref<10048x128xf32, #tpu.memory_space<vmem_shared>>)
        tpu.yield
      }) : () -> ()
    } else {
    }
    %barrier3A_193 = arith.constant 0 : index
    tpu.barrier barrier_id(%barrier3A_193)
    %lt3A_194 = arith.constant 15 : i32
    %lt3A_195 = arith.cmpi slt, %arg1, %lt3A_194 : i32
    %convert_element_type3A_196 = arith.extui %lt3A_195 : i1 to i32
    %cond3A_197 = arith.constant 0 : i32
    %cond3A_198 = arith.cmpi ne, %convert_element_type3A_196, %cond3A_197 : i32
    scf.if %cond3A_198 {
      %mul3A_204 = arith.constant 632 : i32
      %mul3A_205 = arith.muli %arg1, %mul3A_204 : i32
      %mul3A_206 = arith.constant 632 : i32
      %mul3A_207 = arith.muli %arg1, %mul3A_206 : i32
      "tpu.region"() ({
        %run_scoped3A = tpu.sem_alloc : memref<!tpu.dma_semaphore, #tpu.memory_space<semaphore_mem>>
        %dma_start3A_208 = arith.constant 0 : i32
        %dma_start3A_209 = tpu.memref_slice %arg4[%arg0, %mul3A_207, %dma_start3A_208] : memref<2x10048x128xf32, #tpu.memory_space<hbm>> -> memref<1x632x128xf32, #tpu.memory_space<hbm>>
        %dma_start3A_210 = tpu.memref_squeeze %dma_start3A_209 : memref<1x632x128xf32, #tpu.memory_space<hbm>> -> memref<632x128xf32, #tpu.memory_space<hbm>>
        %dma_start3A_211 = arith.constant 0 : i32
        %dma_start3A_212 = tpu.memref_slice %arg9[%mul3A_205, %dma_start3A_211] : memref<10048x128xf32, #tpu.memory_space<vmem_shared>> -> memref<632x128xf32, #tpu.memory_space<vmem_shared>>
        tpu.enqueue_dma source(%dma_start3A_212 : memref<632x128xf32, #tpu.memory_space<vmem_shared>>) target(%dma_start3A_210 : memref<632x128xf32, #tpu.memory_space<hbm>>) target_semaphore(%run_scoped3A : memref<!tpu.dma_semaphore, #tpu.memory_space<semaphore_mem>>)
        %dma_wait3A_213 = arith.constant 0 : i32
        %dma_wait3A_214 = tpu.memref_slice %arg4[%arg0, %mul3A_207, %dma_wait3A_213] : memref<2x10048x128xf32, #tpu.memory_space<hbm>> -> memref<1x632x128xf32, #tpu.memory_space<hbm>>
        %dma_wait3A_215 = tpu.memref_squeeze %dma_wait3A_214 : memref<1x632x128xf32, #tpu.memory_space<hbm>> -> memref<632x128xf32, #tpu.memory_space<hbm>>
        %dma_wait3A_216 = arith.constant 0 : i32
        %dma_wait3A_217 = tpu.memref_slice %arg9[%mul3A_205, %dma_wait3A_216] : memref<10048x128xf32, #tpu.memory_space<vmem_shared>> -> memref<632x128xf32, #tpu.memory_space<vmem_shared>>
        tpu.wait_dma2 semaphore(%run_scoped3A : memref<!tpu.dma_semaphore, #tpu.memory_space<semaphore_mem>>) src(%dma_wait3A_217 : memref<632x128xf32, #tpu.memory_space<vmem_shared>>) dst(%dma_wait3A_215 : memref<632x128xf32, #tpu.memory_space<hbm>>)
        tpu.yield
      }) : () -> ()
    } else {
    }
    %eq3A_199 = arith.constant 15 : i32
    %eq3A_200 = arith.cmpi eq, %arg1, %eq3A_199 : i32
    %convert_element_type3A_201 = arith.extui %eq3A_200 : i1 to i32
    %cond3A_202 = arith.constant 0 : i32
    %cond3A_203 = arith.cmpi ne, %convert_element_type3A_201, %cond3A_202 : i32
    scf.if %cond3A_203 {
      "tpu.region"() ({
        %run_scoped3A = tpu.sem_alloc : memref<!tpu.dma_semaphore, #tpu.memory_space<semaphore_mem>>
        %dma_start3A_204 = arith.constant 9480 : i32
        %dma_start3A_205 = arith.constant 0 : i32
        %dma_start3A_206 = tpu.memref_slice %arg4[%arg0, %dma_start3A_204, %dma_start3A_205] : memref<2x10048x128xf32, #tpu.memory_space<hbm>> -> memref<1x568x128xf32, #tpu.memory_space<hbm>>
        %dma_start3A_207 = tpu.memref_squeeze %dma_start3A_206 : memref<1x568x128xf32, #tpu.memory_space<hbm>> -> memref<568x128xf32, #tpu.memory_space<hbm>>
        %dma_start3A_208 = arith.constant 9480 : i32
        %dma_start3A_209 = arith.constant 0 : i32
        %dma_start3A_210 = tpu.memref_slice %arg9[%dma_start3A_208, %dma_start3A_209] : memref<10048x128xf32, #tpu.memory_space<vmem_shared>> -> memref<568x128xf32, #tpu.memory_space<vmem_shared>>
        tpu.enqueue_dma source(%dma_start3A_210 : memref<568x128xf32, #tpu.memory_space<vmem_shared>>) target(%dma_start3A_207 : memref<568x128xf32, #tpu.memory_space<hbm>>) target_semaphore(%run_scoped3A : memref<!tpu.dma_semaphore, #tpu.memory_space<semaphore_mem>>)
        %dma_wait3A_211 = arith.constant 9480 : i32
        %dma_wait3A_212 = arith.constant 0 : i32
        %dma_wait3A_213 = tpu.memref_slice %arg4[%arg0, %dma_wait3A_211, %dma_wait3A_212] : memref<2x10048x128xf32, #tpu.memory_space<hbm>> -> memref<1x568x128xf32, #tpu.memory_space<hbm>>
        %dma_wait3A_214 = tpu.memref_squeeze %dma_wait3A_213 : memref<1x568x128xf32, #tpu.memory_space<hbm>> -> memref<568x128xf32, #tpu.memory_space<hbm>>
        %dma_wait3A_215 = arith.constant 9480 : i32
        %dma_wait3A_216 = arith.constant 0 : i32
        %dma_wait3A_217 = tpu.memref_slice %arg9[%dma_wait3A_215, %dma_wait3A_216] : memref<10048x128xf32, #tpu.memory_space<vmem_shared>> -> memref<568x128xf32, #tpu.memory_space<vmem_shared>>
        tpu.wait_dma2 semaphore(%run_scoped3A : memref<!tpu.dma_semaphore, #tpu.memory_space<semaphore_mem>>) src(%dma_wait3A_217 : memref<568x128xf32, #tpu.memory_space<vmem_shared>>) dst(%dma_wait3A_214 : memref<568x128xf32, #tpu.memory_space<hbm>>)
        tpu.yield
      }) : () -> ()
    } else {
    }
    return
  }
}

#map = affine_map<(d0, d1) -> (0, 0)>
#map1 = affine_map<(d0, d1) -> (0, 0, 0)>
module attributes {stable_mosaic.version = 14 : i64} {
  func.func @_sc_agg(%arg0: i32, %arg1: i32, %arg2: memref<10048x128xf32, #tpu.memory_space<hbm>>, %arg3: memref<2560x2x128xi32, #tpu.memory_space<hbm>>, %arg4: memref<2x10048x128xf32, #tpu.memory_space<hbm>>, %arg5: memref<3x2x128xi32, #tpu.memory_space<vmem>>, %arg6: memref<128x128xf32, #tpu.memory_space<vmem>>, %arg7: memref<128x128xf32, #tpu.memory_space<vmem>>, %arg8: memref<128x128xf32, #tpu.memory_space<vmem>>, %arg9: memref<10048x128xf32, #tpu.memory_space<vmem_shared>>, %arg10: memref<!tpu.dma_semaphore, #tpu.memory_space<semaphore_mem>>, %arg11: memref<!tpu.dma_semaphore, #tpu.memory_space<semaphore_mem>>, %arg12: memref<!tpu.dma_semaphore, #tpu.memory_space<semaphore_mem>>, %arg13: memref<!tpu.dma_semaphore, #tpu.memory_space<semaphore_mem>>, %arg14: memref<!tpu.dma_semaphore, #tpu.memory_space<semaphore_mem>>, %arg15: memref<!tpu.dma_semaphore, #tpu.memory_space<semaphore_mem>>) attributes {dimension_semantics = [#tpu.dimension_semantics<core_parallel>, #tpu.dimension_semantics<subcore_parallel>], iteration_bounds = array<i64: 2, 16>, scalar_prefetch = 0 : i64, scratch_operands = 11 : i64, tpu.core_type = #tpu.core_type<sc_vector_subcore>, window_params = [{transform_indices = #map}, {transform_indices = #map1}, {transform_indices = #map1}]} {
    %eq3A = arith.constant 0 : i32
    %eq3A_0 = arith.cmpi eq, %arg0, %eq3A : i32
    %mul3A = arith.constant 148 : i32
    %mul3A_1 = arith.muli %arg1, %mul3A : i32
    %mul3A_2 = arith.constant 12 : i32
    %mul3A_3 = arith.muli %arg1, %mul3A_2 : i32
    %add3A = arith.constant 2368 : i32
    %add3A_4 = arith.addi %add3A, %mul3A_3 : i32
    %select_n3A = arith.select %eq3A_0, %mul3A_1, %add3A_4 : i32
    %eq3A_5 = arith.constant 0 : i32
    %eq3A_6 = arith.cmpi eq, %arg0, %eq3A_5 : i32
    %jit3A = arith.constant 148 : i32
    %jit3A_7 = arith.constant 12 : i32
    %select_n3A_8 = arith.select %eq3A_6, %jit3A, %jit3A_7 : i32
    %broadcast_in_dim3A = arith.constant 0.000000e+00 : f32
    %broadcast_in_dim3A_9 = vector.broadcast %broadcast_in_dim3A : f32 to vector<16xf32>
    %scan3A = arith.constant 0 : i32
    %scan3A_10 = arith.constant 0 : i32
    %scan3A_11 = arith.constant 128 : i32
    %scan3A_12 = arith.addi %scan3A_10, %scan3A_11 : i32
    %scan3A_13 = arith.constant 1 : i32
    scf.for %scan3A_204 = %scan3A_10 to %scan3A_12 step %scan3A_13  : i32 {
      %swap3A = arith.index_cast %scan3A_204 : i32 to index
      %swap3A_205 = arith.constant 0 : index
      %swap3A_206 = tpu.vector_load %arg6[%swap3A, %swap3A_205] {strides = array<i32>} : memref<128x128xf32, #tpu.memory_space<vmem>>, vector<1x16xf32>,
      %swap3A_207 = vector.shape_cast %swap3A_206 : vector<1x16xf32> to vector<16xf32>
      %swap3A_208 = vector.shape_cast %broadcast_in_dim3A_9 : vector<16xf32> to vector<1x16xf32>
      tpu.vector_store %arg6[%swap3A, %swap3A_205], %swap3A_208 {strides = array<i32>} : memref<128x128xf32, #tpu.memory_space<vmem>>, vector<1x16xf32>,
      %swap3A_209 = arith.index_cast %scan3A_204 : i32 to index
      %swap3A_210 = arith.constant 16 : index
      %swap3A_211 = tpu.vector_load %arg6[%swap3A_209, %swap3A_210] {strides = array<i32>} : memref<128x128xf32, #tpu.memory_space<vmem>>, vector<1x16xf32>,
      %swap3A_212 = vector.shape_cast %swap3A_211 : vector<1x16xf32> to vector<16xf32>
      %swap3A_213 = vector.shape_cast %broadcast_in_dim3A_9 : vector<16xf32> to vector<1x16xf32>
      tpu.vector_store %arg6[%swap3A_209, %swap3A_210], %swap3A_213 {strides = array<i32>} : memref<128x128xf32, #tpu.memory_space<vmem>>, vector<1x16xf32>,
      %swap3A_214 = arith.index_cast %scan3A_204 : i32 to index
      %swap3A_215 = arith.constant 32 : index
      %swap3A_216 = tpu.vector_load %arg6[%swap3A_214, %swap3A_215] {strides = array<i32>} : memref<128x128xf32, #tpu.memory_space<vmem>>, vector<1x16xf32>,
      %swap3A_217 = vector.shape_cast %swap3A_216 : vector<1x16xf32> to vector<16xf32>
      %swap3A_218 = vector.shape_cast %broadcast_in_dim3A_9 : vector<16xf32> to vector<1x16xf32>
      tpu.vector_store %arg6[%swap3A_214, %swap3A_215], %swap3A_218 {strides = array<i32>} : memref<128x128xf32, #tpu.memory_space<vmem>>, vector<1x16xf32>,
      %swap3A_219 = arith.index_cast %scan3A_204 : i32 to index
      %swap3A_220 = arith.constant 48 : index
      %swap3A_221 = tpu.vector_load %arg6[%swap3A_219, %swap3A_220] {strides = array<i32>} : memref<128x128xf32, #tpu.memory_space<vmem>>, vector<1x16xf32>,
      %swap3A_222 = vector.shape_cast %swap3A_221 : vector<1x16xf32> to vector<16xf32>
      %swap3A_223 = vector.shape_cast %broadcast_in_dim3A_9 : vector<16xf32> to vector<1x16xf32>
      tpu.vector_store %arg6[%swap3A_219, %swap3A_220], %swap3A_223 {strides = array<i32>} : memref<128x128xf32, #tpu.memory_space<vmem>>, vector<1x16xf32>,
      %swap3A_224 = arith.index_cast %scan3A_204 : i32 to index
      %swap3A_225 = arith.constant 64 : index
      %swap3A_226 = tpu.vector_load %arg6[%swap3A_224, %swap3A_225] {strides = array<i32>} : memref<128x128xf32, #tpu.memory_space<vmem>>, vector<1x16xf32>,
      %swap3A_227 = vector.shape_cast %swap3A_226 : vector<1x16xf32> to vector<16xf32>
      %swap3A_228 = vector.shape_cast %broadcast_in_dim3A_9 : vector<16xf32> to vector<1x16xf32>
      tpu.vector_store %arg6[%swap3A_224, %swap3A_225], %swap3A_228 {strides = array<i32>} : memref<128x128xf32, #tpu.memory_space<vmem>>, vector<1x16xf32>,
      %swap3A_229 = arith.index_cast %scan3A_204 : i32 to index
      %swap3A_230 = arith.constant 80 : index
      %swap3A_231 = tpu.vector_load %arg6[%swap3A_229, %swap3A_230] {strides = array<i32>} : memref<128x128xf32, #tpu.memory_space<vmem>>, vector<1x16xf32>,
      %swap3A_232 = vector.shape_cast %swap3A_231 : vector<1x16xf32> to vector<16xf32>
      %swap3A_233 = vector.shape_cast %broadcast_in_dim3A_9 : vector<16xf32> to vector<1x16xf32>
      tpu.vector_store %arg6[%swap3A_229, %swap3A_230], %swap3A_233 {strides = array<i32>} : memref<128x128xf32, #tpu.memory_space<vmem>>, vector<1x16xf32>,
      %swap3A_234 = arith.index_cast %scan3A_204 : i32 to index
      %swap3A_235 = arith.constant 96 : index
      %swap3A_236 = tpu.vector_load %arg6[%swap3A_234, %swap3A_235] {strides = array<i32>} : memref<128x128xf32, #tpu.memory_space<vmem>>, vector<1x16xf32>,
      %swap3A_237 = vector.shape_cast %swap3A_236 : vector<1x16xf32> to vector<16xf32>
      %swap3A_238 = vector.shape_cast %broadcast_in_dim3A_9 : vector<16xf32> to vector<1x16xf32>
      tpu.vector_store %arg6[%swap3A_234, %swap3A_235], %swap3A_238 {strides = array<i32>} : memref<128x128xf32, #tpu.memory_space<vmem>>, vector<1x16xf32>,
      %swap3A_239 = arith.index_cast %scan3A_204 : i32 to index
      %swap3A_240 = arith.constant 112 : index
      %swap3A_241 = tpu.vector_load %arg6[%swap3A_239, %swap3A_240] {strides = array<i32>} : memref<128x128xf32, #tpu.memory_space<vmem>>, vector<1x16xf32>,
      %swap3A_242 = vector.shape_cast %swap3A_241 : vector<1x16xf32> to vector<16xf32>
      %swap3A_243 = vector.shape_cast %broadcast_in_dim3A_9 : vector<16xf32> to vector<1x16xf32>
      tpu.vector_store %arg6[%swap3A_239, %swap3A_240], %swap3A_243 {strides = array<i32>} : memref<128x128xf32, #tpu.memory_space<vmem>>, vector<1x16xf32>,
    }
    %scan3A_14 = arith.constant 128 : i32
    %mul3A_15 = arith.constant 632 : i32
    %mul3A_16 = arith.muli %arg1, %mul3A_15 : i32
    %add3A_17 = arith.constant 0 : i32
    %add3A_18 = arith.addi %mul3A_16, %add3A_17 : i32
    "tpu.region"() ({
      %run_scoped3A = tpu.sem_alloc : memref<!tpu.dma_semaphore, #tpu.memory_space<semaphore_mem>>
      %dma_start3A_204 = arith.constant 0 : i32
      %dma_start3A_205 = tpu.memref_slice %arg9[%add3A_18, %dma_start3A_204] : memref<10048x128xf32, #tpu.memory_space<vmem_shared>> -> memref<128x128xf32, #tpu.memory_space<vmem_shared>>
      %dma_start3A_206 = arith.constant 0 : i32
      %dma_start3A_207 = tpu.memref_slice %arg9[%add3A_18, %dma_start3A_206] : memref<10048x128xf32, #tpu.memory_space<vmem_shared>> -> memref<128x128xf32, #tpu.memory_space<vmem_shared>>
      tpu.enqueue_dma source(%arg6 : memref<128x128xf32, #tpu.memory_space<vmem>>) target(%dma_start3A_207 : memref<128x128xf32, #tpu.memory_space<vmem_shared>>) target_semaphore(%run_scoped3A : memref<!tpu.dma_semaphore, #tpu.memory_space<semaphore_mem>>)
      %dma_wait3A_208 = arith.constant 0 : i32
      %dma_wait3A_209 = tpu.memref_slice %arg9[%add3A_18, %dma_wait3A_208] : memref<10048x128xf32, #tpu.memory_space<vmem_shared>> -> memref<128x128xf32, #tpu.memory_space<vmem_shared>>
      %dma_wait3A_210 = arith.constant 0 : i32
      %dma_wait3A_211 = tpu.memref_slice %arg9[%add3A_18, %dma_wait3A_210] : memref<10048x128xf32, #tpu.memory_space<vmem_shared>> -> memref<128x128xf32, #tpu.memory_space<vmem_shared>>
      tpu.wait_dma2 semaphore(%run_scoped3A : memref<!tpu.dma_semaphore, #tpu.memory_space<semaphore_mem>>) src(%arg6 : memref<128x128xf32, #tpu.memory_space<vmem>>) dst(%dma_wait3A_211 : memref<128x128xf32, #tpu.memory_space<vmem_shared>>)
      tpu.yield
    }) : () -> ()
    %add3A_19 = arith.constant 128 : i32
    %add3A_20 = arith.addi %mul3A_16, %add3A_19 : i32
    "tpu.region"() ({
      %run_scoped3A = tpu.sem_alloc : memref<!tpu.dma_semaphore, #tpu.memory_space<semaphore_mem>>
      %dma_start3A_204 = arith.constant 0 : i32
      %dma_start3A_205 = tpu.memref_slice %arg9[%add3A_20, %dma_start3A_204] : memref<10048x128xf32, #tpu.memory_space<vmem_shared>> -> memref<128x128xf32, #tpu.memory_space<vmem_shared>>
      %dma_start3A_206 = arith.constant 0 : i32
      %dma_start3A_207 = tpu.memref_slice %arg9[%add3A_20, %dma_start3A_206] : memref<10048x128xf32, #tpu.memory_space<vmem_shared>> -> memref<128x128xf32, #tpu.memory_space<vmem_shared>>
      tpu.enqueue_dma source(%arg6 : memref<128x128xf32, #tpu.memory_space<vmem>>) target(%dma_start3A_207 : memref<128x128xf32, #tpu.memory_space<vmem_shared>>) target_semaphore(%run_scoped3A : memref<!tpu.dma_semaphore, #tpu.memory_space<semaphore_mem>>)
      %dma_wait3A_208 = arith.constant 0 : i32
      %dma_wait3A_209 = tpu.memref_slice %arg9[%add3A_20, %dma_wait3A_208] : memref<10048x128xf32, #tpu.memory_space<vmem_shared>> -> memref<128x128xf32, #tpu.memory_space<vmem_shared>>
      %dma_wait3A_210 = arith.constant 0 : i32
      %dma_wait3A_211 = tpu.memref_slice %arg9[%add3A_20, %dma_wait3A_210] : memref<10048x128xf32, #tpu.memory_space<vmem_shared>> -> memref<128x128xf32, #tpu.memory_space<vmem_shared>>
      tpu.wait_dma2 semaphore(%run_scoped3A : memref<!tpu.dma_semaphore, #tpu.memory_space<semaphore_mem>>) src(%arg6 : memref<128x128xf32, #tpu.memory_space<vmem>>) dst(%dma_wait3A_211 : memref<128x128xf32, #tpu.memory_space<vmem_shared>>)
      tpu.yield
    }) : () -> ()
    %add3A_21 = arith.constant 256 : i32
    %add3A_22 = arith.addi %mul3A_16, %add3A_21 : i32
    "tpu.region"() ({
      %run_scoped3A = tpu.sem_alloc : memref<!tpu.dma_semaphore, #tpu.memory_space<semaphore_mem>>
      %dma_start3A_204 = arith.constant 0 : i32
      %dma_start3A_205 = tpu.memref_slice %arg9[%add3A_22, %dma_start3A_204] : memref<10048x128xf32, #tpu.memory_space<vmem_shared>> -> memref<128x128xf32, #tpu.memory_space<vmem_shared>>
      %dma_start3A_206 = arith.constant 0 : i32
      %dma_start3A_207 = tpu.memref_slice %arg9[%add3A_22, %dma_start3A_206] : memref<10048x128xf32, #tpu.memory_space<vmem_shared>> -> memref<128x128xf32, #tpu.memory_space<vmem_shared>>
      tpu.enqueue_dma source(%arg6 : memref<128x128xf32, #tpu.memory_space<vmem>>) target(%dma_start3A_207 : memref<128x128xf32, #tpu.memory_space<vmem_shared>>) target_semaphore(%run_scoped3A : memref<!tpu.dma_semaphore, #tpu.memory_space<semaphore_mem>>)
      %dma_wait3A_208 = arith.constant 0 : i32
      %dma_wait3A_209 = tpu.memref_slice %arg9[%add3A_22, %dma_wait3A_208] : memref<10048x128xf32, #tpu.memory_space<vmem_shared>> -> memref<128x128xf32, #tpu.memory_space<vmem_shared>>
      %dma_wait3A_210 = arith.constant 0 : i32
      %dma_wait3A_211 = tpu.memref_slice %arg9[%add3A_22, %dma_wait3A_210] : memref<10048x128xf32, #tpu.memory_space<vmem_shared>> -> memref<128x128xf32, #tpu.memory_space<vmem_shared>>
      tpu.wait_dma2 semaphore(%run_scoped3A : memref<!tpu.dma_semaphore, #tpu.memory_space<semaphore_mem>>) src(%arg6 : memref<128x128xf32, #tpu.memory_space<vmem>>) dst(%dma_wait3A_211 : memref<128x128xf32, #tpu.memory_space<vmem_shared>>)
      tpu.yield
    }) : () -> ()
    %add3A_23 = arith.constant 384 : i32
    %add3A_24 = arith.addi %mul3A_16, %add3A_23 : i32
    "tpu.region"() ({
      %run_scoped3A = tpu.sem_alloc : memref<!tpu.dma_semaphore, #tpu.memory_space<semaphore_mem>>
      %dma_start3A_204 = arith.constant 0 : i32
      %dma_start3A_205 = tpu.memref_slice %arg9[%add3A_24, %dma_start3A_204] : memref<10048x128xf32, #tpu.memory_space<vmem_shared>> -> memref<128x128xf32, #tpu.memory_space<vmem_shared>>
      %dma_start3A_206 = arith.constant 0 : i32
      %dma_start3A_207 = tpu.memref_slice %arg9[%add3A_24, %dma_start3A_206] : memref<10048x128xf32, #tpu.memory_space<vmem_shared>> -> memref<128x128xf32, #tpu.memory_space<vmem_shared>>
      tpu.enqueue_dma source(%arg6 : memref<128x128xf32, #tpu.memory_space<vmem>>) target(%dma_start3A_207 : memref<128x128xf32, #tpu.memory_space<vmem_shared>>) target_semaphore(%run_scoped3A : memref<!tpu.dma_semaphore, #tpu.memory_space<semaphore_mem>>)
      %dma_wait3A_208 = arith.constant 0 : i32
      %dma_wait3A_209 = tpu.memref_slice %arg9[%add3A_24, %dma_wait3A_208] : memref<10048x128xf32, #tpu.memory_space<vmem_shared>> -> memref<128x128xf32, #tpu.memory_space<vmem_shared>>
      %dma_wait3A_210 = arith.constant 0 : i32
      %dma_wait3A_211 = tpu.memref_slice %arg9[%add3A_24, %dma_wait3A_210] : memref<10048x128xf32, #tpu.memory_space<vmem_shared>> -> memref<128x128xf32, #tpu.memory_space<vmem_shared>>
      tpu.wait_dma2 semaphore(%run_scoped3A : memref<!tpu.dma_semaphore, #tpu.memory_space<semaphore_mem>>) src(%arg6 : memref<128x128xf32, #tpu.memory_space<vmem>>) dst(%dma_wait3A_211 : memref<128x128xf32, #tpu.memory_space<vmem_shared>>)
      tpu.yield
    }) : () -> ()
    %lt3A = arith.constant 15 : i32
    %lt3A_25 = arith.cmpi slt, %arg1, %lt3A : i32
    %convert_element_type3A = arith.extui %lt3A_25 : i1 to i32
    %cond3A = arith.constant 0 : i32
    %cond3A_26 = arith.cmpi ne, %convert_element_type3A, %cond3A : i32
    scf.if %cond3A_26 {
      %add3A_204 = arith.constant 512 : i32
      %add3A_205 = arith.addi %mul3A_16, %add3A_204 : i32
      "tpu.region"() ({
        %run_scoped3A = tpu.sem_alloc : memref<!tpu.dma_semaphore, #tpu.memory_space<semaphore_mem>>
        %dma_start3A_206 = arith.constant 0 : i32
        %dma_start3A_207 = arith.constant 0 : i32
        %dma_start3A_208 = tpu.memref_slice %arg6[%dma_start3A_206, %dma_start3A_207] : memref<128x128xf32, #tpu.memory_space<vmem>> -> memref<120x128xf32, #tpu.memory_space<vmem>>
        %dma_start3A_209 = arith.constant 0 : i32
        %dma_start3A_210 = tpu.memref_slice %arg9[%add3A_205, %dma_start3A_209] : memref<10048x128xf32, #tpu.memory_space<vmem_shared>> -> memref<120x128xf32, #tpu.memory_space<vmem_shared>>
        %dma_start3A_211 = arith.constant 0 : i32
        %dma_start3A_212 = tpu.memref_slice %arg9[%add3A_205, %dma_start3A_211] : memref<10048x128xf32, #tpu.memory_space<vmem_shared>> -> memref<120x128xf32, #tpu.memory_space<vmem_shared>>
        %dma_start3A_213 = arith.constant 0 : i32
        %dma_start3A_214 = arith.constant 0 : i32
        %dma_start3A_215 = tpu.memref_slice %arg6[%dma_start3A_213, %dma_start3A_214] : memref<128x128xf32, #tpu.memory_space<vmem>> -> memref<120x128xf32, #tpu.memory_space<vmem>>
        tpu.enqueue_dma source(%dma_start3A_215 : memref<120x128xf32, #tpu.memory_space<vmem>>) target(%dma_start3A_212 : memref<120x128xf32, #tpu.memory_space<vmem_shared>>) target_semaphore(%run_scoped3A : memref<!tpu.dma_semaphore, #tpu.memory_space<semaphore_mem>>)
        %dma_wait3A_216 = arith.constant 0 : i32
        %dma_wait3A_217 = arith.constant 0 : i32
        %dma_wait3A_218 = tpu.memref_slice %arg6[%dma_wait3A_216, %dma_wait3A_217] : memref<128x128xf32, #tpu.memory_space<vmem>> -> memref<120x128xf32, #tpu.memory_space<vmem>>
        %dma_wait3A_219 = arith.constant 0 : i32
        %dma_wait3A_220 = tpu.memref_slice %arg9[%add3A_205, %dma_wait3A_219] : memref<10048x128xf32, #tpu.memory_space<vmem_shared>> -> memref<120x128xf32, #tpu.memory_space<vmem_shared>>
        %dma_wait3A_221 = arith.constant 0 : i32
        %dma_wait3A_222 = tpu.memref_slice %arg9[%add3A_205, %dma_wait3A_221] : memref<10048x128xf32, #tpu.memory_space<vmem_shared>> -> memref<120x128xf32, #tpu.memory_space<vmem_shared>>
        %dma_wait3A_223 = arith.constant 0 : i32
        %dma_wait3A_224 = arith.constant 0 : i32
        %dma_wait3A_225 = tpu.memref_slice %arg6[%dma_wait3A_223, %dma_wait3A_224] : memref<128x128xf32, #tpu.memory_space<vmem>> -> memref<120x128xf32, #tpu.memory_space<vmem>>
        tpu.wait_dma2 semaphore(%run_scoped3A : memref<!tpu.dma_semaphore, #tpu.memory_space<semaphore_mem>>) src(%dma_wait3A_225 : memref<120x128xf32, #tpu.memory_space<vmem>>) dst(%dma_wait3A_222 : memref<120x128xf32, #tpu.memory_space<vmem_shared>>)
        tpu.yield
      }) : () -> ()
    } else {
    }
    %eq3A_27 = arith.constant 15 : i32
    %eq3A_28 = arith.cmpi eq, %arg1, %eq3A_27 : i32
    %convert_element_type3A_29 = arith.extui %eq3A_28 : i1 to i32
    %cond3A_30 = arith.constant 0 : i32
    %cond3A_31 = arith.cmpi ne, %convert_element_type3A_29, %cond3A_30 : i32
    scf.if %cond3A_31 {
      %add3A_204 = arith.constant 512 : i32
      %add3A_205 = arith.addi %mul3A_16, %add3A_204 : i32
      "tpu.region"() ({
        %run_scoped3A = tpu.sem_alloc : memref<!tpu.dma_semaphore, #tpu.memory_space<semaphore_mem>>
        %dma_start3A_206 = arith.constant 0 : i32
        %dma_start3A_207 = arith.constant 0 : i32
        %dma_start3A_208 = tpu.memref_slice %arg6[%dma_start3A_206, %dma_start3A_207] : memref<128x128xf32, #tpu.memory_space<vmem>> -> memref<56x128xf32, #tpu.memory_space<vmem>>
        %dma_start3A_209 = arith.constant 0 : i32
        %dma_start3A_210 = tpu.memref_slice %arg9[%add3A_205, %dma_start3A_209] : memref<10048x128xf32, #tpu.memory_space<vmem_shared>> -> memref<56x128xf32, #tpu.memory_space<vmem_shared>>
        %dma_start3A_211 = arith.constant 0 : i32
        %dma_start3A_212 = tpu.memref_slice %arg9[%add3A_205, %dma_start3A_211] : memref<10048x128xf32, #tpu.memory_space<vmem_shared>> -> memref<56x128xf32, #tpu.memory_space<vmem_shared>>
        %dma_start3A_213 = arith.constant 0 : i32
        %dma_start3A_214 = arith.constant 0 : i32
        %dma_start3A_215 = tpu.memref_slice %arg6[%dma_start3A_213, %dma_start3A_214] : memref<128x128xf32, #tpu.memory_space<vmem>> -> memref<56x128xf32, #tpu.memory_space<vmem>>
        tpu.enqueue_dma source(%dma_start3A_215 : memref<56x128xf32, #tpu.memory_space<vmem>>) target(%dma_start3A_212 : memref<56x128xf32, #tpu.memory_space<vmem_shared>>) target_semaphore(%run_scoped3A : memref<!tpu.dma_semaphore, #tpu.memory_space<semaphore_mem>>)
        %dma_wait3A_216 = arith.constant 0 : i32
        %dma_wait3A_217 = arith.constant 0 : i32
        %dma_wait3A_218 = tpu.memref_slice %arg6[%dma_wait3A_216, %dma_wait3A_217] : memref<128x128xf32, #tpu.memory_space<vmem>> -> memref<56x128xf32, #tpu.memory_space<vmem>>
        %dma_wait3A_219 = arith.constant 0 : i32
        %dma_wait3A_220 = tpu.memref_slice %arg9[%add3A_205, %dma_wait3A_219] : memref<10048x128xf32, #tpu.memory_space<vmem_shared>> -> memref<56x128xf32, #tpu.memory_space<vmem_shared>>
        %dma_wait3A_221 = arith.constant 0 : i32
        %dma_wait3A_222 = tpu.memref_slice %arg9[%add3A_205, %dma_wait3A_221] : memref<10048x128xf32, #tpu.memory_space<vmem_shared>> -> memref<56x128xf32, #tpu.memory_space<vmem_shared>>
        %dma_wait3A_223 = arith.constant 0 : i32
        %dma_wait3A_224 = arith.constant 0 : i32
        %dma_wait3A_225 = tpu.memref_slice %arg6[%dma_wait3A_223, %dma_wait3A_224] : memref<128x128xf32, #tpu.memory_space<vmem>> -> memref<56x128xf32, #tpu.memory_space<vmem>>
        tpu.wait_dma2 semaphore(%run_scoped3A : memref<!tpu.dma_semaphore, #tpu.memory_space<semaphore_mem>>) src(%dma_wait3A_225 : memref<56x128xf32, #tpu.memory_space<vmem>>) dst(%dma_wait3A_222 : memref<56x128xf32, #tpu.memory_space<vmem_shared>>)
        tpu.yield
      }) : () -> ()
    } else {
    }
    %barrier3A = arith.constant 0 : index
    tpu.barrier barrier_id(%barrier3A)
    %add3A_32 = arith.constant 0 : i32
    %add3A_33 = arith.addi %select_n3A, %add3A_32 : i32
    %dma_start3A = arith.constant 0 : i32
    %dma_start3A_34 = arith.constant 0 : i32
    %dma_start3A_35 = arith.constant 0 : i32
    %dma_start3A_36 = tpu.memref_slice %arg5[%dma_start3A, %dma_start3A_34, %dma_start3A_35] : memref<3x2x128xi32, #tpu.memory_space<vmem>> -> memref<1x2x128xi32, #tpu.memory_space<vmem>>
    %dma_start3A_37 = tpu.memref_squeeze %dma_start3A_36 : memref<1x2x128xi32, #tpu.memory_space<vmem>> -> memref<2x128xi32, #tpu.memory_space<vmem>>
    %dma_start3A_38 = arith.constant 0 : i32
    %dma_start3A_39 = arith.constant 0 : i32
    %dma_start3A_40 = tpu.memref_slice %arg3[%add3A_33, %dma_start3A_38, %dma_start3A_39] : memref<2560x2x128xi32, #tpu.memory_space<hbm>> -> memref<1x2x128xi32, #tpu.memory_space<hbm>>
    %dma_start3A_41 = tpu.memref_squeeze %dma_start3A_40 : memref<1x2x128xi32, #tpu.memory_space<hbm>> -> memref<2x128xi32, #tpu.memory_space<hbm>>
    %dma_start3A_42 = arith.constant 0 : i32
    %dma_start3A_43 = arith.constant 0 : i32
    %dma_start3A_44 = tpu.memref_slice %arg5[%dma_start3A, %dma_start3A_42, %dma_start3A_43] : memref<3x2x128xi32, #tpu.memory_space<vmem>> -> memref<1x2x128xi32, #tpu.memory_space<vmem>>
    %dma_start3A_45 = tpu.memref_squeeze %dma_start3A_44 : memref<1x2x128xi32, #tpu.memory_space<vmem>> -> memref<2x128xi32, #tpu.memory_space<vmem>>
    %dma_start3A_46 = arith.constant 0 : i32
    %dma_start3A_47 = arith.constant 0 : i32
    %dma_start3A_48 = tpu.memref_slice %arg3[%add3A_33, %dma_start3A_46, %dma_start3A_47] : memref<2560x2x128xi32, #tpu.memory_space<hbm>> -> memref<1x2x128xi32, #tpu.memory_space<hbm>>
    %dma_start3A_49 = tpu.memref_squeeze %dma_start3A_48 : memref<1x2x128xi32, #tpu.memory_space<hbm>> -> memref<2x128xi32, #tpu.memory_space<hbm>>
    tpu.enqueue_dma source(%dma_start3A_49 : memref<2x128xi32, #tpu.memory_space<hbm>>) target(%dma_start3A_45 : memref<2x128xi32, #tpu.memory_space<vmem>>) target_semaphore(%arg13 : memref<!tpu.dma_semaphore, #tpu.memory_space<semaphore_mem>>)
    %add3A_50 = arith.constant 1 : i32
    %add3A_51 = arith.addi %select_n3A, %add3A_50 : i32
    %dma_start3A_52 = arith.constant 1 : i32
    %dma_start3A_53 = arith.constant 0 : i32
    %dma_start3A_54 = arith.constant 0 : i32
    %dma_start3A_55 = tpu.memref_slice %arg5[%dma_start3A_52, %dma_start3A_53, %dma_start3A_54] : memref<3x2x128xi32, #tpu.memory_space<vmem>> -> memref<1x2x128xi32, #tpu.memory_space<vmem>>
    %dma_start3A_56 = tpu.memref_squeeze %dma_start3A_55 : memref<1x2x128xi32, #tpu.memory_space<vmem>> -> memref<2x128xi32, #tpu.memory_space<vmem>>
    %dma_start3A_57 = arith.constant 0 : i32
    %dma_start3A_58 = arith.constant 0 : i32
    %dma_start3A_59 = tpu.memref_slice %arg3[%add3A_51, %dma_start3A_57, %dma_start3A_58] : memref<2560x2x128xi32, #tpu.memory_space<hbm>> -> memref<1x2x128xi32, #tpu.memory_space<hbm>>
    %dma_start3A_60 = tpu.memref_squeeze %dma_start3A_59 : memref<1x2x128xi32, #tpu.memory_space<hbm>> -> memref<2x128xi32, #tpu.memory_space<hbm>>
    %dma_start3A_61 = arith.constant 0 : i32
    %dma_start3A_62 = arith.constant 0 : i32
    %dma_start3A_63 = tpu.memref_slice %arg5[%dma_start3A_52, %dma_start3A_61, %dma_start3A_62] : memref<3x2x128xi32, #tpu.memory_space<vmem>> -> memref<1x2x128xi32, #tpu.memory_space<vmem>>
    %dma_start3A_64 = tpu.memref_squeeze %dma_start3A_63 : memref<1x2x128xi32, #tpu.memory_space<vmem>> -> memref<2x128xi32, #tpu.memory_space<vmem>>
    %dma_start3A_65 = arith.constant 0 : i32
    %dma_start3A_66 = arith.constant 0 : i32
    %dma_start3A_67 = tpu.memref_slice %arg3[%add3A_51, %dma_start3A_65, %dma_start3A_66] : memref<2560x2x128xi32, #tpu.memory_space<hbm>> -> memref<1x2x128xi32, #tpu.memory_space<hbm>>
    %dma_start3A_68 = tpu.memref_squeeze %dma_start3A_67 : memref<1x2x128xi32, #tpu.memory_space<hbm>> -> memref<2x128xi32, #tpu.memory_space<hbm>>
    tpu.enqueue_dma source(%dma_start3A_68 : memref<2x128xi32, #tpu.memory_space<hbm>>) target(%dma_start3A_64 : memref<2x128xi32, #tpu.memory_space<vmem>>) target_semaphore(%arg14 : memref<!tpu.dma_semaphore, #tpu.memory_space<semaphore_mem>>)
    %add3A_69 = arith.constant 2 : i32
    %add3A_70 = arith.addi %select_n3A, %add3A_69 : i32
    %dma_start3A_71 = arith.constant 2 : i32
    %dma_start3A_72 = arith.constant 0 : i32
    %dma_start3A_73 = arith.constant 0 : i32
    %dma_start3A_74 = tpu.memref_slice %arg5[%dma_start3A_71, %dma_start3A_72, %dma_start3A_73] : memref<3x2x128xi32, #tpu.memory_space<vmem>> -> memref<1x2x128xi32, #tpu.memory_space<vmem>>
    %dma_start3A_75 = tpu.memref_squeeze %dma_start3A_74 : memref<1x2x128xi32, #tpu.memory_space<vmem>> -> memref<2x128xi32, #tpu.memory_space<vmem>>
    %dma_start3A_76 = arith.constant 0 : i32
    %dma_start3A_77 = arith.constant 0 : i32
    %dma_start3A_78 = tpu.memref_slice %arg3[%add3A_70, %dma_start3A_76, %dma_start3A_77] : memref<2560x2x128xi32, #tpu.memory_space<hbm>> -> memref<1x2x128xi32, #tpu.memory_space<hbm>>
    %dma_start3A_79 = tpu.memref_squeeze %dma_start3A_78 : memref<1x2x128xi32, #tpu.memory_space<hbm>> -> memref<2x128xi32, #tpu.memory_space<hbm>>
    %dma_start3A_80 = arith.constant 0 : i32
    %dma_start3A_81 = arith.constant 0 : i32
    %dma_start3A_82 = tpu.memref_slice %arg5[%dma_start3A_71, %dma_start3A_80, %dma_start3A_81] : memref<3x2x128xi32, #tpu.memory_space<vmem>> -> memref<1x2x128xi32, #tpu.memory_space<vmem>>
    %dma_start3A_83 = tpu.memref_squeeze %dma_start3A_82 : memref<1x2x128xi32, #tpu.memory_space<vmem>> -> memref<2x128xi32, #tpu.memory_space<vmem>>
    %dma_start3A_84 = arith.constant 0 : i32
    %dma_start3A_85 = arith.constant 0 : i32
    %dma_start3A_86 = tpu.memref_slice %arg3[%add3A_70, %dma_start3A_84, %dma_start3A_85] : memref<2560x2x128xi32, #tpu.memory_space<hbm>> -> memref<1x2x128xi32, #tpu.memory_space<hbm>>
    %dma_start3A_87 = tpu.memref_squeeze %dma_start3A_86 : memref<1x2x128xi32, #tpu.memory_space<hbm>> -> memref<2x128xi32, #tpu.memory_space<hbm>>
    tpu.enqueue_dma source(%dma_start3A_87 : memref<2x128xi32, #tpu.memory_space<hbm>>) target(%dma_start3A_83 : memref<2x128xi32, #tpu.memory_space<vmem>>) target_semaphore(%arg15 : memref<!tpu.dma_semaphore, #tpu.memory_space<semaphore_mem>>)
    %add3A_88 = arith.constant 0 : i32
    %add3A_89 = arith.addi %select_n3A, %add3A_88 : i32
    %dma_wait3A = arith.constant 0 : i32
    %dma_wait3A_90 = arith.constant 0 : i32
    %dma_wait3A_91 = arith.constant 0 : i32
    %dma_wait3A_92 = tpu.memref_slice %arg5[%dma_wait3A, %dma_wait3A_90, %dma_wait3A_91] : memref<3x2x128xi32, #tpu.memory_space<vmem>> -> memref<1x2x128xi32, #tpu.memory_space<vmem>>
    %dma_wait3A_93 = tpu.memref_squeeze %dma_wait3A_92 : memref<1x2x128xi32, #tpu.memory_space<vmem>> -> memref<2x128xi32, #tpu.memory_space<vmem>>
    %dma_wait3A_94 = arith.constant 0 : i32
    %dma_wait3A_95 = arith.constant 0 : i32
    %dma_wait3A_96 = tpu.memref_slice %arg3[%add3A_89, %dma_wait3A_94, %dma_wait3A_95] : memref<2560x2x128xi32, #tpu.memory_space<hbm>> -> memref<1x2x128xi32, #tpu.memory_space<hbm>>
    %dma_wait3A_97 = tpu.memref_squeeze %dma_wait3A_96 : memref<1x2x128xi32, #tpu.memory_space<hbm>> -> memref<2x128xi32, #tpu.memory_space<hbm>>
    %dma_wait3A_98 = arith.constant 0 : i32
    %dma_wait3A_99 = arith.constant 0 : i32
    %dma_wait3A_100 = tpu.memref_slice %arg5[%dma_wait3A, %dma_wait3A_98, %dma_wait3A_99] : memref<3x2x128xi32, #tpu.memory_space<vmem>> -> memref<1x2x128xi32, #tpu.memory_space<vmem>>
    %dma_wait3A_101 = tpu.memref_squeeze %dma_wait3A_100 : memref<1x2x128xi32, #tpu.memory_space<vmem>> -> memref<2x128xi32, #tpu.memory_space<vmem>>
    %dma_wait3A_102 = arith.constant 0 : i32
    %dma_wait3A_103 = arith.constant 0 : i32
    %dma_wait3A_104 = tpu.memref_slice %arg3[%add3A_89, %dma_wait3A_102, %dma_wait3A_103] : memref<2560x2x128xi32, #tpu.memory_space<hbm>> -> memref<1x2x128xi32, #tpu.memory_space<hbm>>
    %dma_wait3A_105 = tpu.memref_squeeze %dma_wait3A_104 : memref<1x2x128xi32, #tpu.memory_space<hbm>> -> memref<2x128xi32, #tpu.memory_space<hbm>>
    tpu.wait_dma2 semaphore(%arg13 : memref<!tpu.dma_semaphore, #tpu.memory_space<semaphore_mem>>) src(%dma_wait3A_105 : memref<2x128xi32, #tpu.memory_space<hbm>>) dst(%dma_wait3A_101 : memref<2x128xi32, #tpu.memory_space<vmem>>)
    %dma_start3A_106 = arith.constant 0 : i32
    %dma_start3A_107 = arith.constant 0 : i32
    %dma_start3A_108 = arith.constant 0 : i32
    %dma_start3A_109 = tpu.memref_slice %arg5[%dma_start3A_106, %dma_start3A_107, %dma_start3A_108] : memref<3x2x128xi32, #tpu.memory_space<vmem>> -> memref<1x1x128xi32, #tpu.memory_space<vmem>>
    %dma_start3A_110 = tpu.memref_squeeze %dma_start3A_109 : memref<1x1x128xi32, #tpu.memory_space<vmem>> -> memref<128xi32, #tpu.memory_space<vmem>>
    %dma_start3A_111 = arith.constant 0 : i32
    %dma_start3A_112 = arith.constant 0 : i32
    %dma_start3A_113 = tpu.memref_slice %arg2[%dma_start3A_111, %dma_start3A_112] : memref<10048x128xf32, #tpu.memory_space<hbm>> -> memref<10048x128xf32, #tpu.memory_space<hbm>>
    tpu.enqueue_indirect_dma source(%dma_start3A_113 : memref<10048x128xf32, #tpu.memory_space<hbm>>) target(%arg6 : memref<128x128xf32, #tpu.memory_space<vmem>>) offsets(%dma_start3A_110 : memref<128xi32, #tpu.memory_space<vmem>>) semaphore(%arg10 : memref<!tpu.dma_semaphore, #tpu.memory_space<semaphore_mem>>)
    %add3A_114 = arith.constant 1 : i32
    %add3A_115 = arith.addi %select_n3A, %add3A_114 : i32
    %dma_wait3A_116 = arith.constant 1 : i32
    %dma_wait3A_117 = arith.constant 0 : i32
    %dma_wait3A_118 = arith.constant 0 : i32
    %dma_wait3A_119 = tpu.memref_slice %arg5[%dma_wait3A_116, %dma_wait3A_117, %dma_wait3A_118] : memref<3x2x128xi32, #tpu.memory_space<vmem>> -> memref<1x2x128xi32, #tpu.memory_space<vmem>>
    %dma_wait3A_120 = tpu.memref_squeeze %dma_wait3A_119 : memref<1x2x128xi32, #tpu.memory_space<vmem>> -> memref<2x128xi32, #tpu.memory_space<vmem>>
    %dma_wait3A_121 = arith.constant 0 : i32
    %dma_wait3A_122 = arith.constant 0 : i32
    %dma_wait3A_123 = tpu.memref_slice %arg3[%add3A_115, %dma_wait3A_121, %dma_wait3A_122] : memref<2560x2x128xi32, #tpu.memory_space<hbm>> -> memref<1x2x128xi32, #tpu.memory_space<hbm>>
    %dma_wait3A_124 = tpu.memref_squeeze %dma_wait3A_123 : memref<1x2x128xi32, #tpu.memory_space<hbm>> -> memref<2x128xi32, #tpu.memory_space<hbm>>
    %dma_wait3A_125 = arith.constant 0 : i32
    %dma_wait3A_126 = arith.constant 0 : i32
    %dma_wait3A_127 = tpu.memref_slice %arg5[%dma_wait3A_116, %dma_wait3A_125, %dma_wait3A_126] : memref<3x2x128xi32, #tpu.memory_space<vmem>> -> memref<1x2x128xi32, #tpu.memory_space<vmem>>
    %dma_wait3A_128 = tpu.memref_squeeze %dma_wait3A_127 : memref<1x2x128xi32, #tpu.memory_space<vmem>> -> memref<2x128xi32, #tpu.memory_space<vmem>>
    %dma_wait3A_129 = arith.constant 0 : i32
    %dma_wait3A_130 = arith.constant 0 : i32
    %dma_wait3A_131 = tpu.memref_slice %arg3[%add3A_115, %dma_wait3A_129, %dma_wait3A_130] : memref<2560x2x128xi32, #tpu.memory_space<hbm>> -> memref<1x2x128xi32, #tpu.memory_space<hbm>>
    %dma_wait3A_132 = tpu.memref_squeeze %dma_wait3A_131 : memref<1x2x128xi32, #tpu.memory_space<hbm>> -> memref<2x128xi32, #tpu.memory_space<hbm>>
    tpu.wait_dma2 semaphore(%arg14 : memref<!tpu.dma_semaphore, #tpu.memory_space<semaphore_mem>>) src(%dma_wait3A_132 : memref<2x128xi32, #tpu.memory_space<hbm>>) dst(%dma_wait3A_128 : memref<2x128xi32, #tpu.memory_space<vmem>>)
    %dma_start3A_133 = arith.constant 1 : i32
    %dma_start3A_134 = arith.constant 0 : i32
    %dma_start3A_135 = arith.constant 0 : i32
    %dma_start3A_136 = tpu.memref_slice %arg5[%dma_start3A_133, %dma_start3A_134, %dma_start3A_135] : memref<3x2x128xi32, #tpu.memory_space<vmem>> -> memref<1x1x128xi32, #tpu.memory_space<vmem>>
    %dma_start3A_137 = tpu.memref_squeeze %dma_start3A_136 : memref<1x1x128xi32, #tpu.memory_space<vmem>> -> memref<128xi32, #tpu.memory_space<vmem>>
    %dma_start3A_138 = arith.constant 0 : i32
    %dma_start3A_139 = arith.constant 0 : i32
    %dma_start3A_140 = tpu.memref_slice %arg2[%dma_start3A_138, %dma_start3A_139] : memref<10048x128xf32, #tpu.memory_space<hbm>> -> memref<10048x128xf32, #tpu.memory_space<hbm>>
    tpu.enqueue_indirect_dma source(%dma_start3A_140 : memref<10048x128xf32, #tpu.memory_space<hbm>>) target(%arg7 : memref<128x128xf32, #tpu.memory_space<vmem>>) offsets(%dma_start3A_137 : memref<128xi32, #tpu.memory_space<vmem>>) semaphore(%arg11 : memref<!tpu.dma_semaphore, #tpu.memory_space<semaphore_mem>>)
    %jit3A_141 = arith.constant 3 : i32
    %div3A = arith.divsi %select_n3A_8, %jit3A_141 : i32
    %sign3A = arith.constant 0 : i32
    %sign3A_142 = arith.cmpi sgt, %select_n3A_8, %sign3A : i32
    %sign3A_143 = arith.extui %sign3A_142 : i1 to i32
    %sign3A_144 = arith.constant 0 : i32
    %sign3A_145 = arith.cmpi slt, %select_n3A_8, %sign3A_144 : i32
    %sign3A_146 = arith.extui %sign3A_145 : i1 to i32
    %sign3A_147 = arith.subi %sign3A_143, %sign3A_146 : i32
    %sign3A_148 = arith.constant 0 : i32
    %sign3A_149 = arith.cmpi sgt, %jit3A_141, %sign3A_148 : i32
    %sign3A_150 = arith.extui %sign3A_149 : i1 to i32
    %sign3A_151 = arith.constant 0 : i32
    %sign3A_152 = arith.cmpi slt, %jit3A_141, %sign3A_151 : i32
    %sign3A_153 = arith.extui %sign3A_152 : i1 to i32
    %sign3A_154 = arith.subi %sign3A_150, %sign3A_153 : i32
    %ne3A = arith.cmpi ne, %sign3A_147, %sign3A_154 : i32
    %rem3A = arith.remsi %select_n3A_8, %jit3A_141 : i32
    %ne3A_155 = arith.constant 0 : i32
    %ne3A_156 = arith.cmpi ne, %rem3A, %ne3A_155 : i32
    %and3A = arith.andi %ne3A, %ne3A_156 : i1
    %sub3A = arith.constant 1 : i32
    %sub3A_157 = arith.subi %div3A, %sub3A : i32
    %select_n3A_158 = arith.select %and3A, %sub3A_157, %div3A : i32
    %while3A = arith.constant 0 : i32
    %while3A_159 = arith.constant 0 : i32
    %while3A_160 = arith.subi %select_n3A_158, %while3A_159 : i32
    %while3A_161 = arith.addi %while3A_159, %while3A_160 : i32
    %while3A_162 = arith.constant 1 : i32
    %while3A_163 = arith.divsi %while3A_160, %while3A_162 : i32
    %while3A_164 = arith.muli %while3A_163, %while3A_162 : i32
    %while3A_165 = arith.addi %while3A_159, %while3A_164 : i32
    %while3A_166 = arith.constant 1 : i32
    scf.for %while3A_204 = %while3A_159 to %while3A_165 step %while3A_166  : i32 {
      %mul3A_205 = arith.constant 3 : i32
      %mul3A_206 = arith.muli %while3A_204, %mul3A_205 : i32
      %add3A_207 = arith.constant 0 : i32
      %add3A_208 = arith.addi %mul3A_206, %add3A_207 : i32
      %dma_wait3A_209 = arith.constant 0 : i32
      %dma_wait3A_210 = arith.constant 0 : i32
      %dma_wait3A_211 = arith.constant 0 : i32
      %dma_wait3A_212 = tpu.memref_slice %arg5[%dma_wait3A_209, %dma_wait3A_210, %dma_wait3A_211] : memref<3x2x128xi32, #tpu.memory_space<vmem>> -> memref<1x1x128xi32, #tpu.memory_space<vmem>>
      %dma_wait3A_213 = tpu.memref_squeeze %dma_wait3A_212 : memref<1x1x128xi32, #tpu.memory_space<vmem>> -> memref<128xi32, #tpu.memory_space<vmem>>
      %dma_wait3A_214 = arith.constant 0 : i32
      %dma_wait3A_215 = arith.constant 0 : i32
      %dma_wait3A_216 = tpu.memref_slice %arg2[%dma_wait3A_214, %dma_wait3A_215] : memref<10048x128xf32, #tpu.memory_space<hbm>> -> memref<10048x128xf32, #tpu.memory_space<hbm>>
      tpu.wait_indirect_dma semaphore(%arg10 : memref<!tpu.dma_semaphore, #tpu.memory_space<semaphore_mem>>) src(%dma_wait3A_216 : memref<10048x128xf32, #tpu.memory_space<hbm>>) dst(%arg6 : memref<128x128xf32, #tpu.memory_space<vmem>>)
      %run_scoped3A = arith.constant 0 : i32
      %run_scoped3A_217 = arith.constant 1 : i32
      "tpu.region"() ({
        %run_scoped3A_284 = tpu.sem_alloc : memref<!tpu.dma_semaphore, #tpu.memory_space<semaphore_mem>>
        %dma_start3A_285 = arith.constant 0 : i32
        %dma_start3A_286 = tpu.memref_slice %arg5[%run_scoped3A, %run_scoped3A_217, %dma_start3A_285] : memref<3x2x128xi32, #tpu.memory_space<vmem>> -> memref<1x1x128xi32, #tpu.memory_space<vmem>>
        %dma_start3A_287 = tpu.memref_squeeze %dma_start3A_286 : memref<1x1x128xi32, #tpu.memory_space<vmem>> -> memref<128xi32, #tpu.memory_space<vmem>>
        %dma_start3A_288 = arith.constant 0 : i32
        %dma_start3A_289 = arith.constant 0 : i32
        %dma_start3A_290 = tpu.memref_slice %arg9[%dma_start3A_288, %dma_start3A_289] : memref<10048x128xf32, #tpu.memory_space<vmem_shared>> -> memref<10048x128xf32, #tpu.memory_space<vmem_shared>>
        tpu.enqueue_indirect_dma source(%arg6 : memref<128x128xf32, #tpu.memory_space<vmem>>) target(%dma_start3A_290 : memref<10048x128xf32, #tpu.memory_space<vmem_shared>>) offsets(%dma_start3A_287 : memref<128xi32, #tpu.memory_space<vmem>>) semaphore(%run_scoped3A_284 : memref<!tpu.dma_semaphore, #tpu.memory_space<semaphore_mem>>) {add = true}
        %dma_wait3A_291 = arith.constant 0 : i32
        %dma_wait3A_292 = tpu.memref_slice %arg5[%run_scoped3A, %run_scoped3A_217, %dma_wait3A_291] : memref<3x2x128xi32, #tpu.memory_space<vmem>> -> memref<1x1x128xi32, #tpu.memory_space<vmem>>
        %dma_wait3A_293 = tpu.memref_squeeze %dma_wait3A_292 : memref<1x1x128xi32, #tpu.memory_space<vmem>> -> memref<128xi32, #tpu.memory_space<vmem>>
        %dma_wait3A_294 = arith.constant 0 : i32
        %dma_wait3A_295 = arith.constant 0 : i32
        %dma_wait3A_296 = tpu.memref_slice %arg9[%dma_wait3A_294, %dma_wait3A_295] : memref<10048x128xf32, #tpu.memory_space<vmem_shared>> -> memref<10048x128xf32, #tpu.memory_space<vmem_shared>>
        tpu.wait_indirect_dma semaphore(%run_scoped3A_284 : memref<!tpu.dma_semaphore, #tpu.memory_space<semaphore_mem>>) src(%arg6 : memref<128x128xf32, #tpu.memory_space<vmem>>) dst(%dma_wait3A_296 : memref<10048x128xf32, #tpu.memory_space<vmem_shared>>)
        tpu.yield
      }) : () -> ()
      %add3A_218 = arith.constant 3 : i32
      %add3A_219 = arith.addi %add3A_208, %add3A_218 : i32
      %lt3A_220 = arith.cmpi slt, %add3A_219, %select_n3A_8 : i32
      %convert_element_type3A_221 = arith.extui %lt3A_220 : i1 to i32
      %cond3A_222 = arith.constant 0 : i32
      %cond3A_223 = arith.cmpi ne, %convert_element_type3A_221, %cond3A_222 : i32
      scf.if %cond3A_223 {
        %add3A_284 = arith.addi %select_n3A, %add3A_208 : i32
        %add3A_285 = arith.constant 3 : i32
        %add3A_286 = arith.addi %add3A_284, %add3A_285 : i32
        %dma_start3A_287 = arith.constant 0 : i32
        %dma_start3A_288 = arith.constant 0 : i32
        %dma_start3A_289 = arith.constant 0 : i32
        %dma_start3A_290 = tpu.memref_slice %arg5[%dma_start3A_287, %dma_start3A_288, %dma_start3A_289] : memref<3x2x128xi32, #tpu.memory_space<vmem>> -> memref<1x2x128xi32, #tpu.memory_space<vmem>>
        %dma_start3A_291 = tpu.memref_squeeze %dma_start3A_290 : memref<1x2x128xi32, #tpu.memory_space<vmem>> -> memref<2x128xi32, #tpu.memory_space<vmem>>
        %dma_start3A_292 = arith.constant 0 : i32
        %dma_start3A_293 = arith.constant 0 : i32
        %dma_start3A_294 = tpu.memref_slice %arg3[%add3A_286, %dma_start3A_292, %dma_start3A_293] : memref<2560x2x128xi32, #tpu.memory_space<hbm>> -> memref<1x2x128xi32, #tpu.memory_space<hbm>>
        %dma_start3A_295 = tpu.memref_squeeze %dma_start3A_294 : memref<1x2x128xi32, #tpu.memory_space<hbm>> -> memref<2x128xi32, #tpu.memory_space<hbm>>
        %dma_start3A_296 = arith.constant 0 : i32
        %dma_start3A_297 = arith.constant 0 : i32
        %dma_start3A_298 = tpu.memref_slice %arg5[%dma_start3A_287, %dma_start3A_296, %dma_start3A_297] : memref<3x2x128xi32, #tpu.memory_space<vmem>> -> memref<1x2x128xi32, #tpu.memory_space<vmem>>
        %dma_start3A_299 = tpu.memref_squeeze %dma_start3A_298 : memref<1x2x128xi32, #tpu.memory_space<vmem>> -> memref<2x128xi32, #tpu.memory_space<vmem>>
        %dma_start3A_300 = arith.constant 0 : i32
        %dma_start3A_301 = arith.constant 0 : i32
        %dma_start3A_302 = tpu.memref_slice %arg3[%add3A_286, %dma_start3A_300, %dma_start3A_301] : memref<2560x2x128xi32, #tpu.memory_space<hbm>> -> memref<1x2x128xi32, #tpu.memory_space<hbm>>
        %dma_start3A_303 = tpu.memref_squeeze %dma_start3A_302 : memref<1x2x128xi32, #tpu.memory_space<hbm>> -> memref<2x128xi32, #tpu.memory_space<hbm>>
        tpu.enqueue_dma source(%dma_start3A_303 : memref<2x128xi32, #tpu.memory_space<hbm>>) target(%dma_start3A_299 : memref<2x128xi32, #tpu.memory_space<vmem>>) target_semaphore(%arg13 : memref<!tpu.dma_semaphore, #tpu.memory_space<semaphore_mem>>)
      } else {
      }
      %add3A_224 = arith.constant 3 : i32
      %add3A_225 = arith.addi %add3A_208, %add3A_224 : i32
      %sub3A_226 = arith.constant 1 : i32
      %sub3A_227 = arith.subi %add3A_225, %sub3A_226 : i32
      %lt3A_228 = arith.cmpi slt, %sub3A_227, %select_n3A_8 : i32
      %convert_element_type3A_229 = arith.extui %lt3A_228 : i1 to i32
      %cond3A_230 = arith.constant 0 : i32
      %cond3A_231 = arith.cmpi ne, %convert_element_type3A_229, %cond3A_230 : i32
      scf.if %cond3A_231 {
        %add3A_284 = arith.addi %select_n3A, %add3A_208 : i32
        %add3A_285 = arith.constant 3 : i32
        %add3A_286 = arith.addi %add3A_284, %add3A_285 : i32
        %sub3A_287 = arith.constant 1 : i32
        %sub3A_288 = arith.subi %add3A_286, %sub3A_287 : i32
        %dma_wait3A_289 = arith.constant 2 : i32
        %dma_wait3A_290 = arith.constant 0 : i32
        %dma_wait3A_291 = arith.constant 0 : i32
        %dma_wait3A_292 = tpu.memref_slice %arg5[%dma_wait3A_289, %dma_wait3A_290, %dma_wait3A_291] : memref<3x2x128xi32, #tpu.memory_space<vmem>> -> memref<1x2x128xi32, #tpu.memory_space<vmem>>
        %dma_wait3A_293 = tpu.memref_squeeze %dma_wait3A_292 : memref<1x2x128xi32, #tpu.memory_space<vmem>> -> memref<2x128xi32, #tpu.memory_space<vmem>>
        %dma_wait3A_294 = arith.constant 0 : i32
        %dma_wait3A_295 = arith.constant 0 : i32
        %dma_wait3A_296 = tpu.memref_slice %arg3[%sub3A_288, %dma_wait3A_294, %dma_wait3A_295] : memref<2560x2x128xi32, #tpu.memory_space<hbm>> -> memref<1x2x128xi32, #tpu.memory_space<hbm>>
        %dma_wait3A_297 = tpu.memref_squeeze %dma_wait3A_296 : memref<1x2x128xi32, #tpu.memory_space<hbm>> -> memref<2x128xi32, #tpu.memory_space<hbm>>
        %dma_wait3A_298 = arith.constant 0 : i32
        %dma_wait3A_299 = arith.constant 0 : i32
        %dma_wait3A_300 = tpu.memref_slice %arg5[%dma_wait3A_289, %dma_wait3A_298, %dma_wait3A_299] : memref<3x2x128xi32, #tpu.memory_space<vmem>> -> memref<1x2x128xi32, #tpu.memory_space<vmem>>
        %dma_wait3A_301 = tpu.memref_squeeze %dma_wait3A_300 : memref<1x2x128xi32, #tpu.memory_space<vmem>> -> memref<2x128xi32, #tpu.memory_space<vmem>>
        %dma_wait3A_302 = arith.constant 0 : i32
        %dma_wait3A_303 = arith.constant 0 : i32
        %dma_wait3A_304 = tpu.memref_slice %arg3[%sub3A_288, %dma_wait3A_302, %dma_wait3A_303] : memref<2560x2x128xi32, #tpu.memory_space<hbm>> -> memref<1x2x128xi32, #tpu.memory_space<hbm>>
        %dma_wait3A_305 = tpu.memref_squeeze %dma_wait3A_304 : memref<1x2x128xi32, #tpu.memory_space<hbm>> -> memref<2x128xi32, #tpu.memory_space<hbm>>
        tpu.wait_dma2 semaphore(%arg15 : memref<!tpu.dma_semaphore, #tpu.memory_space<semaphore_mem>>) src(%dma_wait3A_305 : memref<2x128xi32, #tpu.memory_space<hbm>>) dst(%dma_wait3A_301 : memref<2x128xi32, #tpu.memory_space<vmem>>)
        %dma_start3A_306 = arith.constant 2 : i32
        %dma_start3A_307 = arith.constant 0 : i32
        %dma_start3A_308 = arith.constant 0 : i32
        %dma_start3A_309 = tpu.memref_slice %arg5[%dma_start3A_306, %dma_start3A_307, %dma_start3A_308] : memref<3x2x128xi32, #tpu.memory_space<vmem>> -> memref<1x1x128xi32, #tpu.memory_space<vmem>>
        %dma_start3A_310 = tpu.memref_squeeze %dma_start3A_309 : memref<1x1x128xi32, #tpu.memory_space<vmem>> -> memref<128xi32, #tpu.memory_space<vmem>>
        %dma_start3A_311 = arith.constant 0 : i32
        %dma_start3A_312 = arith.constant 0 : i32
        %dma_start3A_313 = tpu.memref_slice %arg2[%dma_start3A_311, %dma_start3A_312] : memref<10048x128xf32, #tpu.memory_space<hbm>> -> memref<10048x128xf32, #tpu.memory_space<hbm>>
        tpu.enqueue_indirect_dma source(%dma_start3A_313 : memref<10048x128xf32, #tpu.memory_space<hbm>>) target(%arg8 : memref<128x128xf32, #tpu.memory_space<vmem>>) offsets(%dma_start3A_310 : memref<128xi32, #tpu.memory_space<vmem>>) semaphore(%arg12 : memref<!tpu.dma_semaphore, #tpu.memory_space<semaphore_mem>>)
      } else {
      }
      %add3A_232 = arith.constant 1 : i32
      %add3A_233 = arith.addi %mul3A_206, %add3A_232 : i32
      %dma_wait3A_234 = arith.constant 1 : i32
      %dma_wait3A_235 = arith.constant 0 : i32
      %dma_wait3A_236 = arith.constant 0 : i32
      %dma_wait3A_237 = tpu.memref_slice %arg5[%dma_wait3A_234, %dma_wait3A_235, %dma_wait3A_236] : memref<3x2x128xi32, #tpu.memory_space<vmem>> -> memref<1x1x128xi32, #tpu.memory_space<vmem>>
      %dma_wait3A_238 = tpu.memref_squeeze %dma_wait3A_237 : memref<1x1x128xi32, #tpu.memory_space<vmem>> -> memref<128xi32, #tpu.memory_space<vmem>>
      %dma_wait3A_239 = arith.constant 0 : i32
      %dma_wait3A_240 = arith.constant 0 : i32
      %dma_wait3A_241 = tpu.memref_slice %arg2[%dma_wait3A_239, %dma_wait3A_240] : memref<10048x128xf32, #tpu.memory_space<hbm>> -> memref<10048x128xf32, #tpu.memory_space<hbm>>
      tpu.wait_indirect_dma semaphore(%arg11 : memref<!tpu.dma_semaphore, #tpu.memory_space<semaphore_mem>>) src(%dma_wait3A_241 : memref<10048x128xf32, #tpu.memory_space<hbm>>) dst(%arg7 : memref<128x128xf32, #tpu.memory_space<vmem>>)
      %run_scoped3A_242 = arith.constant 1 : i32
      %run_scoped3A_243 = arith.constant 1 : i32
      "tpu.region"() ({
        %run_scoped3A_284 = tpu.sem_alloc : memref<!tpu.dma_semaphore, #tpu.memory_space<semaphore_mem>>
        %dma_start3A_285 = arith.constant 0 : i32
        %dma_start3A_286 = tpu.memref_slice %arg5[%run_scoped3A_242, %run_scoped3A_243, %dma_start3A_285] : memref<3x2x128xi32, #tpu.memory_space<vmem>> -> memref<1x1x128xi32, #tpu.memory_space<vmem>>
        %dma_start3A_287 = tpu.memref_squeeze %dma_start3A_286 : memref<1x1x128xi32, #tpu.memory_space<vmem>> -> memref<128xi32, #tpu.memory_space<vmem>>
        %dma_start3A_288 = arith.constant 0 : i32
        %dma_start3A_289 = arith.constant 0 : i32
        %dma_start3A_290 = tpu.memref_slice %arg9[%dma_start3A_288, %dma_start3A_289] : memref<10048x128xf32, #tpu.memory_space<vmem_shared>> -> memref<10048x128xf32, #tpu.memory_space<vmem_shared>>
        tpu.enqueue_indirect_dma source(%arg7 : memref<128x128xf32, #tpu.memory_space<vmem>>) target(%dma_start3A_290 : memref<10048x128xf32, #tpu.memory_space<vmem_shared>>) offsets(%dma_start3A_287 : memref<128xi32, #tpu.memory_space<vmem>>) semaphore(%run_scoped3A_284 : memref<!tpu.dma_semaphore, #tpu.memory_space<semaphore_mem>>) {add = true}
        %dma_wait3A_291 = arith.constant 0 : i32
        %dma_wait3A_292 = tpu.memref_slice %arg5[%run_scoped3A_242, %run_scoped3A_243, %dma_wait3A_291] : memref<3x2x128xi32, #tpu.memory_space<vmem>> -> memref<1x1x128xi32, #tpu.memory_space<vmem>>
        %dma_wait3A_293 = tpu.memref_squeeze %dma_wait3A_292 : memref<1x1x128xi32, #tpu.memory_space<vmem>> -> memref<128xi32, #tpu.memory_space<vmem>>
        %dma_wait3A_294 = arith.constant 0 : i32
        %dma_wait3A_295 = arith.constant 0 : i32
        %dma_wait3A_296 = tpu.memref_slice %arg9[%dma_wait3A_294, %dma_wait3A_295] : memref<10048x128xf32, #tpu.memory_space<vmem_shared>> -> memref<10048x128xf32, #tpu.memory_space<vmem_shared>>
        tpu.wait_indirect_dma semaphore(%run_scoped3A_284 : memref<!tpu.dma_semaphore, #tpu.memory_space<semaphore_mem>>) src(%arg7 : memref<128x128xf32, #tpu.memory_space<vmem>>) dst(%dma_wait3A_296 : memref<10048x128xf32, #tpu.memory_space<vmem_shared>>)
        tpu.yield
      }) : () -> ()
      %add3A_244 = arith.constant 3 : i32
      %add3A_245 = arith.addi %add3A_233, %add3A_244 : i32
      %lt3A_246 = arith.cmpi slt, %add3A_245, %select_n3A_8 : i32
      %convert_element_type3A_247 = arith.extui %lt3A_246 : i1 to i32
      %cond3A_248 = arith.constant 0 : i32
      %cond3A_249 = arith.cmpi ne, %convert_element_type3A_247, %cond3A_248 : i32
      scf.if %cond3A_249 {
        %add3A_284 = arith.addi %select_n3A, %add3A_233 : i32
        %add3A_285 = arith.constant 3 : i32
        %add3A_286 = arith.addi %add3A_284, %add3A_285 : i32
        %dma_start3A_287 = arith.constant 1 : i32
        %dma_start3A_288 = arith.constant 0 : i32
        %dma_start3A_289 = arith.constant 0 : i32
        %dma_start3A_290 = tpu.memref_slice %arg5[%dma_start3A_287, %dma_start3A_288, %dma_start3A_289] : memref<3x2x128xi32, #tpu.memory_space<vmem>> -> memref<1x2x128xi32, #tpu.memory_space<vmem>>
        %dma_start3A_291 = tpu.memref_squeeze %dma_start3A_290 : memref<1x2x128xi32, #tpu.memory_space<vmem>> -> memref<2x128xi32, #tpu.memory_space<vmem>>
        %dma_start3A_292 = arith.constant 0 : i32
        %dma_start3A_293 = arith.constant 0 : i32
        %dma_start3A_294 = tpu.memref_slice %arg3[%add3A_286, %dma_start3A_292, %dma_start3A_293] : memref<2560x2x128xi32, #tpu.memory_space<hbm>> -> memref<1x2x128xi32, #tpu.memory_space<hbm>>
        %dma_start3A_295 = tpu.memref_squeeze %dma_start3A_294 : memref<1x2x128xi32, #tpu.memory_space<hbm>> -> memref<2x128xi32, #tpu.memory_space<hbm>>
        %dma_start3A_296 = arith.constant 0 : i32
        %dma_start3A_297 = arith.constant 0 : i32
        %dma_start3A_298 = tpu.memref_slice %arg5[%dma_start3A_287, %dma_start3A_296, %dma_start3A_297] : memref<3x2x128xi32, #tpu.memory_space<vmem>> -> memref<1x2x128xi32, #tpu.memory_space<vmem>>
        %dma_start3A_299 = tpu.memref_squeeze %dma_start3A_298 : memref<1x2x128xi32, #tpu.memory_space<vmem>> -> memref<2x128xi32, #tpu.memory_space<vmem>>
        %dma_start3A_300 = arith.constant 0 : i32
        %dma_start3A_301 = arith.constant 0 : i32
        %dma_start3A_302 = tpu.memref_slice %arg3[%add3A_286, %dma_start3A_300, %dma_start3A_301] : memref<2560x2x128xi32, #tpu.memory_space<hbm>> -> memref<1x2x128xi32, #tpu.memory_space<hbm>>
        %dma_start3A_303 = tpu.memref_squeeze %dma_start3A_302 : memref<1x2x128xi32, #tpu.memory_space<hbm>> -> memref<2x128xi32, #tpu.memory_space<hbm>>
        tpu.enqueue_dma source(%dma_start3A_303 : memref<2x128xi32, #tpu.memory_space<hbm>>) target(%dma_start3A_299 : memref<2x128xi32, #tpu.memory_space<vmem>>) target_semaphore(%arg14 : memref<!tpu.dma_semaphore, #tpu.memory_space<semaphore_mem>>)
      } else {
      }
      %add3A_250 = arith.constant 3 : i32
      %add3A_251 = arith.addi %add3A_233, %add3A_250 : i32
      %sub3A_252 = arith.constant 1 : i32
      %sub3A_253 = arith.subi %add3A_251, %sub3A_252 : i32
      %lt3A_254 = arith.cmpi slt, %sub3A_253, %select_n3A_8 : i32
      %convert_element_type3A_255 = arith.extui %lt3A_254 : i1 to i32
      %cond3A_256 = arith.constant 0 : i32
      %cond3A_257 = arith.cmpi ne, %convert_element_type3A_255, %cond3A_256 : i32
      scf.if %cond3A_257 {
        %add3A_284 = arith.addi %select_n3A, %add3A_233 : i32
        %add3A_285 = arith.constant 3 : i32
        %add3A_286 = arith.addi %add3A_284, %add3A_285 : i32
        %sub3A_287 = arith.constant 1 : i32
        %sub3A_288 = arith.subi %add3A_286, %sub3A_287 : i32
        %dma_wait3A_289 = arith.constant 0 : i32
        %dma_wait3A_290 = arith.constant 0 : i32
        %dma_wait3A_291 = arith.constant 0 : i32
        %dma_wait3A_292 = tpu.memref_slice %arg5[%dma_wait3A_289, %dma_wait3A_290, %dma_wait3A_291] : memref<3x2x128xi32, #tpu.memory_space<vmem>> -> memref<1x2x128xi32, #tpu.memory_space<vmem>>
        %dma_wait3A_293 = tpu.memref_squeeze %dma_wait3A_292 : memref<1x2x128xi32, #tpu.memory_space<vmem>> -> memref<2x128xi32, #tpu.memory_space<vmem>>
        %dma_wait3A_294 = arith.constant 0 : i32
        %dma_wait3A_295 = arith.constant 0 : i32
        %dma_wait3A_296 = tpu.memref_slice %arg3[%sub3A_288, %dma_wait3A_294, %dma_wait3A_295] : memref<2560x2x128xi32, #tpu.memory_space<hbm>> -> memref<1x2x128xi32, #tpu.memory_space<hbm>>
        %dma_wait3A_297 = tpu.memref_squeeze %dma_wait3A_296 : memref<1x2x128xi32, #tpu.memory_space<hbm>> -> memref<2x128xi32, #tpu.memory_space<hbm>>
        %dma_wait3A_298 = arith.constant 0 : i32
        %dma_wait3A_299 = arith.constant 0 : i32
        %dma_wait3A_300 = tpu.memref_slice %arg5[%dma_wait3A_289, %dma_wait3A_298, %dma_wait3A_299] : memref<3x2x128xi32, #tpu.memory_space<vmem>> -> memref<1x2x128xi32, #tpu.memory_space<vmem>>
        %dma_wait3A_301 = tpu.memref_squeeze %dma_wait3A_300 : memref<1x2x128xi32, #tpu.memory_space<vmem>> -> memref<2x128xi32, #tpu.memory_space<vmem>>
        %dma_wait3A_302 = arith.constant 0 : i32
        %dma_wait3A_303 = arith.constant 0 : i32
        %dma_wait3A_304 = tpu.memref_slice %arg3[%sub3A_288, %dma_wait3A_302, %dma_wait3A_303] : memref<2560x2x128xi32, #tpu.memory_space<hbm>> -> memref<1x2x128xi32, #tpu.memory_space<hbm>>
        %dma_wait3A_305 = tpu.memref_squeeze %dma_wait3A_304 : memref<1x2x128xi32, #tpu.memory_space<hbm>> -> memref<2x128xi32, #tpu.memory_space<hbm>>
        tpu.wait_dma2 semaphore(%arg13 : memref<!tpu.dma_semaphore, #tpu.memory_space<semaphore_mem>>) src(%dma_wait3A_305 : memref<2x128xi32, #tpu.memory_space<hbm>>) dst(%dma_wait3A_301 : memref<2x128xi32, #tpu.memory_space<vmem>>)
        %dma_start3A_306 = arith.constant 0 : i32
        %dma_start3A_307 = arith.constant 0 : i32
        %dma_start3A_308 = arith.constant 0 : i32
        %dma_start3A_309 = tpu.memref_slice %arg5[%dma_start3A_306, %dma_start3A_307, %dma_start3A_308] : memref<3x2x128xi32, #tpu.memory_space<vmem>> -> memref<1x1x128xi32, #tpu.memory_space<vmem>>
        %dma_start3A_310 = tpu.memref_squeeze %dma_start3A_309 : memref<1x1x128xi32, #tpu.memory_space<vmem>> -> memref<128xi32, #tpu.memory_space<vmem>>
        %dma_start3A_311 = arith.constant 0 : i32
        %dma_start3A_312 = arith.constant 0 : i32
        %dma_start3A_313 = tpu.memref_slice %arg2[%dma_start3A_311, %dma_start3A_312] : memref<10048x128xf32, #tpu.memory_space<hbm>> -> memref<10048x128xf32, #tpu.memory_space<hbm>>
        tpu.enqueue_indirect_dma source(%dma_start3A_313 : memref<10048x128xf32, #tpu.memory_space<hbm>>) target(%arg6 : memref<128x128xf32, #tpu.memory_space<vmem>>) offsets(%dma_start3A_310 : memref<128xi32, #tpu.memory_space<vmem>>) semaphore(%arg10 : memref<!tpu.dma_semaphore, #tpu.memory_space<semaphore_mem>>)
      } else {
      }
      %add3A_258 = arith.constant 2 : i32
      %add3A_259 = arith.addi %mul3A_206, %add3A_258 : i32
      %dma_wait3A_260 = arith.constant 2 : i32
      %dma_wait3A_261 = arith.constant 0 : i32
      %dma_wait3A_262 = arith.constant 0 : i32
      %dma_wait3A_263 = tpu.memref_slice %arg5[%dma_wait3A_260, %dma_wait3A_261, %dma_wait3A_262] : memref<3x2x128xi32, #tpu.memory_space<vmem>> -> memref<1x1x128xi32, #tpu.memory_space<vmem>>
      %dma_wait3A_264 = tpu.memref_squeeze %dma_wait3A_263 : memref<1x1x128xi32, #tpu.memory_space<vmem>> -> memref<128xi32, #tpu.memory_space<vmem>>
      %dma_wait3A_265 = arith.constant 0 : i32
      %dma_wait3A_266 = arith.constant 0 : i32
      %dma_wait3A_267 = tpu.memref_slice %arg2[%dma_wait3A_265, %dma_wait3A_266] : memref<10048x128xf32, #tpu.memory_space<hbm>> -> memref<10048x128xf32, #tpu.memory_space<hbm>>
      tpu.wait_indirect_dma semaphore(%arg12 : memref<!tpu.dma_semaphore, #tpu.memory_space<semaphore_mem>>) src(%dma_wait3A_267 : memref<10048x128xf32, #tpu.memory_space<hbm>>) dst(%arg8 : memref<128x128xf32, #tpu.memory_space<vmem>>)
      %run_scoped3A_268 = arith.constant 2 : i32
      %run_scoped3A_269 = arith.constant 1 : i32
      "tpu.region"() ({
        %run_scoped3A_284 = tpu.sem_alloc : memref<!tpu.dma_semaphore, #tpu.memory_space<semaphore_mem>>
        %dma_start3A_285 = arith.constant 0 : i32
        %dma_start3A_286 = tpu.memref_slice %arg5[%run_scoped3A_268, %run_scoped3A_269, %dma_start3A_285] : memref<3x2x128xi32, #tpu.memory_space<vmem>> -> memref<1x1x128xi32, #tpu.memory_space<vmem>>
        %dma_start3A_287 = tpu.memref_squeeze %dma_start3A_286 : memref<1x1x128xi32, #tpu.memory_space<vmem>> -> memref<128xi32, #tpu.memory_space<vmem>>
        %dma_start3A_288 = arith.constant 0 : i32
        %dma_start3A_289 = arith.constant 0 : i32
        %dma_start3A_290 = tpu.memref_slice %arg9[%dma_start3A_288, %dma_start3A_289] : memref<10048x128xf32, #tpu.memory_space<vmem_shared>> -> memref<10048x128xf32, #tpu.memory_space<vmem_shared>>
        tpu.enqueue_indirect_dma source(%arg8 : memref<128x128xf32, #tpu.memory_space<vmem>>) target(%dma_start3A_290 : memref<10048x128xf32, #tpu.memory_space<vmem_shared>>) offsets(%dma_start3A_287 : memref<128xi32, #tpu.memory_space<vmem>>) semaphore(%run_scoped3A_284 : memref<!tpu.dma_semaphore, #tpu.memory_space<semaphore_mem>>) {add = true}
        %dma_wait3A_291 = arith.constant 0 : i32
        %dma_wait3A_292 = tpu.memref_slice %arg5[%run_scoped3A_268, %run_scoped3A_269, %dma_wait3A_291] : memref<3x2x128xi32, #tpu.memory_space<vmem>> -> memref<1x1x128xi32, #tpu.memory_space<vmem>>
        %dma_wait3A_293 = tpu.memref_squeeze %dma_wait3A_292 : memref<1x1x128xi32, #tpu.memory_space<vmem>> -> memref<128xi32, #tpu.memory_space<vmem>>
        %dma_wait3A_294 = arith.constant 0 : i32
        %dma_wait3A_295 = arith.constant 0 : i32
        %dma_wait3A_296 = tpu.memref_slice %arg9[%dma_wait3A_294, %dma_wait3A_295] : memref<10048x128xf32, #tpu.memory_space<vmem_shared>> -> memref<10048x128xf32, #tpu.memory_space<vmem_shared>>
        tpu.wait_indirect_dma semaphore(%run_scoped3A_284 : memref<!tpu.dma_semaphore, #tpu.memory_space<semaphore_mem>>) src(%arg8 : memref<128x128xf32, #tpu.memory_space<vmem>>) dst(%dma_wait3A_296 : memref<10048x128xf32, #tpu.memory_space<vmem_shared>>)
        tpu.yield
      }) : () -> ()
      %add3A_270 = arith.constant 3 : i32
      %add3A_271 = arith.addi %add3A_259, %add3A_270 : i32
      %lt3A_272 = arith.cmpi slt, %add3A_271, %select_n3A_8 : i32
      %convert_element_type3A_273 = arith.extui %lt3A_272 : i1 to i32
      %cond3A_274 = arith.constant 0 : i32
      %cond3A_275 = arith.cmpi ne, %convert_element_type3A_273, %cond3A_274 : i32
      scf.if %cond3A_275 {
        %add3A_284 = arith.addi %select_n3A, %add3A_259 : i32
        %add3A_285 = arith.constant 3 : i32
        %add3A_286 = arith.addi %add3A_284, %add3A_285 : i32
        %dma_start3A_287 = arith.constant 2 : i32
        %dma_start3A_288 = arith.constant 0 : i32
        %dma_start3A_289 = arith.constant 0 : i32
        %dma_start3A_290 = tpu.memref_slice %arg5[%dma_start3A_287, %dma_start3A_288, %dma_start3A_289] : memref<3x2x128xi32, #tpu.memory_space<vmem>> -> memref<1x2x128xi32, #tpu.memory_space<vmem>>
        %dma_start3A_291 = tpu.memref_squeeze %dma_start3A_290 : memref<1x2x128xi32, #tpu.memory_space<vmem>> -> memref<2x128xi32, #tpu.memory_space<vmem>>
        %dma_start3A_292 = arith.constant 0 : i32
        %dma_start3A_293 = arith.constant 0 : i32
        %dma_start3A_294 = tpu.memref_slice %arg3[%add3A_286, %dma_start3A_292, %dma_start3A_293] : memref<2560x2x128xi32, #tpu.memory_space<hbm>> -> memref<1x2x128xi32, #tpu.memory_space<hbm>>
        %dma_start3A_295 = tpu.memref_squeeze %dma_start3A_294 : memref<1x2x128xi32, #tpu.memory_space<hbm>> -> memref<2x128xi32, #tpu.memory_space<hbm>>
        %dma_start3A_296 = arith.constant 0 : i32
        %dma_start3A_297 = arith.constant 0 : i32
        %dma_start3A_298 = tpu.memref_slice %arg5[%dma_start3A_287, %dma_start3A_296, %dma_start3A_297] : memref<3x2x128xi32, #tpu.memory_space<vmem>> -> memref<1x2x128xi32, #tpu.memory_space<vmem>>
        %dma_start3A_299 = tpu.memref_squeeze %dma_start3A_298 : memref<1x2x128xi32, #tpu.memory_space<vmem>> -> memref<2x128xi32, #tpu.memory_space<vmem>>
        %dma_start3A_300 = arith.constant 0 : i32
        %dma_start3A_301 = arith.constant 0 : i32
        %dma_start3A_302 = tpu.memref_slice %arg3[%add3A_286, %dma_start3A_300, %dma_start3A_301] : memref<2560x2x128xi32, #tpu.memory_space<hbm>> -> memref<1x2x128xi32, #tpu.memory_space<hbm>>
        %dma_start3A_303 = tpu.memref_squeeze %dma_start3A_302 : memref<1x2x128xi32, #tpu.memory_space<hbm>> -> memref<2x128xi32, #tpu.memory_space<hbm>>
        tpu.enqueue_dma source(%dma_start3A_303 : memref<2x128xi32, #tpu.memory_space<hbm>>) target(%dma_start3A_299 : memref<2x128xi32, #tpu.memory_space<vmem>>) target_semaphore(%arg15 : memref<!tpu.dma_semaphore, #tpu.memory_space<semaphore_mem>>)
      } else {
      }
      %add3A_276 = arith.constant 3 : i32
      %add3A_277 = arith.addi %add3A_259, %add3A_276 : i32
      %sub3A_278 = arith.constant 1 : i32
      %sub3A_279 = arith.subi %add3A_277, %sub3A_278 : i32
      %lt3A_280 = arith.cmpi slt, %sub3A_279, %select_n3A_8 : i32
      %convert_element_type3A_281 = arith.extui %lt3A_280 : i1 to i32
      %cond3A_282 = arith.constant 0 : i32
      %cond3A_283 = arith.cmpi ne, %convert_element_type3A_281, %cond3A_282 : i32
      scf.if %cond3A_283 {
        %add3A_284 = arith.addi %select_n3A, %add3A_259 : i32
        %add3A_285 = arith.constant 3 : i32
        %add3A_286 = arith.addi %add3A_284, %add3A_285 : i32
        %sub3A_287 = arith.constant 1 : i32
        %sub3A_288 = arith.subi %add3A_286, %sub3A_287 : i32
        %dma_wait3A_289 = arith.constant 1 : i32
        %dma_wait3A_290 = arith.constant 0 : i32
        %dma_wait3A_291 = arith.constant 0 : i32
        %dma_wait3A_292 = tpu.memref_slice %arg5[%dma_wait3A_289, %dma_wait3A_290, %dma_wait3A_291] : memref<3x2x128xi32, #tpu.memory_space<vmem>> -> memref<1x2x128xi32, #tpu.memory_space<vmem>>
        %dma_wait3A_293 = tpu.memref_squeeze %dma_wait3A_292 : memref<1x2x128xi32, #tpu.memory_space<vmem>> -> memref<2x128xi32, #tpu.memory_space<vmem>>
        %dma_wait3A_294 = arith.constant 0 : i32
        %dma_wait3A_295 = arith.constant 0 : i32
        %dma_wait3A_296 = tpu.memref_slice %arg3[%sub3A_288, %dma_wait3A_294, %dma_wait3A_295] : memref<2560x2x128xi32, #tpu.memory_space<hbm>> -> memref<1x2x128xi32, #tpu.memory_space<hbm>>
        %dma_wait3A_297 = tpu.memref_squeeze %dma_wait3A_296 : memref<1x2x128xi32, #tpu.memory_space<hbm>> -> memref<2x128xi32, #tpu.memory_space<hbm>>
        %dma_wait3A_298 = arith.constant 0 : i32
        %dma_wait3A_299 = arith.constant 0 : i32
        %dma_wait3A_300 = tpu.memref_slice %arg5[%dma_wait3A_289, %dma_wait3A_298, %dma_wait3A_299] : memref<3x2x128xi32, #tpu.memory_space<vmem>> -> memref<1x2x128xi32, #tpu.memory_space<vmem>>
        %dma_wait3A_301 = tpu.memref_squeeze %dma_wait3A_300 : memref<1x2x128xi32, #tpu.memory_space<vmem>> -> memref<2x128xi32, #tpu.memory_space<vmem>>
        %dma_wait3A_302 = arith.constant 0 : i32
        %dma_wait3A_303 = arith.constant 0 : i32
        %dma_wait3A_304 = tpu.memref_slice %arg3[%sub3A_288, %dma_wait3A_302, %dma_wait3A_303] : memref<2560x2x128xi32, #tpu.memory_space<hbm>> -> memref<1x2x128xi32, #tpu.memory_space<hbm>>
        %dma_wait3A_305 = tpu.memref_squeeze %dma_wait3A_304 : memref<1x2x128xi32, #tpu.memory_space<hbm>> -> memref<2x128xi32, #tpu.memory_space<hbm>>
        tpu.wait_dma2 semaphore(%arg14 : memref<!tpu.dma_semaphore, #tpu.memory_space<semaphore_mem>>) src(%dma_wait3A_305 : memref<2x128xi32, #tpu.memory_space<hbm>>) dst(%dma_wait3A_301 : memref<2x128xi32, #tpu.memory_space<vmem>>)
        %dma_start3A_306 = arith.constant 1 : i32
        %dma_start3A_307 = arith.constant 0 : i32
        %dma_start3A_308 = arith.constant 0 : i32
        %dma_start3A_309 = tpu.memref_slice %arg5[%dma_start3A_306, %dma_start3A_307, %dma_start3A_308] : memref<3x2x128xi32, #tpu.memory_space<vmem>> -> memref<1x1x128xi32, #tpu.memory_space<vmem>>
        %dma_start3A_310 = tpu.memref_squeeze %dma_start3A_309 : memref<1x1x128xi32, #tpu.memory_space<vmem>> -> memref<128xi32, #tpu.memory_space<vmem>>
        %dma_start3A_311 = arith.constant 0 : i32
        %dma_start3A_312 = arith.constant 0 : i32
        %dma_start3A_313 = tpu.memref_slice %arg2[%dma_start3A_311, %dma_start3A_312] : memref<10048x128xf32, #tpu.memory_space<hbm>> -> memref<10048x128xf32, #tpu.memory_space<hbm>>
        tpu.enqueue_indirect_dma source(%dma_start3A_313 : memref<10048x128xf32, #tpu.memory_space<hbm>>) target(%arg7 : memref<128x128xf32, #tpu.memory_space<vmem>>) offsets(%dma_start3A_310 : memref<128xi32, #tpu.memory_space<vmem>>) semaphore(%arg11 : memref<!tpu.dma_semaphore, #tpu.memory_space<semaphore_mem>>)
      } else {
      }
    }
    %while3A_167 = arith.constant 1 : i32
    scf.for %while3A_204 = %while3A_165 to %while3A_161 step %while3A_167  : i32 {
      %mul3A_205 = arith.constant 3 : i32
      %mul3A_206 = arith.muli %while3A_204, %mul3A_205 : i32
      %add3A_207 = arith.constant 0 : i32
      %add3A_208 = arith.addi %mul3A_206, %add3A_207 : i32
      %dma_wait3A_209 = arith.constant 0 : i32
      %dma_wait3A_210 = arith.constant 0 : i32
      %dma_wait3A_211 = arith.constant 0 : i32
      %dma_wait3A_212 = tpu.memref_slice %arg5[%dma_wait3A_209, %dma_wait3A_210, %dma_wait3A_211] : memref<3x2x128xi32, #tpu.memory_space<vmem>> -> memref<1x1x128xi32, #tpu.memory_space<vmem>>
      %dma_wait3A_213 = tpu.memref_squeeze %dma_wait3A_212 : memref<1x1x128xi32, #tpu.memory_space<vmem>> -> memref<128xi32, #tpu.memory_space<vmem>>
      %dma_wait3A_214 = arith.constant 0 : i32
      %dma_wait3A_215 = arith.constant 0 : i32
      %dma_wait3A_216 = tpu.memref_slice %arg2[%dma_wait3A_214, %dma_wait3A_215] : memref<10048x128xf32, #tpu.memory_space<hbm>> -> memref<10048x128xf32, #tpu.memory_space<hbm>>
      tpu.wait_indirect_dma semaphore(%arg10 : memref<!tpu.dma_semaphore, #tpu.memory_space<semaphore_mem>>) src(%dma_wait3A_216 : memref<10048x128xf32, #tpu.memory_space<hbm>>) dst(%arg6 : memref<128x128xf32, #tpu.memory_space<vmem>>)
      %run_scoped3A = arith.constant 0 : i32
      %run_scoped3A_217 = arith.constant 1 : i32
      "tpu.region"() ({
        %run_scoped3A_284 = tpu.sem_alloc : memref<!tpu.dma_semaphore, #tpu.memory_space<semaphore_mem>>
        %dma_start3A_285 = arith.constant 0 : i32
        %dma_start3A_286 = tpu.memref_slice %arg5[%run_scoped3A, %run_scoped3A_217, %dma_start3A_285] : memref<3x2x128xi32, #tpu.memory_space<vmem>> -> memref<1x1x128xi32, #tpu.memory_space<vmem>>
        %dma_start3A_287 = tpu.memref_squeeze %dma_start3A_286 : memref<1x1x128xi32, #tpu.memory_space<vmem>> -> memref<128xi32, #tpu.memory_space<vmem>>
        %dma_start3A_288 = arith.constant 0 : i32
        %dma_start3A_289 = arith.constant 0 : i32
        %dma_start3A_290 = tpu.memref_slice %arg9[%dma_start3A_288, %dma_start3A_289] : memref<10048x128xf32, #tpu.memory_space<vmem_shared>> -> memref<10048x128xf32, #tpu.memory_space<vmem_shared>>
        tpu.enqueue_indirect_dma source(%arg6 : memref<128x128xf32, #tpu.memory_space<vmem>>) target(%dma_start3A_290 : memref<10048x128xf32, #tpu.memory_space<vmem_shared>>) offsets(%dma_start3A_287 : memref<128xi32, #tpu.memory_space<vmem>>) semaphore(%run_scoped3A_284 : memref<!tpu.dma_semaphore, #tpu.memory_space<semaphore_mem>>) {add = true}
        %dma_wait3A_291 = arith.constant 0 : i32
        %dma_wait3A_292 = tpu.memref_slice %arg5[%run_scoped3A, %run_scoped3A_217, %dma_wait3A_291] : memref<3x2x128xi32, #tpu.memory_space<vmem>> -> memref<1x1x128xi32, #tpu.memory_space<vmem>>
        %dma_wait3A_293 = tpu.memref_squeeze %dma_wait3A_292 : memref<1x1x128xi32, #tpu.memory_space<vmem>> -> memref<128xi32, #tpu.memory_space<vmem>>
        %dma_wait3A_294 = arith.constant 0 : i32
        %dma_wait3A_295 = arith.constant 0 : i32
        %dma_wait3A_296 = tpu.memref_slice %arg9[%dma_wait3A_294, %dma_wait3A_295] : memref<10048x128xf32, #tpu.memory_space<vmem_shared>> -> memref<10048x128xf32, #tpu.memory_space<vmem_shared>>
        tpu.wait_indirect_dma semaphore(%run_scoped3A_284 : memref<!tpu.dma_semaphore, #tpu.memory_space<semaphore_mem>>) src(%arg6 : memref<128x128xf32, #tpu.memory_space<vmem>>) dst(%dma_wait3A_296 : memref<10048x128xf32, #tpu.memory_space<vmem_shared>>)
        tpu.yield
      }) : () -> ()
      %add3A_218 = arith.constant 3 : i32
      %add3A_219 = arith.addi %add3A_208, %add3A_218 : i32
      %lt3A_220 = arith.cmpi slt, %add3A_219, %select_n3A_8 : i32
      %convert_element_type3A_221 = arith.extui %lt3A_220 : i1 to i32
      %cond3A_222 = arith.constant 0 : i32
      %cond3A_223 = arith.cmpi ne, %convert_element_type3A_221, %cond3A_222 : i32
      scf.if %cond3A_223 {
        %add3A_284 = arith.addi %select_n3A, %add3A_208 : i32
        %add3A_285 = arith.constant 3 : i32
        %add3A_286 = arith.addi %add3A_284, %add3A_285 : i32
        %dma_start3A_287 = arith.constant 0 : i32
        %dma_start3A_288 = arith.constant 0 : i32
        %dma_start3A_289 = arith.constant 0 : i32
        %dma_start3A_290 = tpu.memref_slice %arg5[%dma_start3A_287, %dma_start3A_288, %dma_start3A_289] : memref<3x2x128xi32, #tpu.memory_space<vmem>> -> memref<1x2x128xi32, #tpu.memory_space<vmem>>
        %dma_start3A_291 = tpu.memref_squeeze %dma_start3A_290 : memref<1x2x128xi32, #tpu.memory_space<vmem>> -> memref<2x128xi32, #tpu.memory_space<vmem>>
        %dma_start3A_292 = arith.constant 0 : i32
        %dma_start3A_293 = arith.constant 0 : i32
        %dma_start3A_294 = tpu.memref_slice %arg3[%add3A_286, %dma_start3A_292, %dma_start3A_293] : memref<2560x2x128xi32, #tpu.memory_space<hbm>> -> memref<1x2x128xi32, #tpu.memory_space<hbm>>
        %dma_start3A_295 = tpu.memref_squeeze %dma_start3A_294 : memref<1x2x128xi32, #tpu.memory_space<hbm>> -> memref<2x128xi32, #tpu.memory_space<hbm>>
        %dma_start3A_296 = arith.constant 0 : i32
        %dma_start3A_297 = arith.constant 0 : i32
        %dma_start3A_298 = tpu.memref_slice %arg5[%dma_start3A_287, %dma_start3A_296, %dma_start3A_297] : memref<3x2x128xi32, #tpu.memory_space<vmem>> -> memref<1x2x128xi32, #tpu.memory_space<vmem>>
        %dma_start3A_299 = tpu.memref_squeeze %dma_start3A_298 : memref<1x2x128xi32, #tpu.memory_space<vmem>> -> memref<2x128xi32, #tpu.memory_space<vmem>>
        %dma_start3A_300 = arith.constant 0 : i32
        %dma_start3A_301 = arith.constant 0 : i32
        %dma_start3A_302 = tpu.memref_slice %arg3[%add3A_286, %dma_start3A_300, %dma_start3A_301] : memref<2560x2x128xi32, #tpu.memory_space<hbm>> -> memref<1x2x128xi32, #tpu.memory_space<hbm>>
        %dma_start3A_303 = tpu.memref_squeeze %dma_start3A_302 : memref<1x2x128xi32, #tpu.memory_space<hbm>> -> memref<2x128xi32, #tpu.memory_space<hbm>>
        tpu.enqueue_dma source(%dma_start3A_303 : memref<2x128xi32, #tpu.memory_space<hbm>>) target(%dma_start3A_299 : memref<2x128xi32, #tpu.memory_space<vmem>>) target_semaphore(%arg13 : memref<!tpu.dma_semaphore, #tpu.memory_space<semaphore_mem>>)
      } else {
      }
      %add3A_224 = arith.constant 3 : i32
      %add3A_225 = arith.addi %add3A_208, %add3A_224 : i32
      %sub3A_226 = arith.constant 1 : i32
      %sub3A_227 = arith.subi %add3A_225, %sub3A_226 : i32
      %lt3A_228 = arith.cmpi slt, %sub3A_227, %select_n3A_8 : i32
      %convert_element_type3A_229 = arith.extui %lt3A_228 : i1 to i32
      %cond3A_230 = arith.constant 0 : i32
      %cond3A_231 = arith.cmpi ne, %convert_element_type3A_229, %cond3A_230 : i32
      scf.if %cond3A_231 {
        %add3A_284 = arith.addi %select_n3A, %add3A_208 : i32
        %add3A_285 = arith.constant 3 : i32
        %add3A_286 = arith.addi %add3A_284, %add3A_285 : i32
        %sub3A_287 = arith.constant 1 : i32
        %sub3A_288 = arith.subi %add3A_286, %sub3A_287 : i32
        %dma_wait3A_289 = arith.constant 2 : i32
        %dma_wait3A_290 = arith.constant 0 : i32
        %dma_wait3A_291 = arith.constant 0 : i32
        %dma_wait3A_292 = tpu.memref_slice %arg5[%dma_wait3A_289, %dma_wait3A_290, %dma_wait3A_291] : memref<3x2x128xi32, #tpu.memory_space<vmem>> -> memref<1x2x128xi32, #tpu.memory_space<vmem>>
        %dma_wait3A_293 = tpu.memref_squeeze %dma_wait3A_292 : memref<1x2x128xi32, #tpu.memory_space<vmem>> -> memref<2x128xi32, #tpu.memory_space<vmem>>
        %dma_wait3A_294 = arith.constant 0 : i32
        %dma_wait3A_295 = arith.constant 0 : i32
        %dma_wait3A_296 = tpu.memref_slice %arg3[%sub3A_288, %dma_wait3A_294, %dma_wait3A_295] : memref<2560x2x128xi32, #tpu.memory_space<hbm>> -> memref<1x2x128xi32, #tpu.memory_space<hbm>>
        %dma_wait3A_297 = tpu.memref_squeeze %dma_wait3A_296 : memref<1x2x128xi32, #tpu.memory_space<hbm>> -> memref<2x128xi32, #tpu.memory_space<hbm>>
        %dma_wait3A_298 = arith.constant 0 : i32
        %dma_wait3A_299 = arith.constant 0 : i32
        %dma_wait3A_300 = tpu.memref_slice %arg5[%dma_wait3A_289, %dma_wait3A_298, %dma_wait3A_299] : memref<3x2x128xi32, #tpu.memory_space<vmem>> -> memref<1x2x128xi32, #tpu.memory_space<vmem>>
        %dma_wait3A_301 = tpu.memref_squeeze %dma_wait3A_300 : memref<1x2x128xi32, #tpu.memory_space<vmem>> -> memref<2x128xi32, #tpu.memory_space<vmem>>
        %dma_wait3A_302 = arith.constant 0 : i32
        %dma_wait3A_303 = arith.constant 0 : i32
        %dma_wait3A_304 = tpu.memref_slice %arg3[%sub3A_288, %dma_wait3A_302, %dma_wait3A_303] : memref<2560x2x128xi32, #tpu.memory_space<hbm>> -> memref<1x2x128xi32, #tpu.memory_space<hbm>>
        %dma_wait3A_305 = tpu.memref_squeeze %dma_wait3A_304 : memref<1x2x128xi32, #tpu.memory_space<hbm>> -> memref<2x128xi32, #tpu.memory_space<hbm>>
        tpu.wait_dma2 semaphore(%arg15 : memref<!tpu.dma_semaphore, #tpu.memory_space<semaphore_mem>>) src(%dma_wait3A_305 : memref<2x128xi32, #tpu.memory_space<hbm>>) dst(%dma_wait3A_301 : memref<2x128xi32, #tpu.memory_space<vmem>>)
        %dma_start3A_306 = arith.constant 2 : i32
        %dma_start3A_307 = arith.constant 0 : i32
        %dma_start3A_308 = arith.constant 0 : i32
        %dma_start3A_309 = tpu.memref_slice %arg5[%dma_start3A_306, %dma_start3A_307, %dma_start3A_308] : memref<3x2x128xi32, #tpu.memory_space<vmem>> -> memref<1x1x128xi32, #tpu.memory_space<vmem>>
        %dma_start3A_310 = tpu.memref_squeeze %dma_start3A_309 : memref<1x1x128xi32, #tpu.memory_space<vmem>> -> memref<128xi32, #tpu.memory_space<vmem>>
        %dma_start3A_311 = arith.constant 0 : i32
        %dma_start3A_312 = arith.constant 0 : i32
        %dma_start3A_313 = tpu.memref_slice %arg2[%dma_start3A_311, %dma_start3A_312] : memref<10048x128xf32, #tpu.memory_space<hbm>> -> memref<10048x128xf32, #tpu.memory_space<hbm>>
        tpu.enqueue_indirect_dma source(%dma_start3A_313 : memref<10048x128xf32, #tpu.memory_space<hbm>>) target(%arg8 : memref<128x128xf32, #tpu.memory_space<vmem>>) offsets(%dma_start3A_310 : memref<128xi32, #tpu.memory_space<vmem>>) semaphore(%arg12 : memref<!tpu.dma_semaphore, #tpu.memory_space<semaphore_mem>>)
      } else {
      }
      %add3A_232 = arith.constant 1 : i32
      %add3A_233 = arith.addi %mul3A_206, %add3A_232 : i32
      %dma_wait3A_234 = arith.constant 1 : i32
      %dma_wait3A_235 = arith.constant 0 : i32
      %dma_wait3A_236 = arith.constant 0 : i32
      %dma_wait3A_237 = tpu.memref_slice %arg5[%dma_wait3A_234, %dma_wait3A_235, %dma_wait3A_236] : memref<3x2x128xi32, #tpu.memory_space<vmem>> -> memref<1x1x128xi32, #tpu.memory_space<vmem>>
      %dma_wait3A_238 = tpu.memref_squeeze %dma_wait3A_237 : memref<1x1x128xi32, #tpu.memory_space<vmem>> -> memref<128xi32, #tpu.memory_space<vmem>>
      %dma_wait3A_239 = arith.constant 0 : i32
      %dma_wait3A_240 = arith.constant 0 : i32
      %dma_wait3A_241 = tpu.memref_slice %arg2[%dma_wait3A_239, %dma_wait3A_240] : memref<10048x128xf32, #tpu.memory_space<hbm>> -> memref<10048x128xf32, #tpu.memory_space<hbm>>
      tpu.wait_indirect_dma semaphore(%arg11 : memref<!tpu.dma_semaphore, #tpu.memory_space<semaphore_mem>>) src(%dma_wait3A_241 : memref<10048x128xf32, #tpu.memory_space<hbm>>) dst(%arg7 : memref<128x128xf32, #tpu.memory_space<vmem>>)
      %run_scoped3A_242 = arith.constant 1 : i32
      %run_scoped3A_243 = arith.constant 1 : i32
      "tpu.region"() ({
        %run_scoped3A_284 = tpu.sem_alloc : memref<!tpu.dma_semaphore, #tpu.memory_space<semaphore_mem>>
        %dma_start3A_285 = arith.constant 0 : i32
        %dma_start3A_286 = tpu.memref_slice %arg5[%run_scoped3A_242, %run_scoped3A_243, %dma_start3A_285] : memref<3x2x128xi32, #tpu.memory_space<vmem>> -> memref<1x1x128xi32, #tpu.memory_space<vmem>>
        %dma_start3A_287 = tpu.memref_squeeze %dma_start3A_286 : memref<1x1x128xi32, #tpu.memory_space<vmem>> -> memref<128xi32, #tpu.memory_space<vmem>>
        %dma_start3A_288 = arith.constant 0 : i32
        %dma_start3A_289 = arith.constant 0 : i32
        %dma_start3A_290 = tpu.memref_slice %arg9[%dma_start3A_288, %dma_start3A_289] : memref<10048x128xf32, #tpu.memory_space<vmem_shared>> -> memref<10048x128xf32, #tpu.memory_space<vmem_shared>>
        tpu.enqueue_indirect_dma source(%arg7 : memref<128x128xf32, #tpu.memory_space<vmem>>) target(%dma_start3A_290 : memref<10048x128xf32, #tpu.memory_space<vmem_shared>>) offsets(%dma_start3A_287 : memref<128xi32, #tpu.memory_space<vmem>>) semaphore(%run_scoped3A_284 : memref<!tpu.dma_semaphore, #tpu.memory_space<semaphore_mem>>) {add = true}
        %dma_wait3A_291 = arith.constant 0 : i32
        %dma_wait3A_292 = tpu.memref_slice %arg5[%run_scoped3A_242, %run_scoped3A_243, %dma_wait3A_291] : memref<3x2x128xi32, #tpu.memory_space<vmem>> -> memref<1x1x128xi32, #tpu.memory_space<vmem>>
        %dma_wait3A_293 = tpu.memref_squeeze %dma_wait3A_292 : memref<1x1x128xi32, #tpu.memory_space<vmem>> -> memref<128xi32, #tpu.memory_space<vmem>>
        %dma_wait3A_294 = arith.constant 0 : i32
        %dma_wait3A_295 = arith.constant 0 : i32
        %dma_wait3A_296 = tpu.memref_slice %arg9[%dma_wait3A_294, %dma_wait3A_295] : memref<10048x128xf32, #tpu.memory_space<vmem_shared>> -> memref<10048x128xf32, #tpu.memory_space<vmem_shared>>
        tpu.wait_indirect_dma semaphore(%run_scoped3A_284 : memref<!tpu.dma_semaphore, #tpu.memory_space<semaphore_mem>>) src(%arg7 : memref<128x128xf32, #tpu.memory_space<vmem>>) dst(%dma_wait3A_296 : memref<10048x128xf32, #tpu.memory_space<vmem_shared>>)
        tpu.yield
      }) : () -> ()
      %add3A_244 = arith.constant 3 : i32
      %add3A_245 = arith.addi %add3A_233, %add3A_244 : i32
      %lt3A_246 = arith.cmpi slt, %add3A_245, %select_n3A_8 : i32
      %convert_element_type3A_247 = arith.extui %lt3A_246 : i1 to i32
      %cond3A_248 = arith.constant 0 : i32
      %cond3A_249 = arith.cmpi ne, %convert_element_type3A_247, %cond3A_248 : i32
      scf.if %cond3A_249 {
        %add3A_284 = arith.addi %select_n3A, %add3A_233 : i32
        %add3A_285 = arith.constant 3 : i32
        %add3A_286 = arith.addi %add3A_284, %add3A_285 : i32
        %dma_start3A_287 = arith.constant 1 : i32
        %dma_start3A_288 = arith.constant 0 : i32
        %dma_start3A_289 = arith.constant 0 : i32
        %dma_start3A_290 = tpu.memref_slice %arg5[%dma_start3A_287, %dma_start3A_288, %dma_start3A_289] : memref<3x2x128xi32, #tpu.memory_space<vmem>> -> memref<1x2x128xi32, #tpu.memory_space<vmem>>
        %dma_start3A_291 = tpu.memref_squeeze %dma_start3A_290 : memref<1x2x128xi32, #tpu.memory_space<vmem>> -> memref<2x128xi32, #tpu.memory_space<vmem>>
        %dma_start3A_292 = arith.constant 0 : i32
        %dma_start3A_293 = arith.constant 0 : i32
        %dma_start3A_294 = tpu.memref_slice %arg3[%add3A_286, %dma_start3A_292, %dma_start3A_293] : memref<2560x2x128xi32, #tpu.memory_space<hbm>> -> memref<1x2x128xi32, #tpu.memory_space<hbm>>
        %dma_start3A_295 = tpu.memref_squeeze %dma_start3A_294 : memref<1x2x128xi32, #tpu.memory_space<hbm>> -> memref<2x128xi32, #tpu.memory_space<hbm>>
        %dma_start3A_296 = arith.constant 0 : i32
        %dma_start3A_297 = arith.constant 0 : i32
        %dma_start3A_298 = tpu.memref_slice %arg5[%dma_start3A_287, %dma_start3A_296, %dma_start3A_297] : memref<3x2x128xi32, #tpu.memory_space<vmem>> -> memref<1x2x128xi32, #tpu.memory_space<vmem>>
        %dma_start3A_299 = tpu.memref_squeeze %dma_start3A_298 : memref<1x2x128xi32, #tpu.memory_space<vmem>> -> memref<2x128xi32, #tpu.memory_space<vmem>>
        %dma_start3A_300 = arith.constant 0 : i32
        %dma_start3A_301 = arith.constant 0 : i32
        %dma_start3A_302 = tpu.memref_slice %arg3[%add3A_286, %dma_start3A_300, %dma_start3A_301] : memref<2560x2x128xi32, #tpu.memory_space<hbm>> -> memref<1x2x128xi32, #tpu.memory_space<hbm>>
        %dma_start3A_303 = tpu.memref_squeeze %dma_start3A_302 : memref<1x2x128xi32, #tpu.memory_space<hbm>> -> memref<2x128xi32, #tpu.memory_space<hbm>>
        tpu.enqueue_dma source(%dma_start3A_303 : memref<2x128xi32, #tpu.memory_space<hbm>>) target(%dma_start3A_299 : memref<2x128xi32, #tpu.memory_space<vmem>>) target_semaphore(%arg14 : memref<!tpu.dma_semaphore, #tpu.memory_space<semaphore_mem>>)
      } else {
      }
      %add3A_250 = arith.constant 3 : i32
      %add3A_251 = arith.addi %add3A_233, %add3A_250 : i32
      %sub3A_252 = arith.constant 1 : i32
      %sub3A_253 = arith.subi %add3A_251, %sub3A_252 : i32
      %lt3A_254 = arith.cmpi slt, %sub3A_253, %select_n3A_8 : i32
      %convert_element_type3A_255 = arith.extui %lt3A_254 : i1 to i32
      %cond3A_256 = arith.constant 0 : i32
      %cond3A_257 = arith.cmpi ne, %convert_element_type3A_255, %cond3A_256 : i32
      scf.if %cond3A_257 {
        %add3A_284 = arith.addi %select_n3A, %add3A_233 : i32
        %add3A_285 = arith.constant 3 : i32
        %add3A_286 = arith.addi %add3A_284, %add3A_285 : i32
        %sub3A_287 = arith.constant 1 : i32
        %sub3A_288 = arith.subi %add3A_286, %sub3A_287 : i32
        %dma_wait3A_289 = arith.constant 0 : i32
        %dma_wait3A_290 = arith.constant 0 : i32
        %dma_wait3A_291 = arith.constant 0 : i32
        %dma_wait3A_292 = tpu.memref_slice %arg5[%dma_wait3A_289, %dma_wait3A_290, %dma_wait3A_291] : memref<3x2x128xi32, #tpu.memory_space<vmem>> -> memref<1x2x128xi32, #tpu.memory_space<vmem>>
        %dma_wait3A_293 = tpu.memref_squeeze %dma_wait3A_292 : memref<1x2x128xi32, #tpu.memory_space<vmem>> -> memref<2x128xi32, #tpu.memory_space<vmem>>
        %dma_wait3A_294 = arith.constant 0 : i32
        %dma_wait3A_295 = arith.constant 0 : i32
        %dma_wait3A_296 = tpu.memref_slice %arg3[%sub3A_288, %dma_wait3A_294, %dma_wait3A_295] : memref<2560x2x128xi32, #tpu.memory_space<hbm>> -> memref<1x2x128xi32, #tpu.memory_space<hbm>>
        %dma_wait3A_297 = tpu.memref_squeeze %dma_wait3A_296 : memref<1x2x128xi32, #tpu.memory_space<hbm>> -> memref<2x128xi32, #tpu.memory_space<hbm>>
        %dma_wait3A_298 = arith.constant 0 : i32
        %dma_wait3A_299 = arith.constant 0 : i32
        %dma_wait3A_300 = tpu.memref_slice %arg5[%dma_wait3A_289, %dma_wait3A_298, %dma_wait3A_299] : memref<3x2x128xi32, #tpu.memory_space<vmem>> -> memref<1x2x128xi32, #tpu.memory_space<vmem>>
        %dma_wait3A_301 = tpu.memref_squeeze %dma_wait3A_300 : memref<1x2x128xi32, #tpu.memory_space<vmem>> -> memref<2x128xi32, #tpu.memory_space<vmem>>
        %dma_wait3A_302 = arith.constant 0 : i32
        %dma_wait3A_303 = arith.constant 0 : i32
        %dma_wait3A_304 = tpu.memref_slice %arg3[%sub3A_288, %dma_wait3A_302, %dma_wait3A_303] : memref<2560x2x128xi32, #tpu.memory_space<hbm>> -> memref<1x2x128xi32, #tpu.memory_space<hbm>>
        %dma_wait3A_305 = tpu.memref_squeeze %dma_wait3A_304 : memref<1x2x128xi32, #tpu.memory_space<hbm>> -> memref<2x128xi32, #tpu.memory_space<hbm>>
        tpu.wait_dma2 semaphore(%arg13 : memref<!tpu.dma_semaphore, #tpu.memory_space<semaphore_mem>>) src(%dma_wait3A_305 : memref<2x128xi32, #tpu.memory_space<hbm>>) dst(%dma_wait3A_301 : memref<2x128xi32, #tpu.memory_space<vmem>>)
        %dma_start3A_306 = arith.constant 0 : i32
        %dma_start3A_307 = arith.constant 0 : i32
        %dma_start3A_308 = arith.constant 0 : i32
        %dma_start3A_309 = tpu.memref_slice %arg5[%dma_start3A_306, %dma_start3A_307, %dma_start3A_308] : memref<3x2x128xi32, #tpu.memory_space<vmem>> -> memref<1x1x128xi32, #tpu.memory_space<vmem>>
        %dma_start3A_310 = tpu.memref_squeeze %dma_start3A_309 : memref<1x1x128xi32, #tpu.memory_space<vmem>> -> memref<128xi32, #tpu.memory_space<vmem>>
        %dma_start3A_311 = arith.constant 0 : i32
        %dma_start3A_312 = arith.constant 0 : i32
        %dma_start3A_313 = tpu.memref_slice %arg2[%dma_start3A_311, %dma_start3A_312] : memref<10048x128xf32, #tpu.memory_space<hbm>> -> memref<10048x128xf32, #tpu.memory_space<hbm>>
        tpu.enqueue_indirect_dma source(%dma_start3A_313 : memref<10048x128xf32, #tpu.memory_space<hbm>>) target(%arg6 : memref<128x128xf32, #tpu.memory_space<vmem>>) offsets(%dma_start3A_310 : memref<128xi32, #tpu.memory_space<vmem>>) semaphore(%arg10 : memref<!tpu.dma_semaphore, #tpu.memory_space<semaphore_mem>>)
      } else {
      }
      %add3A_258 = arith.constant 2 : i32
      %add3A_259 = arith.addi %mul3A_206, %add3A_258 : i32
      %dma_wait3A_260 = arith.constant 2 : i32
      %dma_wait3A_261 = arith.constant 0 : i32
      %dma_wait3A_262 = arith.constant 0 : i32
      %dma_wait3A_263 = tpu.memref_slice %arg5[%dma_wait3A_260, %dma_wait3A_261, %dma_wait3A_262] : memref<3x2x128xi32, #tpu.memory_space<vmem>> -> memref<1x1x128xi32, #tpu.memory_space<vmem>>
      %dma_wait3A_264 = tpu.memref_squeeze %dma_wait3A_263 : memref<1x1x128xi32, #tpu.memory_space<vmem>> -> memref<128xi32, #tpu.memory_space<vmem>>
      %dma_wait3A_265 = arith.constant 0 : i32
      %dma_wait3A_266 = arith.constant 0 : i32
      %dma_wait3A_267 = tpu.memref_slice %arg2[%dma_wait3A_265, %dma_wait3A_266] : memref<10048x128xf32, #tpu.memory_space<hbm>> -> memref<10048x128xf32, #tpu.memory_space<hbm>>
      tpu.wait_indirect_dma semaphore(%arg12 : memref<!tpu.dma_semaphore, #tpu.memory_space<semaphore_mem>>) src(%dma_wait3A_267 : memref<10048x128xf32, #tpu.memory_space<hbm>>) dst(%arg8 : memref<128x128xf32, #tpu.memory_space<vmem>>)
      %run_scoped3A_268 = arith.constant 2 : i32
      %run_scoped3A_269 = arith.constant 1 : i32
      "tpu.region"() ({
        %run_scoped3A_284 = tpu.sem_alloc : memref<!tpu.dma_semaphore, #tpu.memory_space<semaphore_mem>>
        %dma_start3A_285 = arith.constant 0 : i32
        %dma_start3A_286 = tpu.memref_slice %arg5[%run_scoped3A_268, %run_scoped3A_269, %dma_start3A_285] : memref<3x2x128xi32, #tpu.memory_space<vmem>> -> memref<1x1x128xi32, #tpu.memory_space<vmem>>
        %dma_start3A_287 = tpu.memref_squeeze %dma_start3A_286 : memref<1x1x128xi32, #tpu.memory_space<vmem>> -> memref<128xi32, #tpu.memory_space<vmem>>
        %dma_start3A_288 = arith.constant 0 : i32
        %dma_start3A_289 = arith.constant 0 : i32
        %dma_start3A_290 = tpu.memref_slice %arg9[%dma_start3A_288, %dma_start3A_289] : memref<10048x128xf32, #tpu.memory_space<vmem_shared>> -> memref<10048x128xf32, #tpu.memory_space<vmem_shared>>
        tpu.enqueue_indirect_dma source(%arg8 : memref<128x128xf32, #tpu.memory_space<vmem>>) target(%dma_start3A_290 : memref<10048x128xf32, #tpu.memory_space<vmem_shared>>) offsets(%dma_start3A_287 : memref<128xi32, #tpu.memory_space<vmem>>) semaphore(%run_scoped3A_284 : memref<!tpu.dma_semaphore, #tpu.memory_space<semaphore_mem>>) {add = true}
        %dma_wait3A_291 = arith.constant 0 : i32
        %dma_wait3A_292 = tpu.memref_slice %arg5[%run_scoped3A_268, %run_scoped3A_269, %dma_wait3A_291] : memref<3x2x128xi32, #tpu.memory_space<vmem>> -> memref<1x1x128xi32, #tpu.memory_space<vmem>>
        %dma_wait3A_293 = tpu.memref_squeeze %dma_wait3A_292 : memref<1x1x128xi32, #tpu.memory_space<vmem>> -> memref<128xi32, #tpu.memory_space<vmem>>
        %dma_wait3A_294 = arith.constant 0 : i32
        %dma_wait3A_295 = arith.constant 0 : i32
        %dma_wait3A_296 = tpu.memref_slice %arg9[%dma_wait3A_294, %dma_wait3A_295] : memref<10048x128xf32, #tpu.memory_space<vmem_shared>> -> memref<10048x128xf32, #tpu.memory_space<vmem_shared>>
        tpu.wait_indirect_dma semaphore(%run_scoped3A_284 : memref<!tpu.dma_semaphore, #tpu.memory_space<semaphore_mem>>) src(%arg8 : memref<128x128xf32, #tpu.memory_space<vmem>>) dst(%dma_wait3A_296 : memref<10048x128xf32, #tpu.memory_space<vmem_shared>>)
        tpu.yield
      }) : () -> ()
      %add3A_270 = arith.constant 3 : i32
      %add3A_271 = arith.addi %add3A_259, %add3A_270 : i32
      %lt3A_272 = arith.cmpi slt, %add3A_271, %select_n3A_8 : i32
      %convert_element_type3A_273 = arith.extui %lt3A_272 : i1 to i32
      %cond3A_274 = arith.constant 0 : i32
      %cond3A_275 = arith.cmpi ne, %convert_element_type3A_273, %cond3A_274 : i32
      scf.if %cond3A_275 {
        %add3A_284 = arith.addi %select_n3A, %add3A_259 : i32
        %add3A_285 = arith.constant 3 : i32
        %add3A_286 = arith.addi %add3A_284, %add3A_285 : i32
        %dma_start3A_287 = arith.constant 2 : i32
        %dma_start3A_288 = arith.constant 0 : i32
        %dma_start3A_289 = arith.constant 0 : i32
        %dma_start3A_290 = tpu.memref_slice %arg5[%dma_start3A_287, %dma_start3A_288, %dma_start3A_289] : memref<3x2x128xi32, #tpu.memory_space<vmem>> -> memref<1x2x128xi32, #tpu.memory_space<vmem>>
        %dma_start3A_291 = tpu.memref_squeeze %dma_start3A_290 : memref<1x2x128xi32, #tpu.memory_space<vmem>> -> memref<2x128xi32, #tpu.memory_space<vmem>>
        %dma_start3A_292 = arith.constant 0 : i32
        %dma_start3A_293 = arith.constant 0 : i32
        %dma_start3A_294 = tpu.memref_slice %arg3[%add3A_286, %dma_start3A_292, %dma_start3A_293] : memref<2560x2x128xi32, #tpu.memory_space<hbm>> -> memref<1x2x128xi32, #tpu.memory_space<hbm>>
        %dma_start3A_295 = tpu.memref_squeeze %dma_start3A_294 : memref<1x2x128xi32, #tpu.memory_space<hbm>> -> memref<2x128xi32, #tpu.memory_space<hbm>>
        %dma_start3A_296 = arith.constant 0 : i32
        %dma_start3A_297 = arith.constant 0 : i32
        %dma_start3A_298 = tpu.memref_slice %arg5[%dma_start3A_287, %dma_start3A_296, %dma_start3A_297] : memref<3x2x128xi32, #tpu.memory_space<vmem>> -> memref<1x2x128xi32, #tpu.memory_space<vmem>>
        %dma_start3A_299 = tpu.memref_squeeze %dma_start3A_298 : memref<1x2x128xi32, #tpu.memory_space<vmem>> -> memref<2x128xi32, #tpu.memory_space<vmem>>
        %dma_start3A_300 = arith.constant 0 : i32
        %dma_start3A_301 = arith.constant 0 : i32
        %dma_start3A_302 = tpu.memref_slice %arg3[%add3A_286, %dma_start3A_300, %dma_start3A_301] : memref<2560x2x128xi32, #tpu.memory_space<hbm>> -> memref<1x2x128xi32, #tpu.memory_space<hbm>>
        %dma_start3A_303 = tpu.memref_squeeze %dma_start3A_302 : memref<1x2x128xi32, #tpu.memory_space<hbm>> -> memref<2x128xi32, #tpu.memory_space<hbm>>
        tpu.enqueue_dma source(%dma_start3A_303 : memref<2x128xi32, #tpu.memory_space<hbm>>) target(%dma_start3A_299 : memref<2x128xi32, #tpu.memory_space<vmem>>) target_semaphore(%arg15 : memref<!tpu.dma_semaphore, #tpu.memory_space<semaphore_mem>>)
      } else {
      }
      %add3A_276 = arith.constant 3 : i32
      %add3A_277 = arith.addi %add3A_259, %add3A_276 : i32
      %sub3A_278 = arith.constant 1 : i32
      %sub3A_279 = arith.subi %add3A_277, %sub3A_278 : i32
      %lt3A_280 = arith.cmpi slt, %sub3A_279, %select_n3A_8 : i32
      %convert_element_type3A_281 = arith.extui %lt3A_280 : i1 to i32
      %cond3A_282 = arith.constant 0 : i32
      %cond3A_283 = arith.cmpi ne, %convert_element_type3A_281, %cond3A_282 : i32
      scf.if %cond3A_283 {
        %add3A_284 = arith.addi %select_n3A, %add3A_259 : i32
        %add3A_285 = arith.constant 3 : i32
        %add3A_286 = arith.addi %add3A_284, %add3A_285 : i32
        %sub3A_287 = arith.constant 1 : i32
        %sub3A_288 = arith.subi %add3A_286, %sub3A_287 : i32
        %dma_wait3A_289 = arith.constant 1 : i32
        %dma_wait3A_290 = arith.constant 0 : i32
        %dma_wait3A_291 = arith.constant 0 : i32
        %dma_wait3A_292 = tpu.memref_slice %arg5[%dma_wait3A_289, %dma_wait3A_290, %dma_wait3A_291] : memref<3x2x128xi32, #tpu.memory_space<vmem>> -> memref<1x2x128xi32, #tpu.memory_space<vmem>>
        %dma_wait3A_293 = tpu.memref_squeeze %dma_wait3A_292 : memref<1x2x128xi32, #tpu.memory_space<vmem>> -> memref<2x128xi32, #tpu.memory_space<vmem>>
        %dma_wait3A_294 = arith.constant 0 : i32
        %dma_wait3A_295 = arith.constant 0 : i32
        %dma_wait3A_296 = tpu.memref_slice %arg3[%sub3A_288, %dma_wait3A_294, %dma_wait3A_295] : memref<2560x2x128xi32, #tpu.memory_space<hbm>> -> memref<1x2x128xi32, #tpu.memory_space<hbm>>
        %dma_wait3A_297 = tpu.memref_squeeze %dma_wait3A_296 : memref<1x2x128xi32, #tpu.memory_space<hbm>> -> memref<2x128xi32, #tpu.memory_space<hbm>>
        %dma_wait3A_298 = arith.constant 0 : i32
        %dma_wait3A_299 = arith.constant 0 : i32
        %dma_wait3A_300 = tpu.memref_slice %arg5[%dma_wait3A_289, %dma_wait3A_298, %dma_wait3A_299] : memref<3x2x128xi32, #tpu.memory_space<vmem>> -> memref<1x2x128xi32, #tpu.memory_space<vmem>>
        %dma_wait3A_301 = tpu.memref_squeeze %dma_wait3A_300 : memref<1x2x128xi32, #tpu.memory_space<vmem>> -> memref<2x128xi32, #tpu.memory_space<vmem>>
        %dma_wait3A_302 = arith.constant 0 : i32
        %dma_wait3A_303 = arith.constant 0 : i32
        %dma_wait3A_304 = tpu.memref_slice %arg3[%sub3A_288, %dma_wait3A_302, %dma_wait3A_303] : memref<2560x2x128xi32, #tpu.memory_space<hbm>> -> memref<1x2x128xi32, #tpu.memory_space<hbm>>
        %dma_wait3A_305 = tpu.memref_squeeze %dma_wait3A_304 : memref<1x2x128xi32, #tpu.memory_space<hbm>> -> memref<2x128xi32, #tpu.memory_space<hbm>>
        tpu.wait_dma2 semaphore(%arg14 : memref<!tpu.dma_semaphore, #tpu.memory_space<semaphore_mem>>) src(%dma_wait3A_305 : memref<2x128xi32, #tpu.memory_space<hbm>>) dst(%dma_wait3A_301 : memref<2x128xi32, #tpu.memory_space<vmem>>)
        %dma_start3A_306 = arith.constant 1 : i32
        %dma_start3A_307 = arith.constant 0 : i32
        %dma_start3A_308 = arith.constant 0 : i32
        %dma_start3A_309 = tpu.memref_slice %arg5[%dma_start3A_306, %dma_start3A_307, %dma_start3A_308] : memref<3x2x128xi32, #tpu.memory_space<vmem>> -> memref<1x1x128xi32, #tpu.memory_space<vmem>>
        %dma_start3A_310 = tpu.memref_squeeze %dma_start3A_309 : memref<1x1x128xi32, #tpu.memory_space<vmem>> -> memref<128xi32, #tpu.memory_space<vmem>>
        %dma_start3A_311 = arith.constant 0 : i32
        %dma_start3A_312 = arith.constant 0 : i32
        %dma_start3A_313 = tpu.memref_slice %arg2[%dma_start3A_311, %dma_start3A_312] : memref<10048x128xf32, #tpu.memory_space<hbm>> -> memref<10048x128xf32, #tpu.memory_space<hbm>>
        tpu.enqueue_indirect_dma source(%dma_start3A_313 : memref<10048x128xf32, #tpu.memory_space<hbm>>) target(%arg7 : memref<128x128xf32, #tpu.memory_space<vmem>>) offsets(%dma_start3A_310 : memref<128xi32, #tpu.memory_space<vmem>>) semaphore(%arg11 : memref<!tpu.dma_semaphore, #tpu.memory_space<semaphore_mem>>)
      } else {
      }
    }
    %jit3A_168 = arith.constant 3 : i32
    %eq3A_169 = arith.constant 0 : i32
    %eq3A_170 = arith.cmpi eq, %jit3A_168, %eq3A_169 : i32
    %jit3A_171 = arith.constant 1 : i32
    %select_n3A_172 = arith.select %eq3A_170, %jit3A_171, %jit3A_168 : i32
    %rem3A_173 = arith.remsi %select_n3A_8, %select_n3A_172 : i32
    %ne3A_174 = arith.constant 0 : i32
    %ne3A_175 = arith.cmpi ne, %rem3A_173, %ne3A_174 : i32
    %lt3A_176 = arith.constant 0 : i32
    %lt3A_177 = arith.cmpi slt, %rem3A_173, %lt3A_176 : i32
    %lt3A_178 = arith.constant 0 : i32
    %lt3A_179 = arith.cmpi slt, %select_n3A_172, %lt3A_178 : i32
    %ne3A_180 = arith.xori %lt3A_177, %lt3A_179 : i1
    %and3A_181 = arith.andi %ne3A_180, %ne3A_175 : i1
    %add3A_182 = arith.addi %rem3A_173, %select_n3A_172 : i32
    %select_n3A_183 = arith.select %and3A_181, %add3A_182, %rem3A_173 : i32
    %gt3A = arith.constant 0 : i32
    %gt3A_184 = arith.cmpi sgt, %select_n3A_183, %gt3A : i32
    %convert_element_type3A_185 = arith.extui %gt3A_184 : i1 to i32
    %cond3A_186 = arith.constant 0 : i32
    %cond3A_187 = arith.cmpi ne, %convert_element_type3A_185, %cond3A_186 : i32
    scf.if %cond3A_187 {
      %dma_wait3A_204 = arith.constant 0 : i32
      %dma_wait3A_205 = arith.constant 0 : i32
      %dma_wait3A_206 = arith.constant 0 : i32
      %dma_wait3A_207 = tpu.memref_slice %arg5[%dma_wait3A_204, %dma_wait3A_205, %dma_wait3A_206] : memref<3x2x128xi32, #tpu.memory_space<vmem>> -> memref<1x1x128xi32, #tpu.memory_space<vmem>>
      %dma_wait3A_208 = tpu.memref_squeeze %dma_wait3A_207 : memref<1x1x128xi32, #tpu.memory_space<vmem>> -> memref<128xi32, #tpu.memory_space<vmem>>
      %dma_wait3A_209 = arith.constant 0 : i32
      %dma_wait3A_210 = arith.constant 0 : i32
      %dma_wait3A_211 = tpu.memref_slice %arg2[%dma_wait3A_209, %dma_wait3A_210] : memref<10048x128xf32, #tpu.memory_space<hbm>> -> memref<10048x128xf32, #tpu.memory_space<hbm>>
      tpu.wait_indirect_dma semaphore(%arg10 : memref<!tpu.dma_semaphore, #tpu.memory_space<semaphore_mem>>) src(%dma_wait3A_211 : memref<10048x128xf32, #tpu.memory_space<hbm>>) dst(%arg6 : memref<128x128xf32, #tpu.memory_space<vmem>>)
      %run_scoped3A = arith.constant 0 : i32
      %run_scoped3A_212 = arith.constant 1 : i32
      "tpu.region"() ({
        %run_scoped3A_213 = tpu.sem_alloc : memref<!tpu.dma_semaphore, #tpu.memory_space<semaphore_mem>>
        %dma_start3A_214 = arith.constant 0 : i32
        %dma_start3A_215 = tpu.memref_slice %arg5[%run_scoped3A, %run_scoped3A_212, %dma_start3A_214] : memref<3x2x128xi32, #tpu.memory_space<vmem>> -> memref<1x1x128xi32, #tpu.memory_space<vmem>>
        %dma_start3A_216 = tpu.memref_squeeze %dma_start3A_215 : memref<1x1x128xi32, #tpu.memory_space<vmem>> -> memref<128xi32, #tpu.memory_space<vmem>>
        %dma_start3A_217 = arith.constant 0 : i32
        %dma_start3A_218 = arith.constant 0 : i32
        %dma_start3A_219 = tpu.memref_slice %arg9[%dma_start3A_217, %dma_start3A_218] : memref<10048x128xf32, #tpu.memory_space<vmem_shared>> -> memref<10048x128xf32, #tpu.memory_space<vmem_shared>>
        tpu.enqueue_indirect_dma source(%arg6 : memref<128x128xf32, #tpu.memory_space<vmem>>) target(%dma_start3A_219 : memref<10048x128xf32, #tpu.memory_space<vmem_shared>>) offsets(%dma_start3A_216 : memref<128xi32, #tpu.memory_space<vmem>>) semaphore(%run_scoped3A_213 : memref<!tpu.dma_semaphore, #tpu.memory_space<semaphore_mem>>) {add = true}
        %dma_wait3A_220 = arith.constant 0 : i32
        %dma_wait3A_221 = tpu.memref_slice %arg5[%run_scoped3A, %run_scoped3A_212, %dma_wait3A_220] : memref<3x2x128xi32, #tpu.memory_space<vmem>> -> memref<1x1x128xi32, #tpu.memory_space<vmem>>
        %dma_wait3A_222 = tpu.memref_squeeze %dma_wait3A_221 : memref<1x1x128xi32, #tpu.memory_space<vmem>> -> memref<128xi32, #tpu.memory_space<vmem>>
        %dma_wait3A_223 = arith.constant 0 : i32
        %dma_wait3A_224 = arith.constant 0 : i32
        %dma_wait3A_225 = tpu.memref_slice %arg9[%dma_wait3A_223, %dma_wait3A_224] : memref<10048x128xf32, #tpu.memory_space<vmem_shared>> -> memref<10048x128xf32, #tpu.memory_space<vmem_shared>>
        tpu.wait_indirect_dma semaphore(%run_scoped3A_213 : memref<!tpu.dma_semaphore, #tpu.memory_space<semaphore_mem>>) src(%arg6 : memref<128x128xf32, #tpu.memory_space<vmem>>) dst(%dma_wait3A_225 : memref<10048x128xf32, #tpu.memory_space<vmem_shared>>)
        tpu.yield
      }) : () -> ()
    } else {
    }
    %gt3A_188 = arith.constant 1 : i32
    %gt3A_189 = arith.cmpi sgt, %select_n3A_183, %gt3A_188 : i32
    %convert_element_type3A_190 = arith.extui %gt3A_189 : i1 to i32
    %cond3A_191 = arith.constant 0 : i32
    %cond3A_192 = arith.cmpi ne, %convert_element_type3A_190, %cond3A_191 : i32
    scf.if %cond3A_192 {
      %dma_wait3A_204 = arith.constant 1 : i32
      %dma_wait3A_205 = arith.constant 0 : i32
      %dma_wait3A_206 = arith.constant 0 : i32
      %dma_wait3A_207 = tpu.memref_slice %arg5[%dma_wait3A_204, %dma_wait3A_205, %dma_wait3A_206] : memref<3x2x128xi32, #tpu.memory_space<vmem>> -> memref<1x1x128xi32, #tpu.memory_space<vmem>>
      %dma_wait3A_208 = tpu.memref_squeeze %dma_wait3A_207 : memref<1x1x128xi32, #tpu.memory_space<vmem>> -> memref<128xi32, #tpu.memory_space<vmem>>
      %dma_wait3A_209 = arith.constant 0 : i32
      %dma_wait3A_210 = arith.constant 0 : i32
      %dma_wait3A_211 = tpu.memref_slice %arg2[%dma_wait3A_209, %dma_wait3A_210] : memref<10048x128xf32, #tpu.memory_space<hbm>> -> memref<10048x128xf32, #tpu.memory_space<hbm>>
      tpu.wait_indirect_dma semaphore(%arg11 : memref<!tpu.dma_semaphore, #tpu.memory_space<semaphore_mem>>) src(%dma_wait3A_211 : memref<10048x128xf32, #tpu.memory_space<hbm>>) dst(%arg7 : memref<128x128xf32, #tpu.memory_space<vmem>>)
      %run_scoped3A = arith.constant 1 : i32
      %run_scoped3A_212 = arith.constant 1 : i32
      "tpu.region"() ({
        %run_scoped3A_213 = tpu.sem_alloc : memref<!tpu.dma_semaphore, #tpu.memory_space<semaphore_mem>>
        %dma_start3A_214 = arith.constant 0 : i32
        %dma_start3A_215 = tpu.memref_slice %arg5[%run_scoped3A, %run_scoped3A_212, %dma_start3A_214] : memref<3x2x128xi32, #tpu.memory_space<vmem>> -> memref<1x1x128xi32, #tpu.memory_space<vmem>>
        %dma_start3A_216 = tpu.memref_squeeze %dma_start3A_215 : memref<1x1x128xi32, #tpu.memory_space<vmem>> -> memref<128xi32, #tpu.memory_space<vmem>>
        %dma_start3A_217 = arith.constant 0 : i32
        %dma_start3A_218 = arith.constant 0 : i32
        %dma_start3A_219 = tpu.memref_slice %arg9[%dma_start3A_217, %dma_start3A_218] : memref<10048x128xf32, #tpu.memory_space<vmem_shared>> -> memref<10048x128xf32, #tpu.memory_space<vmem_shared>>
        tpu.enqueue_indirect_dma source(%arg7 : memref<128x128xf32, #tpu.memory_space<vmem>>) target(%dma_start3A_219 : memref<10048x128xf32, #tpu.memory_space<vmem_shared>>) offsets(%dma_start3A_216 : memref<128xi32, #tpu.memory_space<vmem>>) semaphore(%run_scoped3A_213 : memref<!tpu.dma_semaphore, #tpu.memory_space<semaphore_mem>>) {add = true}
        %dma_wait3A_220 = arith.constant 0 : i32
        %dma_wait3A_221 = tpu.memref_slice %arg5[%run_scoped3A, %run_scoped3A_212, %dma_wait3A_220] : memref<3x2x128xi32, #tpu.memory_space<vmem>> -> memref<1x1x128xi32, #tpu.memory_space<vmem>>
        %dma_wait3A_222 = tpu.memref_squeeze %dma_wait3A_221 : memref<1x1x128xi32, #tpu.memory_space<vmem>> -> memref<128xi32, #tpu.memory_space<vmem>>
        %dma_wait3A_223 = arith.constant 0 : i32
        %dma_wait3A_224 = arith.constant 0 : i32
        %dma_wait3A_225 = tpu.memref_slice %arg9[%dma_wait3A_223, %dma_wait3A_224] : memref<10048x128xf32, #tpu.memory_space<vmem_shared>> -> memref<10048x128xf32, #tpu.memory_space<vmem_shared>>
        tpu.wait_indirect_dma semaphore(%run_scoped3A_213 : memref<!tpu.dma_semaphore, #tpu.memory_space<semaphore_mem>>) src(%arg7 : memref<128x128xf32, #tpu.memory_space<vmem>>) dst(%dma_wait3A_225 : memref<10048x128xf32, #tpu.memory_space<vmem_shared>>)
        tpu.yield
      }) : () -> ()
    } else {
    }
    %barrier3A_193 = arith.constant 0 : index
    tpu.barrier barrier_id(%barrier3A_193)
    %lt3A_194 = arith.constant 15 : i32
    %lt3A_195 = arith.cmpi slt, %arg1, %lt3A_194 : i32
    %convert_element_type3A_196 = arith.extui %lt3A_195 : i1 to i32
    %cond3A_197 = arith.constant 0 : i32
    %cond3A_198 = arith.cmpi ne, %convert_element_type3A_196, %cond3A_197 : i32
    scf.if %cond3A_198 {
      %mul3A_204 = arith.constant 632 : i32
      %mul3A_205 = arith.muli %arg1, %mul3A_204 : i32
      %mul3A_206 = arith.constant 632 : i32
      %mul3A_207 = arith.muli %arg1, %mul3A_206 : i32
      "tpu.region"() ({
        %run_scoped3A = tpu.sem_alloc : memref<!tpu.dma_semaphore, #tpu.memory_space<semaphore_mem>>
        %dma_start3A_208 = arith.constant 0 : i32
        %dma_start3A_209 = tpu.memref_slice %arg4[%arg0, %mul3A_207, %dma_start3A_208] : memref<2x10048x128xf32, #tpu.memory_space<hbm>> -> memref<1x632x128xf32, #tpu.memory_space<hbm>>
        %dma_start3A_210 = tpu.memref_squeeze %dma_start3A_209 : memref<1x632x128xf32, #tpu.memory_space<hbm>> -> memref<632x128xf32, #tpu.memory_space<hbm>>
        %dma_start3A_211 = arith.constant 0 : i32
        %dma_start3A_212 = tpu.memref_slice %arg9[%mul3A_205, %dma_start3A_211] : memref<10048x128xf32, #tpu.memory_space<vmem_shared>> -> memref<632x128xf32, #tpu.memory_space<vmem_shared>>
        tpu.enqueue_dma source(%dma_start3A_212 : memref<632x128xf32, #tpu.memory_space<vmem_shared>>) target(%dma_start3A_210 : memref<632x128xf32, #tpu.memory_space<hbm>>) target_semaphore(%run_scoped3A : memref<!tpu.dma_semaphore, #tpu.memory_space<semaphore_mem>>)
        %dma_wait3A_213 = arith.constant 0 : i32
        %dma_wait3A_214 = tpu.memref_slice %arg4[%arg0, %mul3A_207, %dma_wait3A_213] : memref<2x10048x128xf32, #tpu.memory_space<hbm>> -> memref<1x632x128xf32, #tpu.memory_space<hbm>>
        %dma_wait3A_215 = tpu.memref_squeeze %dma_wait3A_214 : memref<1x632x128xf32, #tpu.memory_space<hbm>> -> memref<632x128xf32, #tpu.memory_space<hbm>>
        %dma_wait3A_216 = arith.constant 0 : i32
        %dma_wait3A_217 = tpu.memref_slice %arg9[%mul3A_205, %dma_wait3A_216] : memref<10048x128xf32, #tpu.memory_space<vmem_shared>> -> memref<632x128xf32, #tpu.memory_space<vmem_shared>>
        tpu.wait_dma2 semaphore(%run_scoped3A : memref<!tpu.dma_semaphore, #tpu.memory_space<semaphore_mem>>) src(%dma_wait3A_217 : memref<632x128xf32, #tpu.memory_space<vmem_shared>>) dst(%dma_wait3A_215 : memref<632x128xf32, #tpu.memory_space<hbm>>)
        tpu.yield
      }) : () -> ()
    } else {
    }
    %eq3A_199 = arith.constant 15 : i32
    %eq3A_200 = arith.cmpi eq, %arg1, %eq3A_199 : i32
    %convert_element_type3A_201 = arith.extui %eq3A_200 : i1 to i32
    %cond3A_202 = arith.constant 0 : i32
    %cond3A_203 = arith.cmpi ne, %convert_element_type3A_201, %cond3A_202 : i32
    scf.if %cond3A_203 {
      "tpu.region"() ({
        %run_scoped3A = tpu.sem_alloc : memref<!tpu.dma_semaphore, #tpu.memory_space<semaphore_mem>>
        %dma_start3A_204 = arith.constant 9480 : i32
        %dma_start3A_205 = arith.constant 0 : i32
        %dma_start3A_206 = tpu.memref_slice %arg4[%arg0, %dma_start3A_204, %dma_start3A_205] : memref<2x10048x128xf32, #tpu.memory_space<hbm>> -> memref<1x568x128xf32, #tpu.memory_space<hbm>>
        %dma_start3A_207 = tpu.memref_squeeze %dma_start3A_206 : memref<1x568x128xf32, #tpu.memory_space<hbm>> -> memref<568x128xf32, #tpu.memory_space<hbm>>
        %dma_start3A_208 = arith.constant 9480 : i32
        %dma_start3A_209 = arith.constant 0 : i32
        %dma_start3A_210 = tpu.memref_slice %arg9[%dma_start3A_208, %dma_start3A_209] : memref<10048x128xf32, #tpu.memory_space<vmem_shared>> -> memref<568x128xf32, #tpu.memory_space<vmem_shared>>
        tpu.enqueue_dma source(%dma_start3A_210 : memref<568x128xf32, #tpu.memory_space<vmem_shared>>) target(%dma_start3A_207 : memref<568x128xf32, #tpu.memory_space<hbm>>) target_semaphore(%run_scoped3A : memref<!tpu.dma_semaphore, #tpu.memory_space<semaphore_mem>>)
        %dma_wait3A_211 = arith.constant 9480 : i32
        %dma_wait3A_212 = arith.constant 0 : i32
        %dma_wait3A_213 = tpu.memref_slice %arg4[%arg0, %dma_wait3A_211, %dma_wait3A_212] : memref<2x10048x128xf32, #tpu.memory_space<hbm>> -> memref<1x568x128xf32, #tpu.memory_space<hbm>>
        %dma_wait3A_214 = tpu.memref_squeeze %dma_wait3A_213 : memref<1x568x128xf32, #tpu.memory_space<hbm>> -> memref<568x128xf32, #tpu.memory_space<hbm>>
        %dma_wait3A_215 = arith.constant 9480 : i32
        %dma_wait3A_216 = arith.constant 0 : i32
        %dma_wait3A_217 = tpu.memref_slice %arg9[%dma_wait3A_215, %dma_wait3A_216] : memref<10048x128xf32, #tpu.memory_space<vmem_shared>> -> memref<568x128xf32, #tpu.memory_space<vmem_shared>>
        tpu.wait_dma2 semaphore(%run_scoped3A : memref<!tpu.dma_semaphore, #tpu.memory_space<semaphore_mem>>) src(%dma_wait3A_217 : memref<568x128xf32, #tpu.memory_space<vmem_shared>>) dst(%dma_wait3A_214 : memref<568x128xf32, #tpu.memory_space<hbm>>)
        tpu.yield
      }) : () -> ()
    } else {
    }
    return
  }
}

module attributes {stable_mosaic.version = 14 : i64} {
  func.func @_lin_body(%arg0: i32, %arg1: memref<2x1256x128xf32, #tpu.memory_space<vmem>>, %arg2: memref<128x128xf32, #tpu.memory_space<vmem>>, %arg3: memref<1x128xf32, #tpu.memory_space<vmem>>, %arg4: memref<1256x128xf32, #tpu.memory_space<vmem>>) attributes {dimension_semantics = [#tpu.dimension_semantics<arbitrary>], iteration_bounds = array<i64: 8>, scalar_prefetch = 0 : i64, scratch_operands = 0 : i64, tpu.core_type = #tpu.core_type<tc>, window_params = [{transform_indices = @transform_0, window_bounds = array<i64: 2, 1256, 128>}, {pipeline_mode = #tpu.pipeline_mode<synchronous>, transform_indices = @transform_1, window_bounds = array<i64: 128, 128>}, {pipeline_mode = #tpu.pipeline_mode<synchronous>, transform_indices = @transform_2, window_bounds = array<i64: 1, 128>}, {transform_indices = @transform_3, window_bounds = array<i64: 1256, 128>}]} {
    %get3A = arith.constant 0 : index
    %get3A_0 = arith.constant 0 : index
    %get3A_1 = arith.constant 0 : index
    %get3A_2 = vector.load %arg1[%get3A, %get3A_0, %get3A_1] : memref<2x1256x128xf32, #tpu.memory_space<vmem>>, vector<1x1256x128xf32>
    %get3A_3 = vector.shape_cast %get3A_2 : vector<1x1256x128xf32> to vector<1256x128xf32>
    %get3A_4 = arith.constant 1 : index
    %get3A_5 = arith.constant 0 : index
    %get3A_6 = arith.constant 0 : index
    %get3A_7 = vector.load %arg1[%get3A_4, %get3A_5, %get3A_6] : memref<2x1256x128xf32, #tpu.memory_space<vmem>>, vector<1x1256x128xf32>
    %get3A_8 = vector.shape_cast %get3A_7 : vector<1x1256x128xf32> to vector<1256x128xf32>
    %add3A = arith.addf %get3A_3, %get3A_8 : vector<1256x128xf32>
    %get3A_9 = arith.constant 0 : index
    %get3A_10 = arith.constant 0 : index
    %get3A_11 = vector.load %arg2[%get3A_9, %get3A_10] : memref<128x128xf32, #tpu.memory_space<vmem>>, vector<128x128xf32>
    %dot_general3A = arith.constant dense<0.000000e+00> : vector<1256x128xf32>
    %dot_general3A_12 = tpu.matmul %add3A, %get3A_11, %dot_general3A {dimension_numbers = #tpu.dot_dimension_numbers<[1], [0], [0], [1], [0, 0, 1, 1], [], []>, transpose_lhs_hint = false} : vector<1256x128xf32>, vector<128x128xf32>, vector<1256x128xf32> -> vector<1256x128xf32>
    %get3A_13 = arith.constant 0 : index
    %get3A_14 = arith.constant 0 : index
    %get3A_15 = vector.load %arg3[%get3A_13, %get3A_14] : memref<1x128xf32, #tpu.memory_space<vmem>>, vector<1x128xf32>
    %add3A_16 = vector.broadcast %get3A_15 : vector<1x128xf32> to vector<1256x128xf32>
    %add3A_17 = arith.addf %dot_general3A_12, %add3A_16 : vector<1256x128xf32>
    %max3A = arith.constant 0.000000e+00 : f32
    %max3A_18 = vector.broadcast %max3A : f32 to vector<1256x128xf32>
    %max3A_19 = arith.maximumf %add3A_17, %max3A_18 : vector<1256x128xf32>
    %swap3A = arith.constant 0 : index
    %swap3A_20 = arith.constant 0 : index
    %swap3A_21 = vector.load %arg4[%swap3A, %swap3A_20] : memref<1256x128xf32, #tpu.memory_space<vmem>>, vector<1256x128xf32>
    tpu.vector_store %arg4[%swap3A, %swap3A_20], %max3A_19 {strides = array<i32>} : memref<1256x128xf32, #tpu.memory_space<vmem>>, vector<1256x128xf32>,
    return
  }
  func.func @transform_0(%arg0: i32) -> (i32, i32, i32) {
    %c0_i32 = arith.constant 0 : i32
    %c0_i32_0 = arith.constant 0 : i32
    %c0_i32_1 = arith.constant 0 : i32
    return %c0_i32, %arg0, %c0_i32_0 : i32, i32, i32
  }
  func.func @transform_1(%arg0: i32) -> (i32, i32) {
    %c0_i32 = arith.constant 0 : i32
    %c0_i32_0 = arith.constant 0 : i32
    %c0_i32_1 = arith.constant 0 : i32
    return %c0_i32, %c0_i32_0 : i32, i32
  }
  func.func @transform_2(%arg0: i32) -> (i32, i32) {
    %c0_i32 = arith.constant 0 : i32
    %c0_i32_0 = arith.constant 0 : i32
    %c0_i32_1 = arith.constant 0 : i32
    return %c0_i32, %c0_i32_0 : i32, i32
  }
  func.func @transform_3(%arg0: i32) -> (i32, i32) {
    %c0_i32 = arith.constant 0 : i32
    %c0_i32_0 = arith.constant 0 : i32
    return %arg0, %c0_i32 : i32, i32
  }
}

module attributes {stable_mosaic.version = 14 : i64} {
  func.func @_heads_body(%arg0: memref<10048x128xf32, #tpu.memory_space<vmem>>, %arg1: memref<128x1xf32, #tpu.memory_space<vmem>>, %arg2: memref<1x1xf32, #tpu.memory_space<vmem>>, %arg3: memref<1x128xf32, #tpu.memory_space<vmem>>, %arg4: memref<1x1xf32, #tpu.memory_space<vmem>>, %arg5: memref<1x128xf32, #tpu.memory_space<vmem>>, %arg6: memref<1x1xf32, #tpu.memory_space<vmem>>, %arg7: memref<10048x1xf32, #tpu.memory_space<vmem>>, %arg8: memref<1x1xf32, #tpu.memory_space<vmem>>, %arg9: memref<1x1xf32, #tpu.memory_space<vmem>>) attributes {dimension_semantics = [], scalar_prefetch = 0 : i64, scratch_operands = 0 : i64, tpu.core_type = #tpu.core_type<tc>} {
    %get3A = arith.constant 0 : index
    %get3A_0 = arith.constant 0 : index
    %get3A_1 = vector.load %arg0[%get3A, %get3A_0] : memref<10048x128xf32, #tpu.memory_space<vmem>>, vector<10048x128xf32>
    %iota3A = tpu.iota {dimensions = array<i32: 0>} : vector<10048x128xi32>
    %lt3A = arith.constant 10000 : i32
    %lt3A_2 = vector.broadcast %lt3A : i32 to vector<10048x128xi32>
    %lt3A_3 = arith.cmpi slt, %iota3A, %lt3A_2 : vector<10048x128xi32>
    %jit3A = arith.constant 0.000000e+00 : f32
    %broadcast_in_dim3A = vector.broadcast %jit3A : f32 to vector<10048x128xf32>
    %select_n3A = arith.select %lt3A_3, %get3A_1, %broadcast_in_dim3A : vector<10048x128xi1>, vector<10048x128xf32>
    %reduce_sum3A = arith.constant dense<0.000000e+00> : vector<128xf32>
    %reduce_sum3A_4 = vector.multi_reduction <add>, %select_n3A, %reduce_sum3A [0] : vector<10048x128xf32> to vector<128xf32>
    %broadcast_in_dim3A_5 = vector.shape_cast %reduce_sum3A_4 : vector<128xf32> to vector<1x128xf32>
    %mul3A = arith.constant 9.99999974E-5 : f32
    %mul3A_6 = vector.broadcast %mul3A : f32 to vector<1x128xf32>
    %mul3A_7 = arith.mulf %broadcast_in_dim3A_5, %mul3A_6 : vector<1x128xf32>
    %get3A_8 = arith.constant 0 : index
    %get3A_9 = arith.constant 0 : index
    %get3A_10 = vector.load %arg1[%get3A_8, %get3A_9] : memref<128x1xf32, #tpu.memory_space<vmem>>, vector<128x1xf32>
    %dot_general3A = arith.constant dense<0.000000e+00> : vector<10048x1xf32>
    %dot_general3A_11 = tpu.matmul %get3A_1, %get3A_10, %dot_general3A {dimension_numbers = #tpu.dot_dimension_numbers<[1], [0], [0], [1], [0, 0, 1, 1], [], []>, transpose_lhs_hint = false} : vector<10048x128xf32>, vector<128x1xf32>, vector<10048x1xf32> -> vector<10048x1xf32>
    %get3A_12 = arith.constant 0 : index
    %get3A_13 = arith.constant 0 : index
    %get3A_14 = vector.load %arg2[%get3A_12, %get3A_13] : memref<1x1xf32, #tpu.memory_space<vmem>>, vector<1x1xf32>
    %add3A = vector.broadcast %get3A_14 : vector<1x1xf32> to vector<10048x1xf32>
    %add3A_15 = arith.addf %dot_general3A_11, %add3A : vector<10048x1xf32>
    %swap3A = arith.constant 0 : index
    %swap3A_16 = arith.constant 0 : index
    %swap3A_17 = vector.load %arg7[%swap3A, %swap3A_16] : memref<10048x1xf32, #tpu.memory_space<vmem>>, vector<10048x1xf32>
    tpu.vector_store %arg7[%swap3A, %swap3A_16], %add3A_15 {strides = array<i32>} : memref<10048x1xf32, #tpu.memory_space<vmem>>, vector<10048x1xf32>,
    %get3A_18 = arith.constant 0 : index
    %get3A_19 = arith.constant 0 : index
    %get3A_20 = vector.load %arg3[%get3A_18, %get3A_19] : memref<1x128xf32, #tpu.memory_space<vmem>>, vector<1x128xf32>
    %mul3A_21 = arith.mulf %mul3A_7, %get3A_20 : vector<1x128xf32>
    %reduce_sum3A_22 = arith.constant dense<0.000000e+00> : vector<1xf32>
    %reduce_sum3A_23 = vector.multi_reduction <add>, %mul3A_21, %reduce_sum3A_22 [1] : vector<1x128xf32> to vector<1xf32>
    %broadcast_in_dim3A_24 = vector.shape_cast %reduce_sum3A_23 : vector<1xf32> to vector<1x1xf32>
    %get3A_25 = arith.constant 0 : index
    %get3A_26 = arith.constant 0 : index
    %get3A_27 = vector.load %arg4[%get3A_25, %get3A_26] : memref<1x1xf32, #tpu.memory_space<vmem>>, vector<1x1xf32>
    %add3A_28 = arith.addf %broadcast_in_dim3A_24, %get3A_27 : vector<1x1xf32>
    %swap3A_29 = arith.constant 0 : index
    %swap3A_30 = arith.constant 0 : index
    %swap3A_31 = vector.load %arg8[%swap3A_29, %swap3A_30] : memref<1x1xf32, #tpu.memory_space<vmem>>, vector<1x1xf32>
    tpu.vector_store %arg8[%swap3A_29, %swap3A_30], %add3A_28 {strides = array<i32>} : memref<1x1xf32, #tpu.memory_space<vmem>>, vector<1x1xf32>,
    %get3A_32 = arith.constant 0 : index
    %get3A_33 = arith.constant 0 : index
    %get3A_34 = vector.load %arg5[%get3A_32, %get3A_33] : memref<1x128xf32, #tpu.memory_space<vmem>>, vector<1x128xf32>
    %mul3A_35 = arith.mulf %mul3A_7, %get3A_34 : vector<1x128xf32>
    %reduce_sum3A_36 = arith.constant dense<0.000000e+00> : vector<1xf32>
    %reduce_sum3A_37 = vector.multi_reduction <add>, %mul3A_35, %reduce_sum3A_36 [1] : vector<1x128xf32> to vector<1xf32>
    %broadcast_in_dim3A_38 = vector.shape_cast %reduce_sum3A_37 : vector<1xf32> to vector<1x1xf32>
    %get3A_39 = arith.constant 0 : index
    %get3A_40 = arith.constant 0 : index
    %get3A_41 = vector.load %arg6[%get3A_39, %get3A_40] : memref<1x1xf32, #tpu.memory_space<vmem>>, vector<1x1xf32>
    %add3A_42 = arith.addf %broadcast_in_dim3A_38, %get3A_41 : vector<1x1xf32>
    %swap3A_43 = arith.constant 0 : index
    %swap3A_44 = arith.constant 0 : index
    %swap3A_45 = vector.load %arg9[%swap3A_43, %swap3A_44] : memref<1x1xf32, #tpu.memory_space<vmem>>, vector<1x1xf32>
    tpu.vector_store %arg9[%swap3A_43, %swap3A_44], %add3A_42 {strides = array<i32>} : memref<1x1xf32, #tpu.memory_space<vmem>>, vector<1x1xf32>,
    return
  }
}

</mosaic_0001>

<sc_bundles>
// kernel: kernel.12.cloned.1.call-start
scs
__scs_entry_jumppad:
0x0: {  	(pc) =	sbr.rel $0x88, $3  }
0x1: {  	(tag) =	ssettag $0x0;
	lr =	simm.s32 $0x1  }
0x2: {  	[smem:$0x3F93] =	sst lr;
	_ =	strace $0xD0000000  }
0x3: {  	_ = 	snop  }
0x4: {  	_ = 	snop  }
0x5: {  	_ = 	snop  }
0x6: {  	_ = 	snop  }
0x7: {  	_ = 	snop  }
__scs_overlays_trampoline_lowered:
0x8: {  	[smem:$0x3FA2] =	sst s0  }
0x9: {  	[smem:$0x3FA3] =	sst s1  }
0xa: {  	[smem:$0x3FA4] =	sst s2  }
0xb: {  	[smem:$0x3FA5] =	sst s3  }
0xc: {  	[smem:$0x3FA6] =	sst s4  }
0xd: {  	[smem:$0x3FA7] =	sst s5  }
0xe: {  	[smem:$0x3FA8] =	sst s6  }
0xf: {  	[smem:$0x3FA9] =	sst s7  }
0x10: {  	[smem:$0x3FAA] =	sst s8  }
0x11: {  	[smem:$0x3FAB] =	sst s9;
	s0 =	simm.s32 @!p0 $0x0  }
0x12: {  	s1 =	sld [smem:$0x3F91];
	s0 =	simm.s32 @p0 $0x1  }
0x13: {  	[smem:$0x3FAC] =	sst s0;
	s0 =	simm.s32 @!p1 $0x0  }
0x14: {  	s2 =	sld [smem:$0x3F90];
	s0 =	simm.s32 @p1 $0x1  }
0x15: {  	[smem:$0x3FAD] =	sst s0;
	s0 =	simm.s32 @!p2 $0x0  }
0x16: {  	s3 =	sld [smem:$0x3FDB];
	s0 =	simm.s32 @p2 $0x1  }
0x17: {  	s4 =	simm.s32 $0x1BF5;
	[smem:$0x3FAF] =	sst s0  }
0x18: {  	s0 =	sld [smem:$0x3F92];
	_ =	swait.ge [sflag:s4], $0x0  }
0x19: {  	s7 =	sld [smem:$0x3F93]  }
0x1a: {  	s8 =	sadd.s32 $0xFFFFE003, lr  }
0x1b: {  	s9 =	sadd.s32 $0xFFFFFEF7, lr;
	s5 =	simm.s32 $0xFFFFFFFF;
	p2 =	slt.u32 s8, $0xFFFFF086  }
0x1c: {  	p1 =	slt.u32 s9, $0xF7A;
	s5 =	simm.s32 @!p2 $0x0  }
0x1d: {  	s5 =	simm.s32 @p1 $0x1;
	p0 =	seq.s32 s7, s2  }
0x1e: {  	s7 =	smul.u32 @!p0 $0xF7A, s2;
	p2 =	seq.s32 @!p0 s5, $0x0  }
0x1f: {  	s9 =	smul.u32 $0xF7A, s1;
	s8 =	simm.s32 @!p0 $0x1BF5;
	p2 =	por !p2, p0  }
0x20: {  	[sflag:s8] =	ssyncset.s32 @!p0 $0xFFFFF086;
	s6 =	sadd.s32 @!p0 s3, s7;
	s7 =	simm.s32 @!p0 $0x108  }
0x21: {  	s3 =	sadd.s32 s3, s9;
	s6 =	sadd.s32 @!p0 $0x88, s6;
	s7 =	simm.s32 @p2 $0x1082  }
0x22: {  	[simem:s7], [sflag:s8] =	dma.local @!p0 [hbm:s6], $0xF7A  }
0x23: {  	s9 =	sor.u32 $0xD0000000, s2;
	s6 =	simm.s32 $0x108;
	_ =	swait.ge @!p0 [sflag:s8], $0x0  }
0x24: {  	s3 =	sadd.s32 $0x88, s3;
	s6 =	simm.s32 @!p1 $0x1082;
	[sflag:s4] =	ssyncset.s32 $0xFFFFF086  }
0x25: {  	[simem:s6], [sflag:s4] =	dma.local [hbm:s3], $0xF7A  }
0x26: {  	[smem:$0x3F93] =	sst s1;
	(tag) =	ssettag s2;
	_ =	strace s9  }
0x27: {  	s1 =	sld [smem:$0x3FA3]  }
0x28: {  	s2 =	sld [smem:$0x3FA4]  }
0x29: {  	s4 =	sld [smem:$0x3FA6]  }
0x2a: {  	p0 =	seq.s32 s5, $0x0;
	s5 =	sld [smem:$0x3FA7]  }
0x2b: {  	s6 =	sld [smem:$0x3FA8]  }
0x2c: {  	s7 =	sld [smem:$0x3FA9]  }
0x2d: {  	s3 =	simm.s32 $0x108;
	s8 =	sld [smem:$0x3FAA]  }
0x2e: {  	s3 =	simm.s32 @!p0 $0x1082;
	s9 =	sld [smem:$0x3FAB]  }
0x2f: {  	lr =	sadd.s32 s0, s3;
	s0 =	sld [smem:$0x3FA2]  }
0x30: {  	s3 =	sld [smem:$0x3FA5]  }
0x31: {  	[smem:$0x3FAE] =	sst s10  }
0x32: {  	s10 =	sld [smem:$0x3FAC];
	_ =	sdelay $0x3  }
0x33: {  	p0 =	seq.s32 s10, $0x1;
	s10 =	sld [smem:$0x3FAE];
	_ =	sdelay $0x3  }
0x34: {  	[smem:$0x3FAE] =	sst s10  }
0x35: {  	s10 =	sld [smem:$0x3FAD];
	_ =	sdelay $0x3  }
0x36: {  	p1 =	seq.s32 s10, $0x1;
	s10 =	sld [smem:$0x3FAE];
	_ =	sdelay $0x3  }
0x37: {  	[smem:$0x3FAE] =	sst s10  }
0x38: {  	s10 =	sld [smem:$0x3FAF]  }
0x39: {  	_ = 	snop;
	(pc) =	sbr.ind lr, $3  }
0x3a: {  	_ = 	snop  }
0x3b: {  	_ = 	snop  }
0x3c: {  	p2 =	seq.s32 s10, $0x1;
	s10 =	sld [smem:$0x3FAE]  }
0x3d: {  	_ =	shalt  }
0x3e: {  	_ =	shalt  }
0x3f: {  	_ =	shalt  }
0x40: {  	_ =	shalt  }
0x41: {  	_ =	shalt  }
0x42: {  	_ =	shalt  }
0x43: {  	_ =	shalt  }
0x44: {  	_ =	shalt  }
0x45: {  	_ =	shalt  }
0x46: {  	_ =	shalt  }
0x47: {  	_ =	shalt  }
0x48: {  	_ =	shalt  }
0x49: {  	_ =	shalt  }
0x4a: {  	_ =	shalt  }
0x4b: {  	_ =	shalt  }
0x4c: {  	_ =	shalt  }
0x4d: {  	_ =	shalt  }
0x4e: {  	_ =	shalt  }
0x4f: {  	_ =	shalt  }
0x50: {  	_ =	shalt  }
0x51: {  	_ =	shalt  }
0x52: {  	_ =	shalt  }
0x53: {  	_ =	shalt  }
0x54: {  	_ =	shalt  }
0x55: {  	_ =	shalt  }
0x56: {  	_ =	shalt  }
0x57: {  	_ =	shalt  }
0x58: {  	_ =	shalt  }
0x59: {  	_ =	shalt  }
0x5a: {  	_ =	shalt  }
0x5b: {  	_ =	shalt  }
0x5c: {  	_ =	shalt  }
0x5d: {  	_ =	shalt  }
0x5e: {  	_ =	shalt  }
0x5f: {  	_ =	shalt  }
0x60: {  	_ =	shalt  }
0x61: {  	_ =	shalt  }
0x62: {  	_ =	shalt  }
0x63: {  	_ =	shalt  }
0x64: {  	_ =	shalt  }
0x65: {  	_ =	shalt  }
0x66: {  	_ =	shalt  }
0x67: {  	_ =	shalt  }
0x68: {  	_ =	shalt  }
0x69: {  	_ =	shalt  }
0x6a: {  	_ =	shalt  }
0x6b: {  	_ =	shalt  }
0x6c: {  	_ =	shalt  }
0x6d: {  	_ =	shalt  }
0x6e: {  	_ =	shalt  }
0x6f: {  	_ =	shalt  }
0x70: {  	_ =	shalt  }
0x71: {  	_ =	shalt  }
0x72: {  	_ =	shalt  }
0x73: {  	_ =	shalt  }
0x74: {  	_ =	shalt  }
0x75: {  	_ =	shalt  }
0x76: {  	_ =	shalt  }
0x77: {  	_ =	shalt  }
0x78: {  	_ =	shalt  }
0x79: {  	_ =	shalt  }
0x7a: {  	_ =	shalt  }
0x7b: {  	_ =	shalt  }
0x7c: {  	_ =	shalt  }
0x7d: {  	_ =	shalt  }
0x7e: {  	_ =	shalt  }
0x7f: {  	_ =	shalt  }
0x80: {  	_ =	shalt  }
0x81: {  	_ =	shalt  }
0x82: {  	_ =	shalt  }
0x83: {  	_ =	shalt  }
0x84: {  	_ =	shalt  }
0x85: {  	_ =	shalt  }
0x86: {  	_ =	shalt  }
0x87: {  	_ =	shalt  }
.Lfunc_end0:
.L_simem_size_0:
called_computation.1_lowered:
.L_overlay_start_0:
0x88: {  	s2 =	sld [smem:$0x3FD9]  }
0x89: {  	s3 =	sld [smem:$0x3FFE];
	_ =	sdelay $0x1  }
0x8a: {  	s1 =	srdreg.scid  }
0x8b: {  	s0 =	sand.u32 $0x1, s1  }
0x8c: {  	s16 =	sshll.u32 s0, $0xA;
	s2 =	sadd.s32 s3, s2  }
0x8d: {  	s2 =	sadd.s32 s2, s16  }
0x8e: {  	[smem:$0x3FBA] =	sst s2  }
0x8f: {  	_ = 	snop  }
0x90: {  	(tm) =	ssettm $0x1  }
0x91: {  	s17 =	sld [smem:$0x3FFB];
	_ =	sdelay $0x3  }
0x92: {  	_ =	strace s17  }
0x93: {  	s2 =	sld [smem:$0x3FFC];
	_ =	sdelay $0x3  }
0x94: {  	_ =	strace s2  }
0x95: {  	s2 =	sld [smem:$0x3FFD];
	_ =	sdelay $0x3  }
0x96: {  	_ =	strace s2  }
0x97: {  	_ =	strace $0x8FFFFFFF  }
0x98: {  	s18 =	sld [smem:$0x3FDB];
	_ =	sdelay $0x1  }
0x99: {  	s19 =	simm.s32 $_scs_section_size  }
0x9a: {  	s4 =	simm.s32 $_size__tile_overlayer_lowered;
	s5 =	simm.s32 $_tile_overlayer_lowered  }
0x9b: {  	s22 =	simm.s32 $0x1BFF;
	s21 =	sshll.u32 s5, $0x1;
	s2 =	sadd.s32 s19, s18  }
0x9c: {  	s6 =	simm.s32 $0x0;
	s20 =	sshll.u32 s4, $0x1;
	s4 =	sadd.s32 s21, s2  }
0x9d: {  	[timem:s6], [sflag:s22] =	dma.local [hbm:s4], s20  }
0x9e: {  	_ =	swait.ge [sflag:s22], s20  }
0x9f: {  	s3 =	ssub.s32 $0x0, s20;
	[sflag:s22] =	ssyncset.done $0x0  }
0xa0: {  	[sflag:s22] =	ssyncadd.s32 s3;
	_ =	sdelay $0x1  }
0xa1: {  	s23 =	simm.s32 $0x1B8B  }
0xa2: {  	_ =	swait.ge [sflag:s23], $0x1  }
0xa3: {  	[sflag:s23] =	ssyncset.done $0x0  }
0xa4: {  	s25 =	simm.s32 $0x1B8E;
	s24 =	sld [smem:$0x3FFE];
	[sflag:s23] =	ssyncadd.s32 $0xFFFFFFFF  }
0xa5: {  	s26 =	simm.s32 $execute0_lowered;
	[smem:$0x3FD2] =	sst s25  }
0xa6: {  	s4 =	sshll.u32 s26, $0x1;
	_ =	strace $0x80000049;
	[dreg:$0x1] =	wrdreg $0xFFFFFFFF  }
0xa7: {  	s28 =	simm.s32 $_size_execute0_lowered;
	s2 =	sadd.s32 s2, s4;
	[dreg:$0x0] =	wrdreg $0x0  }
0xa8: {  	s4 =	sshll.u32 s28, $0x1;
	[dreg:$0x2] =	wrdreg s2  }
0xa9: {  	[dreg:$0x3] =	wrdreg s4  }
0xaa: {  	[dreg:$0x4] =	wrdreg $0xC0  }
0xab: {  	_ =	task [dreg:s6], $0x5FFFF  }
0xac: {  	[dreg:$0x1] =	wrdreg $0xFFFFFFFF  }
0xad: {  	[dreg:$0x0] =	wrdreg $0x60  }
0xae: {  	[dreg:$0x2] =	wrdreg s24  }
0xaf: {  	[dreg:$0x3] =	wrdreg $0xC3000  }
0xb0: {  	[dreg:$0x4] =	wrdreg $0x9  }
0xb1: {  	_ =	task.clear_ibuf [dreg:s6], $0x5FFFF;
	_ =	strace $0x90000049  }
0xb2: {  	s29 =	simm.s32 $0x9;
	_ =	strace $0x8000004B  }
0xb3: {  	_ =	swait.ge [sflag:s29], $0x1  }
0xb4: {  	[sflag:s29] =	ssyncadd.s32 $0xFFFFFFFF  }
0xb5: {  	_ =	strace $0x9000004B  }
0xb6: {  	_ =	sfence  }
0xb7: {  	s30 =	sld [smem:$0x0];
	_ =	sdelay $0x2  }
0xb8: {  	s31 =	sshll.u32 s1, $0xD;
	s1 =	sshrl.u32 s1, $0x2  }
0xb9: {  	s3 =	sand.u32 $0x4000, s31;
	s1 =	sadd.s32 s1, s30  }
0xba: {  	s0 =	sor.u32 s3, s0;
	s1 =	sshll.u32 s1, $0x11  }
0xbb: {  	s0 =	sor.u32 s1, s0  }
0xbc: {  	s0 =	sadd.s32 $0x8F2B, s0  }
0xbd: {  	[sflag:s0] =	ssyncadd.remote.s32 $0x1  }
0xbe: {  	_ =	sfence.sel $0xFFFF  }
0xbf: {  	[dreg:$0x0] =	wrdreg $0xFFFFFFFF;
	(pc) =	sbr.abs _section_cstart, $3  }
0xc0: {  	[dreg:$0x1] =	wrdreg $0xFFFFFFFF  }
0xc1: {  	_ =	task.clear_ibuf [dreg:s6], $0x2FFFF;
	_ =	strace $0x9FFFFFFF  }
0xc2: {  	(tm) =	ssettm $0x7FFFFFFF  }
0xc3: {  	_ =	shalt  }
tec
execute0_lowered:
.L_overlay_start_1:
0x0: {  	(tag) =	ssettag $0x1  }
0x1: {  	s0 =	rddreg [dreg:$0x0]  }
0x2: {  	s2 =	rddreg [dreg:$0x1];
	s11 =	stileid.u32  }
0x3: {  	s1 =	srdreg.scid;
	s3 =	simm.s32 $0x0;
	s25 =	simm.s32 $0x180  }
0x4: {  	s26 =	simm.s32 $0x280;
	s28 =	simm.s32 $0x80;
	s4 =	smul.u32 $0xC, s11  }
0x5: {  	s29 =	simm.s32 $0x5;
	s30 =	simm.s32 $0x4300;
	s5 =	smul.u32 $0x94, s11  }
0x6: {  	s31 =	simm.s32 $0x1;
	s1 =	sand.u32 $0x1, s1;
	s6 =	smul.u32 $0x4F000, s11  }
0x7: {  	[smem:$0x7FF] =	sst s3;
	s17 =	smul.u32 $0x13C00, s11;
	s12 =	sadd.s32 $0x138400, s2  }
0x8: {  	p0 =	seq.s32 s1, $0x0;
	_ =	strace $0x8000004A;
	[dreg:$0xc] =	wrdreg s12  }
0x9: {  	s8 =	ssub.s32 $0x2, s1;
	s1 =	smul.u32 $0x13A000, s1;
	[dreg:$0x6] =	wrdreg s25  }
0xa: {  	[dreg:$0x7] =	wrdreg s26;
	s26 =	simm.s32 $0x4;
	s4 =	sadd.s32 $0x940, s4  }
0xb: {  	s6 =	sshrl.u32 s6, $0x2;
	s9 =	sshrl.u32 s8, $0x1;
	s4 =	smov.u32 @p0 s5  }
0xc: {  	s6 =	sadd.s32 s6, s2;
	s8 =	ssub.s32 s8, s9;
	s21 =	sadd.s32 s17, s1  }
0xd: {  	s1 =	sshrl.u32 s1, $0x3;
	s5 =	sshll.u32 s4, $0x5;
	s13 =	sadd.s32 $0x4000, s6  }
0xe: {  	s4 =	sadd.s32 $0x16A00, s0;
	s10 =	sadd.s32 $0x8000, s6;
	[dreg:$0x8] =	wrdreg s13  }
0xf: {  	s15 =	sadd.s32 $0xC000, s6;
	s16 =	sadd.s32 $0x10000, s6;
	[dreg:$0x9] =	wrdreg s10  }
0x10: {  	s7 =	sadd.s32 s5, s0;
	s0 =	sadd.s32 $0x3DE00, s0;
	[dreg:$0xa] =	wrdreg s15  }
0x11: {  	s5 =	simm.s32 $0x94;
	[dreg:$0xb] =	wrdreg s16;
	s18 =	sadd.s32 $0x2A00, s7  }
0x12: {  	s5 =	simm.s32 @!p0 $0xC;
	s19 =	sadd.s32 $0x2A20, s7;
	[dreg:$0xd] =	wrdreg s18  }
0x13: {  	s20 =	sadd.s32 $0x2A40, s7;
	s10 =	sadd.s32 $0x2AA0, s7;
	[dreg:$0xe] =	wrdreg s19  }
0x14: {  	p0 =	seq.s32 s11, $0xF;
	[dreg:$0xf] =	wrdreg s20;
	s22 =	sadd.s32 $0xFFFFFFFD, s5  }
0x15: {  	s14 =	smul.u32 $0xAB, s5;
	s23 =	sadd.s32 $0xFFFFFFFC, s5;
	[dreg:$0x3] =	wrdreg s22  }
0x16: {  	s24 =	sadd.s32 $0xFFFFFFFB, s5;
	s19 =	smax.u32 s8, $0x1;
	[dreg:$0x4] =	wrdreg s23  }
0x17: {  	[dreg:$0x5] =	wrdreg s24;
	s22 =	simm.s32 $0x7;
	s9 =	sshrl.u32 s14, $0x9  }
0x18: {  	s23 =	simm.s32 $0x100;
	s13 =	smul.u32 $0x3, s9;
	s9 =	sshrl.u32 s21, $0x3  }
0x19: {  	s24 =	simm.s32 $0x8300;
	s21 =	simm.s32 $0x300;
	s9 =	sadd.s32 s0, s9  }
0x1a: {  	s0 =	sadd.s32 s0, s1;
	s1 =	sadd.s32 $0x128400, s2;
	s16 =	ssub.s32 s5, s13  }
0x1b: {  	[dreg:$0x10] =	wrdreg s9;
	s0 =	sadd.s32 $0x25080, s0;
	s25 =	sshrl.u32 @p0 s1, $0x3  }
0x1c: {  	v0 =	vimm.f32 $0.0e+00;
	s1 =	simm.s32 $0x2;
	[dreg:$0x11] =	wrdreg s0;
	s0 =	simm.s32 $0x3  }
.LBB2_1:
0x1d: {  	s7 =	simm.s32 $0x0;
	s8 =	simm.s32 $0x200  }
.LBB2_2:
0x1e: {  	p1 =	sne.s32 s8, $0xFE00;
	[tilespmem:s7+$0x370] =	vst v0  }
0x1f: {  	[tilespmem:s7+$0x300] =	vst v0  }
0x20: {  	[tilespmem:s7+$0x310] =	vst v0  }
.Ltmp0:
0x21: {  	[tilespmem:s7+$0x320] =	vst v0;
	(pc) =	sbr.rel @p1 .LBB2_2-.Ltmp0, $4  }
0x22: {  	[tilespmem:s7+$0x330] =	vst v0  }
0x23: {  	[tilespmem:s7+$0x340] =	vst v0  }
0x24: {  	[tilespmem:s7+$0x350] =	vst v0  }
0x25: {  	[tilespmem:s7+$0x360] =	vst v0;
	s7 =	sshra.s32 s8, $0x2;
	s8 =	sadd.s32 $0x200, s8  }
0x26: {  	[tilespmem:s7+$0x370] =	vst v0  }
0x27: {  	[tilespmem:s7+$0x300] =	vst v0  }
0x28: {  	[tilespmem:s7+$0x310] =	vst v0  }
0x29: {  	[tilespmem:s7+$0x320] =	vst v0  }
0x2a: {  	[tilespmem:s7+$0x330] =	vst v0  }
0x2b: {  	[tilespmem:s7+$0x340] =	vst v0  }
0x2c: {  	[tilespmem:s7+$0x350] =	vst v0  }
0x2d: {  	[tilespmem:s7+$0x360] =	vst v0  }
0x2e: {  	[spmem:s6] =	stream.linear.scatter [tilespmem:s21], [sflag:$0x7], $0x4000, $0x38;
	[tilespmem:$0x1FD00] =	vst v63  }
0x2f: {  	_ =	swait.ge [sflag:s22], $0x4000  }
0x30: {  	[sflag:s22] =	ssyncset.done $0x0  }
0x31: {  	s12 =	rddreg [dreg:$0x8];
	[sflag:s22] =	ssyncadd.s32 $0xFFFFC000  }
0x32: {  	[spmem:s12] =	stream.linear.scatter [tilespmem:s21], [sflag:$0x7], $0x4000, $0x38;
	[tilespmem:$0x1FD00] =	vst v63  }
0x33: {  	_ =	swait.ge [sflag:s22], $0x4000  }
0x34: {  	[sflag:s22] =	ssyncset.done $0x0  }
0x35: {  	s14 =	rddreg [dreg:$0x9];
	[sflag:s22] =	ssyncadd.s32 $0xFFFFC000  }
0x36: {  	[spmem:s14] =	stream.linear.scatter [tilespmem:s21], [sflag:$0x7], $0x4000, $0x38;
	[tilespmem:$0x1FD00] =	vst v63  }
0x37: {  	_ =	swait.ge [sflag:s22], $0x4000  }
0x38: {  	[sflag:s22] =	ssyncset.done $0x0  }
0x39: {  	s15 =	rddreg [dreg:$0xa];
	[sflag:s22] =	ssyncadd.s32 $0xFFFFC000  }
0x3a: {  	[spmem:s15] =	stream.linear.scatter [tilespmem:s21], [sflag:$0x7], $0x4000, $0x38;
	[tilespmem:$0x1FD00] =	vst v63  }
0x3b: {  	_ =	swait.ge [sflag:s22], $0x4000  }
0x3c: {  	[sflag:s22] =	ssyncset.done $0x0  }
0x3d: {  	s7 =	simm.s32 @p0 $0x300;
	s8 =	rddreg [dreg:$0xc];
	[sflag:s22] =	ssyncadd.s32 $0xFFFFC000  }
0x3e: {  	[spmem:s8] =	stream.linear.scatter @p0 [tilespmem:s7], [sflag:$0x7], $0x1C00, $0x38;
	[tilespmem:$0x1FD00] =	vst v63  }
0x3f: {  	s8 =	simm.s32 @p0 $0x7  }
0x40: {  	_ =	swait.ge @p0 [sflag:s8], $0x1C00  }
0x41: {  	[sflag:s8] =	ssyncset.done @p0 $0x0  }
0x42: {  	s7 =	simm.s32 @!p0 $0x300;
	s9 =	rddreg [dreg:$0xb];
	[sflag:s8] =	ssyncadd.s32 @p0 $0xFFFFE400  }
0x43: {  	[spmem:s9] =	stream.linear.scatter @!p0 [tilespmem:s7], [sflag:$0x7], $0x3C00, $0x38;
	[tilespmem:$0x1FD00] =	vst v63  }
0x44: {  	s7 =	simm.s32 @!p0 $0x7  }
0x45: {  	_ =	swait.ge @!p0 [sflag:s7], $0x3C00  }
0x46: {  	[sflag:s7] =	ssyncset.done @!p0 $0x0  }
0x47: {  	[sflag:s7] =	ssyncadd.s32 @!p0 $0xFFFFC400  }
0x48: {  	[bflag:$0x0] =	sbarrier.arrive $0xFFFF  }
0x49: {  	s17 =	simm.s32 $0x0;
	s11 =	rddreg [dreg:$0xd]  }
0x4a: {  	[tilespmem:s17], [sflag:$0x4] =	stream.linear.gather [hbm4b:s11+s17], $0x100, $0x38;
	[tilespmem:$0x1FD00] =	vst v63  }
0x4b: {  	s18 =	rddreg [dreg:$0xe]  }
0x4c: {  	[tilespmem:s23], [sflag:$0x5] =	stream.linear.gather [hbm4b:s18+s17], $0x100, $0x38;
	[tilespmem:$0x1FD00] =	vst v63  }
0x4d: {  	s12 =	simm.s32 $0x200;
	s20 =	rddreg [dreg:$0xf]  }
0x4e: {  	[tilespmem:s12], [sflag:$0x6] =	stream.linear.gather [hbm4b:s20+s17], $0x100, $0x38;
	[tilespmem:$0x1FD00] =	vst v63  }
0x4f: {  	_ =	swait.ge [sflag:s26], $0x100  }
0x50: {  	[sflag:s26] =	ssyncset.done $0x0  }
0x51: {  	[sflag:s26] =	ssyncadd.s32 $0xFFFFFF00  }
0x52: {  	[tilespmem:s21], [sflag:$0x1] =	stream.indirect.gather [hbm4b:s4+s28], $0x80, s17, s28, $0xb8;
	[tilespmem:$0x1FD00] =	vst v63  }
0x53: {  	_ =	swait.ge [sflag:s29], $0x100  }
0x54: {  	[sflag:s29] =	ssyncset.done $0x0  }
0x55: {  	[sflag:s29] =	ssyncadd.s32 $0xFFFFFF00  }
0x56: {  	[tilespmem:s30], [sflag:$0x2] =	stream.indirect.gather [hbm4b:s4+s28], $0x80, s23, s28, $0xb8;
	[tilespmem:$0x1FD00] =	vst v63  }
0x57: {  	_ =	swait.ge [sflag:s31], $0x4000  }
0x58: {  	[sflag:s31] =	ssyncset.done $0x0  }
0x59: {  	[sflag:s31] =	ssyncadd.s32 $0xFFFFC000  }
0x5a: {  	[spmem:s2] =	stream.indirect.scatter.add.f32 [tilespmem:s21], [sflag:$0x7], $0x80, s28, s28, $0xb8;
	[tilespmem:$0x1FD00] =	vst v63  }
0x5b: {  	_ =	swait.ge [sflag:s22], $0x4000  }
0x5c: {  	p2 =	sle.u32 s5, $0x2;
	s14 =	rddreg [dreg:$0x3]  }
0x5d: {  	s12 =	simm.s32 @!p2 $0x6;
	[sflag:s22] =	ssyncset.done $0x0;
	p1 =	sle.u32 s14, $0x0  }
0x5e: {  	[sflag:s22] =	ssyncadd.s32 $0xFFFFC000;
	s9 =	sadd.s32 @!p1 $0xFFFFFFC0, s10;
	s11 =	simm.s32 @!p1 $0x0  }
0x5f: {  	[tilespmem:s11], [sflag:$0x4] =	stream.linear.gather @!p1 [hbm4b:s9+s11], $0x100, $0x38;
	[tilespmem:$0x1FD00] =	vst v63  }
0x60: {  	_ =	swait.ge @!p2 [sflag:s12], $0x100  }
0x61: {  	s14 =	simm.s32 @!p2 $0x80;
	[sflag:s12] =	ssyncset.done @!p2 $0x0  }
0x62: {  	s9 =	simm.s32 @!p2 $0x8300;
	[sflag:s12] =	ssyncadd.s32 @!p2 $0xFFFFFF00;
	s12 =	simm.s32 @!p2 $0x200  }
0x63: {  	[tilespmem:s9], [sflag:$0x3] =	stream.indirect.gather @!p2 [hbm4b:s4+s14], $0x80, s12, s14, $0xb8;
	[tilespmem:$0x1FD00] =	vst v63  }
0x64: {  	_ =	swait.ge [sflag:s1], $0x4000  }
0x65: {  	[sflag:s1] =	ssyncset.done $0x0  }
0x66: {  	s15 =	rddreg [dreg:$0x6];
	[sflag:s1] =	ssyncadd.s32 $0xFFFFC000  }
0x67: {  	[spmem:s2] =	stream.indirect.scatter.add.f32 [tilespmem:s30], [sflag:$0x7], $0x80, s15, s28, $0xb8;
	[tilespmem:$0x1FD00] =	vst v63  }
0x68: {  	_ =	swait.ge [sflag:s22], $0x4000  }
0x69: {  	s17 =	rddreg [dreg:$0x4];
	[sflag:s22] =	ssyncset.done $0x0  }
0x6a: {  	[sflag:s22] =	ssyncadd.s32 $0xFFFFC000;
	p2 =	sle.u32 s17, $0x0  }
0x6b: {  	s9 =	sadd.s32 @!p2 $0xFFFFFFE0, s10;
	s14 =	simm.s32 @!p2 $0x0;
	s12 =	simm.s32 @!p2 $0x100  }
0x6c: {  	[tilespmem:s12], [sflag:$0x5] =	stream.linear.gather @!p2 [hbm4b:s9+s14], $0x100, $0x38;
	[tilespmem:$0x1FD00] =	vst v63  }
0x6d: {  	s9 =	simm.s32 @!p1 $0x4  }
0x6e: {  	_ =	swait.ge @!p1 [sflag:s9], $0x100  }
0x6f: {  	[sflag:s9] =	ssyncset.done @!p1 $0x0  }
0x70: {  	s14 =	simm.s32 @!p1 $0x80;
	[sflag:s9] =	ssyncadd.s32 @!p1 $0xFFFFFF00;
	s9 =	simm.s32 @!p1 $0x300  }
0x71: {  	[tilespmem:s9], [sflag:$0x1] =	stream.indirect.gather @!p1 [hbm4b:s4+s14], $0x80, s11, s14, $0xb8;
	[tilespmem:$0x1FD00] =	vst v63  }
0x72: {  	_ =	swait.ge [sflag:s0], $0x4000  }
0x73: {  	[sflag:s0] =	ssyncset.done $0x0  }
0x74: {  	s18 =	rddreg [dreg:$0x7];
	[sflag:s0] =	ssyncadd.s32 $0xFFFFC000  }
0x75: {  	[spmem:s2] =	stream.indirect.scatter.add.f32 [tilespmem:s24], [sflag:$0x7], $0x80, s18, s28, $0xb8;
	[tilespmem:$0x1FD00] =	vst v63  }
0x76: {  	_ =	swait.ge [sflag:s22], $0x4000  }
0x77: {  	s20 =	rddreg [dreg:$0x5]  }
0x78: {  	[sflag:s22] =	ssyncset.done $0x0;
	p1 =	sle.u32 s20, $0x0  }
0x79: {  	[sflag:s22] =	ssyncadd.s32 $0xFFFFC000;
	s9 =	simm.s32 @!p1 $0x0;
	s11 =	simm.s32 @!p1 $0x200  }
0x7a: {  	[tilespmem:s11], [sflag:$0x6] =	stream.linear.gather @!p1 [hbm4b:s10+s9], $0x100, $0x38;
	[tilespmem:$0x1FD00] =	vst v63  }
0x7b: {  	p1 =	sne.s32 s13, $0x3  }
.Ltmp1:
0x7c: {  	_ = 	snop;
	(pc) =	sbr.rel @!p1 .LBB2_5-.Ltmp1, $2  }
0x7d: {  	_ =	sdelay $0x2  }
0x7e: {  	s14 =	simm.s32 @!p2 $0x5;
	s20 =	smov.u32 s10;
	s9 =	simm.s32 $0x3  }
.LBB2_4:
0x7f: {  	_ =	swait.ge @!p2 [sflag:s14], $0x100  }
0x80: {  	[sflag:s14] =	ssyncset.done @!p2 $0x0  }
0x81: {  	s15 =	simm.s32 @!p2 $0x80;
	s17 =	simm.s32 @!p2 $0x4300;
	[sflag:s14] =	ssyncadd.s32 @!p2 $0xFFFFFF00  }
0x82: {  	[tilespmem:s17], [sflag:$0x2] =	stream.indirect.gather @!p2 [hbm4b:s4+s15], $0x80, s12, s15, $0xb8;
	[tilespmem:$0x1FD00] =	vst v63  }
0x83: {  	_ =	swait.ge [sflag:s31], $0x4000  }
0x84: {  	[sflag:s31] =	ssyncset.done $0x0  }
0x85: {  	[sflag:s31] =	ssyncadd.s32 $0xFFFFC000  }
0x86: {  	[spmem:s2] =	stream.indirect.scatter.add.f32 [tilespmem:s21], [sflag:$0x7], $0x80, s28, s28, $0xb8;
	[tilespmem:$0x1FD00] =	vst v63  }
0x87: {  	s20 =	sadd.s32 $0x60, s20;
	s11 =	smov.u32 s9;
	_ =	swait.ge [sflag:s22], $0x4000  }
0x88: {  	s17 =	sadd.s32 $0x2, s11;
	[sflag:s22] =	ssyncset.done $0x0;
	s15 =	rddreg [dreg:$0x3]  }
0x89: {  	p2 =	sge.u32 s17, s5;
	[sflag:s22] =	ssyncadd.s32 $0xFFFFC000;
	p3 =	sge.u32 s11, s15  }
0x8a: {  	s15 =	simm.s32 @!p2 $0x6;
	s12 =	sadd.s32 @!p3 $0xFFFFFFC0, s20;
	s14 =	simm.s32 @!p3 $0x0  }
0x8b: {  	[tilespmem:s14], [sflag:$0x4] =	stream.linear.gather @!p3 [hbm4b:s12+s14], $0x100, $0x38;
	[tilespmem:$0x1FD00] =	vst v63  }
0x8c: {  	_ =	swait.ge @!p2 [sflag:s15], $0x100  }
0x8d: {  	s17 =	simm.s32 @!p2 $0x80;
	[sflag:s15] =	ssyncset.done @!p2 $0x0  }
0x8e: {  	s18 =	simm.s32 @!p2 $0x200;
	s12 =	simm.s32 @!p2 $0x8300;
	[sflag:s15] =	ssyncadd.s32 @!p2 $0xFFFFFF00  }
0x8f: {  	[tilespmem:s12], [sflag:$0x3] =	stream.indirect.gather @!p2 [hbm4b:s4+s17], $0x80, s18, s17, $0xb8;
	[tilespmem:$0x1FD00] =	vst v63  }
0x90: {  	_ =	swait.ge [sflag:s1], $0x4000  }
0x91: {  	[sflag:s1] =	ssyncset.done $0x0  }
0x92: {  	s18 =	rddreg [dreg:$0x6];
	[sflag:s1] =	ssyncadd.s32 $0xFFFFC000  }
0x93: {  	[spmem:s2] =	stream.indirect.scatter.add.f32 [tilespmem:s30], [sflag:$0x7], $0x80, s18, s28, $0xb8;
	[tilespmem:$0x1FD00] =	vst v63  }
0x94: {  	_ =	swait.ge [sflag:s22], $0x4000  }
0x95: {  	s15 =	rddreg [dreg:$0x4];
	[sflag:s22] =	ssyncset.done $0x0  }
0x96: {  	[sflag:s22] =	ssyncadd.s32 $0xFFFFC000;
	p2 =	sge.u32 s11, s15;
	s15 =	simm.s32 @!p3 $0x4  }
0x97: {  	s17 =	sadd.s32 @!p2 $0xFFFFFFE0, s20;
	s18 =	simm.s32 @!p2 $0x0;
	s12 =	simm.s32 @!p2 $0x100  }
0x98: {  	[tilespmem:s12], [sflag:$0x5] =	stream.linear.gather @!p2 [hbm4b:s17+s18], $0x100, $0x38;
	[tilespmem:$0x1FD00] =	vst v63  }
0x99: {  	_ =	swait.ge @!p3 [sflag:s15], $0x100  }
0x9a: {  	[sflag:s15] =	ssyncset.done @!p3 $0x0  }
0x9b: {  	s17 =	simm.s32 @!p3 $0x80;
	s18 =	simm.s32 @!p3 $0x300;
	[sflag:s15] =	ssyncadd.s32 @!p3 $0xFFFFFF00  }
0x9c: {  	[tilespmem:s18], [sflag:$0x1] =	stream.indirect.gather @!p3 [hbm4b:s4+s17], $0x80, s14, s17, $0xb8;
	[tilespmem:$0x1FD00] =	vst v63  }
0x9d: {  	_ =	swait.ge [sflag:s0], $0x4000  }
0x9e: {  	s9 =	sadd.s32 $0x3, s9;
	[sflag:s0] =	ssyncset.done $0x0  }
0x9f: {  	p1 =	sne.s32 s13, s9;
	s17 =	rddreg [dreg:$0x7];
	[sflag:s0] =	ssyncadd.s32 $0xFFFFC000  }
0xa0: {  	[spmem:s2] =	stream.indirect.scatter.add.f32 [tilespmem:s24], [sflag:$0x7], $0x80, s17, s28, $0xb8;
	[tilespmem:$0x1FD00] =	vst v63  }
.Ltmp2:
0xa1: {  	_ =	swait.ge [sflag:s22], $0x4000;
	(pc) =	sbr.rel @p1 .LBB2_4-.Ltmp2, $4  }
0xa2: {  	s18 =	rddreg [dreg:$0x5]  }
0xa3: {  	s14 =	simm.s32 @!p2 $0x5;
	[sflag:s22] =	ssyncset.done $0x0;
	p3 =	sge.u32 s11, s18  }
0xa4: {  	[sflag:s22] =	ssyncadd.s32 $0xFFFFC000;
	s11 =	simm.s32 @!p3 $0x0;
	s15 =	simm.s32 @!p3 $0x200  }
0xa5: {  	[tilespmem:s15], [sflag:$0x6] =	stream.linear.gather @!p3 [hbm4b:s20+s11], $0x100, $0x38;
	[tilespmem:$0x1FD00] =	vst v63  }
.LBB2_5:
0xa6: {  	_ =	swait.ge @!p2 [sflag:s14], $0x100  }
0xa7: {  	s9 =	simm.s32 @!p2 $0x80;
	s20 =	sand.u32 $0xFF, s16;
	[sflag:s14] =	ssyncset.done @!p2 $0x0  }
0xa8: {  	s11 =	simm.s32 @!p2 $0x4300;
	p1 =	seq.s32 s20, $0x0;
	[sflag:s14] =	ssyncadd.s32 @!p2 $0xFFFFFF00  }
0xa9: {  	[tilespmem:s11], [sflag:$0x2] =	stream.indirect.gather @!p2 [hbm4b:s4+s9], $0x80, s12, s9, $0xb8;
	[tilespmem:$0x1FD00] =	vst v63  }
0xaa: {  	s9 =	simm.s32 @!p1 $0x1  }
0xab: {  	_ =	swait.ge @!p1 [sflag:s9], $0x4000  }
0xac: {  	[sflag:s9] =	ssyncset.done @!p1 $0x0  }
0xad: {  	s11 =	simm.s32 @!p1 $0x300;
	[sflag:s9] =	ssyncadd.s32 @!p1 $0xFFFFC000;
	s9 =	simm.s32 @!p1 $0x80  }
0xae: {  	[spmem:s2] =	stream.indirect.scatter.add.f32 @!p1 [tilespmem:s11], [sflag:$0x7], $0x80, s9, s9, $0xb8;
	[tilespmem:$0x1FD00] =	vst v63  }
0xaf: {  	s9 =	sand.u32 @!p1 $0xFF, s16;
	s11 =	simm.s32 @!p1 $0x7  }
0xb0: {  	p2 =	seq.s32 @!p1 s9, $0x1;
	_ =	swait.ge @!p1 [sflag:s11], $0x4000  }
0xb1: {  	[sflag:s11] =	ssyncset.done @!p1 $0x0;
	p2 =	por p2, p1  }
0xb2: {  	[sflag:s11] =	ssyncadd.s32 @!p1 $0xFFFFC000;
	s9 =	simm.s32 @!p2 $0x2  }
0xb3: {  	_ =	swait.ge @!p2 [sflag:s9], $0x4000  }
0xb4: {  	s11 =	simm.s32 @!p2 $0x180;
	[sflag:s9] =	ssyncset.done @!p2 $0x0  }
0xb5: {  	s12 =	simm.s32 @!p2 $0x4300;
	[sflag:s9] =	ssyncadd.s32 @!p2 $0xFFFFC000;
	s9 =	simm.s32 @!p2 $0x80  }
0xb6: {  	[spmem:s2] =	stream.indirect.scatter.add.f32 @!p2 [tilespmem:s12], [sflag:$0x7], $0x80, s11, s9, $0xb8;
	[tilespmem:$0x1FD00] =	vst v63  }
0xb7: {  	s9 =	simm.s32 @!p2 $0x7  }
0xb8: {  	_ =	swait.ge @!p2 [sflag:s9], $0x4000  }
0xb9: {  	[sflag:s9] =	ssyncset.done @!p2 $0x0  }
0xba: {  	[sflag:s9] =	ssyncadd.s32 @!p2 $0xFFFFC000  }
0xbb: {  	[bflag:$0x0] =	sbarrier.arrive $0xFFFF  }
0xbc: {  	s9 =	simm.s32 @p0 $0x1FC7;
	s11 =	rddreg [dreg:$0x11]  }
0xbd: {  	[hbm:s11], [sflag:s9] =	dma.local @p0 [spmem:s25], $0x2380  }
0xbe: {  	s3 =	sadd.s32 $0x1, s3;
	_ =	swait.ge @p0 [sflag:s8], $0x2380  }
0xbf: {  	p1 =	sne.s32 s3, s19;
	s9 =	stileid.u32;
	[sflag:s8] =	ssyncset.done @p0 $0x0  }
0xc0: {  	s9 =	sshll.u32 @!p0 s9, $0x6;
	s11 =	rddreg [dreg:$0x10];
	[sflag:s8] =	ssyncadd.s32 @p0 $0xFFFFDC80  }
.Ltmp3:
0xc1: {  	s8 =	sor.u32 @!p0 $0x1C07, s9;
	s9 =	sshrl.u32 @!p0 s6, $0x3;
	(pc) =	sbr.rel @p1 .LBB2_1-.Ltmp3, $4  }
0xc2: {  	[hbm:s11], [sflag:s8] =	dma.local @!p0 [spmem:s9], $0x2780  }
0xc3: {  	_ =	swait.ge @!p0 [sflag:s7], $0x2780  }
0xc4: {  	[sflag:s7] =	ssyncset.done @!p0 $0x0  }
0xc5: {  	[sflag:s7] =	ssyncadd.s32 @!p0 $0xFFFFD880  }
0xc6: {  	_ =	sfence.sel $0x180000  }
0xc7: {  	[bflag:$0x0] =	sbarrier.arrive $0xFFFF  }
0xc8: {  	_ =	strace $0x9000004A  }
0xc9: {  	s0 =	stileid.u32;
	[bflag:$0x2] =	sbarrier.arrive $0xFFFF  }
0xca: {  	p0 =	sne.s32 s0, $0x0;
	s0 =	rddreg [dreg:$0x2]  }
0xcb: {  	s0 =	sadd.s32 @!p0 $0x100000, s0  }
0xcc: {  	[sflag:s0] =	ssyncadd.tile.s32 @!p0 $0x1;
	_ =	shalt  }
.Lfunc_end2:
_tile_overlayer_lowered:
.L_overlay_start_2:
0xcd: {  	(tag) =	ssettag $0x2  }
0xce: {  	s0 =	rddreg [dreg:$0x0];
	s2 =	stileid.u32  }
0xcf: {  	s1 =	rddreg [dreg:$0x1];
	p0 =	sne.s32 s2, $0x0  }
0xd0: {  	s3 =	rddreg [dreg:$0x2];
	[bflag:$0x3] =	sbarrier.arrive $0xFFFF;
	s2 =	simm.s32 @!p0 $0x1C07  }
0xd1: {  	[timem:s3], [sflag:s2] =	dma.local @!p0 [hbm:s0], s1  }
0xd2: {  	s0 =	simm.s32 @!p0 $0x7  }
0xd3: {  	_ =	swait.ge @!p0 [sflag:s0], s1  }
0xd4: {  	s1 =	ssub.s32 @!p0 $0x0, s1;
	[sflag:s0] =	ssyncset.done @!p0 $0x0  }
0xd5: {  	[sflag:s0] =	ssyncadd.s32 @!p0 s1  }
0xd6: {  	[bflag:$0x3] =	sbarrier.arrive $0xFFFF  }
0xd7: {  	_ =	shalt  }

// kernel: kernel.15.cloned.1.call-start
scs
__scs_entry_jumppad:
0x0: {  	(pc) =	sbr.rel $0x88, $3  }
0x1: {  	(tag) =	ssettag $0x0;
	lr =	simm.s32 $0x1  }
0x2: {  	[smem:$0x3F93] =	sst lr;
	_ =	strace $0xD0000000  }
0x3: {  	_ = 	snop  }
0x4: {  	_ = 	snop  }
0x5: {  	_ = 	snop  }
0x6: {  	_ = 	snop  }
0x7: {  	_ = 	snop  }
__scs_overlays_trampoline_lowered:
0x8: {  	[smem:$0x3FA2] =	sst s0  }
0x9: {  	[smem:$0x3FA3] =	sst s1  }
0xa: {  	[smem:$0x3FA4] =	sst s2  }
0xb: {  	[smem:$0x3FA5] =	sst s3  }
0xc: {  	[smem:$0x3FA6] =	sst s4  }
0xd: {  	[smem:$0x3FA7] =	sst s5  }
0xe: {  	[smem:$0x3FA8] =	sst s6  }
0xf: {  	[smem:$0x3FA9] =	sst s7  }
0x10: {  	[smem:$0x3FAA] =	sst s8  }
0x11: {  	[smem:$0x3FAB] =	sst s9;
	s0 =	simm.s32 @!p0 $0x0  }
0x12: {  	s1 =	sld [smem:$0x3F91];
	s0 =	simm.s32 @p0 $0x1  }
0x13: {  	[smem:$0x3FAC] =	sst s0;
	s0 =	simm.s32 @!p1 $0x0  }
0x14: {  	s2 =	sld [smem:$0x3F90];
	s0 =	simm.s32 @p1 $0x1  }
0x15: {  	[smem:$0x3FAD] =	sst s0;
	s0 =	simm.s32 @!p2 $0x0  }
0x16: {  	s3 =	sld [smem:$0x3FDB];
	s0 =	simm.s32 @p2 $0x1  }
0x17: {  	s4 =	simm.s32 $0x1BF5;
	[smem:$0x3FAF] =	sst s0  }
0x18: {  	s0 =	sld [smem:$0x3F92];
	_ =	swait.ge [sflag:s4], $0x0  }
0x19: {  	s7 =	sld [smem:$0x3F93]  }
0x1a: {  	s8 =	sadd.s32 $0xFFFFE003, lr  }
0x1b: {  	s9 =	sadd.s32 $0xFFFFFEF7, lr;
	s5 =	simm.s32 $0xFFFFFFFF;
	p2 =	slt.u32 s8, $0xFFFFF086  }
0x1c: {  	p1 =	slt.u32 s9, $0xF7A;
	s5 =	simm.s32 @!p2 $0x0  }
0x1d: {  	s5 =	simm.s32 @p1 $0x1;
	p0 =	seq.s32 s7, s2  }
0x1e: {  	s7 =	smul.u32 @!p0 $0xF7A, s2;
	p2 =	seq.s32 @!p0 s5, $0x0  }
0x1f: {  	s9 =	smul.u32 $0xF7A, s1;
	s8 =	simm.s32 @!p0 $0x1BF5;
	p2 =	por !p2, p0  }
0x20: {  	[sflag:s8] =	ssyncset.s32 @!p0 $0xFFFFF086;
	s6 =	sadd.s32 @!p0 s3, s7;
	s7 =	simm.s32 @!p0 $0x108  }
0x21: {  	s3 =	sadd.s32 s3, s9;
	s6 =	sadd.s32 @!p0 $0x88, s6;
	s7 =	simm.s32 @p2 $0x1082  }
0x22: {  	[simem:s7], [sflag:s8] =	dma.local @!p0 [hbm:s6], $0xF7A  }
0x23: {  	s9 =	sor.u32 $0xD0000000, s2;
	s6 =	simm.s32 $0x108;
	_ =	swait.ge @!p0 [sflag:s8], $0x0  }
0x24: {  	s3 =	sadd.s32 $0x88, s3;
	s6 =	simm.s32 @!p1 $0x1082;
	[sflag:s4] =	ssyncset.s32 $0xFFFFF086  }
0x25: {  	[simem:s6], [sflag:s4] =	dma.local [hbm:s3], $0xF7A  }
0x26: {  	[smem:$0x3F93] =	sst s1;
	(tag) =	ssettag s2;
	_ =	strace s9  }
0x27: {  	s1 =	sld [smem:$0x3FA3]  }
0x28: {  	s2 =	sld [smem:$0x3FA4]  }
0x29: {  	s4 =	sld [smem:$0x3FA6]  }
0x2a: {  	p0 =	seq.s32 s5, $0x0;
	s5 =	sld [smem:$0x3FA7]  }
0x2b: {  	s6 =	sld [smem:$0x3FA8]  }
0x2c: {  	s7 =	sld [smem:$0x3FA9]  }
0x2d: {  	s3 =	simm.s32 $0x108;
	s8 =	sld [smem:$0x3FAA]  }
0x2e: {  	s3 =	simm.s32 @!p0 $0x1082;
	s9 =	sld [smem:$0x3FAB]  }
0x2f: {  	lr =	sadd.s32 s0, s3;
	s0 =	sld [smem:$0x3FA2]  }
0x30: {  	s3 =	sld [smem:$0x3FA5]  }
0x31: {  	[smem:$0x3FAE] =	sst s10  }
0x32: {  	s10 =	sld [smem:$0x3FAC];
	_ =	sdelay $0x3  }
0x33: {  	p0 =	seq.s32 s10, $0x1;
	s10 =	sld [smem:$0x3FAE];
	_ =	sdelay $0x3  }
0x34: {  	[smem:$0x3FAE] =	sst s10  }
0x35: {  	s10 =	sld [smem:$0x3FAD];
	_ =	sdelay $0x3  }
0x36: {  	p1 =	seq.s32 s10, $0x1;
	s10 =	sld [smem:$0x3FAE];
	_ =	sdelay $0x3  }
0x37: {  	[smem:$0x3FAE] =	sst s10  }
0x38: {  	s10 =	sld [smem:$0x3FAF]  }
0x39: {  	_ = 	snop;
	(pc) =	sbr.ind lr, $3  }
0x3a: {  	_ = 	snop  }
0x3b: {  	_ = 	snop  }
0x3c: {  	p2 =	seq.s32 s10, $0x1;
	s10 =	sld [smem:$0x3FAE]  }
0x3d: {  	_ =	shalt  }
0x3e: {  	_ =	shalt  }
0x3f: {  	_ =	shalt  }
0x40: {  	_ =	shalt  }
0x41: {  	_ =	shalt  }
0x42: {  	_ =	shalt  }
0x43: {  	_ =	shalt  }
0x44: {  	_ =	shalt  }
0x45: {  	_ =	shalt  }
0x46: {  	_ =	shalt  }
0x47: {  	_ =	shalt  }
0x48: {  	_ =	shalt  }
0x49: {  	_ =	shalt  }
0x4a: {  	_ =	shalt  }
0x4b: {  	_ =	shalt  }
0x4c: {  	_ =	shalt  }
0x4d: {  	_ =	shalt  }
0x4e: {  	_ =	shalt  }
0x4f: {  	_ =	shalt  }
0x50: {  	_ =	shalt  }
0x51: {  	_ =	shalt  }
0x52: {  	_ =	shalt  }
0x53: {  	_ =	shalt  }
0x54: {  	_ =	shalt  }
0x55: {  	_ =	shalt  }
0x56: {  	_ =	shalt  }
0x57: {  	_ =	shalt  }
0x58: {  	_ =	shalt  }
0x59: {  	_ =	shalt  }
0x5a: {  	_ =	shalt  }
0x5b: {  	_ =	shalt  }
0x5c: {  	_ =	shalt  }
0x5d: {  	_ =	shalt  }
0x5e: {  	_ =	shalt  }
0x5f: {  	_ =	shalt  }
0x60: {  	_ =	shalt  }
0x61: {  	_ =	shalt  }
0x62: {  	_ =	shalt  }
0x63: {  	_ =	shalt  }
0x64: {  	_ =	shalt  }
0x65: {  	_ =	shalt  }
0x66: {  	_ =	shalt  }
0x67: {  	_ =	shalt  }
0x68: {  	_ =	shalt  }
0x69: {  	_ =	shalt  }
0x6a: {  	_ =	shalt  }
0x6b: {  	_ =	shalt  }
0x6c: {  	_ =	shalt  }
0x6d: {  	_ =	shalt  }
0x6e: {  	_ =	shalt  }
0x6f: {  	_ =	shalt  }
0x70: {  	_ =	shalt  }
0x71: {  	_ =	shalt  }
0x72: {  	_ =	shalt  }
0x73: {  	_ =	shalt  }
0x74: {  	_ =	shalt  }
0x75: {  	_ =	shalt  }
0x76: {  	_ =	shalt  }
0x77: {  	_ =	shalt  }
0x78: {  	_ =	shalt  }
0x79: {  	_ =	shalt  }
0x7a: {  	_ =	shalt  }
0x7b: {  	_ =	shalt  }
0x7c: {  	_ =	shalt  }
0x7d: {  	_ =	shalt  }
0x7e: {  	_ =	shalt  }
0x7f: {  	_ =	shalt  }
0x80: {  	_ =	shalt  }
0x81: {  	_ =	shalt  }
0x82: {  	_ =	shalt  }
0x83: {  	_ =	shalt  }
0x84: {  	_ =	shalt  }
0x85: {  	_ =	shalt  }
0x86: {  	_ =	shalt  }
0x87: {  	_ =	shalt  }
.Lfunc_end0:
.L_simem_size_0:
called_computation.2_lowered:
.L_overlay_start_0:
0x88: {  	s2 =	sld [smem:$0x3FD9]  }
0x89: {  	s3 =	sld [smem:$0x3FFE];
	_ =	sdelay $0x1  }
0x8a: {  	s1 =	srdreg.scid  }
0x8b: {  	s0 =	sand.u32 $0x1, s1  }
0x8c: {  	s16 =	sshll.u32 s0, $0xA;
	s2 =	sadd.s32 s3, s2  }
0x8d: {  	s2 =	sadd.s32 s2, s16  }
0x8e: {  	[smem:$0x3FBA] =	sst s2  }
0x8f: {  	_ = 	snop  }
0x90: {  	(tm) =	ssettm $0x1  }
0x91: {  	s17 =	sld [smem:$0x3FFB];
	_ =	sdelay $0x3  }
0x92: {  	_ =	strace s17  }
0x93: {  	s2 =	sld [smem:$0x3FFC];
	_ =	sdelay $0x3  }
0x94: {  	_ =	strace s2  }
0x95: {  	s2 =	sld [smem:$0x3FFD];
	_ =	sdelay $0x3  }
0x96: {  	_ =	strace s2  }
0x97: {  	_ =	strace $0x8FFFFFFF  }
0x98: {  	s18 =	sld [smem:$0x3FDB];
	_ =	sdelay $0x1  }
0x99: {  	s19 =	simm.s32 $_scs_section_size  }
0x9a: {  	s4 =	simm.s32 $_size__tile_overlayer_lowered;
	s5 =	simm.s32 $_tile_overlayer_lowered  }
0x9b: {  	s22 =	simm.s32 $0x1BFF;
	s21 =	sshll.u32 s5, $0x1;
	s2 =	sadd.s32 s19, s18  }
0x9c: {  	s6 =	simm.s32 $0x0;
	s20 =	sshll.u32 s4, $0x1;
	s4 =	sadd.s32 s21, s2  }
0x9d: {  	[timem:s6], [sflag:s22] =	dma.local [hbm:s4], s20  }
0x9e: {  	_ =	swait.ge [sflag:s22], s20  }
0x9f: {  	s3 =	ssub.s32 $0x0, s20;
	[sflag:s22] =	ssyncset.done $0x0  }
0xa0: {  	[sflag:s22] =	ssyncadd.s32 s3;
	_ =	sdelay $0x1  }
0xa1: {  	s23 =	simm.s32 $0x1B8B  }
0xa2: {  	_ =	swait.ge [sflag:s23], $0x1  }
0xa3: {  	[sflag:s23] =	ssyncset.done $0x0  }
0xa4: {  	s25 =	simm.s32 $0x1B8E;
	s24 =	sld [smem:$0x3FFE];
	[sflag:s23] =	ssyncadd.s32 $0xFFFFFFFF  }
0xa5: {  	s26 =	simm.s32 $execute0_lowered;
	[smem:$0x3FD2] =	sst s25  }
0xa6: {  	s4 =	sshll.u32 s26, $0x1;
	_ =	strace $0x8000004C;
	[dreg:$0x1] =	wrdreg $0xFFFFFFFF  }
0xa7: {  	s28 =	simm.s32 $_size_execute0_lowered;
	s2 =	sadd.s32 s2, s4;
	[dreg:$0x0] =	wrdreg $0x0  }
0xa8: {  	s4 =	sshll.u32 s28, $0x1;
	[dreg:$0x2] =	wrdreg s2  }
0xa9: {  	[dreg:$0x3] =	wrdreg s4  }
0xaa: {  	[dreg:$0x4] =	wrdreg $0xC0  }
0xab: {  	_ =	task [dreg:s6], $0x5FFFF  }
0xac: {  	[dreg:$0x1] =	wrdreg $0xFFFFFFFF  }
0xad: {  	[dreg:$0x0] =	wrdreg $0x60  }
0xae: {  	[dreg:$0x2] =	wrdreg s24  }
0xaf: {  	[dreg:$0x3] =	wrdreg $0xC3000  }
0xb0: {  	[dreg:$0x4] =	wrdreg $0x9  }
0xb1: {  	_ =	task.clear_ibuf [dreg:s6], $0x5FFFF;
	_ =	strace $0x9000004C  }
0xb2: {  	s29 =	simm.s32 $0x9;
	_ =	strace $0x8000004E  }
0xb3: {  	_ =	swait.ge [sflag:s29], $0x1  }
0xb4: {  	[sflag:s29] =	ssyncadd.s32 $0xFFFFFFFF  }
0xb5: {  	_ =	strace $0x9000004E  }
0xb6: {  	_ =	sfence  }
0xb7: {  	s30 =	sld [smem:$0x0];
	_ =	sdelay $0x2  }
0xb8: {  	s31 =	sshll.u32 s1, $0xD;
	s1 =	sshrl.u32 s1, $0x2  }
0xb9: {  	s3 =	sand.u32 $0x4000, s31;
	s1 =	sadd.s32 s1, s30  }
0xba: {  	s0 =	sor.u32 s3, s0;
	s1 =	sshll.u32 s1, $0x11  }
0xbb: {  	s0 =	sor.u32 s1, s0  }
0xbc: {  	s0 =	sadd.s32 $0x8F2B, s0  }
0xbd: {  	[sflag:s0] =	ssyncadd.remote.s32 $0x1  }
0xbe: {  	_ =	sfence.sel $0xFFFF  }
0xbf: {  	[dreg:$0x0] =	wrdreg $0xFFFFFFFF;
	(pc) =	sbr.abs _section_cstart, $3  }
0xc0: {  	[dreg:$0x1] =	wrdreg $0xFFFFFFFF  }
0xc1: {  	_ =	task.clear_ibuf [dreg:s6], $0x2FFFF;
	_ =	strace $0x9FFFFFFF  }
0xc2: {  	(tm) =	ssettm $0x7FFFFFFF  }
0xc3: {  	_ =	shalt  }
tec
execute0_lowered:
.L_overlay_start_1:
0x0: {  	(tag) =	ssettag $0x1  }
0x1: {  	s0 =	rddreg [dreg:$0x0]  }
0x2: {  	s2 =	rddreg [dreg:$0x1];
	s11 =	stileid.u32  }
0x3: {  	s1 =	srdreg.scid;
	s3 =	simm.s32 $0x0;
	s25 =	simm.s32 $0x180  }
0x4: {  	s26 =	simm.s32 $0x280;
	s28 =	simm.s32 $0x80;
	s4 =	smul.u32 $0xC, s11  }
0x5: {  	s29 =	simm.s32 $0x5;
	s30 =	simm.s32 $0x4300;
	s5 =	smul.u32 $0x94, s11  }
0x6: {  	s31 =	simm.s32 $0x1;
	s1 =	sand.u32 $0x1, s1;
	s6 =	smul.u32 $0x4F000, s11  }
0x7: {  	[smem:$0x7FF] =	sst s3;
	s17 =	smul.u32 $0x13C00, s11;
	s12 =	sadd.s32 $0x138400, s2  }
0x8: {  	p0 =	seq.s32 s1, $0x0;
	_ =	strace $0x8000004D;
	[dreg:$0xc] =	wrdreg s12  }
0x9: {  	s8 =	ssub.s32 $0x2, s1;
	s1 =	smul.u32 $0x13A000, s1;
	[dreg:$0x6] =	wrdreg s25  }
0xa: {  	[dreg:$0x7] =	wrdreg s26;
	s26 =	simm.s32 $0x4;
	s4 =	sadd.s32 $0x940, s4  }
0xb: {  	s6 =	sshrl.u32 s6, $0x2;
	s9 =	sshrl.u32 s8, $0x1;
	s4 =	smov.u32 @p0 s5  }
0xc: {  	s6 =	sadd.s32 s6, s2;
	s8 =	ssub.s32 s8, s9;
	s21 =	sadd.s32 s17, s1  }
0xd: {  	s1 =	sshrl.u32 s1, $0x3;
	s5 =	sshll.u32 s4, $0x5;
	s13 =	sadd.s32 $0x4000, s6  }
0xe: {  	s4 =	sadd.s32 $0x16A00, s0;
	s10 =	sadd.s32 $0x8000, s6;
	[dreg:$0x8] =	wrdreg s13  }
0xf: {  	s15 =	sadd.s32 $0xC000, s6;
	s16 =	sadd.s32 $0x10000, s6;
	[dreg:$0x9] =	wrdreg s10  }
0x10: {  	s7 =	sadd.s32 s5, s0;
	s0 =	sadd.s32 $0x3DE00, s0;
	[dreg:$0xa] =	wrdreg s15  }
0x11: {  	s5 =	simm.s32 $0x94;
	[dreg:$0xb] =	wrdreg s16;
	s18 =	sadd.s32 $0x2A00, s7  }
0x12: {  	s5 =	simm.s32 @!p0 $0xC;
	s19 =	sadd.s32 $0x2A20, s7;
	[dreg:$0xd] =	wrdreg s18  }
0x13: {  	s20 =	sadd.s32 $0x2A40, s7;
	s10 =	sadd.s32 $0x2AA0, s7;
	[dreg:$0xe] =	wrdreg s19  }
0x14: {  	p0 =	seq.s32 s11, $0xF;
	[dreg:$0xf] =	wrdreg s20;
	s22 =	sadd.s32 $0xFFFFFFFD, s5  }
0x15: {  	s14 =	smul.u32 $0xAB, s5;
	s23 =	sadd.s32 $0xFFFFFFFC, s5;
	[dreg:$0x3] =	wrdreg s22  }
0x16: {  	s24 =	sadd.s32 $0xFFFFFFFB, s5;
	s19 =	smax.u32 s8, $0x1;
	[dreg:$0x4] =	wrdreg s23  }
0x17: {  	[dreg:$0x5] =	wrdreg s24;
	s22 =	simm.s32 $0x7;
	s9 =	sshrl.u32 s14, $0x9  }
0x18: {  	s23 =	simm.s32 $0x100;
	s13 =	smul.u32 $0x3, s9;
	s9 =	sshrl.u32 s21, $0x3  }
0x19: {  	s24 =	simm.s32 $0x8300;
	s21 =	simm.s32 $0x300;
	s9 =	sadd.s32 s0, s9  }
0x1a: {  	s0 =	sadd.s32 s0, s1;
	s1 =	sadd.s32 $0x128400, s2;
	s16 =	ssub.s32 s5, s13  }
0x1b: {  	[dreg:$0x10] =	wrdreg s9;
	s0 =	sadd.s32 $0x25080, s0;
	s25 =	sshrl.u32 @p0 s1, $0x3  }
0x1c: {  	v0 =	vimm.f32 $0.0e+00;
	s1 =	simm.s32 $0x2;
	[dreg:$0x11] =	wrdreg s0;
	s0 =	simm.s32 $0x3  }
.LBB2_1:
0x1d: {  	s7 =	simm.s32 $0x0;
	s8 =	simm.s32 $0x200  }
.LBB2_2:
0x1e: {  	p1 =	sne.s32 s8, $0xFE00;
	[tilespmem:s7+$0x370] =	vst v0  }
0x1f: {  	[tilespmem:s7+$0x300] =	vst v0  }
0x20: {  	[tilespmem:s7+$0x310] =	vst v0  }
.Ltmp0:
0x21: {  	[tilespmem:s7+$0x320] =	vst v0;
	(pc) =	sbr.rel @p1 .LBB2_2-.Ltmp0, $4  }
0x22: {  	[tilespmem:s7+$0x330] =	vst v0  }
0x23: {  	[tilespmem:s7+$0x340] =	vst v0  }
0x24: {  	[tilespmem:s7+$0x350] =	vst v0  }
0x25: {  	[tilespmem:s7+$0x360] =	vst v0;
	s7 =	sshra.s32 s8, $0x2;
	s8 =	sadd.s32 $0x200, s8  }
0x26: {  	[tilespmem:s7+$0x370] =	vst v0  }
0x27: {  	[tilespmem:s7+$0x300] =	vst v0  }
0x28: {  	[tilespmem:s7+$0x310] =	vst v0  }
0x29: {  	[tilespmem:s7+$0x320] =	vst v0  }
0x2a: {  	[tilespmem:s7+$0x330] =	vst v0  }
0x2b: {  	[tilespmem:s7+$0x340] =	vst v0  }
0x2c: {  	[tilespmem:s7+$0x350] =	vst v0  }
0x2d: {  	[tilespmem:s7+$0x360] =	vst v0  }
0x2e: {  	[spmem:s6] =	stream.linear.scatter [tilespmem:s21], [sflag:$0x7], $0x4000, $0x38;
	[tilespmem:$0x1FD00] =	vst v63  }
0x2f: {  	_ =	swait.ge [sflag:s22], $0x4000  }
0x30: {  	[sflag:s22] =	ssyncset.done $0x0  }
0x31: {  	s12 =	rddreg [dreg:$0x8];
	[sflag:s22] =	ssyncadd.s32 $0xFFFFC000  }
0x32: {  	[spmem:s12] =	stream.linear.scatter [tilespmem:s21], [sflag:$0x7], $0x4000, $0x38;
	[tilespmem:$0x1FD00] =	vst v63  }
0x33: {  	_ =	swait.ge [sflag:s22], $0x4000  }
0x34: {  	[sflag:s22] =	ssyncset.done $0x0  }
0x35: {  	s14 =	rddreg [dreg:$0x9];
	[sflag:s22] =	ssyncadd.s32 $0xFFFFC000  }
0x36: {  	[spmem:s14] =	stream.linear.scatter [tilespmem:s21], [sflag:$0x7], $0x4000, $0x38;
	[tilespmem:$0x1FD00] =	vst v63  }
0x37: {  	_ =	swait.ge [sflag:s22], $0x4000  }
0x38: {  	[sflag:s22] =	ssyncset.done $0x0  }
0x39: {  	s15 =	rddreg [dreg:$0xa];
	[sflag:s22] =	ssyncadd.s32 $0xFFFFC000  }
0x3a: {  	[spmem:s15] =	stream.linear.scatter [tilespmem:s21], [sflag:$0x7], $0x4000, $0x38;
	[tilespmem:$0x1FD00] =	vst v63  }
0x3b: {  	_ =	swait.ge [sflag:s22], $0x4000  }
0x3c: {  	[sflag:s22] =	ssyncset.done $0x0  }
0x3d: {  	s7 =	simm.s32 @p0 $0x300;
	s8 =	rddreg [dreg:$0xc];
	[sflag:s22] =	ssyncadd.s32 $0xFFFFC000  }
0x3e: {  	[spmem:s8] =	stream.linear.scatter @p0 [tilespmem:s7], [sflag:$0x7], $0x1C00, $0x38;
	[tilespmem:$0x1FD00] =	vst v63  }
0x3f: {  	s8 =	simm.s32 @p0 $0x7  }
0x40: {  	_ =	swait.ge @p0 [sflag:s8], $0x1C00  }
0x41: {  	[sflag:s8] =	ssyncset.done @p0 $0x0  }
0x42: {  	s7 =	simm.s32 @!p0 $0x300;
	s9 =	rddreg [dreg:$0xb];
	[sflag:s8] =	ssyncadd.s32 @p0 $0xFFFFE400  }
0x43: {  	[spmem:s9] =	stream.linear.scatter @!p0 [tilespmem:s7], [sflag:$0x7], $0x3C00, $0x38;
	[tilespmem:$0x1FD00] =	vst v63  }
0x44: {  	s7 =	simm.s32 @!p0 $0x7  }
0x45: {  	_ =	swait.ge @!p0 [sflag:s7], $0x3C00  }
0x46: {  	[sflag:s7] =	ssyncset.done @!p0 $0x0  }
0x47: {  	[sflag:s7] =	ssyncadd.s32 @!p0 $0xFFFFC400  }
0x48: {  	[bflag:$0x0] =	sbarrier.arrive $0xFFFF  }
0x49: {  	s17 =	simm.s32 $0x0;
	s11 =	rddreg [dreg:$0xd]  }
0x4a: {  	[tilespmem:s17], [sflag:$0x4] =	stream.linear.gather [hbm4b:s11+s17], $0x100, $0x38;
	[tilespmem:$0x1FD00] =	vst v63  }
0x4b: {  	s18 =	rddreg [dreg:$0xe]  }
0x4c: {  	[tilespmem:s23], [sflag:$0x5] =	stream.linear.gather [hbm4b:s18+s17], $0x100, $0x38;
	[tilespmem:$0x1FD00] =	vst v63  }
0x4d: {  	s12 =	simm.s32 $0x200;
	s20 =	rddreg [dreg:$0xf]  }
0x4e: {  	[tilespmem:s12], [sflag:$0x6] =	stream.linear.gather [hbm4b:s20+s17], $0x100, $0x38;
	[tilespmem:$0x1FD00] =	vst v63  }
0x4f: {  	_ =	swait.ge [sflag:s26], $0x100  }
0x50: {  	[sflag:s26] =	ssyncset.done $0x0  }
0x51: {  	[sflag:s26] =	ssyncadd.s32 $0xFFFFFF00  }
0x52: {  	[tilespmem:s21], [sflag:$0x1] =	stream.indirect.gather [hbm4b:s4+s28], $0x80, s17, s28, $0xb8;
	[tilespmem:$0x1FD00] =	vst v63  }
0x53: {  	_ =	swait.ge [sflag:s29], $0x100  }
0x54: {  	[sflag:s29] =	ssyncset.done $0x0  }
0x55: {  	[sflag:s29] =	ssyncadd.s32 $0xFFFFFF00  }
0x56: {  	[tilespmem:s30], [sflag:$0x2] =	stream.indirect.gather [hbm4b:s4+s28], $0x80, s23, s28, $0xb8;
	[tilespmem:$0x1FD00] =	vst v63  }
0x57: {  	_ =	swait.ge [sflag:s31], $0x4000  }
0x58: {  	[sflag:s31] =	ssyncset.done $0x0  }
0x59: {  	[sflag:s31] =	ssyncadd.s32 $0xFFFFC000  }
0x5a: {  	[spmem:s2] =	stream.indirect.scatter.add.f32 [tilespmem:s21], [sflag:$0x7], $0x80, s28, s28, $0xb8;
	[tilespmem:$0x1FD00] =	vst v63  }
0x5b: {  	_ =	swait.ge [sflag:s22], $0x4000  }
0x5c: {  	p2 =	sle.u32 s5, $0x2;
	s14 =	rddreg [dreg:$0x3]  }
0x5d: {  	s12 =	simm.s32 @!p2 $0x6;
	[sflag:s22] =	ssyncset.done $0x0;
	p1 =	sle.u32 s14, $0x0  }
0x5e: {  	[sflag:s22] =	ssyncadd.s32 $0xFFFFC000;
	s9 =	sadd.s32 @!p1 $0xFFFFFFC0, s10;
	s11 =	simm.s32 @!p1 $0x0  }
0x5f: {  	[tilespmem:s11], [sflag:$0x4] =	stream.linear.gather @!p1 [hbm4b:s9+s11], $0x100, $0x38;
	[tilespmem:$0x1FD00] =	vst v63  }
0x60: {  	_ =	swait.ge @!p2 [sflag:s12], $0x100  }
0x61: {  	s14 =	simm.s32 @!p2 $0x80;
	[sflag:s12] =	ssyncset.done @!p2 $0x0  }
0x62: {  	s9 =	simm.s32 @!p2 $0x8300;
	[sflag:s12] =	ssyncadd.s32 @!p2 $0xFFFFFF00;
	s12 =	simm.s32 @!p2 $0x200  }
0x63: {  	[tilespmem:s9], [sflag:$0x3] =	stream.indirect.gather @!p2 [hbm4b:s4+s14], $0x80, s12, s14, $0xb8;
	[tilespmem:$0x1FD00] =	vst v63  }
0x64: {  	_ =	swait.ge [sflag:s1], $0x4000  }
0x65: {  	[sflag:s1] =	ssyncset.done $0x0  }
0x66: {  	s15 =	rddreg [dreg:$0x6];
	[sflag:s1] =	ssyncadd.s32 $0xFFFFC000  }
0x67: {  	[spmem:s2] =	stream.indirect.scatter.add.f32 [tilespmem:s30], [sflag:$0x7], $0x80, s15, s28, $0xb8;
	[tilespmem:$0x1FD00] =	vst v63  }
0x68: {  	_ =	swait.ge [sflag:s22], $0x4000  }
0x69: {  	s17 =	rddreg [dreg:$0x4];
	[sflag:s22] =	ssyncset.done $0x0  }
0x6a: {  	[sflag:s22] =	ssyncadd.s32 $0xFFFFC000;
	p2 =	sle.u32 s17, $0x0  }
0x6b: {  	s9 =	sadd.s32 @!p2 $0xFFFFFFE0, s10;
	s14 =	simm.s32 @!p2 $0x0;
	s12 =	simm.s32 @!p2 $0x100  }
0x6c: {  	[tilespmem:s12], [sflag:$0x5] =	stream.linear.gather @!p2 [hbm4b:s9+s14], $0x100, $0x38;
	[tilespmem:$0x1FD00] =	vst v63  }
0x6d: {  	s9 =	simm.s32 @!p1 $0x4  }
0x6e: {  	_ =	swait.ge @!p1 [sflag:s9], $0x100  }
0x6f: {  	[sflag:s9] =	ssyncset.done @!p1 $0x0  }
0x70: {  	s14 =	simm.s32 @!p1 $0x80;
	[sflag:s9] =	ssyncadd.s32 @!p1 $0xFFFFFF00;
	s9 =	simm.s32 @!p1 $0x300  }
0x71: {  	[tilespmem:s9], [sflag:$0x1] =	stream.indirect.gather @!p1 [hbm4b:s4+s14], $0x80, s11, s14, $0xb8;
	[tilespmem:$0x1FD00] =	vst v63  }
0x72: {  	_ =	swait.ge [sflag:s0], $0x4000  }
0x73: {  	[sflag:s0] =	ssyncset.done $0x0  }
0x74: {  	s18 =	rddreg [dreg:$0x7];
	[sflag:s0] =	ssyncadd.s32 $0xFFFFC000  }
0x75: {  	[spmem:s2] =	stream.indirect.scatter.add.f32 [tilespmem:s24], [sflag:$0x7], $0x80, s18, s28, $0xb8;
	[tilespmem:$0x1FD00] =	vst v63  }
0x76: {  	_ =	swait.ge [sflag:s22], $0x4000  }
0x77: {  	s20 =	rddreg [dreg:$0x5]  }
0x78: {  	[sflag:s22] =	ssyncset.done $0x0;
	p1 =	sle.u32 s20, $0x0  }
0x79: {  	[sflag:s22] =	ssyncadd.s32 $0xFFFFC000;
	s9 =	simm.s32 @!p1 $0x0;
	s11 =	simm.s32 @!p1 $0x200  }
0x7a: {  	[tilespmem:s11], [sflag:$0x6] =	stream.linear.gather @!p1 [hbm4b:s10+s9], $0x100, $0x38;
	[tilespmem:$0x1FD00] =	vst v63  }
0x7b: {  	p1 =	sne.s32 s13, $0x3  }
.Ltmp1:
0x7c: {  	_ = 	snop;
	(pc) =	sbr.rel @!p1 .LBB2_5-.Ltmp1, $2  }
0x7d: {  	_ =	sdelay $0x2  }
0x7e: {  	s14 =	simm.s32 @!p2 $0x5;
	s20 =	smov.u32 s10;
	s9 =	simm.s32 $0x3  }
.LBB2_4:
0x7f: {  	_ =	swait.ge @!p2 [sflag:s14], $0x100  }
0x80: {  	[sflag:s14] =	ssyncset.done @!p2 $0x0  }
0x81: {  	s15 =	simm.s32 @!p2 $0x80;
	s17 =	simm.s32 @!p2 $0x4300;
	[sflag:s14] =	ssyncadd.s32 @!p2 $0xFFFFFF00  }
0x82: {  	[tilespmem:s17], [sflag:$0x2] =	stream.indirect.gather @!p2 [hbm4b:s4+s15], $0x80, s12, s15, $0xb8;
	[tilespmem:$0x1FD00] =	vst v63  }
0x83: {  	_ =	swait.ge [sflag:s31], $0x4000  }
0x84: {  	[sflag:s31] =	ssyncset.done $0x0  }
0x85: {  	[sflag:s31] =	ssyncadd.s32 $0xFFFFC000  }
0x86: {  	[spmem:s2] =	stream.indirect.scatter.add.f32 [tilespmem:s21], [sflag:$0x7], $0x80, s28, s28, $0xb8;
	[tilespmem:$0x1FD00] =	vst v63  }
0x87: {  	s20 =	sadd.s32 $0x60, s20;
	s11 =	smov.u32 s9;
	_ =	swait.ge [sflag:s22], $0x4000  }
0x88: {  	s17 =	sadd.s32 $0x2, s11;
	[sflag:s22] =	ssyncset.done $0x0;
	s15 =	rddreg [dreg:$0x3]  }
0x89: {  	p2 =	sge.u32 s17, s5;
	[sflag:s22] =	ssyncadd.s32 $0xFFFFC000;
	p3 =	sge.u32 s11, s15  }
0x8a: {  	s15 =	simm.s32 @!p2 $0x6;
	s12 =	sadd.s32 @!p3 $0xFFFFFFC0, s20;
	s14 =	simm.s32 @!p3 $0x0  }
0x8b: {  	[tilespmem:s14], [sflag:$0x4] =	stream.linear.gather @!p3 [hbm4b:s12+s14], $0x100, $0x38;
	[tilespmem:$0x1FD00] =	vst v63  }
0x8c: {  	_ =	swait.ge @!p2 [sflag:s15], $0x100  }
0x8d: {  	s17 =	simm.s32 @!p2 $0x80;
	[sflag:s15] =	ssyncset.done @!p2 $0x0  }
0x8e: {  	s18 =	simm.s32 @!p2 $0x200;
	s12 =	simm.s32 @!p2 $0x8300;
	[sflag:s15] =	ssyncadd.s32 @!p2 $0xFFFFFF00  }
0x8f: {  	[tilespmem:s12], [sflag:$0x3] =	stream.indirect.gather @!p2 [hbm4b:s4+s17], $0x80, s18, s17, $0xb8;
	[tilespmem:$0x1FD00] =	vst v63  }
0x90: {  	_ =	swait.ge [sflag:s1], $0x4000  }
0x91: {  	[sflag:s1] =	ssyncset.done $0x0  }
0x92: {  	s18 =	rddreg [dreg:$0x6];
	[sflag:s1] =	ssyncadd.s32 $0xFFFFC000  }
0x93: {  	[spmem:s2] =	stream.indirect.scatter.add.f32 [tilespmem:s30], [sflag:$0x7], $0x80, s18, s28, $0xb8;
	[tilespmem:$0x1FD00] =	vst v63  }
0x94: {  	_ =	swait.ge [sflag:s22], $0x4000  }
0x95: {  	s15 =	rddreg [dreg:$0x4];
	[sflag:s22] =	ssyncset.done $0x0  }
0x96: {  	[sflag:s22] =	ssyncadd.s32 $0xFFFFC000;
	p2 =	sge.u32 s11, s15;
	s15 =	simm.s32 @!p3 $0x4  }
0x97: {  	s17 =	sadd.s32 @!p2 $0xFFFFFFE0, s20;
	s18 =	simm.s32 @!p2 $0x0;
	s12 =	simm.s32 @!p2 $0x100  }
0x98: {  	[tilespmem:s12], [sflag:$0x5] =	stream.linear.gather @!p2 [hbm4b:s17+s18], $0x100, $0x38;
	[tilespmem:$0x1FD00] =	vst v63  }
0x99: {  	_ =	swait.ge @!p3 [sflag:s15], $0x100  }
0x9a: {  	[sflag:s15] =	ssyncset.done @!p3 $0x0  }
0x9b: {  	s17 =	simm.s32 @!p3 $0x80;
	s18 =	simm.s32 @!p3 $0x300;
	[sflag:s15] =	ssyncadd.s32 @!p3 $0xFFFFFF00  }
0x9c: {  	[tilespmem:s18], [sflag:$0x1] =	stream.indirect.gather @!p3 [hbm4b:s4+s17], $0x80, s14, s17, $0xb8;
	[tilespmem:$0x1FD00] =	vst v63  }
0x9d: {  	_ =	swait.ge [sflag:s0], $0x4000  }
0x9e: {  	s9 =	sadd.s32 $0x3, s9;
	[sflag:s0] =	ssyncset.done $0x0  }
0x9f: {  	p1 =	sne.s32 s13, s9;
	s17 =	rddreg [dreg:$0x7];
	[sflag:s0] =	ssyncadd.s32 $0xFFFFC000  }
0xa0: {  	[spmem:s2] =	stream.indirect.scatter.add.f32 [tilespmem:s24], [sflag:$0x7], $0x80, s17, s28, $0xb8;
	[tilespmem:$0x1FD00] =	vst v63  }
.Ltmp2:
0xa1: {  	_ =	swait.ge [sflag:s22], $0x4000;
	(pc) =	sbr.rel @p1 .LBB2_4-.Ltmp2, $4  }
0xa2: {  	s18 =	rddreg [dreg:$0x5]  }
0xa3: {  	s14 =	simm.s32 @!p2 $0x5;
	[sflag:s22] =	ssyncset.done $0x0;
	p3 =	sge.u32 s11, s18  }
0xa4: {  	[sflag:s22] =	ssyncadd.s32 $0xFFFFC000;
	s11 =	simm.s32 @!p3 $0x0;
	s15 =	simm.s32 @!p3 $0x200  }
0xa5: {  	[tilespmem:s15], [sflag:$0x6] =	stream.linear.gather @!p3 [hbm4b:s20+s11], $0x100, $0x38;
	[tilespmem:$0x1FD00] =	vst v63  }
.LBB2_5:
0xa6: {  	_ =	swait.ge @!p2 [sflag:s14], $0x100  }
0xa7: {  	s9 =	simm.s32 @!p2 $0x80;
	s20 =	sand.u32 $0xFF, s16;
	[sflag:s14] =	ssyncset.done @!p2 $0x0  }
0xa8: {  	s11 =	simm.s32 @!p2 $0x4300;
	p1 =	seq.s32 s20, $0x0;
	[sflag:s14] =	ssyncadd.s32 @!p2 $0xFFFFFF00  }
0xa9: {  	[tilespmem:s11], [sflag:$0x2] =	stream.indirect.gather @!p2 [hbm4b:s4+s9], $0x80, s12, s9, $0xb8;
	[tilespmem:$0x1FD00] =	vst v63  }
0xaa: {  	s9 =	simm.s32 @!p1 $0x1  }
0xab: {  	_ =	swait.ge @!p1 [sflag:s9], $0x4000  }
0xac: {  	[sflag:s9] =	ssyncset.done @!p1 $0x0  }
0xad: {  	s11 =	simm.s32 @!p1 $0x300;
	[sflag:s9] =	ssyncadd.s32 @!p1 $0xFFFFC000;
	s9 =	simm.s32 @!p1 $0x80  }
0xae: {  	[spmem:s2] =	stream.indirect.scatter.add.f32 @!p1 [tilespmem:s11], [sflag:$0x7], $0x80, s9, s9, $0xb8;
	[tilespmem:$0x1FD00] =	vst v63  }
0xaf: {  	s9 =	sand.u32 @!p1 $0xFF, s16;
	s11 =	simm.s32 @!p1 $0x7  }
0xb0: {  	p2 =	seq.s32 @!p1 s9, $0x1;
	_ =	swait.ge @!p1 [sflag:s11], $0x4000  }
0xb1: {  	[sflag:s11] =	ssyncset.done @!p1 $0x0;
	p2 =	por p2, p1  }
0xb2: {  	[sflag:s11] =	ssyncadd.s32 @!p1 $0xFFFFC000;
	s9 =	simm.s32 @!p2 $0x2  }
0xb3: {  	_ =	swait.ge @!p2 [sflag:s9], $0x4000  }
0xb4: {  	s11 =	simm.s32 @!p2 $0x180;
	[sflag:s9] =	ssyncset.done @!p2 $0x0  }
0xb5: {  	s12 =	simm.s32 @!p2 $0x4300;
	[sflag:s9] =	ssyncadd.s32 @!p2 $0xFFFFC000;
	s9 =	simm.s32 @!p2 $0x80  }
0xb6: {  	[spmem:s2] =	stream.indirect.scatter.add.f32 @!p2 [tilespmem:s12], [sflag:$0x7], $0x80, s11, s9, $0xb8;
	[tilespmem:$0x1FD00] =	vst v63  }
0xb7: {  	s9 =	simm.s32 @!p2 $0x7  }
0xb8: {  	_ =	swait.ge @!p2 [sflag:s9], $0x4000  }
0xb9: {  	[sflag:s9] =	ssyncset.done @!p2 $0x0  }
0xba: {  	[sflag:s9] =	ssyncadd.s32 @!p2 $0xFFFFC000  }
0xbb: {  	[bflag:$0x0] =	sbarrier.arrive $0xFFFF  }
0xbc: {  	s9 =	simm.s32 @p0 $0x1FC7;
	s11 =	rddreg [dreg:$0x11]  }
0xbd: {  	[hbm:s11], [sflag:s9] =	dma.local @p0 [spmem:s25], $0x2380  }
0xbe: {  	s3 =	sadd.s32 $0x1, s3;
	_ =	swait.ge @p0 [sflag:s8], $0x2380  }
0xbf: {  	p1 =	sne.s32 s3, s19;
	s9 =	stileid.u32;
	[sflag:s8] =	ssyncset.done @p0 $0x0  }
0xc0: {  	s9 =	sshll.u32 @!p0 s9, $0x6;
	s11 =	rddreg [dreg:$0x10];
	[sflag:s8] =	ssyncadd.s32 @p0 $0xFFFFDC80  }
.Ltmp3:
0xc1: {  	s8 =	sor.u32 @!p0 $0x1C07, s9;
	s9 =	sshrl.u32 @!p0 s6, $0x3;
	(pc) =	sbr.rel @p1 .LBB2_1-.Ltmp3, $4  }
0xc2: {  	[hbm:s11], [sflag:s8] =	dma.local @!p0 [spmem:s9], $0x2780  }
0xc3: {  	_ =	swait.ge @!p0 [sflag:s7], $0x2780  }
0xc4: {  	[sflag:s7] =	ssyncset.done @!p0 $0x0  }
0xc5: {  	[sflag:s7] =	ssyncadd.s32 @!p0 $0xFFFFD880  }
0xc6: {  	_ =	sfence.sel $0x180000  }
0xc7: {  	[bflag:$0x0] =	sbarrier.arrive $0xFFFF  }
0xc8: {  	_ =	strace $0x9000004D  }
0xc9: {  	s0 =	stileid.u32;
	[bflag:$0x2] =	sbarrier.arrive $0xFFFF  }
0xca: {  	p0 =	sne.s32 s0, $0x0;
	s0 =	rddreg [dreg:$0x2]  }
0xcb: {  	s0 =	sadd.s32 @!p0 $0x100000, s0  }
0xcc: {  	[sflag:s0] =	ssyncadd.tile.s32 @!p0 $0x1;
	_ =	shalt  }
.Lfunc_end2:
_tile_overlayer_lowered:
.L_overlay_start_2:
0xcd: {  	(tag) =	ssettag $0x2  }
0xce: {  	s0 =	rddreg [dreg:$0x0];
	s2 =	stileid.u32  }
0xcf: {  	s1 =	rddreg [dreg:$0x1];
	p0 =	sne.s32 s2, $0x0  }
0xd0: {  	s3 =	rddreg [dreg:$0x2];
	[bflag:$0x3] =	sbarrier.arrive $0xFFFF;
	s2 =	simm.s32 @!p0 $0x1C07  }
0xd1: {  	[timem:s3], [sflag:s2] =	dma.local @!p0 [hbm:s0], s1  }
0xd2: {  	s0 =	simm.s32 @!p0 $0x7  }
0xd3: {  	_ =	swait.ge @!p0 [sflag:s0], s1  }
0xd4: {  	s1 =	ssub.s32 @!p0 $0x0, s1;
	[sflag:s0] =	ssyncset.done @!p0 $0x0  }
0xd5: {  	[sflag:s0] =	ssyncadd.s32 @!p0 s1  }
0xd6: {  	[bflag:$0x3] =	sbarrier.arrive $0xFFFF  }
0xd7: {  	_ =	shalt  }

// kernel: kernel.9.cloned.1.call-start
scs
__scs_entry_jumppad:
0x0: {  	(pc) =	sbr.rel $0x88, $3  }
0x1: {  	(tag) =	ssettag $0x0;
	lr =	simm.s32 $0x1  }
0x2: {  	[smem:$0x3F93] =	sst lr;
	_ =	strace $0xD0000000  }
0x3: {  	_ = 	snop  }
0x4: {  	_ = 	snop  }
0x5: {  	_ = 	snop  }
0x6: {  	_ = 	snop  }
0x7: {  	_ = 	snop  }
__scs_overlays_trampoline_lowered:
0x8: {  	[smem:$0x3FA2] =	sst s0  }
0x9: {  	[smem:$0x3FA3] =	sst s1  }
0xa: {  	[smem:$0x3FA4] =	sst s2  }
0xb: {  	[smem:$0x3FA5] =	sst s3  }
0xc: {  	[smem:$0x3FA6] =	sst s4  }
0xd: {  	[smem:$0x3FA7] =	sst s5  }
0xe: {  	[smem:$0x3FA8] =	sst s6  }
0xf: {  	[smem:$0x3FA9] =	sst s7  }
0x10: {  	[smem:$0x3FAA] =	sst s8  }
0x11: {  	[smem:$0x3FAB] =	sst s9;
	s0 =	simm.s32 @!p0 $0x0  }
0x12: {  	s1 =	sld [smem:$0x3F91];
	s0 =	simm.s32 @p0 $0x1  }
0x13: {  	[smem:$0x3FAC] =	sst s0;
	s0 =	simm.s32 @!p1 $0x0  }
0x14: {  	s2 =	sld [smem:$0x3F90];
	s0 =	simm.s32 @p1 $0x1  }
0x15: {  	[smem:$0x3FAD] =	sst s0;
	s0 =	simm.s32 @!p2 $0x0  }
0x16: {  	s3 =	sld [smem:$0x3FDB];
	s0 =	simm.s32 @p2 $0x1  }
0x17: {  	s4 =	simm.s32 $0x1BF5;
	[smem:$0x3FAF] =	sst s0  }
0x18: {  	s0 =	sld [smem:$0x3F92];
	_ =	swait.ge [sflag:s4], $0x0  }
0x19: {  	s7 =	sld [smem:$0x3F93]  }
0x1a: {  	s8 =	sadd.s32 $0xFFFFE003, lr  }
0x1b: {  	s9 =	sadd.s32 $0xFFFFFEF7, lr;
	s5 =	simm.s32 $0xFFFFFFFF;
	p2 =	slt.u32 s8, $0xFFFFF086  }
0x1c: {  	p1 =	slt.u32 s9, $0xF7A;
	s5 =	simm.s32 @!p2 $0x0  }
0x1d: {  	s5 =	simm.s32 @p1 $0x1;
	p0 =	seq.s32 s7, s2  }
0x1e: {  	s7 =	smul.u32 @!p0 $0xF7A, s2;
	p2 =	seq.s32 @!p0 s5, $0x0  }
0x1f: {  	s9 =	smul.u32 $0xF7A, s1;
	s8 =	simm.s32 @!p0 $0x1BF5;
	p2 =	por !p2, p0  }
0x20: {  	[sflag:s8] =	ssyncset.s32 @!p0 $0xFFFFF086;
	s6 =	sadd.s32 @!p0 s3, s7;
	s7 =	simm.s32 @!p0 $0x108  }
0x21: {  	s3 =	sadd.s32 s3, s9;
	s6 =	sadd.s32 @!p0 $0x88, s6;
	s7 =	simm.s32 @p2 $0x1082  }
0x22: {  	[simem:s7], [sflag:s8] =	dma.local @!p0 [hbm:s6], $0xF7A  }
0x23: {  	s9 =	sor.u32 $0xD0000000, s2;
	s6 =	simm.s32 $0x108;
	_ =	swait.ge @!p0 [sflag:s8], $0x0  }
0x24: {  	s3 =	sadd.s32 $0x88, s3;
	s6 =	simm.s32 @!p1 $0x1082;
	[sflag:s4] =	ssyncset.s32 $0xFFFFF086  }
0x25: {  	[simem:s6], [sflag:s4] =	dma.local [hbm:s3], $0xF7A  }
0x26: {  	[smem:$0x3F93] =	sst s1;
	(tag) =	ssettag s2;
	_ =	strace s9  }
0x27: {  	s1 =	sld [smem:$0x3FA3]  }
0x28: {  	s2 =	sld [smem:$0x3FA4]  }
0x29: {  	s4 =	sld [smem:$0x3FA6]  }
0x2a: {  	p0 =	seq.s32 s5, $0x0;
	s5 =	sld [smem:$0x3FA7]  }
0x2b: {  	s6 =	sld [smem:$0x3FA8]  }
0x2c: {  	s7 =	sld [smem:$0x3FA9]  }
0x2d: {  	s3 =	simm.s32 $0x108;
	s8 =	sld [smem:$0x3FAA]  }
0x2e: {  	s3 =	simm.s32 @!p0 $0x1082;
	s9 =	sld [smem:$0x3FAB]  }
0x2f: {  	lr =	sadd.s32 s0, s3;
	s0 =	sld [smem:$0x3FA2]  }
0x30: {  	s3 =	sld [smem:$0x3FA5]  }
0x31: {  	[smem:$0x3FAE] =	sst s10  }
0x32: {  	s10 =	sld [smem:$0x3FAC];
	_ =	sdelay $0x3  }
0x33: {  	p0 =	seq.s32 s10, $0x1;
	s10 =	sld [smem:$0x3FAE];
	_ =	sdelay $0x3  }
0x34: {  	[smem:$0x3FAE] =	sst s10  }
0x35: {  	s10 =	sld [smem:$0x3FAD];
	_ =	sdelay $0x3  }
0x36: {  	p1 =	seq.s32 s10, $0x1;
	s10 =	sld [smem:$0x3FAE];
	_ =	sdelay $0x3  }
0x37: {  	[smem:$0x3FAE] =	sst s10  }
0x38: {  	s10 =	sld [smem:$0x3FAF]  }
0x39: {  	_ = 	snop;
	(pc) =	sbr.ind lr, $3  }
0x3a: {  	_ = 	snop  }
0x3b: {  	_ = 	snop  }
0x3c: {  	p2 =	seq.s32 s10, $0x1;
	s10 =	sld [smem:$0x3FAE]  }
0x3d: {  	_ =	shalt  }
0x3e: {  	_ =	shalt  }
0x3f: {  	_ =	shalt  }
0x40: {  	_ =	shalt  }
0x41: {  	_ =	shalt  }
0x42: {  	_ =	shalt  }
0x43: {  	_ =	shalt  }
0x44: {  	_ =	shalt  }
0x45: {  	_ =	shalt  }
0x46: {  	_ =	shalt  }
0x47: {  	_ =	shalt  }
0x48: {  	_ =	shalt  }
0x49: {  	_ =	shalt  }
0x4a: {  	_ =	shalt  }
0x4b: {  	_ =	shalt  }
0x4c: {  	_ =	shalt  }
0x4d: {  	_ =	shalt  }
0x4e: {  	_ =	shalt  }
0x4f: {  	_ =	shalt  }
0x50: {  	_ =	shalt  }
0x51: {  	_ =	shalt  }
0x52: {  	_ =	shalt  }
0x53: {  	_ =	shalt  }
0x54: {  	_ =	shalt  }
0x55: {  	_ =	shalt  }
0x56: {  	_ =	shalt  }
0x57: {  	_ =	shalt  }
0x58: {  	_ =	shalt  }
0x59: {  	_ =	shalt  }
0x5a: {  	_ =	shalt  }
0x5b: {  	_ =	shalt  }
0x5c: {  	_ =	shalt  }
0x5d: {  	_ =	shalt  }
0x5e: {  	_ =	shalt  }
0x5f: {  	_ =	shalt  }
0x60: {  	_ =	shalt  }
0x61: {  	_ =	shalt  }
0x62: {  	_ =	shalt  }
0x63: {  	_ =	shalt  }
0x64: {  	_ =	shalt  }
0x65: {  	_ =	shalt  }
0x66: {  	_ =	shalt  }
0x67: {  	_ =	shalt  }
0x68: {  	_ =	shalt  }
0x69: {  	_ =	shalt  }
0x6a: {  	_ =	shalt  }
0x6b: {  	_ =	shalt  }
0x6c: {  	_ =	shalt  }
0x6d: {  	_ =	shalt  }
0x6e: {  	_ =	shalt  }
0x6f: {  	_ =	shalt  }
0x70: {  	_ =	shalt  }
0x71: {  	_ =	shalt  }
0x72: {  	_ =	shalt  }
0x73: {  	_ =	shalt  }
0x74: {  	_ =	shalt  }
0x75: {  	_ =	shalt  }
0x76: {  	_ =	shalt  }
0x77: {  	_ =	shalt  }
0x78: {  	_ =	shalt  }
0x79: {  	_ =	shalt  }
0x7a: {  	_ =	shalt  }
0x7b: {  	_ =	shalt  }
0x7c: {  	_ =	shalt  }
0x7d: {  	_ =	shalt  }
0x7e: {  	_ =	shalt  }
0x7f: {  	_ =	shalt  }
0x80: {  	_ =	shalt  }
0x81: {  	_ =	shalt  }
0x82: {  	_ =	shalt  }
0x83: {  	_ =	shalt  }
0x84: {  	_ =	shalt  }
0x85: {  	_ =	shalt  }
0x86: {  	_ =	shalt  }
0x87: {  	_ =	shalt  }
.Lfunc_end0:
.L_simem_size_0:
called_computation_lowered:
.L_overlay_start_0:
0x88: {  	s2 =	sld [smem:$0x3FD9]  }
0x89: {  	s3 =	sld [smem:$0x3FFE];
	_ =	sdelay $0x1  }
0x8a: {  	s1 =	srdreg.scid  }
0x8b: {  	s0 =	sand.u32 $0x1, s1  }
0x8c: {  	s16 =	sshll.u32 s0, $0xA;
	s2 =	sadd.s32 s3, s2  }
0x8d: {  	s2 =	sadd.s32 s2, s16  }
0x8e: {  	[smem:$0x3FBA] =	sst s2  }
0x8f: {  	_ = 	snop  }
0x90: {  	(tm) =	ssettm $0x1  }
0x91: {  	s17 =	sld [smem:$0x3FFB];
	_ =	sdelay $0x3  }
0x92: {  	_ =	strace s17  }
0x93: {  	s2 =	sld [smem:$0x3FFC];
	_ =	sdelay $0x3  }
0x94: {  	_ =	strace s2  }
0x95: {  	s2 =	sld [smem:$0x3FFD];
	_ =	sdelay $0x3  }
0x96: {  	_ =	strace s2  }
0x97: {  	_ =	strace $0x8FFFFFFF  }
0x98: {  	s18 =	sld [smem:$0x3FDB];
	_ =	sdelay $0x1  }
0x99: {  	s19 =	simm.s32 $_scs_section_size  }
0x9a: {  	s4 =	simm.s32 $_size__tile_overlayer_lowered;
	s5 =	simm.s32 $_tile_overlayer_lowered  }
0x9b: {  	s22 =	simm.s32 $0x1BFF;
	s21 =	sshll.u32 s5, $0x1;
	s2 =	sadd.s32 s19, s18  }
0x9c: {  	s6 =	simm.s32 $0x0;
	s20 =	sshll.u32 s4, $0x1;
	s4 =	sadd.s32 s21, s2  }
0x9d: {  	[timem:s6], [sflag:s22] =	dma.local [hbm:s4], s20  }
0x9e: {  	_ =	swait.ge [sflag:s22], s20  }
0x9f: {  	s3 =	ssub.s32 $0x0, s20;
	[sflag:s22] =	ssyncset.done $0x0  }
0xa0: {  	[sflag:s22] =	ssyncadd.s32 s3;
	_ =	sdelay $0x1  }
0xa1: {  	s23 =	simm.s32 $0x1B8B  }
0xa2: {  	_ =	swait.ge [sflag:s23], $0x1  }
0xa3: {  	[sflag:s23] =	ssyncset.done $0x0  }
0xa4: {  	s25 =	simm.s32 $0x1B8E;
	s24 =	sld [smem:$0x3FFE];
	[sflag:s23] =	ssyncadd.s32 $0xFFFFFFFF  }
0xa5: {  	s26 =	simm.s32 $execute0_lowered;
	[smem:$0x3FD2] =	sst s25  }
0xa6: {  	s4 =	sshll.u32 s26, $0x1;
	_ =	strace $0x80000046;
	[dreg:$0x1] =	wrdreg $0xFFFFFFFF  }
0xa7: {  	s28 =	simm.s32 $_size_execute0_lowered;
	s2 =	sadd.s32 s2, s4;
	[dreg:$0x0] =	wrdreg $0x0  }
0xa8: {  	s4 =	sshll.u32 s28, $0x1;
	[dreg:$0x2] =	wrdreg s2  }
0xa9: {  	[dreg:$0x3] =	wrdreg s4  }
0xaa: {  	[dreg:$0x4] =	wrdreg $0xC0  }
0xab: {  	_ =	task [dreg:s6], $0x5FFFF  }
0xac: {  	[dreg:$0x1] =	wrdreg $0xFFFFFFFF  }
0xad: {  	[dreg:$0x0] =	wrdreg $0x60  }
0xae: {  	[dreg:$0x2] =	wrdreg s24  }
0xaf: {  	[dreg:$0x3] =	wrdreg $0xC3000  }
0xb0: {  	[dreg:$0x4] =	wrdreg $0x9  }
0xb1: {  	_ =	task.clear_ibuf [dreg:s6], $0x5FFFF;
	_ =	strace $0x90000046  }
0xb2: {  	s29 =	simm.s32 $0x9;
	_ =	strace $0x80000048  }
0xb3: {  	_ =	swait.ge [sflag:s29], $0x1  }
0xb4: {  	[sflag:s29] =	ssyncadd.s32 $0xFFFFFFFF  }
0xb5: {  	_ =	strace $0x90000048  }
0xb6: {  	_ =	sfence  }
0xb7: {  	s30 =	sld [smem:$0x0];
	_ =	sdelay $0x2  }
0xb8: {  	s31 =	sshll.u32 s1, $0xD;
	s1 =	sshrl.u32 s1, $0x2  }
0xb9: {  	s3 =	sand.u32 $0x4000, s31;
	s1 =	sadd.s32 s1, s30  }
0xba: {  	s0 =	sor.u32 s3, s0;
	s1 =	sshll.u32 s1, $0x11  }
0xbb: {  	s0 =	sor.u32 s1, s0  }
0xbc: {  	s0 =	sadd.s32 $0x8F2B, s0  }
0xbd: {  	[sflag:s0] =	ssyncadd.remote.s32 $0x1  }
0xbe: {  	_ =	sfence.sel $0xFFFF  }
0xbf: {  	[dreg:$0x0] =	wrdreg $0xFFFFFFFF;
	(pc) =	sbr.abs _section_cstart, $3  }
0xc0: {  	[dreg:$0x1] =	wrdreg $0xFFFFFFFF  }
0xc1: {  	_ =	task.clear_ibuf [dreg:s6], $0x2FFFF;
	_ =	strace $0x9FFFFFFF  }
0xc2: {  	(tm) =	ssettm $0x7FFFFFFF  }
0xc3: {  	_ =	shalt  }
tec
execute0_lowered:
.L_overlay_start_1:
0x0: {  	(tag) =	ssettag $0x1  }
0x1: {  	s0 =	rddreg [dreg:$0x0]  }
0x2: {  	s2 =	rddreg [dreg:$0x1];
	s11 =	stileid.u32  }
0x3: {  	s1 =	srdreg.scid;
	s3 =	simm.s32 $0x0;
	s25 =	simm.s32 $0x180  }
0x4: {  	s26 =	simm.s32 $0x280;
	s28 =	simm.s32 $0x80;
	s4 =	smul.u32 $0xC, s11  }
0x5: {  	s29 =	simm.s32 $0x5;
	s30 =	simm.s32 $0x4300;
	s5 =	smul.u32 $0x94, s11  }
0x6: {  	s31 =	simm.s32 $0x1;
	s1 =	sand.u32 $0x1, s1;
	s6 =	smul.u32 $0x4F000, s11  }
0x7: {  	[smem:$0x7FF] =	sst s3;
	s17 =	smul.u32 $0x13C00, s11;
	s12 =	sadd.s32 $0x138400, s2  }
0x8: {  	p0 =	seq.s32 s1, $0x0;
	_ =	strace $0x80000047;
	[dreg:$0xc] =	wrdreg s12  }
0x9: {  	s8 =	ssub.s32 $0x2, s1;
	s1 =	smul.u32 $0x13A000, s1;
	[dreg:$0x6] =	wrdreg s25  }
0xa: {  	[dreg:$0x7] =	wrdreg s26;
	s26 =	simm.s32 $0x4;
	s4 =	sadd.s32 $0x940, s4  }
0xb: {  	s6 =	sshrl.u32 s6, $0x2;
	s9 =	sshrl.u32 s8, $0x1;
	s4 =	smov.u32 @p0 s5  }
0xc: {  	s6 =	sadd.s32 s6, s2;
	s8 =	ssub.s32 s8, s9;
	s21 =	sadd.s32 s17, s1  }
0xd: {  	s1 =	sshrl.u32 s1, $0x3;
	s5 =	sshll.u32 s4, $0x5;
	s13 =	sadd.s32 $0x4000, s6  }
0xe: {  	s4 =	sadd.s32 $0x16A00, s0;
	s10 =	sadd.s32 $0x8000, s6;
	[dreg:$0x8] =	wrdreg s13  }
0xf: {  	s15 =	sadd.s32 $0xC000, s6;
	s16 =	sadd.s32 $0x10000, s6;
	[dreg:$0x9] =	wrdreg s10  }
0x10: {  	s7 =	sadd.s32 s5, s0;
	s0 =	sadd.s32 $0x3DE00, s0;
	[dreg:$0xa] =	wrdreg s15  }
0x11: {  	s5 =	simm.s32 $0x94;
	[dreg:$0xb] =	wrdreg s16;
	s18 =	sadd.s32 $0x2A00, s7  }
0x12: {  	s5 =	simm.s32 @!p0 $0xC;
	s19 =	sadd.s32 $0x2A20, s7;
	[dreg:$0xd] =	wrdreg s18  }
0x13: {  	s20 =	sadd.s32 $0x2A40, s7;
	s10 =	sadd.s32 $0x2AA0, s7;
	[dreg:$0xe] =	wrdreg s19  }
0x14: {  	p0 =	seq.s32 s11, $0xF;
	[dreg:$0xf] =	wrdreg s20;
	s22 =	sadd.s32 $0xFFFFFFFD, s5  }
0x15: {  	s14 =	smul.u32 $0xAB, s5;
	s23 =	sadd.s32 $0xFFFFFFFC, s5;
	[dreg:$0x3] =	wrdreg s22  }
0x16: {  	s24 =	sadd.s32 $0xFFFFFFFB, s5;
	s19 =	smax.u32 s8, $0x1;
	[dreg:$0x4] =	wrdreg s23  }
0x17: {  	[dreg:$0x5] =	wrdreg s24;
	s22 =	simm.s32 $0x7;
	s9 =	sshrl.u32 s14, $0x9  }
0x18: {  	s23 =	simm.s32 $0x100;
	s13 =	smul.u32 $0x3, s9;
	s9 =	sshrl.u32 s21, $0x3  }
0x19: {  	s24 =	simm.s32 $0x8300;
	s21 =	simm.s32 $0x300;
	s9 =	sadd.s32 s0, s9  }
0x1a: {  	s0 =	sadd.s32 s0, s1;
	s1 =	sadd.s32 $0x128400, s2;
	s16 =	ssub.s32 s5, s13  }
0x1b: {  	[dreg:$0x10] =	wrdreg s9;
	s0 =	sadd.s32 $0x25080, s0;
	s25 =	sshrl.u32 @p0 s1, $0x3  }
0x1c: {  	v0 =	vimm.f32 $0.0e+00;
	s1 =	simm.s32 $0x2;
	[dreg:$0x11] =	wrdreg s0;
	s0 =	simm.s32 $0x3  }
.LBB2_1:
0x1d: {  	s7 =	simm.s32 $0x0;
	s8 =	simm.s32 $0x200  }
.LBB2_2:
0x1e: {  	p1 =	sne.s32 s8, $0xFE00;
	[tilespmem:s7+$0x370] =	vst v0  }
0x1f: {  	[tilespmem:s7+$0x300] =	vst v0  }
0x20: {  	[tilespmem:s7+$0x310] =	vst v0  }
.Ltmp0:
0x21: {  	[tilespmem:s7+$0x320] =	vst v0;
	(pc) =	sbr.rel @p1 .LBB2_2-.Ltmp0, $4  }
0x22: {  	[tilespmem:s7+$0x330] =	vst v0  }
0x23: {  	[tilespmem:s7+$0x340] =	vst v0  }
0x24: {  	[tilespmem:s7+$0x350] =	vst v0  }
0x25: {  	[tilespmem:s7+$0x360] =	vst v0;
	s7 =	sshra.s32 s8, $0x2;
	s8 =	sadd.s32 $0x200, s8  }
0x26: {  	[tilespmem:s7+$0x370] =	vst v0  }
0x27: {  	[tilespmem:s7+$0x300] =	vst v0  }
0x28: {  	[tilespmem:s7+$0x310] =	vst v0  }
0x29: {  	[tilespmem:s7+$0x320] =	vst v0  }
0x2a: {  	[tilespmem:s7+$0x330] =	vst v0  }
0x2b: {  	[tilespmem:s7+$0x340] =	vst v0  }
0x2c: {  	[tilespmem:s7+$0x350] =	vst v0  }
0x2d: {  	[tilespmem:s7+$0x360] =	vst v0  }
0x2e: {  	[spmem:s6] =	stream.linear.scatter [tilespmem:s21], [sflag:$0x7], $0x4000, $0x38;
	[tilespmem:$0x1FD00] =	vst v63  }
0x2f: {  	_ =	swait.ge [sflag:s22], $0x4000  }
0x30: {  	[sflag:s22] =	ssyncset.done $0x0  }
0x31: {  	s12 =	rddreg [dreg:$0x8];
	[sflag:s22] =	ssyncadd.s32 $0xFFFFC000  }
0x32: {  	[spmem:s12] =	stream.linear.scatter [tilespmem:s21], [sflag:$0x7], $0x4000, $0x38;
	[tilespmem:$0x1FD00] =	vst v63  }
0x33: {  	_ =	swait.ge [sflag:s22], $0x4000  }
0x34: {  	[sflag:s22] =	ssyncset.done $0x0  }
0x35: {  	s14 =	rddreg [dreg:$0x9];
	[sflag:s22] =	ssyncadd.s32 $0xFFFFC000  }
0x36: {  	[spmem:s14] =	stream.linear.scatter [tilespmem:s21], [sflag:$0x7], $0x4000, $0x38;
	[tilespmem:$0x1FD00] =	vst v63  }
0x37: {  	_ =	swait.ge [sflag:s22], $0x4000  }
0x38: {  	[sflag:s22] =	ssyncset.done $0x0  }
0x39: {  	s15 =	rddreg [dreg:$0xa];
	[sflag:s22] =	ssyncadd.s32 $0xFFFFC000  }
0x3a: {  	[spmem:s15] =	stream.linear.scatter [tilespmem:s21], [sflag:$0x7], $0x4000, $0x38;
	[tilespmem:$0x1FD00] =	vst v63  }
0x3b: {  	_ =	swait.ge [sflag:s22], $0x4000  }
0x3c: {  	[sflag:s22] =	ssyncset.done $0x0  }
0x3d: {  	s7 =	simm.s32 @p0 $0x300;
	s8 =	rddreg [dreg:$0xc];
	[sflag:s22] =	ssyncadd.s32 $0xFFFFC000  }
0x3e: {  	[spmem:s8] =	stream.linear.scatter @p0 [tilespmem:s7], [sflag:$0x7], $0x1C00, $0x38;
	[tilespmem:$0x1FD00] =	vst v63  }
0x3f: {  	s8 =	simm.s32 @p0 $0x7  }
0x40: {  	_ =	swait.ge @p0 [sflag:s8], $0x1C00  }
0x41: {  	[sflag:s8] =	ssyncset.done @p0 $0x0  }
0x42: {  	s7 =	simm.s32 @!p0 $0x300;
	s9 =	rddreg [dreg:$0xb];
	[sflag:s8] =	ssyncadd.s32 @p0 $0xFFFFE400  }
0x43: {  	[spmem:s9] =	stream.linear.scatter @!p0 [tilespmem:s7], [sflag:$0x7], $0x3C00, $0x38;
	[tilespmem:$0x1FD00] =	vst v63  }
0x44: {  	s7 =	simm.s32 @!p0 $0x7  }
0x45: {  	_ =	swait.ge @!p0 [sflag:s7], $0x3C00  }
0x46: {  	[sflag:s7] =	ssyncset.done @!p0 $0x0  }
0x47: {  	[sflag:s7] =	ssyncadd.s32 @!p0 $0xFFFFC400  }
0x48: {  	[bflag:$0x0] =	sbarrier.arrive $0xFFFF  }
0x49: {  	s17 =	simm.s32 $0x0;
	s11 =	rddreg [dreg:$0xd]  }
0x4a: {  	[tilespmem:s17], [sflag:$0x4] =	stream.linear.gather [hbm4b:s11+s17], $0x100, $0x38;
	[tilespmem:$0x1FD00] =	vst v63  }
0x4b: {  	s18 =	rddreg [dreg:$0xe]  }
0x4c: {  	[tilespmem:s23], [sflag:$0x5] =	stream.linear.gather [hbm4b:s18+s17], $0x100, $0x38;
	[tilespmem:$0x1FD00] =	vst v63  }
0x4d: {  	s12 =	simm.s32 $0x200;
	s20 =	rddreg [dreg:$0xf]  }
0x4e: {  	[tilespmem:s12], [sflag:$0x6] =	stream.linear.gather [hbm4b:s20+s17], $0x100, $0x38;
	[tilespmem:$0x1FD00] =	vst v63  }
0x4f: {  	_ =	swait.ge [sflag:s26], $0x100  }
0x50: {  	[sflag:s26] =	ssyncset.done $0x0  }
0x51: {  	[sflag:s26] =	ssyncadd.s32 $0xFFFFFF00  }
0x52: {  	[tilespmem:s21], [sflag:$0x1] =	stream.indirect.gather [hbm4b:s4+s28], $0x80, s17, s28, $0xb8;
	[tilespmem:$0x1FD00] =	vst v63  }
0x53: {  	_ =	swait.ge [sflag:s29], $0x100  }
0x54: {  	[sflag:s29] =	ssyncset.done $0x0  }
0x55: {  	[sflag:s29] =	ssyncadd.s32 $0xFFFFFF00  }
0x56: {  	[tilespmem:s30], [sflag:$0x2] =	stream.indirect.gather [hbm4b:s4+s28], $0x80, s23, s28, $0xb8;
	[tilespmem:$0x1FD00] =	vst v63  }
0x57: {  	_ =	swait.ge [sflag:s31], $0x4000  }
0x58: {  	[sflag:s31] =	ssyncset.done $0x0  }
0x59: {  	[sflag:s31] =	ssyncadd.s32 $0xFFFFC000  }
0x5a: {  	[spmem:s2] =	stream.indirect.scatter.add.f32 [tilespmem:s21], [sflag:$0x7], $0x80, s28, s28, $0xb8;
	[tilespmem:$0x1FD00] =	vst v63  }
0x5b: {  	_ =	swait.ge [sflag:s22], $0x4000  }
0x5c: {  	p2 =	sle.u32 s5, $0x2;
	s14 =	rddreg [dreg:$0x3]  }
0x5d: {  	s12 =	simm.s32 @!p2 $0x6;
	[sflag:s22] =	ssyncset.done $0x0;
	p1 =	sle.u32 s14, $0x0  }
0x5e: {  	[sflag:s22] =	ssyncadd.s32 $0xFFFFC000;
	s9 =	sadd.s32 @!p1 $0xFFFFFFC0, s10;
	s11 =	simm.s32 @!p1 $0x0  }
0x5f: {  	[tilespmem:s11], [sflag:$0x4] =	stream.linear.gather @!p1 [hbm4b:s9+s11], $0x100, $0x38;
	[tilespmem:$0x1FD00] =	vst v63  }
0x60: {  	_ =	swait.ge @!p2 [sflag:s12], $0x100  }
0x61: {  	s14 =	simm.s32 @!p2 $0x80;
	[sflag:s12] =	ssyncset.done @!p2 $0x0  }
0x62: {  	s9 =	simm.s32 @!p2 $0x8300;
	[sflag:s12] =	ssyncadd.s32 @!p2 $0xFFFFFF00;
	s12 =	simm.s32 @!p2 $0x200  }
0x63: {  	[tilespmem:s9], [sflag:$0x3] =	stream.indirect.gather @!p2 [hbm4b:s4+s14], $0x80, s12, s14, $0xb8;
	[tilespmem:$0x1FD00] =	vst v63  }
0x64: {  	_ =	swait.ge [sflag:s1], $0x4000  }
0x65: {  	[sflag:s1] =	ssyncset.done $0x0  }
0x66: {  	s15 =	rddreg [dreg:$0x6];
	[sflag:s1] =	ssyncadd.s32 $0xFFFFC000  }
0x67: {  	[spmem:s2] =	stream.indirect.scatter.add.f32 [tilespmem:s30], [sflag:$0x7], $0x80, s15, s28, $0xb8;
	[tilespmem:$0x1FD00] =	vst v63  }
0x68: {  	_ =	swait.ge [sflag:s22], $0x4000  }
0x69: {  	s17 =	rddreg [dreg:$0x4];
	[sflag:s22] =	ssyncset.done $0x0  }
0x6a: {  	[sflag:s22] =	ssyncadd.s32 $0xFFFFC000;
	p2 =	sle.u32 s17, $0x0  }
0x6b: {  	s9 =	sadd.s32 @!p2 $0xFFFFFFE0, s10;
	s14 =	simm.s32 @!p2 $0x0;
	s12 =	simm.s32 @!p2 $0x100  }
0x6c: {  	[tilespmem:s12], [sflag:$0x5] =	stream.linear.gather @!p2 [hbm4b:s9+s14], $0x100, $0x38;
	[tilespmem:$0x1FD00] =	vst v63  }
0x6d: {  	s9 =	simm.s32 @!p1 $0x4  }
0x6e: {  	_ =	swait.ge @!p1 [sflag:s9], $0x100  }
0x6f: {  	[sflag:s9] =	ssyncset.done @!p1 $0x0  }
0x70: {  	s14 =	simm.s32 @!p1 $0x80;
	[sflag:s9] =	ssyncadd.s32 @!p1 $0xFFFFFF00;
	s9 =	simm.s32 @!p1 $0x300  }
0x71: {  	[tilespmem:s9], [sflag:$0x1] =	stream.indirect.gather @!p1 [hbm4b:s4+s14], $0x80, s11, s14, $0xb8;
	[tilespmem:$0x1FD00] =	vst v63  }
0x72: {  	_ =	swait.ge [sflag:s0], $0x4000  }
0x73: {  	[sflag:s0] =	ssyncset.done $0x0  }
0x74: {  	s18 =	rddreg [dreg:$0x7];
	[sflag:s0] =	ssyncadd.s32 $0xFFFFC000  }
0x75: {  	[spmem:s2] =	stream.indirect.scatter.add.f32 [tilespmem:s24], [sflag:$0x7], $0x80, s18, s28, $0xb8;
	[tilespmem:$0x1FD00] =	vst v63  }
0x76: {  	_ =	swait.ge [sflag:s22], $0x4000  }
0x77: {  	s20 =	rddreg [dreg:$0x5]  }
0x78: {  	[sflag:s22] =	ssyncset.done $0x0;
	p1 =	sle.u32 s20, $0x0  }
0x79: {  	[sflag:s22] =	ssyncadd.s32 $0xFFFFC000;
	s9 =	simm.s32 @!p1 $0x0;
	s11 =	simm.s32 @!p1 $0x200  }
0x7a: {  	[tilespmem:s11], [sflag:$0x6] =	stream.linear.gather @!p1 [hbm4b:s10+s9], $0x100, $0x38;
	[tilespmem:$0x1FD00] =	vst v63  }
0x7b: {  	p1 =	sne.s32 s13, $0x3  }
.Ltmp1:
0x7c: {  	_ = 	snop;
	(pc) =	sbr.rel @!p1 .LBB2_5-.Ltmp1, $2  }
0x7d: {  	_ =	sdelay $0x2  }
0x7e: {  	s14 =	simm.s32 @!p2 $0x5;
	s20 =	smov.u32 s10;
	s9 =	simm.s32 $0x3  }
.LBB2_4:
0x7f: {  	_ =	swait.ge @!p2 [sflag:s14], $0x100  }
0x80: {  	[sflag:s14] =	ssyncset.done @!p2 $0x0  }
0x81: {  	s15 =	simm.s32 @!p2 $0x80;
	s17 =	simm.s32 @!p2 $0x4300;
	[sflag:s14] =	ssyncadd.s32 @!p2 $0xFFFFFF00  }
0x82: {  	[tilespmem:s17], [sflag:$0x2] =	stream.indirect.gather @!p2 [hbm4b:s4+s15], $0x80, s12, s15, $0xb8;
	[tilespmem:$0x1FD00] =	vst v63  }
0x83: {  	_ =	swait.ge [sflag:s31], $0x4000  }
0x84: {  	[sflag:s31] =	ssyncset.done $0x0  }
0x85: {  	[sflag:s31] =	ssyncadd.s32 $0xFFFFC000  }
0x86: {  	[spmem:s2] =	stream.indirect.scatter.add.f32 [tilespmem:s21], [sflag:$0x7], $0x80, s28, s28, $0xb8;
	[tilespmem:$0x1FD00] =	vst v63  }
0x87: {  	s20 =	sadd.s32 $0x60, s20;
	s11 =	smov.u32 s9;
	_ =	swait.ge [sflag:s22], $0x4000  }
0x88: {  	s17 =	sadd.s32 $0x2, s11;
	[sflag:s22] =	ssyncset.done $0x0;
	s15 =	rddreg [dreg:$0x3]  }
0x89: {  	p2 =	sge.u32 s17, s5;
	[sflag:s22] =	ssyncadd.s32 $0xFFFFC000;
	p3 =	sge.u32 s11, s15  }
0x8a: {  	s15 =	simm.s32 @!p2 $0x6;
	s12 =	sadd.s32 @!p3 $0xFFFFFFC0, s20;
	s14 =	simm.s32 @!p3 $0x0  }
0x8b: {  	[tilespmem:s14], [sflag:$0x4] =	stream.linear.gather @!p3 [hbm4b:s12+s14], $0x100, $0x38;
	[tilespmem:$0x1FD00] =	vst v63  }
0x8c: {  	_ =	swait.ge @!p2 [sflag:s15], $0x100  }
0x8d: {  	s17 =	simm.s32 @!p2 $0x80;
	[sflag:s15] =	ssyncset.done @!p2 $0x0  }
0x8e: {  	s18 =	simm.s32 @!p2 $0x200;
	s12 =	simm.s32 @!p2 $0x8300;
	[sflag:s15] =	ssyncadd.s32 @!p2 $0xFFFFFF00  }
0x8f: {  	[tilespmem:s12], [sflag:$0x3] =	stream.indirect.gather @!p2 [hbm4b:s4+s17], $0x80, s18, s17, $0xb8;
	[tilespmem:$0x1FD00] =	vst v63  }
0x90: {  	_ =	swait.ge [sflag:s1], $0x4000  }
0x91: {  	[sflag:s1] =	ssyncset.done $0x0  }
0x92: {  	s18 =	rddreg [dreg:$0x6];
	[sflag:s1] =	ssyncadd.s32 $0xFFFFC000  }
0x93: {  	[spmem:s2] =	stream.indirect.scatter.add.f32 [tilespmem:s30], [sflag:$0x7], $0x80, s18, s28, $0xb8;
	[tilespmem:$0x1FD00] =	vst v63  }
0x94: {  	_ =	swait.ge [sflag:s22], $0x4000  }
0x95: {  	s15 =	rddreg [dreg:$0x4];
	[sflag:s22] =	ssyncset.done $0x0  }
0x96: {  	[sflag:s22] =	ssyncadd.s32 $0xFFFFC000;
	p2 =	sge.u32 s11, s15;
	s15 =	simm.s32 @!p3 $0x4  }
0x97: {  	s17 =	sadd.s32 @!p2 $0xFFFFFFE0, s20;
	s18 =	simm.s32 @!p2 $0x0;
	s12 =	simm.s32 @!p2 $0x100  }
0x98: {  	[tilespmem:s12], [sflag:$0x5] =	stream.linear.gather @!p2 [hbm4b:s17+s18], $0x100, $0x38;
	[tilespmem:$0x1FD00] =	vst v63  }
0x99: {  	_ =	swait.ge @!p3 [sflag:s15], $0x100  }
0x9a: {  	[sflag:s15] =	ssyncset.done @!p3 $0x0  }
0x9b: {  	s17 =	simm.s32 @!p3 $0x80;
	s18 =	simm.s32 @!p3 $0x300;
	[sflag:s15] =	ssyncadd.s32 @!p3 $0xFFFFFF00  }
0x9c: {  	[tilespmem:s18], [sflag:$0x1] =	stream.indirect.gather @!p3 [hbm4b:s4+s17], $0x80, s14, s17, $0xb8;
	[tilespmem:$0x1FD00] =	vst v63  }
0x9d: {  	_ =	swait.ge [sflag:s0], $0x4000  }
0x9e: {  	s9 =	sadd.s32 $0x3, s9;
	[sflag:s0] =	ssyncset.done $0x0  }
0x9f: {  	p1 =	sne.s32 s13, s9;
	s17 =	rddreg [dreg:$0x7];
	[sflag:s0] =	ssyncadd.s32 $0xFFFFC000  }
0xa0: {  	[spmem:s2] =	stream.indirect.scatter.add.f32 [tilespmem:s24], [sflag:$0x7], $0x80, s17, s28, $0xb8;
	[tilespmem:$0x1FD00] =	vst v63  }
.Ltmp2:
0xa1: {  	_ =	swait.ge [sflag:s22], $0x4000;
	(pc) =	sbr.rel @p1 .LBB2_4-.Ltmp2, $4  }
0xa2: {  	s18 =	rddreg [dreg:$0x5]  }
0xa3: {  	s14 =	simm.s32 @!p2 $0x5;
	[sflag:s22] =	ssyncset.done $0x0;
	p3 =	sge.u32 s11, s18  }
0xa4: {  	[sflag:s22] =	ssyncadd.s32 $0xFFFFC000;
	s11 =	simm.s32 @!p3 $0x0;
	s15 =	simm.s32 @!p3 $0x200  }
0xa5: {  	[tilespmem:s15], [sflag:$0x6] =	stream.linear.gather @!p3 [hbm4b:s20+s11], $0x100, $0x38;
	[tilespmem:$0x1FD00] =	vst v63  }
.LBB2_5:
0xa6: {  	_ =	swait.ge @!p2 [sflag:s14], $0x100  }
0xa7: {  	s9 =	simm.s32 @!p2 $0x80;
	s20 =	sand.u32 $0xFF, s16;
	[sflag:s14] =	ssyncset.done @!p2 $0x0  }
0xa8: {  	s11 =	simm.s32 @!p2 $0x4300;
	p1 =	seq.s32 s20, $0x0;
	[sflag:s14] =	ssyncadd.s32 @!p2 $0xFFFFFF00  }
0xa9: {  	[tilespmem:s11], [sflag:$0x2] =	stream.indirect.gather @!p2 [hbm4b:s4+s9], $0x80, s12, s9, $0xb8;
	[tilespmem:$0x1FD00] =	vst v63  }
0xaa: {  	s9 =	simm.s32 @!p1 $0x1  }
0xab: {  	_ =	swait.ge @!p1 [sflag:s9], $0x4000  }
0xac: {  	[sflag:s9] =	ssyncset.done @!p1 $0x0  }
0xad: {  	s11 =	simm.s32 @!p1 $0x300;
	[sflag:s9] =	ssyncadd.s32 @!p1 $0xFFFFC000;
	s9 =	simm.s32 @!p1 $0x80  }
0xae: {  	[spmem:s2] =	stream.indirect.scatter.add.f32 @!p1 [tilespmem:s11], [sflag:$0x7], $0x80, s9, s9, $0xb8;
	[tilespmem:$0x1FD00] =	vst v63  }
0xaf: {  	s9 =	sand.u32 @!p1 $0xFF, s16;
	s11 =	simm.s32 @!p1 $0x7  }
0xb0: {  	p2 =	seq.s32 @!p1 s9, $0x1;
	_ =	swait.ge @!p1 [sflag:s11], $0x4000  }
0xb1: {  	[sflag:s11] =	ssyncset.done @!p1 $0x0;
	p2 =	por p2, p1  }
0xb2: {  	[sflag:s11] =	ssyncadd.s32 @!p1 $0xFFFFC000;
	s9 =	simm.s32 @!p2 $0x2  }
0xb3: {  	_ =	swait.ge @!p2 [sflag:s9], $0x4000  }
0xb4: {  	s11 =	simm.s32 @!p2 $0x180;
	[sflag:s9] =	ssyncset.done @!p2 $0x0  }
0xb5: {  	s12 =	simm.s32 @!p2 $0x4300;
	[sflag:s9] =	ssyncadd.s32 @!p2 $0xFFFFC000;
	s9 =	simm.s32 @!p2 $0x80  }
0xb6: {  	[spmem:s2] =	stream.indirect.scatter.add.f32 @!p2 [tilespmem:s12], [sflag:$0x7], $0x80, s11, s9, $0xb8;
	[tilespmem:$0x1FD00] =	vst v63  }
0xb7: {  	s9 =	simm.s32 @!p2 $0x7  }
0xb8: {  	_ =	swait.ge @!p2 [sflag:s9], $0x4000  }
0xb9: {  	[sflag:s9] =	ssyncset.done @!p2 $0x0  }
0xba: {  	[sflag:s9] =	ssyncadd.s32 @!p2 $0xFFFFC000  }
0xbb: {  	[bflag:$0x0] =	sbarrier.arrive $0xFFFF  }
0xbc: {  	s9 =	simm.s32 @p0 $0x1FC7;
	s11 =	rddreg [dreg:$0x11]  }
0xbd: {  	[hbm:s11], [sflag:s9] =	dma.local @p0 [spmem:s25], $0x2380  }
0xbe: {  	s3 =	sadd.s32 $0x1, s3;
	_ =	swait.ge @p0 [sflag:s8], $0x2380  }
0xbf: {  	p1 =	sne.s32 s3, s19;
	s9 =	stileid.u32;
	[sflag:s8] =	ssyncset.done @p0 $0x0  }
0xc0: {  	s9 =	sshll.u32 @!p0 s9, $0x6;
	s11 =	rddreg [dreg:$0x10];
	[sflag:s8] =	ssyncadd.s32 @p0 $0xFFFFDC80  }
.Ltmp3:
0xc1: {  	s8 =	sor.u32 @!p0 $0x1C07, s9;
	s9 =	sshrl.u32 @!p0 s6, $0x3;
	(pc) =	sbr.rel @p1 .LBB2_1-.Ltmp3, $4  }
0xc2: {  	[hbm:s11], [sflag:s8] =	dma.local @!p0 [spmem:s9], $0x2780  }
0xc3: {  	_ =	swait.ge @!p0 [sflag:s7], $0x2780  }
0xc4: {  	[sflag:s7] =	ssyncset.done @!p0 $0x0  }
0xc5: {  	[sflag:s7] =	ssyncadd.s32 @!p0 $0xFFFFD880  }
0xc6: {  	_ =	sfence.sel $0x180000  }
0xc7: {  	[bflag:$0x0] =	sbarrier.arrive $0xFFFF  }
0xc8: {  	_ =	strace $0x90000047  }
0xc9: {  	s0 =	stileid.u32;
	[bflag:$0x2] =	sbarrier.arrive $0xFFFF  }
0xca: {  	p0 =	sne.s32 s0, $0x0;
	s0 =	rddreg [dreg:$0x2]  }
0xcb: {  	s0 =	sadd.s32 @!p0 $0x100000, s0  }
0xcc: {  	[sflag:s0] =	ssyncadd.tile.s32 @!p0 $0x1;
	_ =	shalt  }
.Lfunc_end2:
_tile_overlayer_lowered:
.L_overlay_start_2:
0xcd: {  	(tag) =	ssettag $0x2  }
0xce: {  	s0 =	rddreg [dreg:$0x0];
	s2 =	stileid.u32  }
0xcf: {  	s1 =	rddreg [dreg:$0x1];
	p0 =	sne.s32 s2, $0x0  }
0xd0: {  	s3 =	rddreg [dreg:$0x2];
	[bflag:$0x3] =	sbarrier.arrive $0xFFFF;
	s2 =	simm.s32 @!p0 $0x1C07  }
0xd1: {  	[timem:s3], [sflag:s2] =	dma.local @!p0 [hbm:s0], s1  }
0xd2: {  	s0 =	simm.s32 @!p0 $0x7  }
0xd3: {  	_ =	swait.ge @!p0 [sflag:s0], s1  }
0xd4: {  	s1 =	ssub.s32 @!p0 $0x0, s1;
	[sflag:s0] =	ssyncset.done @!p0 $0x0  }
0xd5: {  	[sflag:s0] =	ssyncadd.s32 @!p0 s1  }
0xd6: {  	[bflag:$0x3] =	sbarrier.arrive $0xFFFF  }
0xd7: {  	_ =	shalt  }

</sc_bundles>
